<compile_context>
chip_gen: v7x
topology: tpu7x:2x2x1
jax: 0.10.2.dev20260603
libtpu: 0.0.44.dev20260713+nightly
codegen_flags: <defaults>
</compile_context>

<pallas_src>
import jax
import jax.numpy as jnp
from jax import lax
from jax.experimental import pallas as pl
from jax.experimental.pallas import tpu as pltpu
from jax.experimental.pallas import tpu_sc as plsc

N = 10000
E = 320000
NC = 2
NS = 16
NW = NC * NS
CH = 128
NCHUNK = 81
EWP = NCHUNK * CH
EP = NW * EWP
NCT = 162
EWT = NCT * CH
FH = 64
NBUF = 3

ROWS_A = 624
REM_OFF = NS * ROWS_A
REM = N - REM_OFF


def _zero16():
    return jnp.zeros((16,), jnp.float32)


def _deg_kernel(dstr, ew_hbm, out0, out1, dst2d, ew1d, zbuf, dsem, deg_sh):
    cid = lax.axis_index("c")
    sid = lax.axis_index("s")
    wid = sid * NC + cid

    pltpu.sync_copy(dstr.at[wid], dst2d)
    pltpu.sync_copy(ew_hbm.at[pl.ds(wid * EWP, EWP)], ew1d)

    def zb(i, _):
        zbuf[pl.ds(i * 16, 16)] = _zero16()
        return 0
    lax.fori_loop(0, ROWS_A // 16, zb, 0)
    off = sid * ROWS_A
    pltpu.sync_copy(zbuf, deg_sh.at[pl.ds(off, ROWS_A)])

    @pl.when(sid == NS - 1)
    def _():
        pltpu.sync_copy(zbuf.at[pl.ds(0, REM)], deg_sh.at[pl.ds(REM_OFF, REM)])

    plsc.subcore_barrier()

    def body(j, _):
        pltpu.async_copy(ew1d.at[pl.ds(j * CH, CH)],
                         deg_sh.at[dst2d.at[j]], dsem, add=True)
        return 0
    lax.fori_loop(0, NCHUNK, body, 0)
    pltpu.make_async_copy(ew_hbm.at[pl.ds(wid * EWP, EWP)], ew1d,
                          dsem).wait()

    plsc.subcore_barrier()

    pltpu.sync_copy(deg_sh.at[pl.ds(off, ROWS_A)], zbuf)

    @pl.when(cid == 0)
    def _():
        pltpu.sync_copy(zbuf, out0.at[pl.ds(off, ROWS_A)])

    @pl.when(cid == 1)
    def _():
        pltpu.sync_copy(zbuf, out1.at[pl.ds(off, ROWS_A)])

    @pl.when(sid == NS - 1)
    def _():
        pltpu.sync_copy(deg_sh.at[pl.ds(REM_OFF, REM)], zbuf.at[pl.ds(0, REM)])

        @pl.when(cid == 0)
        def _():
            pltpu.sync_copy(zbuf.at[pl.ds(0, REM)],
                            out0.at[pl.ds(REM_OFF, REM)])

        @pl.when(cid == 1)
        def _():
            pltpu.sync_copy(zbuf.at[pl.ds(0, REM)],
                            out1.at[pl.ds(REM_OFF, REM)])


def _deg_call(dstr, ew):
    mesh = plsc.VectorSubcoreMesh(core_axis_name="c", subcore_axis_name="s")
    f = pl.kernel(
        _deg_kernel, mesh=mesh,
        out_type=(jax.ShapeDtypeStruct((N,), jnp.float32),
                  jax.ShapeDtypeStruct((N,), jnp.float32)),
        scratch_types=[
            pltpu.VMEM((NCHUNK, CH), jnp.int32),
            pltpu.VMEM((EWP,), jnp.float32),
            pltpu.VMEM((ROWS_A,), jnp.float32),
            pltpu.SemaphoreType.DMA,
            pltpu.VMEM_SHARED((N,), jnp.float32),
        ],
    )
    return f(dstr, ew)


def _mid_kernel(x_ref, wz_ref, wlz_ref, wh_ref, wlh_ref, degt_ref, out_ref):
    wfz = jnp.dot(wz_ref[...], wlz_ref[:64, :],
                  preferred_element_type=jnp.float32)
    wfh = jnp.dot(wh_ref[...], wlh_ref[:64, :],
                  preferred_element_type=jnp.float32)
    deg = 1.0 + degt_ref[:, 0:1] + degt_ref[:, 1:2]
    dinv = lax.rsqrt(deg)
    out_ref[0] = jnp.dot(x_ref[...], wfz,
                         preferred_element_type=jnp.float32) * dinv
    out_ref[1] = jnp.dot(x_ref[...], wfh,
                         preferred_element_type=jnp.float32) * dinv


def _mid_call(x, Wz, Wlz, Wh, Wlh, degt):
    return pl.pallas_call(
        _mid_kernel,
        out_shape=jax.ShapeDtypeStruct((2, N, FH), jnp.float32),
    )(x, Wz, Wlz, Wh, Wlh, degt)


def _scale_rows(rows, ew1d, j):
    @plsc.parallel_loop(0, CH // 16, unroll=2)
    def gbody(g):
        ew16 = ew1d[pl.ds(j * CH + g * 16, 16)]
        e0 = g * 16
        for t in range(16):
            c = jnp.full((16,), ew16[t], jnp.float32)
            for f in range(FH // 16):
                sl = pl.ds(f * 16, 16)
                rows[e0 + t, sl] = rows[e0 + t, sl] * c


def _agg_kernel(xws_st, srct, dstt, ew_hbm, out, src2d, ew1d, dst2d,
                r0buf, r1buf, r2buf,
                g0, g1, g2, s0, s1, s2, acc_sh):
    cid = lax.axis_index("c")
    sid = lax.axis_index("s")
    xref = xws_st.at[cid]
    rows = (r0buf, r1buf, r2buf)
    gsem = (g0, g1, g2)
    ssem = (s0, s1, s2)

    pltpu.sync_copy(srct.at[sid], src2d)
    pltpu.sync_copy(ew_hbm.at[pl.ds(sid * EWT, EWT)], ew1d)
    pltpu.sync_copy(dstt.at[sid], dst2d)
    r0 = sid * ROWS_A

    def zb(i, _):
        e = i // (FH // 16)
        fo = (i % (FH // 16)) * 16
        r0buf[e, pl.ds(fo, 16)] = _zero16()
        return 0
    lax.fori_loop(0, CH * (FH // 16), zb, 0)
    for k in range(4):
        pltpu.sync_copy(r0buf, acc_sh.at[pl.ds(r0 + k * CH, CH)])
    pltpu.sync_copy(r0buf.at[pl.ds(0, ROWS_A - 4 * CH)],
                    acc_sh.at[pl.ds(r0 + 4 * CH, ROWS_A - 4 * CH)])

    @pl.when(sid == NS - 1)
    def _():
        pltpu.sync_copy(r0buf.at[pl.ds(0, REM)],
                        acc_sh.at[pl.ds(REM_OFF, REM)])

    plsc.subcore_barrier()

    pltpu.async_copy(xref.at[src2d.at[0]], r0buf, g0)
    pltpu.async_copy(xref.at[src2d.at[1]], r1buf, g1)

    def body(i, _):
        for k in range(NBUF):
            j = i * NBUF + k
            kn = (k + 2) % NBUF

            @pl.when(j >= 1)
            def _():
                pltpu.make_async_copy(
                    rows[kn], acc_sh.at[dst2d.at[j - 1]], ssem[kn]).wait()

            @pl.when(j + 2 < NCT)
            def _():
                pltpu.async_copy(xref.at[src2d.at[j + 2]], rows[kn], gsem[kn])

            pltpu.make_async_copy(
                xref.at[src2d.at[j]], rows[k], gsem[k]).wait()
            _scale_rows(rows[k], ew1d, j)
            pltpu.async_copy(rows[k], acc_sh.at[dst2d.at[j]], ssem[k],
                             add=True)
        return 0
    lax.fori_loop(0, NCT // NBUF, body, 0)

    pltpu.make_async_copy(rows[(NCT - 1) % NBUF],
                          acc_sh.at[dst2d.at[NCT - 1]],
                          ssem[(NCT - 1) % NBUF]).wait()

    plsc.subcore_barrier()

    for k in range(4):
        pltpu.sync_copy(acc_sh.at[pl.ds(r0 + k * CH, CH)], r0buf)
        pltpu.sync_copy(
            r0buf, out.at[cid, pl.ds(r0 + k * CH, CH), pl.ds(0, FH)])
    pltpu.sync_copy(acc_sh.at[pl.ds(r0 + 4 * CH, ROWS_A - 4 * CH)],
                    r0buf.at[pl.ds(0, ROWS_A - 4 * CH)])
    pltpu.sync_copy(r0buf.at[pl.ds(0, ROWS_A - 4 * CH)],
                    out.at[cid, pl.ds(r0 + 4 * CH, ROWS_A - 4 * CH),
                           pl.ds(0, FH)])

    @pl.when(sid == NS - 1)
    def _():
        pltpu.sync_copy(acc_sh.at[pl.ds(REM_OFF, REM)],
                        r0buf.at[pl.ds(0, REM)])
        pltpu.sync_copy(r0buf.at[pl.ds(0, REM)],
                        out.at[cid, pl.ds(REM_OFF, REM), pl.ds(0, FH)])


def _agg_call(xws_st, srct, dstt, ew):
    mesh = plsc.VectorSubcoreMesh(core_axis_name="c", subcore_axis_name="s")
    f = pl.kernel(
        _agg_kernel, mesh=mesh,
        compiler_params=pltpu.CompilerParams(use_tc_tiling_on_sc=False),
        out_type=jax.ShapeDtypeStruct((NC, N, 2 * FH), jnp.float32),
        scratch_types=[
            pltpu.VMEM((NCT, CH), jnp.int32),
            pltpu.VMEM((EWT,), jnp.float32),
            pltpu.VMEM((NCT, CH), jnp.int32),
            pltpu.VMEM((CH, FH), jnp.float32),
            pltpu.VMEM((CH, FH), jnp.float32),
            pltpu.VMEM((CH, FH), jnp.float32),
            pltpu.SemaphoreType.DMA,
            pltpu.SemaphoreType.DMA,
            pltpu.SemaphoreType.DMA,
            pltpu.SemaphoreType.DMA,
            pltpu.SemaphoreType.DMA,
            pltpu.SemaphoreType.DMA,
            pltpu.VMEM_SHARED((N, FH), jnp.float32),
        ],
    )
    return f(xws_st, srct, dstt, ew)


def _final_kernel(agg_ref, xws_ref, degt_ref, bz_ref, blz_ref, bh_ref,
                  blh_ref, wlz_ref, wlh_ref, wo_ref, bo_ref, y_ref, h_ref):
    deg = 1.0 + degt_ref[:, 0:1] + degt_ref[:, 1:2]
    dinv = lax.rsqrt(deg)
    pre_z = (agg_ref[0][:, :FH] + xws_ref[0]) * dinv
    pre_h = (agg_ref[1][:, :FH] + xws_ref[1]) * dinv
    bias_z = jnp.dot(bz_ref[...], wlz_ref[:64, :],
                     preferred_element_type=jnp.float32) + blz_ref[...]
    bias_h = jnp.dot(bh_ref[...], wlh_ref[:64, :],
                     preferred_element_type=jnp.float32) + blh_ref[...]
    z = jax.nn.sigmoid(pre_z + bias_z)
    ht = jnp.tanh(pre_h + bias_h)
    h = (1.0 - z) * ht
    y_ref[...] = jnp.dot(jnp.maximum(h, 0.0), wo_ref[...],
                         preferred_element_type=jnp.float32) + bo_ref[...]
    h_ref[...] = h


def _final_call(aggp, xws_st, degt, bz, blz, bh, blh, Wlz, Wlh, Wo, bo):
    return pl.pallas_call(
        _final_kernel,
        out_shape=(jax.ShapeDtypeStruct((N, 1), jnp.float32),
                   jax.ShapeDtypeStruct((N, 64), jnp.float32)),
    )(aggp, xws_st, degt, bz.reshape(1, 64), blz.reshape(1, 64),
      bh.reshape(1, 64), blh.reshape(1, 64), Wlz, Wlh, Wo, bo.reshape(1, 1))


def kernel(x, edge_index, edge_weight, Wz, bz, Wr, br, Wh, bh,
           Wlz, blz, Wlr, blr, Wlh, blh, Wo, bo):
    pad = EP - E
    pad_idx = jnp.arange(pad, dtype=jnp.int32) % N
    src_p = jnp.concatenate([edge_index[0], pad_idx])
    dst_p = jnp.concatenate([edge_index[1], pad_idx])
    ewp = jnp.concatenate([edge_weight, jnp.zeros((pad,), jnp.float32)])
    dstr = dst_p.reshape(NW, NCHUNK, CH)
    srct = src_p.reshape(NS, NCT, CH)
    dstt = dst_p.reshape(NS, NCT, CH)
    deg0, deg1 = _deg_call(dstr, ewp)
    degt = jnp.stack([deg0, deg1], axis=1)
    xws_st = _mid_call(x, Wz, Wlz, Wh, Wlh, degt)
    aggp = _agg_call(xws_st, srct, dstt, ewp)
    y, H = _final_call(aggp, xws_st, degt, bz, blz, bh, blh,
                       Wlz, Wlh, Wo, bo)
    return (y, H)

# --- scband reference (transcript-rebuilt; emitter-appended) ---
"""Pipeline reference for scband-model-1778116460930 (READ-ONLY COPY).

The authoritative reference and input builder live on the scoring server;
editing this copy changes nothing except your own understanding.
"""

import jax, jax.numpy as jnp
import numpy as np

N = 10000
E = 320000
F_IN = 128
F_OUT = 64
OUT_LEN = 1


def setup_inputs(seed: int = 0) -> dict:
    key = jax.random.key(seed)
    ks = jax.random.split(key, 20)
    inp = {}
    inp["x"] = jax.random.normal(ks[0], (N, F_IN), dtype=jnp.float32)
    inp["edge_index"] = jax.random.randint(ks[1], (2, E), 0, N, dtype=jnp.int32)
    inp["edge_weight"] = jax.random.uniform(ks[2], (E,), dtype=jnp.float32)
    # GCNConv weights for gates z, r, h
    inp["Wz"] = jax.random.normal(ks[3], (F_IN, F_OUT), dtype=jnp.float32) * 0.05
    inp["bz"] = jnp.zeros((F_OUT,), dtype=jnp.float32)
    inp["Wr"] = jax.random.normal(ks[4], (F_IN, F_OUT), dtype=jnp.float32) * 0.05
    inp["br"] = jnp.zeros((F_OUT,), dtype=jnp.float32)
    inp["Wh"] = jax.random.normal(ks[5], (F_IN, F_OUT), dtype=jnp.float32) * 0.05
    inp["bh"] = jnp.zeros((F_OUT,), dtype=jnp.float32)
    # Linear layers after concat([conv_out, H]) -> 2*F_OUT inputs
    inp["Wlz"] = jax.random.normal(ks[6], (2 * F_OUT, F_OUT), dtype=jnp.float32) * 0.05
    inp["blz"] = jnp.zeros((F_OUT,), dtype=jnp.float32)
    inp["Wlr"] = jax.random.normal(ks[7], (2 * F_OUT, F_OUT), dtype=jnp.float32) * 0.05
    inp["blr"] = jnp.zeros((F_OUT,), dtype=jnp.float32)
    inp["Wlh"] = jax.random.normal(ks[8], (2 * F_OUT, F_OUT), dtype=jnp.float32) * 0.05
    inp["blh"] = jnp.zeros((F_OUT,), dtype=jnp.float32)
    # Final output linear
    inp["Wo"] = jax.random.normal(ks[9], (F_OUT, OUT_LEN), dtype=jnp.float32) * 0.05
    inp["bo"] = jnp.zeros((OUT_LEN,), dtype=jnp.float32)
    return inp


def _gcn_conv(x, edge_index, edge_weight, W, b):
    # GCNConv with add_self_loops=True and symmetric normalization
    n = x.shape[0]
    src = edge_index[0]
    dst = edge_index[1]
    loop = jnp.arange(n, dtype=src.dtype)
    s = jnp.concatenate([src, loop])
    d = jnp.concatenate([dst, loop])
    ew = jnp.concatenate([edge_weight, jnp.ones((n,), dtype=edge_weight.dtype)])
    deg = jnp.zeros((n,), dtype=x.dtype).at[d].add(ew)
    dinv = jnp.where(deg > 0, jax.lax.rsqrt(jnp.maximum(deg, 1e-12)), 0.0)
    norm = dinv[s] * ew * dinv[d]
    xw = x @ W
    out = jnp.zeros((n, W.shape[1]), dtype=x.dtype).at[d].add(norm[:, None] * xw[s])
    return out + b


def reference(x, edge_index, edge_weight, Wz, bz, Wr, br, Wh, bh, Wlz, blz, Wlr, blr, Wlh, blh, Wo, bo):
    n = x.shape[0]
    H0 = jnp.zeros((n, Wz.shape[1]), dtype=x.dtype)  # prev_hidden_state=None -> zeros
    # TGCN cell (GRU with GCN convolutions)
    Z = jax.nn.sigmoid(jnp.concatenate([_gcn_conv(x, edge_index, edge_weight, Wz, bz), H0], axis=1) @ Wlz + blz)
    R = jax.nn.sigmoid(jnp.concatenate([_gcn_conv(x, edge_index, edge_weight, Wr, br), H0], axis=1) @ Wlr + blr)
    H_tilde = jnp.tanh(jnp.concatenate([_gcn_conv(x, edge_index, edge_weight, Wh, bh), H0 * R], axis=1) @ Wlh + blh)
    H = Z * H0 + (1.0 - Z) * H_tilde
    y = jax.nn.relu(H) @ Wo + bo
    return (y, H)

if __name__ == "__main__":
    import jax
    _d = setup_inputs()
    print(jax.jit(kernel)(*tuple(_d.values())))

</pallas_src>

<mosaic_0001>
#map = affine_map<(d0, d1) -> (0, 0, 0)>
#map1 = affine_map<(d0, d1) -> (0)>
module attributes {stable_mosaic.version = 14 : i64} {
  func.func @_deg_kernel(%arg0: i32, %arg1: i32, %arg2: memref<32x81x128xi32, #tpu.memory_space<hbm>>, %arg3: memref<331776xf32, #tpu.memory_space<hbm>>, %arg4: memref<10000xf32, #tpu.memory_space<hbm>>, %arg5: memref<10000xf32, #tpu.memory_space<hbm>>, %arg6: memref<81x128xi32, #tpu.memory_space<vmem>>, %arg7: memref<10368xf32, #tpu.memory_space<vmem>>, %arg8: memref<624xf32, #tpu.memory_space<vmem>>, %arg9: memref<!tpu.dma_semaphore, #tpu.memory_space<semaphore_mem>>, %arg10: memref<10000xf32, #tpu.memory_space<vmem_shared>>) attributes {dimension_semantics = [#tpu.dimension_semantics<core_parallel>, #tpu.dimension_semantics<subcore_parallel>], iteration_bounds = array<i64: 2, 16>, scalar_prefetch = 0 : i64, scratch_operands = 5 : i64, tpu.core_type = #tpu.core_type<sc_vector_subcore>, window_params = [{transform_indices = #map}, {transform_indices = #map1}, {transform_indices = #map1}, {transform_indices = #map1}]} {
    %mul3A = arith.constant 2 : i32
    %mul3A_0 = arith.muli %arg1, %mul3A : i32
    %add3A = arith.addi %mul3A_0, %arg0 : i32
    "tpu.region"() ({
      %run_scoped3A = tpu.sem_alloc : memref<!tpu.dma_semaphore, #tpu.memory_space<semaphore_mem>>
      %dma_start3A = arith.constant 0 : i32
      %dma_start3A_39 = arith.constant 0 : i32
      %dma_start3A_40 = tpu.memref_slice %arg2[%add3A, %dma_start3A, %dma_start3A_39] : memref<32x81x128xi32, #tpu.memory_space<hbm>> -> memref<1x81x128xi32, #tpu.memory_space<hbm>>
      %dma_start3A_41 = tpu.memref_squeeze %dma_start3A_40 : memref<1x81x128xi32, #tpu.memory_space<hbm>> -> memref<81x128xi32, #tpu.memory_space<hbm>>
      %dma_start3A_42 = arith.constant 0 : i32
      %dma_start3A_43 = arith.constant 0 : i32
      %dma_start3A_44 = tpu.memref_slice %arg2[%add3A, %dma_start3A_42, %dma_start3A_43] : memref<32x81x128xi32, #tpu.memory_space<hbm>> -> memref<1x81x128xi32, #tpu.memory_space<hbm>>
      %dma_start3A_45 = tpu.memref_squeeze %dma_start3A_44 : memref<1x81x128xi32, #tpu.memory_space<hbm>> -> memref<81x128xi32, #tpu.memory_space<hbm>>
      tpu.enqueue_dma source(%dma_start3A_45 : memref<81x128xi32, #tpu.memory_space<hbm>>) target(%arg6 : memref<81x128xi32, #tpu.memory_space<vmem>>) target_semaphore(%run_scoped3A : memref<!tpu.dma_semaphore, #tpu.memory_space<semaphore_mem>>)
      %dma_wait3A_46 = arith.constant 0 : i32
      %dma_wait3A_47 = arith.constant 0 : i32
      %dma_wait3A_48 = tpu.memref_slice %arg2[%add3A, %dma_wait3A_46, %dma_wait3A_47] : memref<32x81x128xi32, #tpu.memory_space<hbm>> -> memref<1x81x128xi32, #tpu.memory_space<hbm>>
      %dma_wait3A_49 = tpu.memref_squeeze %dma_wait3A_48 : memref<1x81x128xi32, #tpu.memory_space<hbm>> -> memref<81x128xi32, #tpu.memory_space<hbm>>
      %dma_wait3A_50 = arith.constant 0 : i32
      %dma_wait3A_51 = arith.constant 0 : i32
      %dma_wait3A_52 = tpu.memref_slice %arg2[%add3A, %dma_wait3A_50, %dma_wait3A_51] : memref<32x81x128xi32, #tpu.memory_space<hbm>> -> memref<1x81x128xi32, #tpu.memory_space<hbm>>
      %dma_wait3A_53 = tpu.memref_squeeze %dma_wait3A_52 : memref<1x81x128xi32, #tpu.memory_space<hbm>> -> memref<81x128xi32, #tpu.memory_space<hbm>>
      tpu.wait_dma2 semaphore(%run_scoped3A : memref<!tpu.dma_semaphore, #tpu.memory_space<semaphore_mem>>) src(%dma_wait3A_53 : memref<81x128xi32, #tpu.memory_space<hbm>>) dst(%arg6 : memref<81x128xi32, #tpu.memory_space<vmem>>)
      tpu.yield
    }) : () -> ()
    %mul3A_1 = arith.constant 10368 : i32
    %mul3A_2 = arith.muli %add3A, %mul3A_1 : i32
    "tpu.region"() ({
      %run_scoped3A = tpu.sem_alloc : memref<!tpu.dma_semaphore, #tpu.memory_space<semaphore_mem>>
      %dma_start3A = tpu.memref_slice %arg3[%mul3A_2] : memref<331776xf32, #tpu.memory_space<hbm>> -> memref<10368xf32, #tpu.memory_space<hbm>>
      %dma_start3A_39 = tpu.memref_slice %arg3[%mul3A_2] : memref<331776xf32, #tpu.memory_space<hbm>> -> memref<10368xf32, #tpu.memory_space<hbm>>
      tpu.enqueue_dma source(%dma_start3A_39 : memref<10368xf32, #tpu.memory_space<hbm>>) target(%arg7 : memref<10368xf32, #tpu.memory_space<vmem>>) target_semaphore(%run_scoped3A : memref<!tpu.dma_semaphore, #tpu.memory_space<semaphore_mem>>)
      %dma_wait3A_40 = tpu.memref_slice %arg3[%mul3A_2] : memref<331776xf32, #tpu.memory_space<hbm>> -> memref<10368xf32, #tpu.memory_space<hbm>>
      %dma_wait3A_41 = tpu.memref_slice %arg3[%mul3A_2] : memref<331776xf32, #tpu.memory_space<hbm>> -> memref<10368xf32, #tpu.memory_space<hbm>>
      tpu.wait_dma2 semaphore(%run_scoped3A : memref<!tpu.dma_semaphore, #tpu.memory_space<semaphore_mem>>) src(%dma_wait3A_41 : memref<10368xf32, #tpu.memory_space<hbm>>) dst(%arg7 : memref<10368xf32, #tpu.memory_space<vmem>>)
      tpu.yield
    }) : () -> ()
    %scan3A = arith.constant 0 : i32
    %scan3A_3 = arith.constant 0 : i32
    %scan3A_4 = arith.constant 39 : i32
    %scan3A_5 = arith.addi %scan3A_3, %scan3A_4 : i32
    %scan3A_6 = arith.constant 1 : i32
    %scan3A_7 = scf.for %scan3A_39 = %scan3A_3 to %scan3A_5 step %scan3A_6 iter_args(%scan3A_40 = %scan3A) -> (i32)  : i32 {
      %broadcast_in_dim3A = arith.constant 0.000000e+00 : f32
      %broadcast_in_dim3A_41 = vector.broadcast %broadcast_in_dim3A : f32 to vector<16xf32>
      %mul3A_42 = arith.constant 16 : i32
      %mul3A_43 = arith.muli %scan3A_39, %mul3A_42 : i32
      %swap3A = arith.index_cast %mul3A_43 : i32 to index
      %swap3A_44 = tpu.vector_load %arg8[%swap3A] {strides = array<i32>} : memref<624xf32, #tpu.memory_space<vmem>>, vector<16xf32>,
      %swap3A_45 = vector.shape_cast %swap3A_44 : vector<16xf32> to vector<16xf32>
      %swap3A_46 = vector.shape_cast %broadcast_in_dim3A_41 : vector<16xf32> to vector<16xf32>
      tpu.vector_store %arg8[%swap3A], %swap3A_46 {strides = array<i32>} : memref<624xf32, #tpu.memory_space<vmem>>, vector<16xf32>,
      %scan3A_47 = arith.constant 0 : i32
      scf.yield %scan3A_47 : i32
    }
    %scan3A_8 = arith.constant 39 : i32
    %mul3A_9 = arith.constant 624 : i32
    %mul3A_10 = arith.muli %arg1, %mul3A_9 : i32
    "tpu.region"() ({
      %run_scoped3A = tpu.sem_alloc : memref<!tpu.dma_semaphore, #tpu.memory_space<semaphore_mem>>
      %dma_start3A = tpu.memref_slice %arg10[%mul3A_10] : memref<10000xf32, #tpu.memory_space<vmem_shared>> -> memref<624xf32, #tpu.memory_space<vmem_shared>>
      %dma_start3A_39 = tpu.memref_slice %arg10[%mul3A_10] : memref<10000xf32, #tpu.memory_space<vmem_shared>> -> memref<624xf32, #tpu.memory_space<vmem_shared>>
      tpu.enqueue_dma source(%arg8 : memref<624xf32, #tpu.memory_space<vmem>>) target(%dma_start3A_39 : memref<624xf32, #tpu.memory_space<vmem_shared>>) target_semaphore(%run_scoped3A : memref<!tpu.dma_semaphore, #tpu.memory_space<semaphore_mem>>)
      %dma_wait3A_40 = tpu.memref_slice %arg10[%mul3A_10] : memref<10000xf32, #tpu.memory_space<vmem_shared>> -> memref<624xf32, #tpu.memory_space<vmem_shared>>
      %dma_wait3A_41 = tpu.memref_slice %arg10[%mul3A_10] : memref<10000xf32, #tpu.memory_space<vmem_shared>> -> memref<624xf32, #tpu.memory_space<vmem_shared>>
      tpu.wait_dma2 semaphore(%run_scoped3A : memref<!tpu.dma_semaphore, #tpu.memory_space<semaphore_mem>>) src(%arg8 : memref<624xf32, #tpu.memory_space<vmem>>) dst(%dma_wait3A_41 : memref<624xf32, #tpu.memory_space<vmem_shared>>)
      tpu.yield
    }) : () -> ()
    %eq3A = arith.constant 15 : i32
    %eq3A_11 = arith.cmpi eq, %arg1, %eq3A : i32
    %convert_element_type3A = arith.extui %eq3A_11 : i1 to i32
    %cond3A = arith.constant 0 : i32
    %cond3A_12 = arith.cmpi ne, %convert_element_type3A, %cond3A : i32
    scf.if %cond3A_12 {
      "tpu.region"() ({
        %run_scoped3A = tpu.sem_alloc : memref<!tpu.dma_semaphore, #tpu.memory_space<semaphore_mem>>
        %dma_start3A = arith.constant 0 : i32
        %dma_start3A_39 = tpu.memref_slice %arg8[%dma_start3A] : memref<624xf32, #tpu.memory_space<vmem>> -> memref<16xf32, #tpu.memory_space<vmem>>
        %dma_start3A_40 = arith.constant 9984 : i32
        %dma_start3A_41 = tpu.memref_slice %arg10[%dma_start3A_40] : memref<10000xf32, #tpu.memory_space<vmem_shared>> -> memref<16xf32, #tpu.memory_space<vmem_shared>>
        %dma_start3A_42 = arith.constant 9984 : i32
        %dma_start3A_43 = tpu.memref_slice %arg10[%dma_start3A_42] : memref<10000xf32, #tpu.memory_space<vmem_shared>> -> memref<16xf32, #tpu.memory_space<vmem_shared>>
        %dma_start3A_44 = arith.constant 0 : i32
        %dma_start3A_45 = tpu.memref_slice %arg8[%dma_start3A_44] : memref<624xf32, #tpu.memory_space<vmem>> -> memref<16xf32, #tpu.memory_space<vmem>>
        tpu.enqueue_dma source(%dma_start3A_45 : memref<16xf32, #tpu.memory_space<vmem>>) target(%dma_start3A_43 : memref<16xf32, #tpu.memory_space<vmem_shared>>) target_semaphore(%run_scoped3A : memref<!tpu.dma_semaphore, #tpu.memory_space<semaphore_mem>>)
        %dma_wait3A_46 = arith.constant 0 : i32
        %dma_wait3A_47 = tpu.memref_slice %arg8[%dma_wait3A_46] : memref<624xf32, #tpu.memory_space<vmem>> -> memref<16xf32, #tpu.memory_space<vmem>>
        %dma_wait3A_48 = arith.constant 9984 : i32
        %dma_wait3A_49 = tpu.memref_slice %arg10[%dma_wait3A_48] : memref<10000xf32, #tpu.memory_space<vmem_shared>> -> memref<16xf32, #tpu.memory_space<vmem_shared>>
        %dma_wait3A_50 = arith.constant 9984 : i32
        %dma_wait3A_51 = tpu.memref_slice %arg10[%dma_wait3A_50] : memref<10000xf32, #tpu.memory_space<vmem_shared>> -> memref<16xf32, #tpu.memory_space<vmem_shared>>
        %dma_wait3A_52 = arith.constant 0 : i32
        %dma_wait3A_53 = tpu.memref_slice %arg8[%dma_wait3A_52] : memref<624xf32, #tpu.memory_space<vmem>> -> memref<16xf32, #tpu.memory_space<vmem>>
        tpu.wait_dma2 semaphore(%run_scoped3A : memref<!tpu.dma_semaphore, #tpu.memory_space<semaphore_mem>>) src(%dma_wait3A_53 : memref<16xf32, #tpu.memory_space<vmem>>) dst(%dma_wait3A_51 : memref<16xf32, #tpu.memory_space<vmem_shared>>)
        tpu.yield
      }) : () -> ()
    } else {
    }
    %barrier3A = arith.constant 0 : index
    tpu.barrier barrier_id(%barrier3A)
    %scan3A_13 = arith.constant 0 : i32
    %scan3A_14 = arith.constant 0 : i32
    %scan3A_15 = arith.constant 81 : i32
    %scan3A_16 = arith.addi %scan3A_14, %scan3A_15 : i32
    %scan3A_17 = arith.constant 1 : i32
    %scan3A_18 = scf.for %scan3A_39 = %scan3A_14 to %scan3A_16 step %scan3A_17 iter_args(%scan3A_40 = %scan3A_13) -> (i32)  : i32 {
      %mul3A_41 = arith.constant 128 : i32
      %mul3A_42 = arith.muli %scan3A_39, %mul3A_41 : i32
      %dma_start3A = tpu.memref_slice %arg7[%mul3A_42] : memref<10368xf32, #tpu.memory_space<vmem>> -> memref<128xf32, #tpu.memory_space<vmem>>
      %dma_start3A_43 = arith.constant 0 : i32
      %dma_start3A_44 = tpu.memref_slice %arg6[%scan3A_39, %dma_start3A_43] : memref<81x128xi32, #tpu.memory_space<vmem>> -> memref<1x128xi32, #tpu.memory_space<vmem>>
      %dma_start3A_45 = tpu.memref_squeeze %dma_start3A_44 : memref<1x128xi32, #tpu.memory_space<vmem>> -> memref<128xi32, #tpu.memory_space<vmem>>
      %dma_start3A_46 = arith.constant 0 : i32
      %dma_start3A_47 = tpu.memref_slice %arg10[%dma_start3A_46] : memref<10000xf32, #tpu.memory_space<vmem_shared>> -> memref<10000xf32, #tpu.memory_space<vmem_shared>>
      tpu.enqueue_indirect_dma source(%dma_start3A : memref<128xf32, #tpu.memory_space<vmem>>) target(%dma_start3A_47 : memref<10000xf32, #tpu.memory_space<vmem_shared>>) offsets(%dma_start3A_45 : memref<128xi32, #tpu.memory_space<vmem>>) semaphore(%arg9 : memref<!tpu.dma_semaphore, #tpu.memory_space<semaphore_mem>>) {add = true}
      %scan3A_48 = arith.constant 0 : i32
      scf.yield %scan3A_48 : i32
    }
    %scan3A_19 = arith.constant 81 : i32
    %mul3A_20 = arith.constant 10368 : i32
    %mul3A_21 = arith.muli %add3A, %mul3A_20 : i32
    %dma_wait3A = tpu.memref_slice %arg3[%mul3A_21] : memref<331776xf32, #tpu.memory_space<hbm>> -> memref<10368xf32, #tpu.memory_space<hbm>>
    %dma_wait3A_22 = tpu.memref_slice %arg3[%mul3A_21] : memref<331776xf32, #tpu.memory_space<hbm>> -> memref<10368xf32, #tpu.memory_space<hbm>>
    tpu.wait_dma2 semaphore(%arg9 : memref<!tpu.dma_semaphore, #tpu.memory_space<semaphore_mem>>) src(%dma_wait3A_22 : memref<10368xf32, #tpu.memory_space<hbm>>) dst(%arg7 : memref<10368xf32, #tpu.memory_space<vmem>>)
    %barrier3A_23 = arith.constant 0 : index
    tpu.barrier barrier_id(%barrier3A_23)
    "tpu.region"() ({
      %run_scoped3A = tpu.sem_alloc : memref<!tpu.dma_semaphore, #tpu.memory_space<semaphore_mem>>
      %dma_start3A = tpu.memref_slice %arg10[%mul3A_10] : memref<10000xf32, #tpu.memory_space<vmem_shared>> -> memref<624xf32, #tpu.memory_space<vmem_shared>>
      %dma_start3A_39 = tpu.memref_slice %arg10[%mul3A_10] : memref<10000xf32, #tpu.memory_space<vmem_shared>> -> memref<624xf32, #tpu.memory_space<vmem_shared>>
      tpu.enqueue_dma source(%dma_start3A_39 : memref<624xf32, #tpu.memory_space<vmem_shared>>) target(%arg8 : memref<624xf32, #tpu.memory_space<vmem>>) target_semaphore(%run_scoped3A : memref<!tpu.dma_semaphore, #tpu.memory_space<semaphore_mem>>)
      %dma_wait3A_40 = tpu.memref_slice %arg10[%mul3A_10] : memref<10000xf32, #tpu.memory_space<vmem_shared>> -> memref<624xf32, #tpu.memory_space<vmem_shared>>
      %dma_wait3A_41 = tpu.memref_slice %arg10[%mul3A_10] : memref<10000xf32, #tpu.memory_space<vmem_shared>> -> memref<624xf32, #tpu.memory_space<vmem_shared>>
      tpu.wait_dma2 semaphore(%run_scoped3A : memref<!tpu.dma_semaphore, #tpu.memory_space<semaphore_mem>>) src(%dma_wait3A_41 : memref<624xf32, #tpu.memory_space<vmem_shared>>) dst(%arg8 : memref<624xf32, #tpu.memory_space<vmem>>)
      tpu.yield
    }) : () -> ()
    %eq3A_24 = arith.constant 0 : i32
    %eq3A_25 = arith.cmpi eq, %arg0, %eq3A_24 : i32
    %convert_element_type3A_26 = arith.extui %eq3A_25 : i1 to i32
    %cond3A_27 = arith.constant 0 : i32
    %cond3A_28 = arith.cmpi ne, %convert_element_type3A_26, %cond3A_27 : i32
    scf.if %cond3A_28 {
      "tpu.region"() ({
        %run_scoped3A = tpu.sem_alloc : memref<!tpu.dma_semaphore, #tpu.memory_space<semaphore_mem>>
        %dma_start3A = tpu.memref_slice %arg4[%mul3A_10] : memref<10000xf32, #tpu.memory_space<hbm>> -> memref<624xf32, #tpu.memory_space<hbm>>
        %dma_start3A_39 = tpu.memref_slice %arg4[%mul3A_10] : memref<10000xf32, #tpu.memory_space<hbm>> -> memref<624xf32, #tpu.memory_space<hbm>>
        tpu.enqueue_dma source(%arg8 : memref<624xf32, #tpu.memory_space<vmem>>) target(%dma_start3A_39 : memref<624xf32, #tpu.memory_space<hbm>>) target_semaphore(%run_scoped3A : memref<!tpu.dma_semaphore, #tpu.memory_space<semaphore_mem>>)
        %dma_wait3A_40 = tpu.memref_slice %arg4[%mul3A_10] : memref<10000xf32, #tpu.memory_space<hbm>> -> memref<624xf32, #tpu.memory_space<hbm>>
        %dma_wait3A_41 = tpu.memref_slice %arg4[%mul3A_10] : memref<10000xf32, #tpu.memory_space<hbm>> -> memref<624xf32, #tpu.memory_space<hbm>>
        tpu.wait_dma2 semaphore(%run_scoped3A : memref<!tpu.dma_semaphore, #tpu.memory_space<semaphore_mem>>) src(%arg8 : memref<624xf32, #tpu.memory_space<vmem>>) dst(%dma_wait3A_41 : memref<624xf32, #tpu.memory_space<hbm>>)
        tpu.yield
      }) : () -> ()
    } else {
    }
    %eq3A_29 = arith.constant 1 : i32
    %eq3A_30 = arith.cmpi eq, %arg0, %eq3A_29 : i32
    %convert_element_type3A_31 = arith.extui %eq3A_30 : i1 to i32
    %cond3A_32 = arith.constant 0 : i32
    %cond3A_33 = arith.cmpi ne, %convert_element_type3A_31, %cond3A_32 : i32
    scf.if %cond3A_33 {
      "tpu.region"() ({
        %run_scoped3A = tpu.sem_alloc : memref<!tpu.dma_semaphore, #tpu.memory_space<semaphore_mem>>
        %dma_start3A = tpu.memref_slice %arg5[%mul3A_10] : memref<10000xf32, #tpu.memory_space<hbm>> -> memref<624xf32, #tpu.memory_space<hbm>>
        %dma_start3A_39 = tpu.memref_slice %arg5[%mul3A_10] : memref<10000xf32, #tpu.memory_space<hbm>> -> memref<624xf32, #tpu.memory_space<hbm>>
        tpu.enqueue_dma source(%arg8 : memref<624xf32, #tpu.memory_space<vmem>>) target(%dma_start3A_39 : memref<624xf32, #tpu.memory_space<hbm>>) target_semaphore(%run_scoped3A : memref<!tpu.dma_semaphore, #tpu.memory_space<semaphore_mem>>)
        %dma_wait3A_40 = tpu.memref_slice %arg5[%mul3A_10] : memref<10000xf32, #tpu.memory_space<hbm>> -> memref<624xf32, #tpu.memory_space<hbm>>
        %dma_wait3A_41 = tpu.memref_slice %arg5[%mul3A_10] : memref<10000xf32, #tpu.memory_space<hbm>> -> memref<624xf32, #tpu.memory_space<hbm>>
        tpu.wait_dma2 semaphore(%run_scoped3A : memref<!tpu.dma_semaphore, #tpu.memory_space<semaphore_mem>>) src(%arg8 : memref<624xf32, #tpu.memory_space<vmem>>) dst(%dma_wait3A_41 : memref<624xf32, #tpu.memory_space<hbm>>)
        tpu.yield
      }) : () -> ()
    } else {
    }
    %eq3A_34 = arith.constant 15 : i32
    %eq3A_35 = arith.cmpi eq, %arg1, %eq3A_34 : i32
    %convert_element_type3A_36 = arith.extui %eq3A_35 : i1 to i32
    %cond3A_37 = arith.constant 0 : i32
    %cond3A_38 = arith.cmpi ne, %convert_element_type3A_36, %cond3A_37 : i32
    scf.if %cond3A_38 {
      "tpu.region"() ({
        %run_scoped3A = tpu.sem_alloc : memref<!tpu.dma_semaphore, #tpu.memory_space<semaphore_mem>>
        %dma_start3A = arith.constant 0 : i32
        %dma_start3A_49 = tpu.memref_slice %arg8[%dma_start3A] : memref<624xf32, #tpu.memory_space<vmem>> -> memref<16xf32, #tpu.memory_space<vmem>>
        %dma_start3A_50 = arith.constant 9984 : i32
        %dma_start3A_51 = tpu.memref_slice %arg10[%dma_start3A_50] : memref<10000xf32, #tpu.memory_space<vmem_shared>> -> memref<16xf32, #tpu.memory_space<vmem_shared>>
        %dma_start3A_52 = arith.constant 0 : i32
        %dma_start3A_53 = tpu.memref_slice %arg8[%dma_start3A_52] : memref<624xf32, #tpu.memory_space<vmem>> -> memref<16xf32, #tpu.memory_space<vmem>>
        %dma_start3A_54 = arith.constant 9984 : i32
        %dma_start3A_55 = tpu.memref_slice %arg10[%dma_start3A_54] : memref<10000xf32, #tpu.memory_space<vmem_shared>> -> memref<16xf32, #tpu.memory_space<vmem_shared>>
        tpu.enqueue_dma source(%dma_start3A_55 : memref<16xf32, #tpu.memory_space<vmem_shared>>) target(%dma_start3A_53 : memref<16xf32, #tpu.memory_space<vmem>>) target_semaphore(%run_scoped3A : memref<!tpu.dma_semaphore, #tpu.memory_space<semaphore_mem>>)
        %dma_wait3A_56 = arith.constant 0 : i32
        %dma_wait3A_57 = tpu.memref_slice %arg8[%dma_wait3A_56] : memref<624xf32, #tpu.memory_space<vmem>> -> memref<16xf32, #tpu.memory_space<vmem>>
        %dma_wait3A_58 = arith.constant 9984 : i32
        %dma_wait3A_59 = tpu.memref_slice %arg10[%dma_wait3A_58] : memref<10000xf32, #tpu.memory_space<vmem_shared>> -> memref<16xf32, #tpu.memory_space<vmem_shared>>
        %dma_wait3A_60 = arith.constant 0 : i32
        %dma_wait3A_61 = tpu.memref_slice %arg8[%dma_wait3A_60] : memref<624xf32, #tpu.memory_space<vmem>> -> memref<16xf32, #tpu.memory_space<vmem>>
        %dma_wait3A_62 = arith.constant 9984 : i32
        %dma_wait3A_63 = tpu.memref_slice %arg10[%dma_wait3A_62] : memref<10000xf32, #tpu.memory_space<vmem_shared>> -> memref<16xf32, #tpu.memory_space<vmem_shared>>
        tpu.wait_dma2 semaphore(%run_scoped3A : memref<!tpu.dma_semaphore, #tpu.memory_space<semaphore_mem>>) src(%dma_wait3A_63 : memref<16xf32, #tpu.memory_space<vmem_shared>>) dst(%dma_wait3A_61 : memref<16xf32, #tpu.memory_space<vmem>>)
        tpu.yield
      }) : () -> ()
      %eq3A_39 = arith.constant 0 : i32
      %eq3A_40 = arith.cmpi eq, %arg0, %eq3A_39 : i32
      %convert_element_type3A_41 = arith.extui %eq3A_40 : i1 to i32
      %cond3A_42 = arith.constant 0 : i32
      %cond3A_43 = arith.cmpi ne, %convert_element_type3A_41, %cond3A_42 : i32
      scf.if %cond3A_43 {
        "tpu.region"() ({
          %run_scoped3A = tpu.sem_alloc : memref<!tpu.dma_semaphore, #tpu.memory_space<semaphore_mem>>
          %dma_start3A = arith.constant 0 : i32
          %dma_start3A_49 = tpu.memref_slice %arg8[%dma_start3A] : memref<624xf32, #tpu.memory_space<vmem>> -> memref<16xf32, #tpu.memory_space<vmem>>
          %dma_start3A_50 = arith.constant 9984 : i32
          %dma_start3A_51 = tpu.memref_slice %arg4[%dma_start3A_50] : memref<10000xf32, #tpu.memory_space<hbm>> -> memref<16xf32, #tpu.memory_space<hbm>>
          %dma_start3A_52 = arith.constant 9984 : i32
          %dma_start3A_53 = tpu.memref_slice %arg4[%dma_start3A_52] : memref<10000xf32, #tpu.memory_space<hbm>> -> memref<16xf32, #tpu.memory_space<hbm>>
          %dma_start3A_54 = arith.constant 0 : i32
          %dma_start3A_55 = tpu.memref_slice %arg8[%dma_start3A_54] : memref<624xf32, #tpu.memory_space<vmem>> -> memref<16xf32, #tpu.memory_space<vmem>>
          tpu.enqueue_dma source(%dma_start3A_55 : memref<16xf32, #tpu.memory_space<vmem>>) target(%dma_start3A_53 : memref<16xf32, #tpu.memory_space<hbm>>) target_semaphore(%run_scoped3A : memref<!tpu.dma_semaphore, #tpu.memory_space<semaphore_mem>>)
          %dma_wait3A_56 = arith.constant 0 : i32
          %dma_wait3A_57 = tpu.memref_slice %arg8[%dma_wait3A_56] : memref<624xf32, #tpu.memory_space<vmem>> -> memref<16xf32, #tpu.memory_space<vmem>>
          %dma_wait3A_58 = arith.constant 9984 : i32
          %dma_wait3A_59 = tpu.memref_slice %arg4[%dma_wait3A_58] : memref<10000xf32, #tpu.memory_space<hbm>> -> memref<16xf32, #tpu.memory_space<hbm>>
          %dma_wait3A_60 = arith.constant 9984 : i32
          %dma_wait3A_61 = tpu.memref_slice %arg4[%dma_wait3A_60] : memref<10000xf32, #tpu.memory_space<hbm>> -> memref<16xf32, #tpu.memory_space<hbm>>
          %dma_wait3A_62 = arith.constant 0 : i32
          %dma_wait3A_63 = tpu.memref_slice %arg8[%dma_wait3A_62] : memref<624xf32, #tpu.memory_space<vmem>> -> memref<16xf32, #tpu.memory_space<vmem>>
          tpu.wait_dma2 semaphore(%run_scoped3A : memref<!tpu.dma_semaphore, #tpu.memory_space<semaphore_mem>>) src(%dma_wait3A_63 : memref<16xf32, #tpu.memory_space<vmem>>) dst(%dma_wait3A_61 : memref<16xf32, #tpu.memory_space<hbm>>)
          tpu.yield
        }) : () -> ()
      } else {
      }
      %eq3A_44 = arith.constant 1 : i32
      %eq3A_45 = arith.cmpi eq, %arg0, %eq3A_44 : i32
      %convert_element_type3A_46 = arith.extui %eq3A_45 : i1 to i32
      %cond3A_47 = arith.constant 0 : i32
      %cond3A_48 = arith.cmpi ne, %convert_element_type3A_46, %cond3A_47 : i32
      scf.if %cond3A_48 {
        "tpu.region"() ({
          %run_scoped3A = tpu.sem_alloc : memref<!tpu.dma_semaphore, #tpu.memory_space<semaphore_mem>>
          %dma_start3A = arith.constant 0 : i32
          %dma_start3A_49 = tpu.memref_slice %arg8[%dma_start3A] : memref<624xf32, #tpu.memory_space<vmem>> -> memref<16xf32, #tpu.memory_space<vmem>>
          %dma_start3A_50 = arith.constant 9984 : i32
          %dma_start3A_51 = tpu.memref_slice %arg5[%dma_start3A_50] : memref<10000xf32, #tpu.memory_space<hbm>> -> memref<16xf32, #tpu.memory_space<hbm>>
          %dma_start3A_52 = arith.constant 9984 : i32
          %dma_start3A_53 = tpu.memref_slice %arg5[%dma_start3A_52] : memref<10000xf32, #tpu.memory_space<hbm>> -> memref<16xf32, #tpu.memory_space<hbm>>
          %dma_start3A_54 = arith.constant 0 : i32
          %dma_start3A_55 = tpu.memref_slice %arg8[%dma_start3A_54] : memref<624xf32, #tpu.memory_space<vmem>> -> memref<16xf32, #tpu.memory_space<vmem>>
          tpu.enqueue_dma source(%dma_start3A_55 : memref<16xf32, #tpu.memory_space<vmem>>) target(%dma_start3A_53 : memref<16xf32, #tpu.memory_space<hbm>>) target_semaphore(%run_scoped3A : memref<!tpu.dma_semaphore, #tpu.memory_space<semaphore_mem>>)
          %dma_wait3A_56 = arith.constant 0 : i32
          %dma_wait3A_57 = tpu.memref_slice %arg8[%dma_wait3A_56] : memref<624xf32, #tpu.memory_space<vmem>> -> memref<16xf32, #tpu.memory_space<vmem>>
          %dma_wait3A_58 = arith.constant 9984 : i32
          %dma_wait3A_59 = tpu.memref_slice %arg5[%dma_wait3A_58] : memref<10000xf32, #tpu.memory_space<hbm>> -> memref<16xf32, #tpu.memory_space<hbm>>
          %dma_wait3A_60 = arith.constant 9984 : i32
          %dma_wait3A_61 = tpu.memref_slice %arg5[%dma_wait3A_60] : memref<10000xf32, #tpu.memory_space<hbm>> -> memref<16xf32, #tpu.memory_space<hbm>>
          %dma_wait3A_62 = arith.constant 0 : i32
          %dma_wait3A_63 = tpu.memref_slice %arg8[%dma_wait3A_62] : memref<624xf32, #tpu.memory_space<vmem>> -> memref<16xf32, #tpu.memory_space<vmem>>
          tpu.wait_dma2 semaphore(%run_scoped3A : memref<!tpu.dma_semaphore, #tpu.memory_space<semaphore_mem>>) src(%dma_wait3A_63 : memref<16xf32, #tpu.memory_space<vmem>>) dst(%dma_wait3A_61 : memref<16xf32, #tpu.memory_space<hbm>>)
          tpu.yield
        }) : () -> ()
      } else {
      }
    } else {
    }
    return
  }
}

#map = affine_map<(d0, d1) -> (0, 0, 0)>
#map1 = affine_map<(d0, d1) -> (0)>
module attributes {stable_mosaic.version = 14 : i64} {
  func.func @_agg_kernel(%arg0: i32, %arg1: i32, %arg2: memref<2x10000x64xf32, #tpu.memory_space<hbm>>, %arg3: memref<16x162x128xi32, #tpu.memory_space<hbm>>, %arg4: memref<16x162x128xi32, #tpu.memory_space<hbm>>, %arg5: memref<331776xf32, #tpu.memory_space<hbm>>, %arg6: memref<2x10000x128xf32, #tpu.memory_space<hbm>>, %arg7: memref<162x128xi32, #tpu.memory_space<vmem>>, %arg8: memref<20736xf32, #tpu.memory_space<vmem>>, %arg9: memref<162x128xi32, #tpu.memory_space<vmem>>, %arg10: memref<128x64xf32, #tpu.memory_space<vmem>>, %arg11: memref<128x64xf32, #tpu.memory_space<vmem>>, %arg12: memref<128x64xf32, #tpu.memory_space<vmem>>, %arg13: memref<!tpu.dma_semaphore, #tpu.memory_space<semaphore_mem>>, %arg14: memref<!tpu.dma_semaphore, #tpu.memory_space<semaphore_mem>>, %arg15: memref<!tpu.dma_semaphore, #tpu.memory_space<semaphore_mem>>, %arg16: memref<!tpu.dma_semaphore, #tpu.memory_space<semaphore_mem>>, %arg17: memref<!tpu.dma_semaphore, #tpu.memory_space<semaphore_mem>>, %arg18: memref<!tpu.dma_semaphore, #tpu.memory_space<semaphore_mem>>, %arg19: memref<10000x64xf32, #tpu.memory_space<vmem_shared>>) attributes {dimension_semantics = [#tpu.dimension_semantics<core_parallel>, #tpu.dimension_semantics<subcore_parallel>], iteration_bounds = array<i64: 2, 16>, scalar_prefetch = 0 : i64, scratch_operands = 13 : i64, tpu.core_type = #tpu.core_type<sc_vector_subcore>, window_params = [{transform_indices = #map}, {transform_indices = #map}, {transform_indices = #map}, {transform_indices = #map1}, {transform_indices = #map}]} {
    "tpu.region"() ({
      %run_scoped3A = tpu.sem_alloc : memref<!tpu.dma_semaphore, #tpu.memory_space<semaphore_mem>>
      %dma_start3A_80 = arith.constant 0 : i32
      %dma_start3A_81 = arith.constant 0 : i32
      %dma_start3A_82 = tpu.memref_slice %arg3[%arg1, %dma_start3A_80, %dma_start3A_81] : memref<16x162x128xi32, #tpu.memory_space<hbm>> -> memref<1x162x128xi32, #tpu.memory_space<hbm>>
      %dma_start3A_83 = tpu.memref_squeeze %dma_start3A_82 : memref<1x162x128xi32, #tpu.memory_space<hbm>> -> memref<162x128xi32, #tpu.memory_space<hbm>>
      %dma_start3A_84 = arith.constant 0 : i32
      %dma_start3A_85 = arith.constant 0 : i32
      %dma_start3A_86 = tpu.memref_slice %arg3[%arg1, %dma_start3A_84, %dma_start3A_85] : memref<16x162x128xi32, #tpu.memory_space<hbm>> -> memref<1x162x128xi32, #tpu.memory_space<hbm>>
      %dma_start3A_87 = tpu.memref_squeeze %dma_start3A_86 : memref<1x162x128xi32, #tpu.memory_space<hbm>> -> memref<162x128xi32, #tpu.memory_space<hbm>>
      tpu.enqueue_dma source(%dma_start3A_87 : memref<162x128xi32, #tpu.memory_space<hbm>>) target(%arg7 : memref<162x128xi32, #tpu.memory_space<vmem>>) target_semaphore(%run_scoped3A : memref<!tpu.dma_semaphore, #tpu.memory_space<semaphore_mem>>)
      %dma_wait3A_88 = arith.constant 0 : i32
      %dma_wait3A_89 = arith.constant 0 : i32
      %dma_wait3A_90 = tpu.memref_slice %arg3[%arg1, %dma_wait3A_88, %dma_wait3A_89] : memref<16x162x128xi32, #tpu.memory_space<hbm>> -> memref<1x162x128xi32, #tpu.memory_space<hbm>>
      %dma_wait3A_91 = tpu.memref_squeeze %dma_wait3A_90 : memref<1x162x128xi32, #tpu.memory_space<hbm>> -> memref<162x128xi32, #tpu.memory_space<hbm>>
      %dma_wait3A_92 = arith.constant 0 : i32
      %dma_wait3A_93 = arith.constant 0 : i32
      %dma_wait3A_94 = tpu.memref_slice %arg3[%arg1, %dma_wait3A_92, %dma_wait3A_93] : memref<16x162x128xi32, #tpu.memory_space<hbm>> -> memref<1x162x128xi32, #tpu.memory_space<hbm>>
      %dma_wait3A_95 = tpu.memref_squeeze %dma_wait3A_94 : memref<1x162x128xi32, #tpu.memory_space<hbm>> -> memref<162x128xi32, #tpu.memory_space<hbm>>
      tpu.wait_dma2 semaphore(%run_scoped3A : memref<!tpu.dma_semaphore, #tpu.memory_space<semaphore_mem>>) src(%dma_wait3A_95 : memref<162x128xi32, #tpu.memory_space<hbm>>) dst(%arg7 : memref<162x128xi32, #tpu.memory_space<vmem>>)
      tpu.yield
    }) : () -> ()
    %mul3A = arith.constant 20736 : i32
    %mul3A_0 = arith.muli %arg1, %mul3A : i32
    "tpu.region"() ({
      %run_scoped3A = tpu.sem_alloc : memref<!tpu.dma_semaphore, #tpu.memory_space<semaphore_mem>>
      %dma_start3A_80 = tpu.memref_slice %arg5[%mul3A_0] : memref<331776xf32, #tpu.memory_space<hbm>> -> memref<20736xf32, #tpu.memory_space<hbm>>
      %dma_start3A_81 = tpu.memref_slice %arg5[%mul3A_0] : memref<331776xf32, #tpu.memory_space<hbm>> -> memref<20736xf32, #tpu.memory_space<hbm>>
      tpu.enqueue_dma source(%dma_start3A_81 : memref<20736xf32, #tpu.memory_space<hbm>>) target(%arg8 : memref<20736xf32, #tpu.memory_space<vmem>>) target_semaphore(%run_scoped3A : memref<!tpu.dma_semaphore, #tpu.memory_space<semaphore_mem>>)
      %dma_wait3A_82 = tpu.memref_slice %arg5[%mul3A_0] : memref<331776xf32, #tpu.memory_space<hbm>> -> memref<20736xf32, #tpu.memory_space<hbm>>
      %dma_wait3A_83 = tpu.memref_slice %arg5[%mul3A_0] : memref<331776xf32, #tpu.memory_space<hbm>> -> memref<20736xf32, #tpu.memory_space<hbm>>
      tpu.wait_dma2 semaphore(%run_scoped3A : memref<!tpu.dma_semaphore, #tpu.memory_space<semaphore_mem>>) src(%dma_wait3A_83 : memref<20736xf32, #tpu.memory_space<hbm>>) dst(%arg8 : memref<20736xf32, #tpu.memory_space<vmem>>)
      tpu.yield
    }) : () -> ()
    "tpu.region"() ({
      %run_scoped3A = tpu.sem_alloc : memref<!tpu.dma_semaphore, #tpu.memory_space<semaphore_mem>>
      %dma_start3A_80 = arith.constant 0 : i32
      %dma_start3A_81 = arith.constant 0 : i32
      %dma_start3A_82 = tpu.memref_slice %arg4[%arg1, %dma_start3A_80, %dma_start3A_81] : memref<16x162x128xi32, #tpu.memory_space<hbm>> -> memref<1x162x128xi32, #tpu.memory_space<hbm>>
      %dma_start3A_83 = tpu.memref_squeeze %dma_start3A_82 : memref<1x162x128xi32, #tpu.memory_space<hbm>> -> memref<162x128xi32, #tpu.memory_space<hbm>>
      %dma_start3A_84 = arith.constant 0 : i32
      %dma_start3A_85 = arith.constant 0 : i32
      %dma_start3A_86 = tpu.memref_slice %arg4[%arg1, %dma_start3A_84, %dma_start3A_85] : memref<16x162x128xi32, #tpu.memory_space<hbm>> -> memref<1x162x128xi32, #tpu.memory_space<hbm>>
      %dma_start3A_87 = tpu.memref_squeeze %dma_start3A_86 : memref<1x162x128xi32, #tpu.memory_space<hbm>> -> memref<162x128xi32, #tpu.memory_space<hbm>>
      tpu.enqueue_dma source(%dma_start3A_87 : memref<162x128xi32, #tpu.memory_space<hbm>>) target(%arg9 : memref<162x128xi32, #tpu.memory_space<vmem>>) target_semaphore(%run_scoped3A : memref<!tpu.dma_semaphore, #tpu.memory_space<semaphore_mem>>)
      %dma_wait3A_88 = arith.constant 0 : i32
      %dma_wait3A_89 = arith.constant 0 : i32
      %dma_wait3A_90 = tpu.memref_slice %arg4[%arg1, %dma_wait3A_88, %dma_wait3A_89] : memref<16x162x128xi32, #tpu.memory_space<hbm>> -> memref<1x162x128xi32, #tpu.memory_space<hbm>>
      %dma_wait3A_91 = tpu.memref_squeeze %dma_wait3A_90 : memref<1x162x128xi32, #tpu.memory_space<hbm>> -> memref<162x128xi32, #tpu.memory_space<hbm>>
      %dma_wait3A_92 = arith.constant 0 : i32
      %dma_wait3A_93 = arith.constant 0 : i32
      %dma_wait3A_94 = tpu.memref_slice %arg4[%arg1, %dma_wait3A_92, %dma_wait3A_93] : memref<16x162x128xi32, #tpu.memory_space<hbm>> -> memref<1x162x128xi32, #tpu.memory_space<hbm>>
      %dma_wait3A_95 = tpu.memref_squeeze %dma_wait3A_94 : memref<1x162x128xi32, #tpu.memory_space<hbm>> -> memref<162x128xi32, #tpu.memory_space<hbm>>
      tpu.wait_dma2 semaphore(%run_scoped3A : memref<!tpu.dma_semaphore, #tpu.memory_space<semaphore_mem>>) src(%dma_wait3A_95 : memref<162x128xi32, #tpu.memory_space<hbm>>) dst(%arg9 : memref<162x128xi32, #tpu.memory_space<vmem>>)
      tpu.yield
    }) : () -> ()
    %mul3A_1 = arith.constant 624 : i32
    %mul3A_2 = arith.muli %arg1, %mul3A_1 : i32
    %scan3A = arith.constant 0 : i32
    %scan3A_3 = arith.constant 0 : i32
    %scan3A_4 = arith.constant 512 : i32
    %scan3A_5 = arith.addi %scan3A_3, %scan3A_4 : i32
    %scan3A_6 = arith.constant 1 : i32
    %scan3A_7 = scf.for %scan3A_80 = %scan3A_3 to %scan3A_5 step %scan3A_6 iter_args(%scan3A_81 = %scan3A) -> (i32)  : i32 {
      %jit3A = arith.constant 4 : i32
      %div3A = arith.divsi %scan3A_80, %jit3A : i32
      %sign3A = arith.constant 0 : i32
      %sign3A_82 = arith.cmpi sgt, %scan3A_80, %sign3A : i32
      %sign3A_83 = arith.extui %sign3A_82 : i1 to i32
      %sign3A_84 = arith.constant 0 : i32
      %sign3A_85 = arith.cmpi slt, %scan3A_80, %sign3A_84 : i32
      %sign3A_86 = arith.extui %sign3A_85 : i1 to i32
      %sign3A_87 = arith.subi %sign3A_83, %sign3A_86 : i32
      %sign3A_88 = arith.constant 0 : i32
      %sign3A_89 = arith.cmpi sgt, %jit3A, %sign3A_88 : i32
      %sign3A_90 = arith.extui %sign3A_89 : i1 to i32
      %sign3A_91 = arith.constant 0 : i32
      %sign3A_92 = arith.cmpi slt, %jit3A, %sign3A_91 : i32
      %sign3A_93 = arith.extui %sign3A_92 : i1 to i32
      %sign3A_94 = arith.subi %sign3A_90, %sign3A_93 : i32
      %ne3A = arith.cmpi ne, %sign3A_87, %sign3A_94 : i32
      %rem3A = arith.remsi %scan3A_80, %jit3A : i32
      %ne3A_95 = arith.constant 0 : i32
      %ne3A_96 = arith.cmpi ne, %rem3A, %ne3A_95 : i32
      %and3A = arith.andi %ne3A, %ne3A_96 : i1
      %sub3A = arith.constant 1 : i32
      %sub3A_97 = arith.subi %div3A, %sub3A : i32
      %select_n3A = arith.select %and3A, %sub3A_97, %div3A : i32
      %jit3A_98 = arith.constant 4 : i32
      %eq3A_99 = arith.constant 0 : i32
      %eq3A_100 = arith.cmpi eq, %jit3A_98, %eq3A_99 : i32
      %jit3A_101 = arith.constant 1 : i32
      %select_n3A_102 = arith.select %eq3A_100, %jit3A_101, %jit3A_98 : i32
      %rem3A_103 = arith.remsi %scan3A_80, %select_n3A_102 : i32
      %ne3A_104 = arith.constant 0 : i32
      %ne3A_105 = arith.cmpi ne, %rem3A_103, %ne3A_104 : i32
      %lt3A = arith.constant 0 : i32
      %lt3A_106 = arith.cmpi slt, %rem3A_103, %lt3A : i32
      %lt3A_107 = arith.constant 0 : i32
      %lt3A_108 = arith.cmpi slt, %select_n3A_102, %lt3A_107 : i32
      %ne3A_109 = arith.xori %lt3A_106, %lt3A_108 : i1
      %and3A_110 = arith.andi %ne3A_109, %ne3A_105 : i1
      %add3A_111 = arith.addi %rem3A_103, %select_n3A_102 : i32
      %select_n3A_112 = arith.select %and3A_110, %add3A_111, %rem3A_103 : i32
      %mul3A_113 = arith.constant 16 : i32
      %mul3A_114 = arith.muli %select_n3A_112, %mul3A_113 : i32
      %broadcast_in_dim3A = arith.constant 0.000000e+00 : f32
      %broadcast_in_dim3A_115 = vector.broadcast %broadcast_in_dim3A : f32 to vector<16xf32>
      %swap3A = arith.index_cast %select_n3A : i32 to index
      %swap3A_116 = arith.index_cast %mul3A_114 : i32 to index
      %swap3A_117 = tpu.vector_load %arg10[%swap3A, %swap3A_116] {strides = array<i32>} : memref<128x64xf32, #tpu.memory_space<vmem>>, vector<1x16xf32>,
      %swap3A_118 = vector.shape_cast %swap3A_117 : vector<1x16xf32> to vector<16xf32>
      %swap3A_119 = vector.shape_cast %broadcast_in_dim3A_115 : vector<16xf32> to vector<1x16xf32>
      tpu.vector_store %arg10[%swap3A, %swap3A_116], %swap3A_119 {strides = array<i32>} : memref<128x64xf32, #tpu.memory_space<vmem>>, vector<1x16xf32>,
      %scan3A_120 = arith.constant 0 : i32
      scf.yield %scan3A_120 : i32
    }
    %scan3A_8 = arith.constant 512 : i32
    %add3A = arith.constant 0 : i32
    %add3A_9 = arith.addi %mul3A_2, %add3A : i32
    "tpu.region"() ({
      %run_scoped3A = tpu.sem_alloc : memref<!tpu.dma_semaphore, #tpu.memory_space<semaphore_mem>>
      %dma_start3A_80 = arith.constant 0 : i32
      %dma_start3A_81 = tpu.memref_slice %arg19[%add3A_9, %dma_start3A_80] : memref<10000x64xf32, #tpu.memory_space<vmem_shared>> -> memref<128x64xf32, #tpu.memory_space<vmem_shared>>
      %dma_start3A_82 = arith.constant 0 : i32
      %dma_start3A_83 = tpu.memref_slice %arg19[%add3A_9, %dma_start3A_82] : memref<10000x64xf32, #tpu.memory_space<vmem_shared>> -> memref<128x64xf32, #tpu.memory_space<vmem_shared>>
      tpu.enqueue_dma source(%arg10 : memref<128x64xf32, #tpu.memory_space<vmem>>) target(%dma_start3A_83 : memref<128x64xf32, #tpu.memory_space<vmem_shared>>) target_semaphore(%run_scoped3A : memref<!tpu.dma_semaphore, #tpu.memory_space<semaphore_mem>>)
      %dma_wait3A_84 = arith.constant 0 : i32
      %dma_wait3A_85 = tpu.memref_slice %arg19[%add3A_9, %dma_wait3A_84] : memref<10000x64xf32, #tpu.memory_space<vmem_shared>> -> memref<128x64xf32, #tpu.memory_space<vmem_shared>>
      %dma_wait3A_86 = arith.constant 0 : i32
      %dma_wait3A_87 = tpu.memref_slice %arg19[%add3A_9, %dma_wait3A_86] : memref<10000x64xf32, #tpu.memory_space<vmem_shared>> -> memref<128x64xf32, #tpu.memory_space<vmem_shared>>
      tpu.wait_dma2 semaphore(%run_scoped3A : memref<!tpu.dma_semaphore, #tpu.memory_space<semaphore_mem>>) src(%arg10 : memref<128x64xf32, #tpu.memory_space<vmem>>) dst(%dma_wait3A_87 : memref<128x64xf32, #tpu.memory_space<vmem_shared>>)
      tpu.yield
    }) : () -> ()
    %add3A_10 = arith.constant 128 : i32
    %add3A_11 = arith.addi %mul3A_2, %add3A_10 : i32
    "tpu.region"() ({
      %run_scoped3A = tpu.sem_alloc : memref<!tpu.dma_semaphore, #tpu.memory_space<semaphore_mem>>
      %dma_start3A_80 = arith.constant 0 : i32
      %dma_start3A_81 = tpu.memref_slice %arg19[%add3A_11, %dma_start3A_80] : memref<10000x64xf32, #tpu.memory_space<vmem_shared>> -> memref<128x64xf32, #tpu.memory_space<vmem_shared>>
      %dma_start3A_82 = arith.constant 0 : i32
      %dma_start3A_83 = tpu.memref_slice %arg19[%add3A_11, %dma_start3A_82] : memref<10000x64xf32, #tpu.memory_space<vmem_shared>> -> memref<128x64xf32, #tpu.memory_space<vmem_shared>>
      tpu.enqueue_dma source(%arg10 : memref<128x64xf32, #tpu.memory_space<vmem>>) target(%dma_start3A_83 : memref<128x64xf32, #tpu.memory_space<vmem_shared>>) target_semaphore(%run_scoped3A : memref<!tpu.dma_semaphore, #tpu.memory_space<semaphore_mem>>)
      %dma_wait3A_84 = arith.constant 0 : i32
      %dma_wait3A_85 = tpu.memref_slice %arg19[%add3A_11, %dma_wait3A_84] : memref<10000x64xf32, #tpu.memory_space<vmem_shared>> -> memref<128x64xf32, #tpu.memory_space<vmem_shared>>
      %dma_wait3A_86 = arith.constant 0 : i32
      %dma_wait3A_87 = tpu.memref_slice %arg19[%add3A_11, %dma_wait3A_86] : memref<10000x64xf32, #tpu.memory_space<vmem_shared>> -> memref<128x64xf32, #tpu.memory_space<vmem_shared>>
      tpu.wait_dma2 semaphore(%run_scoped3A : memref<!tpu.dma_semaphore, #tpu.memory_space<semaphore_mem>>) src(%arg10 : memref<128x64xf32, #tpu.memory_space<vmem>>) dst(%dma_wait3A_87 : memref<128x64xf32, #tpu.memory_space<vmem_shared>>)
      tpu.yield
    }) : () -> ()
    %add3A_12 = arith.constant 256 : i32
    %add3A_13 = arith.addi %mul3A_2, %add3A_12 : i32
    "tpu.region"() ({
      %run_scoped3A = tpu.sem_alloc : memref<!tpu.dma_semaphore, #tpu.memory_space<semaphore_mem>>
      %dma_start3A_80 = arith.constant 0 : i32
      %dma_start3A_81 = tpu.memref_slice %arg19[%add3A_13, %dma_start3A_80] : memref<10000x64xf32, #tpu.memory_space<vmem_shared>> -> memref<128x64xf32, #tpu.memory_space<vmem_shared>>
      %dma_start3A_82 = arith.constant 0 : i32
      %dma_start3A_83 = tpu.memref_slice %arg19[%add3A_13, %dma_start3A_82] : memref<10000x64xf32, #tpu.memory_space<vmem_shared>> -> memref<128x64xf32, #tpu.memory_space<vmem_shared>>
      tpu.enqueue_dma source(%arg10 : memref<128x64xf32, #tpu.memory_space<vmem>>) target(%dma_start3A_83 : memref<128x64xf32, #tpu.memory_space<vmem_shared>>) target_semaphore(%run_scoped3A : memref<!tpu.dma_semaphore, #tpu.memory_space<semaphore_mem>>)
      %dma_wait3A_84 = arith.constant 0 : i32
      %dma_wait3A_85 = tpu.memref_slice %arg19[%add3A_13, %dma_wait3A_84] : memref<10000x64xf32, #tpu.memory_space<vmem_shared>> -> memref<128x64xf32, #tpu.memory_space<vmem_shared>>
      %dma_wait3A_86 = arith.constant 0 : i32
      %dma_wait3A_87 = tpu.memref_slice %arg19[%add3A_13, %dma_wait3A_86] : memref<10000x64xf32, #tpu.memory_space<vmem_shared>> -> memref<128x64xf32, #tpu.memory_space<vmem_shared>>
      tpu.wait_dma2 semaphore(%run_scoped3A : memref<!tpu.dma_semaphore, #tpu.memory_space<semaphore_mem>>) src(%arg10 : memref<128x64xf32, #tpu.memory_space<vmem>>) dst(%dma_wait3A_87 : memref<128x64xf32, #tpu.memory_space<vmem_shared>>)
      tpu.yield
    }) : () -> ()
    %add3A_14 = arith.constant 384 : i32
    %add3A_15 = arith.addi %mul3A_2, %add3A_14 : i32
    "tpu.region"() ({
      %run_scoped3A = tpu.sem_alloc : memref<!tpu.dma_semaphore, #tpu.memory_space<semaphore_mem>>
      %dma_start3A_80 = arith.constant 0 : i32
      %dma_start3A_81 = tpu.memref_slice %arg19[%add3A_15, %dma_start3A_80] : memref<10000x64xf32, #tpu.memory_space<vmem_shared>> -> memref<128x64xf32, #tpu.memory_space<vmem_shared>>
      %dma_start3A_82 = arith.constant 0 : i32
      %dma_start3A_83 = tpu.memref_slice %arg19[%add3A_15, %dma_start3A_82] : memref<10000x64xf32, #tpu.memory_space<vmem_shared>> -> memref<128x64xf32, #tpu.memory_space<vmem_shared>>
      tpu.enqueue_dma source(%arg10 : memref<128x64xf32, #tpu.memory_space<vmem>>) target(%dma_start3A_83 : memref<128x64xf32, #tpu.memory_space<vmem_shared>>) target_semaphore(%run_scoped3A : memref<!tpu.dma_semaphore, #tpu.memory_space<semaphore_mem>>)
      %dma_wait3A_84 = arith.constant 0 : i32
      %dma_wait3A_85 = tpu.memref_slice %arg19[%add3A_15, %dma_wait3A_84] : memref<10000x64xf32, #tpu.memory_space<vmem_shared>> -> memref<128x64xf32, #tpu.memory_space<vmem_shared>>
      %dma_wait3A_86 = arith.constant 0 : i32
      %dma_wait3A_87 = tpu.memref_slice %arg19[%add3A_15, %dma_wait3A_86] : memref<10000x64xf32, #tpu.memory_space<vmem_shared>> -> memref<128x64xf32, #tpu.memory_space<vmem_shared>>
      tpu.wait_dma2 semaphore(%run_scoped3A : memref<!tpu.dma_semaphore, #tpu.memory_space<semaphore_mem>>) src(%arg10 : memref<128x64xf32, #tpu.memory_space<vmem>>) dst(%dma_wait3A_87 : memref<128x64xf32, #tpu.memory_space<vmem_shared>>)
      tpu.yield
    }) : () -> ()
    %add3A_16 = arith.constant 512 : i32
    %add3A_17 = arith.addi %mul3A_2, %add3A_16 : i32
    "tpu.region"() ({
      %run_scoped3A = tpu.sem_alloc : memref<!tpu.dma_semaphore, #tpu.memory_space<semaphore_mem>>
      %dma_start3A_80 = arith.constant 0 : i32
      %dma_start3A_81 = arith.constant 0 : i32
      %dma_start3A_82 = tpu.memref_slice %arg10[%dma_start3A_80, %dma_start3A_81] : memref<128x64xf32, #tpu.memory_space<vmem>> -> memref<112x64xf32, #tpu.memory_space<vmem>>
      %dma_start3A_83 = arith.constant 0 : i32
      %dma_start3A_84 = tpu.memref_slice %arg19[%add3A_17, %dma_start3A_83] : memref<10000x64xf32, #tpu.memory_space<vmem_shared>> -> memref<112x64xf32, #tpu.memory_space<vmem_shared>>
      %dma_start3A_85 = arith.constant 0 : i32
      %dma_start3A_86 = tpu.memref_slice %arg19[%add3A_17, %dma_start3A_85] : memref<10000x64xf32, #tpu.memory_space<vmem_shared>> -> memref<112x64xf32, #tpu.memory_space<vmem_shared>>
      %dma_start3A_87 = arith.constant 0 : i32
      %dma_start3A_88 = arith.constant 0 : i32
      %dma_start3A_89 = tpu.memref_slice %arg10[%dma_start3A_87, %dma_start3A_88] : memref<128x64xf32, #tpu.memory_space<vmem>> -> memref<112x64xf32, #tpu.memory_space<vmem>>
      tpu.enqueue_dma source(%dma_start3A_89 : memref<112x64xf32, #tpu.memory_space<vmem>>) target(%dma_start3A_86 : memref<112x64xf32, #tpu.memory_space<vmem_shared>>) target_semaphore(%run_scoped3A : memref<!tpu.dma_semaphore, #tpu.memory_space<semaphore_mem>>)
      %dma_wait3A_90 = arith.constant 0 : i32
      %dma_wait3A_91 = arith.constant 0 : i32
      %dma_wait3A_92 = tpu.memref_slice %arg10[%dma_wait3A_90, %dma_wait3A_91] : memref<128x64xf32, #tpu.memory_space<vmem>> -> memref<112x64xf32, #tpu.memory_space<vmem>>
      %dma_wait3A_93 = arith.constant 0 : i32
      %dma_wait3A_94 = tpu.memref_slice %arg19[%add3A_17, %dma_wait3A_93] : memref<10000x64xf32, #tpu.memory_space<vmem_shared>> -> memref<112x64xf32, #tpu.memory_space<vmem_shared>>
      %dma_wait3A_95 = arith.constant 0 : i32
      %dma_wait3A_96 = tpu.memref_slice %arg19[%add3A_17, %dma_wait3A_95] : memref<10000x64xf32, #tpu.memory_space<vmem_shared>> -> memref<112x64xf32, #tpu.memory_space<vmem_shared>>
      %dma_wait3A_97 = arith.constant 0 : i32
      %dma_wait3A_98 = arith.constant 0 : i32
      %dma_wait3A_99 = tpu.memref_slice %arg10[%dma_wait3A_97, %dma_wait3A_98] : memref<128x64xf32, #tpu.memory_space<vmem>> -> memref<112x64xf32, #tpu.memory_space<vmem>>
      tpu.wait_dma2 semaphore(%run_scoped3A : memref<!tpu.dma_semaphore, #tpu.memory_space<semaphore_mem>>) src(%dma_wait3A_99 : memref<112x64xf32, #tpu.memory_space<vmem>>) dst(%dma_wait3A_96 : memref<112x64xf32, #tpu.memory_space<vmem_shared>>)
      tpu.yield
    }) : () -> ()
    %eq3A = arith.constant 15 : i32
    %eq3A_18 = arith.cmpi eq, %arg1, %eq3A : i32
    %convert_element_type3A = arith.extui %eq3A_18 : i1 to i32
    %cond3A = arith.constant 0 : i32
    %cond3A_19 = arith.cmpi ne, %convert_element_type3A, %cond3A : i32
    scf.if %cond3A_19 {
      "tpu.region"() ({
        %run_scoped3A = tpu.sem_alloc : memref<!tpu.dma_semaphore, #tpu.memory_space<semaphore_mem>>
        %dma_start3A_80 = arith.constant 0 : i32
        %dma_start3A_81 = arith.constant 0 : i32
        %dma_start3A_82 = tpu.memref_slice %arg10[%dma_start3A_80, %dma_start3A_81] : memref<128x64xf32, #tpu.memory_space<vmem>> -> memref<16x64xf32, #tpu.memory_space<vmem>>
        %dma_start3A_83 = arith.constant 9984 : i32
        %dma_start3A_84 = arith.constant 0 : i32
        %dma_start3A_85 = tpu.memref_slice %arg19[%dma_start3A_83, %dma_start3A_84] : memref<10000x64xf32, #tpu.memory_space<vmem_shared>> -> memref<16x64xf32, #tpu.memory_space<vmem_shared>>
        %dma_start3A_86 = arith.constant 9984 : i32
        %dma_start3A_87 = arith.constant 0 : i32
        %dma_start3A_88 = tpu.memref_slice %arg19[%dma_start3A_86, %dma_start3A_87] : memref<10000x64xf32, #tpu.memory_space<vmem_shared>> -> memref<16x64xf32, #tpu.memory_space<vmem_shared>>
        %dma_start3A_89 = arith.constant 0 : i32
        %dma_start3A_90 = arith.constant 0 : i32
        %dma_start3A_91 = tpu.memref_slice %arg10[%dma_start3A_89, %dma_start3A_90] : memref<128x64xf32, #tpu.memory_space<vmem>> -> memref<16x64xf32, #tpu.memory_space<vmem>>
        tpu.enqueue_dma source(%dma_start3A_91 : memref<16x64xf32, #tpu.memory_space<vmem>>) target(%dma_start3A_88 : memref<16x64xf32, #tpu.memory_space<vmem_shared>>) target_semaphore(%run_scoped3A : memref<!tpu.dma_semaphore, #tpu.memory_space<semaphore_mem>>)
        %dma_wait3A_92 = arith.constant 0 : i32
        %dma_wait3A_93 = arith.constant 0 : i32
        %dma_wait3A_94 = tpu.memref_slice %arg10[%dma_wait3A_92, %dma_wait3A_93] : memref<128x64xf32, #tpu.memory_space<vmem>> -> memref<16x64xf32, #tpu.memory_space<vmem>>
        %dma_wait3A_95 = arith.constant 9984 : i32
        %dma_wait3A_96 = arith.constant 0 : i32
        %dma_wait3A_97 = tpu.memref_slice %arg19[%dma_wait3A_95, %dma_wait3A_96] : memref<10000x64xf32, #tpu.memory_space<vmem_shared>> -> memref<16x64xf32, #tpu.memory_space<vmem_shared>>
        %dma_wait3A_98 = arith.constant 9984 : i32
        %dma_wait3A_99 = arith.constant 0 : i32
        %dma_wait3A_100 = tpu.memref_slice %arg19[%dma_wait3A_98, %dma_wait3A_99] : memref<10000x64xf32, #tpu.memory_space<vmem_shared>> -> memref<16x64xf32, #tpu.memory_space<vmem_shared>>
        %dma_wait3A_101 = arith.constant 0 : i32
        %dma_wait3A_102 = arith.constant 0 : i32
        %dma_wait3A_103 = tpu.memref_slice %arg10[%dma_wait3A_101, %dma_wait3A_102] : memref<128x64xf32, #tpu.memory_space<vmem>> -> memref<16x64xf32, #tpu.memory_space<vmem>>
        tpu.wait_dma2 semaphore(%run_scoped3A : memref<!tpu.dma_semaphore, #tpu.memory_space<semaphore_mem>>) src(%dma_wait3A_103 : memref<16x64xf32, #tpu.memory_space<vmem>>) dst(%dma_wait3A_100 : memref<16x64xf32, #tpu.memory_space<vmem_shared>>)
        tpu.yield
      }) : () -> ()
    } else {
    }
    %barrier3A = arith.constant 0 : index
    tpu.barrier barrier_id(%barrier3A)
    %dma_start3A = arith.constant 0 : i32
    %dma_start3A_20 = arith.constant 0 : i32
    %dma_start3A_21 = tpu.memref_slice %arg7[%dma_start3A, %dma_start3A_20] : memref<162x128xi32, #tpu.memory_space<vmem>> -> memref<1x128xi32, #tpu.memory_space<vmem>>
    %dma_start3A_22 = tpu.memref_squeeze %dma_start3A_21 : memref<1x128xi32, #tpu.memory_space<vmem>> -> memref<128xi32, #tpu.memory_space<vmem>>
    %dma_start3A_23 = arith.constant 0 : i32
    %dma_start3A_24 = arith.constant 0 : i32
    %dma_start3A_25 = tpu.memref_slice %arg2[%arg0, %dma_start3A_23, %dma_start3A_24] : memref<2x10000x64xf32, #tpu.memory_space<hbm>> -> memref<1x10000x64xf32, #tpu.memory_space<hbm>>
    %dma_start3A_26 = tpu.memref_squeeze %dma_start3A_25 : memref<1x10000x64xf32, #tpu.memory_space<hbm>> -> memref<10000x64xf32, #tpu.memory_space<hbm>>
    %dma_start3A_27 = arith.constant 0 : i32
    %dma_start3A_28 = arith.constant 0 : i32
    %dma_start3A_29 = tpu.memref_slice %dma_start3A_26[%dma_start3A_27, %dma_start3A_28] : memref<10000x64xf32, #tpu.memory_space<hbm>> -> memref<10000x64xf32, #tpu.memory_space<hbm>>
    tpu.enqueue_indirect_dma source(%dma_start3A_29 : memref<10000x64xf32, #tpu.memory_space<hbm>>) target(%arg10 : memref<128x64xf32, #tpu.memory_space<vmem>>) offsets(%dma_start3A_22 : memref<128xi32, #tpu.memory_space<vmem>>) semaphore(%arg13 : memref<!tpu.dma_semaphore, #tpu.memory_space<semaphore_mem>>)
    %dma_start3A_30 = arith.constant 1 : i32
    %dma_start3A_31 = arith.constant 0 : i32
    %dma_start3A_32 = tpu.memref_slice %arg7[%dma_start3A_30, %dma_start3A_31] : memref<162x128xi32, #tpu.memory_space<vmem>> -> memref<1x128xi32, #tpu.memory_space<vmem>>
    %dma_start3A_33 = tpu.memref_squeeze %dma_start3A_32 : memref<1x128xi32, #tpu.memory_space<vmem>> -> memref<128xi32, #tpu.memory_space<vmem>>
    %dma_start3A_34 = arith.constant 0 : i32
    %dma_start3A_35 = arith.constant 0 : i32
    %dma_start3A_36 = tpu.memref_slice %arg2[%arg0, %dma_start3A_34, %dma_start3A_35] : memref<2x10000x64xf32, #tpu.memory_space<hbm>> -> memref<1x10000x64xf32, #tpu.memory_space<hbm>>
    %dma_start3A_37 = tpu.memref_squeeze %dma_start3A_36 : memref<1x10000x64xf32, #tpu.memory_space<hbm>> -> memref<10000x64xf32, #tpu.memory_space<hbm>>
    %dma_start3A_38 = arith.constant 0 : i32
    %dma_start3A_39 = arith.constant 0 : i32
    %dma_start3A_40 = tpu.memref_slice %dma_start3A_37[%dma_start3A_38, %dma_start3A_39] : memref<10000x64xf32, #tpu.memory_space<hbm>> -> memref<10000x64xf32, #tpu.memory_space<hbm>>
    tpu.enqueue_indirect_dma source(%dma_start3A_40 : memref<10000x64xf32, #tpu.memory_space<hbm>>) target(%arg11 : memref<128x64xf32, #tpu.memory_space<vmem>>) offsets(%dma_start3A_33 : memref<128xi32, #tpu.memory_space<vmem>>) semaphore(%arg14 : memref<!tpu.dma_semaphore, #tpu.memory_space<semaphore_mem>>)
    %scan3A_41 = arith.constant 0 : i32
    %scan3A_42 = arith.constant 0 : i32
    %scan3A_43 = arith.constant 54 : i32
    %scan3A_44 = arith.addi %scan3A_42, %scan3A_43 : i32
    %scan3A_45 = arith.constant 1 : i32
    %scan3A_46 = scf.for %scan3A_80 = %scan3A_42 to %scan3A_44 step %scan3A_45 iter_args(%scan3A_81 = %scan3A_41) -> (i32)  : i32 {
      %mul3A_82 = arith.constant 3 : i32
      %mul3A_83 = arith.muli %scan3A_80, %mul3A_82 : i32
      %add3A_84 = arith.constant 0 : i32
      %add3A_85 = arith.addi %mul3A_83, %add3A_84 : i32
      %ge3A = arith.constant 1 : i32
      %ge3A_86 = arith.cmpi sge, %add3A_85, %ge3A : i32
      %convert_element_type3A_87 = arith.extui %ge3A_86 : i1 to i32
      %cond3A_88 = arith.constant 0 : i32
      %cond3A_89 = arith.cmpi ne, %convert_element_type3A_87, %cond3A_88 : i32
      scf.if %cond3A_89 {
        %sub3A = arith.constant 1 : i32
        %sub3A_185 = arith.subi %add3A_85, %sub3A : i32
        %dma_wait3A_186 = arith.constant 0 : i32
        %dma_wait3A_187 = tpu.memref_slice %arg9[%sub3A_185, %dma_wait3A_186] : memref<162x128xi32, #tpu.memory_space<vmem>> -> memref<1x128xi32, #tpu.memory_space<vmem>>
        %dma_wait3A_188 = tpu.memref_squeeze %dma_wait3A_187 : memref<1x128xi32, #tpu.memory_space<vmem>> -> memref<128xi32, #tpu.memory_space<vmem>>
        %dma_wait3A_189 = arith.constant 0 : i32
        %dma_wait3A_190 = arith.constant 0 : i32
        %dma_wait3A_191 = tpu.memref_slice %arg19[%dma_wait3A_189, %dma_wait3A_190] : memref<10000x64xf32, #tpu.memory_space<vmem_shared>> -> memref<10000x64xf32, #tpu.memory_space<vmem_shared>>
        tpu.wait_indirect_dma semaphore(%arg18 : memref<!tpu.dma_semaphore, #tpu.memory_space<semaphore_mem>>) src(%arg12 : memref<128x64xf32, #tpu.memory_space<vmem>>) dst(%dma_wait3A_191 : memref<10000x64xf32, #tpu.memory_space<vmem_shared>>)
      } else {
      }
      %add3A_90 = arith.constant 2 : i32
      %add3A_91 = arith.addi %add3A_85, %add3A_90 : i32
      %lt3A = arith.constant 162 : i32
      %lt3A_92 = arith.cmpi slt, %add3A_91, %lt3A : i32
      %convert_element_type3A_93 = arith.extui %lt3A_92 : i1 to i32
      %cond3A_94 = arith.constant 0 : i32
      %cond3A_95 = arith.cmpi ne, %convert_element_type3A_93, %cond3A_94 : i32
      scf.if %cond3A_95 {
        %add3A_185 = arith.constant 2 : i32
        %add3A_186 = arith.addi %add3A_85, %add3A_185 : i32
        %dma_start3A_187 = arith.constant 0 : i32
        %dma_start3A_188 = tpu.memref_slice %arg7[%add3A_186, %dma_start3A_187] : memref<162x128xi32, #tpu.memory_space<vmem>> -> memref<1x128xi32, #tpu.memory_space<vmem>>
        %dma_start3A_189 = tpu.memref_squeeze %dma_start3A_188 : memref<1x128xi32, #tpu.memory_space<vmem>> -> memref<128xi32, #tpu.memory_space<vmem>>
        %dma_start3A_190 = arith.constant 0 : i32
        %dma_start3A_191 = arith.constant 0 : i32
        %dma_start3A_192 = tpu.memref_slice %arg2[%arg0, %dma_start3A_190, %dma_start3A_191] : memref<2x10000x64xf32, #tpu.memory_space<hbm>> -> memref<1x10000x64xf32, #tpu.memory_space<hbm>>
        %dma_start3A_193 = tpu.memref_squeeze %dma_start3A_192 : memref<1x10000x64xf32, #tpu.memory_space<hbm>> -> memref<10000x64xf32, #tpu.memory_space<hbm>>
        %dma_start3A_194 = arith.constant 0 : i32
        %dma_start3A_195 = arith.constant 0 : i32
        %dma_start3A_196 = tpu.memref_slice %dma_start3A_193[%dma_start3A_194, %dma_start3A_195] : memref<10000x64xf32, #tpu.memory_space<hbm>> -> memref<10000x64xf32, #tpu.memory_space<hbm>>
        tpu.enqueue_indirect_dma source(%dma_start3A_196 : memref<10000x64xf32, #tpu.memory_space<hbm>>) target(%arg12 : memref<128x64xf32, #tpu.memory_space<vmem>>) offsets(%dma_start3A_189 : memref<128xi32, #tpu.memory_space<vmem>>) semaphore(%arg15 : memref<!tpu.dma_semaphore, #tpu.memory_space<semaphore_mem>>)
      } else {
      }
      %dma_wait3A_96 = arith.constant 0 : i32
      %dma_wait3A_97 = tpu.memref_slice %arg7[%add3A_85, %dma_wait3A_96] : memref<162x128xi32, #tpu.memory_space<vmem>> -> memref<1x128xi32, #tpu.memory_space<vmem>>
      %dma_wait3A_98 = tpu.memref_squeeze %dma_wait3A_97 : memref<1x128xi32, #tpu.memory_space<vmem>> -> memref<128xi32, #tpu.memory_space<vmem>>
      %dma_wait3A_99 = arith.constant 0 : i32
      %dma_wait3A_100 = arith.constant 0 : i32
      %dma_wait3A_101 = tpu.memref_slice %arg2[%arg0, %dma_wait3A_99, %dma_wait3A_100] : memref<2x10000x64xf32, #tpu.memory_space<hbm>> -> memref<1x10000x64xf32, #tpu.memory_space<hbm>>
      %dma_wait3A_102 = tpu.memref_squeeze %dma_wait3A_101 : memref<1x10000x64xf32, #tpu.memory_space<hbm>> -> memref<10000x64xf32, #tpu.memory_space<hbm>>
      %dma_wait3A_103 = arith.constant 0 : i32
      %dma_wait3A_104 = arith.constant 0 : i32
      %dma_wait3A_105 = tpu.memref_slice %dma_wait3A_102[%dma_wait3A_103, %dma_wait3A_104] : memref<10000x64xf32, #tpu.memory_space<hbm>> -> memref<10000x64xf32, #tpu.memory_space<hbm>>
      tpu.wait_indirect_dma semaphore(%arg13 : memref<!tpu.dma_semaphore, #tpu.memory_space<semaphore_mem>>) src(%dma_wait3A_105 : memref<10000x64xf32, #tpu.memory_space<hbm>>) dst(%arg10 : memref<128x64xf32, #tpu.memory_space<vmem>>)
      %parallel_loop3A = arith.constant 0 : i32
      %parallel_loop3A_106 = arith.constant 8 : i32
      %parallel_loop3A_107 = arith.constant 1 : i32
      scf.for %parallel_loop3A_185 = %parallel_loop3A to %parallel_loop3A_106 step %parallel_loop3A_107  : i32 {
        %parallel_loop3A_186 = arith.constant 128 : i32
        %parallel_loop3A_187 = arith.muli %add3A_85, %parallel_loop3A_186 : i32
        %parallel_loop3A_188 = arith.constant 16 : i32
        %parallel_loop3A_189 = arith.muli %parallel_loop3A_185, %parallel_loop3A_188 : i32
        %parallel_loop3A_190 = arith.addi %parallel_loop3A_187, %parallel_loop3A_189 : i32
        %parallel_loop3A_191 = arith.index_cast %parallel_loop3A_190 : i32 to index
        %parallel_loop3A_192 = tpu.vector_load %arg8[%parallel_loop3A_191] {strides = array<i32>} : memref<20736xf32, #tpu.memory_space<vmem>>, vector<16xf32>,
        %parallel_loop3A_193 = vector.shape_cast %parallel_loop3A_192 : vector<16xf32> to vector<16xf32>
        %parallel_loop3A_194 = arith.constant 16 : i32
        %parallel_loop3A_195 = arith.muli %parallel_loop3A_185, %parallel_loop3A_194 : i32
        %parallel_loop3A_196 = vector.extract_strided_slice %parallel_loop3A_193 {offsets = [0], sizes = [1], strides = [1]} : vector<16xf32> to vector<1xf32>
        %parallel_loop3A_197 = vector.extract %parallel_loop3A_196[0] : f32 from vector<1xf32>
        %parallel_loop3A_198 = vector.broadcast %parallel_loop3A_197 : f32 to vector<16xf32>
        %parallel_loop3A_199 = arith.constant 0 : i32
        %parallel_loop3A_200 = arith.addi %parallel_loop3A_195, %parallel_loop3A_199 : i32
        %parallel_loop3A_201 = arith.index_cast %parallel_loop3A_200 : i32 to index
        %parallel_loop3A_202 = arith.constant 0 : index
        %parallel_loop3A_203 = tpu.vector_load %arg10[%parallel_loop3A_201, %parallel_loop3A_202] {strides = array<i32>} : memref<128x64xf32, #tpu.memory_space<vmem>>, vector<1x16xf32>,
        %parallel_loop3A_204 = vector.shape_cast %parallel_loop3A_203 : vector<1x16xf32> to vector<16xf32>
        %parallel_loop3A_205 = arith.mulf %parallel_loop3A_204, %parallel_loop3A_198 : vector<16xf32>
        %parallel_loop3A_206 = arith.constant 0 : i32
        %parallel_loop3A_207 = arith.addi %parallel_loop3A_195, %parallel_loop3A_206 : i32
        %parallel_loop3A_208 = arith.index_cast %parallel_loop3A_207 : i32 to index
        %parallel_loop3A_209 = arith.constant 0 : index
        %parallel_loop3A_210 = tpu.vector_load %arg10[%parallel_loop3A_208, %parallel_loop3A_209] {strides = array<i32>} : memref<128x64xf32, #tpu.memory_space<vmem>>, vector<1x16xf32>,
        %parallel_loop3A_211 = vector.shape_cast %parallel_loop3A_210 : vector<1x16xf32> to vector<16xf32>
        %parallel_loop3A_212 = vector.shape_cast %parallel_loop3A_205 : vector<16xf32> to vector<1x16xf32>
        tpu.vector_store %arg10[%parallel_loop3A_208, %parallel_loop3A_209], %parallel_loop3A_212 {strides = array<i32>} : memref<128x64xf32, #tpu.memory_space<vmem>>, vector<1x16xf32>,
        %parallel_loop3A_213 = arith.constant 0 : i32
        %parallel_loop3A_214 = arith.addi %parallel_loop3A_195, %parallel_loop3A_213 : i32
        %parallel_loop3A_215 = arith.index_cast %parallel_loop3A_214 : i32 to index
        %parallel_loop3A_216 = arith.constant 16 : index
        %parallel_loop3A_217 = tpu.vector_load %arg10[%parallel_loop3A_215, %parallel_loop3A_216] {strides = array<i32>} : memref<128x64xf32, #tpu.memory_space<vmem>>, vector<1x16xf32>,
        %parallel_loop3A_218 = vector.shape_cast %parallel_loop3A_217 : vector<1x16xf32> to vector<16xf32>
        %parallel_loop3A_219 = arith.mulf %parallel_loop3A_218, %parallel_loop3A_198 : vector<16xf32>
        %parallel_loop3A_220 = arith.constant 0 : i32
        %parallel_loop3A_221 = arith.addi %parallel_loop3A_195, %parallel_loop3A_220 : i32
        %parallel_loop3A_222 = arith.index_cast %parallel_loop3A_221 : i32 to index
        %parallel_loop3A_223 = arith.constant 16 : index
        %parallel_loop3A_224 = tpu.vector_load %arg10[%parallel_loop3A_222, %parallel_loop3A_223] {strides = array<i32>} : memref<128x64xf32, #tpu.memory_space<vmem>>, vector<1x16xf32>,
        %parallel_loop3A_225 = vector.shape_cast %parallel_loop3A_224 : vector<1x16xf32> to vector<16xf32>
        %parallel_loop3A_226 = vector.shape_cast %parallel_loop3A_219 : vector<16xf32> to vector<1x16xf32>
        tpu.vector_store %arg10[%parallel_loop3A_222, %parallel_loop3A_223], %parallel_loop3A_226 {strides = array<i32>} : memref<128x64xf32, #tpu.memory_space<vmem>>, vector<1x16xf32>,
        %parallel_loop3A_227 = arith.constant 0 : i32
        %parallel_loop3A_228 = arith.addi %parallel_loop3A_195, %parallel_loop3A_227 : i32
        %parallel_loop3A_229 = arith.index_cast %parallel_loop3A_228 : i32 to index
        %parallel_loop3A_230 = arith.constant 32 : index
        %parallel_loop3A_231 = tpu.vector_load %arg10[%parallel_loop3A_229, %parallel_loop3A_230] {strides = array<i32>} : memref<128x64xf32, #tpu.memory_space<vmem>>, vector<1x16xf32>,
        %parallel_loop3A_232 = vector.shape_cast %parallel_loop3A_231 : vector<1x16xf32> to vector<16xf32>
        %parallel_loop3A_233 = arith.mulf %parallel_loop3A_232, %parallel_loop3A_198 : vector<16xf32>
        %parallel_loop3A_234 = arith.constant 0 : i32
        %parallel_loop3A_235 = arith.addi %parallel_loop3A_195, %parallel_loop3A_234 : i32
        %parallel_loop3A_236 = arith.index_cast %parallel_loop3A_235 : i32 to index
        %parallel_loop3A_237 = arith.constant 32 : index
        %parallel_loop3A_238 = tpu.vector_load %arg10[%parallel_loop3A_236, %parallel_loop3A_237] {strides = array<i32>} : memref<128x64xf32, #tpu.memory_space<vmem>>, vector<1x16xf32>,
        %parallel_loop3A_239 = vector.shape_cast %parallel_loop3A_238 : vector<1x16xf32> to vector<16xf32>
        %parallel_loop3A_240 = vector.shape_cast %parallel_loop3A_233 : vector<16xf32> to vector<1x16xf32>
        tpu.vector_store %arg10[%parallel_loop3A_236, %parallel_loop3A_237], %parallel_loop3A_240 {strides = array<i32>} : memref<128x64xf32, #tpu.memory_space<vmem>>, vector<1x16xf32>,
        %parallel_loop3A_241 = arith.constant 0 : i32
        %parallel_loop3A_242 = arith.addi %parallel_loop3A_195, %parallel_loop3A_241 : i32
        %parallel_loop3A_243 = arith.index_cast %parallel_loop3A_242 : i32 to index
        %parallel_loop3A_244 = arith.constant 48 : index
        %parallel_loop3A_245 = tpu.vector_load %arg10[%parallel_loop3A_243, %parallel_loop3A_244] {strides = array<i32>} : memref<128x64xf32, #tpu.memory_space<vmem>>, vector<1x16xf32>,
        %parallel_loop3A_246 = vector.shape_cast %parallel_loop3A_245 : vector<1x16xf32> to vector<16xf32>
        %parallel_loop3A_247 = arith.mulf %parallel_loop3A_246, %parallel_loop3A_198 : vector<16xf32>
        %parallel_loop3A_248 = arith.constant 0 : i32
        %parallel_loop3A_249 = arith.addi %parallel_loop3A_195, %parallel_loop3A_248 : i32
        %parallel_loop3A_250 = arith.index_cast %parallel_loop3A_249 : i32 to index
        %parallel_loop3A_251 = arith.constant 48 : index
        %parallel_loop3A_252 = tpu.vector_load %arg10[%parallel_loop3A_250, %parallel_loop3A_251] {strides = array<i32>} : memref<128x64xf32, #tpu.memory_space<vmem>>, vector<1x16xf32>,
        %parallel_loop3A_253 = vector.shape_cast %parallel_loop3A_252 : vector<1x16xf32> to vector<16xf32>
        %parallel_loop3A_254 = vector.shape_cast %parallel_loop3A_247 : vector<16xf32> to vector<1x16xf32>
        tpu.vector_store %arg10[%parallel_loop3A_250, %parallel_loop3A_251], %parallel_loop3A_254 {strides = array<i32>} : memref<128x64xf32, #tpu.memory_space<vmem>>, vector<1x16xf32>,
        %parallel_loop3A_255 = vector.extract_strided_slice %parallel_loop3A_193 {offsets = [1], sizes = [1], strides = [1]} : vector<16xf32> to vector<1xf32>
        %parallel_loop3A_256 = vector.extract %parallel_loop3A_255[0] : f32 from vector<1xf32>
        %parallel_loop3A_257 = vector.broadcast %parallel_loop3A_256 : f32 to vector<16xf32>
        %parallel_loop3A_258 = arith.constant 1 : i32
        %parallel_loop3A_259 = arith.addi %parallel_loop3A_195, %parallel_loop3A_258 : i32
        %parallel_loop3A_260 = arith.index_cast %parallel_loop3A_259 : i32 to index
        %parallel_loop3A_261 = arith.constant 0 : index
        %parallel_loop3A_262 = tpu.vector_load %arg10[%parallel_loop3A_260, %parallel_loop3A_261] {strides = array<i32>} : memref<128x64xf32, #tpu.memory_space<vmem>>, vector<1x16xf32>,
        %parallel_loop3A_263 = vector.shape_cast %parallel_loop3A_262 : vector<1x16xf32> to vector<16xf32>
        %parallel_loop3A_264 = arith.mulf %parallel_loop3A_263, %parallel_loop3A_257 : vector<16xf32>
        %parallel_loop3A_265 = arith.constant 1 : i32
        %parallel_loop3A_266 = arith.addi %parallel_loop3A_195, %parallel_loop3A_265 : i32
        %parallel_loop3A_267 = arith.index_cast %parallel_loop3A_266 : i32 to index
        %parallel_loop3A_268 = arith.constant 0 : index
        %parallel_loop3A_269 = tpu.vector_load %arg10[%parallel_loop3A_267, %parallel_loop3A_268] {strides = array<i32>} : memref<128x64xf32, #tpu.memory_space<vmem>>, vector<1x16xf32>,
        %parallel_loop3A_270 = vector.shape_cast %parallel_loop3A_269 : vector<1x16xf32> to vector<16xf32>
        %parallel_loop3A_271 = vector.shape_cast %parallel_loop3A_264 : vector<16xf32> to vector<1x16xf32>
        tpu.vector_store %arg10[%parallel_loop3A_267, %parallel_loop3A_268], %parallel_loop3A_271 {strides = array<i32>} : memref<128x64xf32, #tpu.memory_space<vmem>>, vector<1x16xf32>,
        %parallel_loop3A_272 = arith.constant 1 : i32
        %parallel_loop3A_273 = arith.addi %parallel_loop3A_195, %parallel_loop3A_272 : i32
        %parallel_loop3A_274 = arith.index_cast %parallel_loop3A_273 : i32 to index
        %parallel_loop3A_275 = arith.constant 16 : index
        %parallel_loop3A_276 = tpu.vector_load %arg10[%parallel_loop3A_274, %parallel_loop3A_275] {strides = array<i32>} : memref<128x64xf32, #tpu.memory_space<vmem>>, vector<1x16xf32>,
        %parallel_loop3A_277 = vector.shape_cast %parallel_loop3A_276 : vector<1x16xf32> to vector<16xf32>
        %parallel_loop3A_278 = arith.mulf %parallel_loop3A_277, %parallel_loop3A_257 : vector<16xf32>
        %parallel_loop3A_279 = arith.constant 1 : i32
        %parallel_loop3A_280 = arith.addi %parallel_loop3A_195, %parallel_loop3A_279 : i32
        %parallel_loop3A_281 = arith.index_cast %parallel_loop3A_280 : i32 to index
        %parallel_loop3A_282 = arith.constant 16 : index
        %parallel_loop3A_283 = tpu.vector_load %arg10[%parallel_loop3A_281, %parallel_loop3A_282] {strides = array<i32>} : memref<128x64xf32, #tpu.memory_space<vmem>>, vector<1x16xf32>,
        %parallel_loop3A_284 = vector.shape_cast %parallel_loop3A_283 : vector<1x16xf32> to vector<16xf32>
        %parallel_loop3A_285 = vector.shape_cast %parallel_loop3A_278 : vector<16xf32> to vector<1x16xf32>
        tpu.vector_store %arg10[%parallel_loop3A_281, %parallel_loop3A_282], %parallel_loop3A_285 {strides = array<i32>} : memref<128x64xf32, #tpu.memory_space<vmem>>, vector<1x16xf32>,
        %parallel_loop3A_286 = arith.constant 1 : i32
        %parallel_loop3A_287 = arith.addi %parallel_loop3A_195, %parallel_loop3A_286 : i32
        %parallel_loop3A_288 = arith.index_cast %parallel_loop3A_287 : i32 to index
        %parallel_loop3A_289 = arith.constant 32 : index
        %parallel_loop3A_290 = tpu.vector_load %arg10[%parallel_loop3A_288, %parallel_loop3A_289] {strides = array<i32>} : memref<128x64xf32, #tpu.memory_space<vmem>>, vector<1x16xf32>,
        %parallel_loop3A_291 = vector.shape_cast %parallel_loop3A_290 : vector<1x16xf32> to vector<16xf32>
        %parallel_loop3A_292 = arith.mulf %parallel_loop3A_291, %parallel_loop3A_257 : vector<16xf32>
        %parallel_loop3A_293 = arith.constant 1 : i32
        %parallel_loop3A_294 = arith.addi %parallel_loop3A_195, %parallel_loop3A_293 : i32
        %parallel_loop3A_295 = arith.index_cast %parallel_loop3A_294 : i32 to index
        %parallel_loop3A_296 = arith.constant 32 : index
        %parallel_loop3A_297 = tpu.vector_load %arg10[%parallel_loop3A_295, %parallel_loop3A_296] {strides = array<i32>} : memref<128x64xf32, #tpu.memory_space<vmem>>, vector<1x16xf32>,
        %parallel_loop3A_298 = vector.shape_cast %parallel_loop3A_297 : vector<1x16xf32> to vector<16xf32>
        %parallel_loop3A_299 = vector.shape_cast %parallel_loop3A_292 : vector<16xf32> to vector<1x16xf32>
        tpu.vector_store %arg10[%parallel_loop3A_295, %parallel_loop3A_296], %parallel_loop3A_299 {strides = array<i32>} : memref<128x64xf32, #tpu.memory_space<vmem>>, vector<1x16xf32>,
        %parallel_loop3A_300 = arith.constant 1 : i32
        %parallel_loop3A_301 = arith.addi %parallel_loop3A_195, %parallel_loop3A_300 : i32
        %parallel_loop3A_302 = arith.index_cast %parallel_loop3A_301 : i32 to index
        %parallel_loop3A_303 = arith.constant 48 : index
        %parallel_loop3A_304 = tpu.vector_load %arg10[%parallel_loop3A_302, %parallel_loop3A_303] {strides = array<i32>} : memref<128x64xf32, #tpu.memory_space<vmem>>, vector<1x16xf32>,
        %parallel_loop3A_305 = vector.shape_cast %parallel_loop3A_304 : vector<1x16xf32> to vector<16xf32>
        %parallel_loop3A_306 = arith.mulf %parallel_loop3A_305, %parallel_loop3A_257 : vector<16xf32>
        %parallel_loop3A_307 = arith.constant 1 : i32
        %parallel_loop3A_308 = arith.addi %parallel_loop3A_195, %parallel_loop3A_307 : i32
        %parallel_loop3A_309 = arith.index_cast %parallel_loop3A_308 : i32 to index
        %parallel_loop3A_310 = arith.constant 48 : index
        %parallel_loop3A_311 = tpu.vector_load %arg10[%parallel_loop3A_309, %parallel_loop3A_310] {strides = array<i32>} : memref<128x64xf32, #tpu.memory_space<vmem>>, vector<1x16xf32>,
        %parallel_loop3A_312 = vector.shape_cast %parallel_loop3A_311 : vector<1x16xf32> to vector<16xf32>
        %parallel_loop3A_313 = vector.shape_cast %parallel_loop3A_306 : vector<16xf32> to vector<1x16xf32>
        tpu.vector_store %arg10[%parallel_loop3A_309, %parallel_loop3A_310], %parallel_loop3A_313 {strides = array<i32>} : memref<128x64xf32, #tpu.memory_space<vmem>>, vector<1x16xf32>,
        %parallel_loop3A_314 = vector.extract_strided_slice %parallel_loop3A_193 {offsets = [2], sizes = [1], strides = [1]} : vector<16xf32> to vector<1xf32>
        %parallel_loop3A_315 = vector.extract %parallel_loop3A_314[0] : f32 from vector<1xf32>
        %parallel_loop3A_316 = vector.broadcast %parallel_loop3A_315 : f32 to vector<16xf32>
        %parallel_loop3A_317 = arith.constant 2 : i32
        %parallel_loop3A_318 = arith.addi %parallel_loop3A_195, %parallel_loop3A_317 : i32
        %parallel_loop3A_319 = arith.index_cast %parallel_loop3A_318 : i32 to index
        %parallel_loop3A_320 = arith.constant 0 : index
        %parallel_loop3A_321 = tpu.vector_load %arg10[%parallel_loop3A_319, %parallel_loop3A_320] {strides = array<i32>} : memref<128x64xf32, #tpu.memory_space<vmem>>, vector<1x16xf32>,
        %parallel_loop3A_322 = vector.shape_cast %parallel_loop3A_321 : vector<1x16xf32> to vector<16xf32>
        %parallel_loop3A_323 = arith.mulf %parallel_loop3A_322, %parallel_loop3A_316 : vector<16xf32>
        %parallel_loop3A_324 = arith.constant 2 : i32
        %parallel_loop3A_325 = arith.addi %parallel_loop3A_195, %parallel_loop3A_324 : i32
        %parallel_loop3A_326 = arith.index_cast %parallel_loop3A_325 : i32 to index
        %parallel_loop3A_327 = arith.constant 0 : index
        %parallel_loop3A_328 = tpu.vector_load %arg10[%parallel_loop3A_326, %parallel_loop3A_327] {strides = array<i32>} : memref<128x64xf32, #tpu.memory_space<vmem>>, vector<1x16xf32>,
        %parallel_loop3A_329 = vector.shape_cast %parallel_loop3A_328 : vector<1x16xf32> to vector<16xf32>
        %parallel_loop3A_330 = vector.shape_cast %parallel_loop3A_323 : vector<16xf32> to vector<1x16xf32>
        tpu.vector_store %arg10[%parallel_loop3A_326, %parallel_loop3A_327], %parallel_loop3A_330 {strides = array<i32>} : memref<128x64xf32, #tpu.memory_space<vmem>>, vector<1x16xf32>,
        %parallel_loop3A_331 = arith.constant 2 : i32
        %parallel_loop3A_332 = arith.addi %parallel_loop3A_195, %parallel_loop3A_331 : i32
        %parallel_loop3A_333 = arith.index_cast %parallel_loop3A_332 : i32 to index
        %parallel_loop3A_334 = arith.constant 16 : index
        %parallel_loop3A_335 = tpu.vector_load %arg10[%parallel_loop3A_333, %parallel_loop3A_334] {strides = array<i32>} : memref<128x64xf32, #tpu.memory_space<vmem>>, vector<1x16xf32>,
        %parallel_loop3A_336 = vector.shape_cast %parallel_loop3A_335 : vector<1x16xf32> to vector<16xf32>
        %parallel_loop3A_337 = arith.mulf %parallel_loop3A_336, %parallel_loop3A_316 : vector<16xf32>
        %parallel_loop3A_338 = arith.constant 2 : i32
        %parallel_loop3A_339 = arith.addi %parallel_loop3A_195, %parallel_loop3A_338 : i32
        %parallel_loop3A_340 = arith.index_cast %parallel_loop3A_339 : i32 to index
        %parallel_loop3A_341 = arith.constant 16 : index
        %parallel_loop3A_342 = tpu.vector_load %arg10[%parallel_loop3A_340, %parallel_loop3A_341] {strides = array<i32>} : memref<128x64xf32, #tpu.memory_space<vmem>>, vector<1x16xf32>,
        %parallel_loop3A_343 = vector.shape_cast %parallel_loop3A_342 : vector<1x16xf32> to vector<16xf32>
        %parallel_loop3A_344 = vector.shape_cast %parallel_loop3A_337 : vector<16xf32> to vector<1x16xf32>
        tpu.vector_store %arg10[%parallel_loop3A_340, %parallel_loop3A_341], %parallel_loop3A_344 {strides = array<i32>} : memref<128x64xf32, #tpu.memory_space<vmem>>, vector<1x16xf32>,
        %parallel_loop3A_345 = arith.constant 2 : i32
        %parallel_loop3A_346 = arith.addi %parallel_loop3A_195, %parallel_loop3A_345 : i32
        %parallel_loop3A_347 = arith.index_cast %parallel_loop3A_346 : i32 to index
        %parallel_loop3A_348 = arith.constant 32 : index
        %parallel_loop3A_349 = tpu.vector_load %arg10[%parallel_loop3A_347, %parallel_loop3A_348] {strides = array<i32>} : memref<128x64xf32, #tpu.memory_space<vmem>>, vector<1x16xf32>,
        %parallel_loop3A_350 = vector.shape_cast %parallel_loop3A_349 : vector<1x16xf32> to vector<16xf32>
        %parallel_loop3A_351 = arith.mulf %parallel_loop3A_350, %parallel_loop3A_316 : vector<16xf32>
        %parallel_loop3A_352 = arith.constant 2 : i32
        %parallel_loop3A_353 = arith.addi %parallel_loop3A_195, %parallel_loop3A_352 : i32
        %parallel_loop3A_354 = arith.index_cast %parallel_loop3A_353 : i32 to index
        %parallel_loop3A_355 = arith.constant 32 : index
        %parallel_loop3A_356 = tpu.vector_load %arg10[%parallel_loop3A_354, %parallel_loop3A_355] {strides = array<i32>} : memref<128x64xf32, #tpu.memory_space<vmem>>, vector<1x16xf32>,
        %parallel_loop3A_357 = vector.shape_cast %parallel_loop3A_356 : vector<1x16xf32> to vector<16xf32>
        %parallel_loop3A_358 = vector.shape_cast %parallel_loop3A_351 : vector<16xf32> to vector<1x16xf32>
        tpu.vector_store %arg10[%parallel_loop3A_354, %parallel_loop3A_355], %parallel_loop3A_358 {strides = array<i32>} : memref<128x64xf32, #tpu.memory_space<vmem>>, vector<1x16xf32>,
        %parallel_loop3A_359 = arith.constant 2 : i32
        %parallel_loop3A_360 = arith.addi %parallel_loop3A_195, %parallel_loop3A_359 : i32
        %parallel_loop3A_361 = arith.index_cast %parallel_loop3A_360 : i32 to index
        %parallel_loop3A_362 = arith.constant 48 : index
        %parallel_loop3A_363 = tpu.vector_load %arg10[%parallel_loop3A_361, %parallel_loop3A_362] {strides = array<i32>} : memref<128x64xf32, #tpu.memory_space<vmem>>, vector<1x16xf32>,
        %parallel_loop3A_364 = vector.shape_cast %parallel_loop3A_363 : vector<1x16xf32> to vector<16xf32>
        %parallel_loop3A_365 = arith.mulf %parallel_loop3A_364, %parallel_loop3A_316 : vector<16xf32>
        %parallel_loop3A_366 = arith.constant 2 : i32
        %parallel_loop3A_367 = arith.addi %parallel_loop3A_195, %parallel_loop3A_366 : i32
        %parallel_loop3A_368 = arith.index_cast %parallel_loop3A_367 : i32 to index
        %parallel_loop3A_369 = arith.constant 48 : index
        %parallel_loop3A_370 = tpu.vector_load %arg10[%parallel_loop3A_368, %parallel_loop3A_369] {strides = array<i32>} : memref<128x64xf32, #tpu.memory_space<vmem>>, vector<1x16xf32>,
        %parallel_loop3A_371 = vector.shape_cast %parallel_loop3A_370 : vector<1x16xf32> to vector<16xf32>
        %parallel_loop3A_372 = vector.shape_cast %parallel_loop3A_365 : vector<16xf32> to vector<1x16xf32>
        tpu.vector_store %arg10[%parallel_loop3A_368, %parallel_loop3A_369], %parallel_loop3A_372 {strides = array<i32>} : memref<128x64xf32, #tpu.memory_space<vmem>>, vector<1x16xf32>,
        %parallel_loop3A_373 = vector.extract_strided_slice %parallel_loop3A_193 {offsets = [3], sizes = [1], strides = [1]} : vector<16xf32> to vector<1xf32>
        %parallel_loop3A_374 = vector.extract %parallel_loop3A_373[0] : f32 from vector<1xf32>
        %parallel_loop3A_375 = vector.broadcast %parallel_loop3A_374 : f32 to vector<16xf32>
        %parallel_loop3A_376 = arith.constant 3 : i32
        %parallel_loop3A_377 = arith.addi %parallel_loop3A_195, %parallel_loop3A_376 : i32
        %parallel_loop3A_378 = arith.index_cast %parallel_loop3A_377 : i32 to index
        %parallel_loop3A_379 = arith.constant 0 : index
        %parallel_loop3A_380 = tpu.vector_load %arg10[%parallel_loop3A_378, %parallel_loop3A_379] {strides = array<i32>} : memref<128x64xf32, #tpu.memory_space<vmem>>, vector<1x16xf32>,
        %parallel_loop3A_381 = vector.shape_cast %parallel_loop3A_380 : vector<1x16xf32> to vector<16xf32>
        %parallel_loop3A_382 = arith.mulf %parallel_loop3A_381, %parallel_loop3A_375 : vector<16xf32>
        %parallel_loop3A_383 = arith.constant 3 : i32
        %parallel_loop3A_384 = arith.addi %parallel_loop3A_195, %parallel_loop3A_383 : i32
        %parallel_loop3A_385 = arith.index_cast %parallel_loop3A_384 : i32 to index
        %parallel_loop3A_386 = arith.constant 0 : index
        %parallel_loop3A_387 = tpu.vector_load %arg10[%parallel_loop3A_385, %parallel_loop3A_386] {strides = array<i32>} : memref<128x64xf32, #tpu.memory_space<vmem>>, vector<1x16xf32>,
        %parallel_loop3A_388 = vector.shape_cast %parallel_loop3A_387 : vector<1x16xf32> to vector<16xf32>
        %parallel_loop3A_389 = vector.shape_cast %parallel_loop3A_382 : vector<16xf32> to vector<1x16xf32>
        tpu.vector_store %arg10[%parallel_loop3A_385, %parallel_loop3A_386], %parallel_loop3A_389 {strides = array<i32>} : memref<128x64xf32, #tpu.memory_space<vmem>>, vector<1x16xf32>,
        %parallel_loop3A_390 = arith.constant 3 : i32
        %parallel_loop3A_391 = arith.addi %parallel_loop3A_195, %parallel_loop3A_390 : i32
        %parallel_loop3A_392 = arith.index_cast %parallel_loop3A_391 : i32 to index
        %parallel_loop3A_393 = arith.constant 16 : index
        %parallel_loop3A_394 = tpu.vector_load %arg10[%parallel_loop3A_392, %parallel_loop3A_393] {strides = array<i32>} : memref<128x64xf32, #tpu.memory_space<vmem>>, vector<1x16xf32>,
        %parallel_loop3A_395 = vector.shape_cast %parallel_loop3A_394 : vector<1x16xf32> to vector<16xf32>
        %parallel_loop3A_396 = arith.mulf %parallel_loop3A_395, %parallel_loop3A_375 : vector<16xf32>
        %parallel_loop3A_397 = arith.constant 3 : i32
        %parallel_loop3A_398 = arith.addi %parallel_loop3A_195, %parallel_loop3A_397 : i32
        %parallel_loop3A_399 = arith.index_cast %parallel_loop3A_398 : i32 to index
        %parallel_loop3A_400 = arith.constant 16 : index
        %parallel_loop3A_401 = tpu.vector_load %arg10[%parallel_loop3A_399, %parallel_loop3A_400] {strides = array<i32>} : memref<128x64xf32, #tpu.memory_space<vmem>>, vector<1x16xf32>,
        %parallel_loop3A_402 = vector.shape_cast %parallel_loop3A_401 : vector<1x16xf32> to vector<16xf32>
        %parallel_loop3A_403 = vector.shape_cast %parallel_loop3A_396 : vector<16xf32> to vector<1x16xf32>
        tpu.vector_store %arg10[%parallel_loop3A_399, %parallel_loop3A_400], %parallel_loop3A_403 {strides = array<i32>} : memref<128x64xf32, #tpu.memory_space<vmem>>, vector<1x16xf32>,
        %parallel_loop3A_404 = arith.constant 3 : i32
        %parallel_loop3A_405 = arith.addi %parallel_loop3A_195, %parallel_loop3A_404 : i32
        %parallel_loop3A_406 = arith.index_cast %parallel_loop3A_405 : i32 to index
        %parallel_loop3A_407 = arith.constant 32 : index
        %parallel_loop3A_408 = tpu.vector_load %arg10[%parallel_loop3A_406, %parallel_loop3A_407] {strides = array<i32>} : memref<128x64xf32, #tpu.memory_space<vmem>>, vector<1x16xf32>,
        %parallel_loop3A_409 = vector.shape_cast %parallel_loop3A_408 : vector<1x16xf32> to vector<16xf32>
        %parallel_loop3A_410 = arith.mulf %parallel_loop3A_409, %parallel_loop3A_375 : vector<16xf32>
        %parallel_loop3A_411 = arith.constant 3 : i32
        %parallel_loop3A_412 = arith.addi %parallel_loop3A_195, %parallel_loop3A_411 : i32
        %parallel_loop3A_413 = arith.index_cast %parallel_loop3A_412 : i32 to index
        %parallel_loop3A_414 = arith.constant 32 : index
        %parallel_loop3A_415 = tpu.vector_load %arg10[%parallel_loop3A_413, %parallel_loop3A_414] {strides = array<i32>} : memref<128x64xf32, #tpu.memory_space<vmem>>, vector<1x16xf32>,
        %parallel_loop3A_416 = vector.shape_cast %parallel_loop3A_415 : vector<1x16xf32> to vector<16xf32>
        %parallel_loop3A_417 = vector.shape_cast %parallel_loop3A_410 : vector<16xf32> to vector<1x16xf32>
        tpu.vector_store %arg10[%parallel_loop3A_413, %parallel_loop3A_414], %parallel_loop3A_417 {strides = array<i32>} : memref<128x64xf32, #tpu.memory_space<vmem>>, vector<1x16xf32>,
        %parallel_loop3A_418 = arith.constant 3 : i32
        %parallel_loop3A_419 = arith.addi %parallel_loop3A_195, %parallel_loop3A_418 : i32
        %parallel_loop3A_420 = arith.index_cast %parallel_loop3A_419 : i32 to index
        %parallel_loop3A_421 = arith.constant 48 : index
        %parallel_loop3A_422 = tpu.vector_load %arg10[%parallel_loop3A_420, %parallel_loop3A_421] {strides = array<i32>} : memref<128x64xf32, #tpu.memory_space<vmem>>, vector<1x16xf32>,
        %parallel_loop3A_423 = vector.shape_cast %parallel_loop3A_422 : vector<1x16xf32> to vector<16xf32>
        %parallel_loop3A_424 = arith.mulf %parallel_loop3A_423, %parallel_loop3A_375 : vector<16xf32>
        %parallel_loop3A_425 = arith.constant 3 : i32
        %parallel_loop3A_426 = arith.addi %parallel_loop3A_195, %parallel_loop3A_425 : i32
        %parallel_loop3A_427 = arith.index_cast %parallel_loop3A_426 : i32 to index
        %parallel_loop3A_428 = arith.constant 48 : index
        %parallel_loop3A_429 = tpu.vector_load %arg10[%parallel_loop3A_427, %parallel_loop3A_428] {strides = array<i32>} : memref<128x64xf32, #tpu.memory_space<vmem>>, vector<1x16xf32>,
        %parallel_loop3A_430 = vector.shape_cast %parallel_loop3A_429 : vector<1x16xf32> to vector<16xf32>
        %parallel_loop3A_431 = vector.shape_cast %parallel_loop3A_424 : vector<16xf32> to vector<1x16xf32>
        tpu.vector_store %arg10[%parallel_loop3A_427, %parallel_loop3A_428], %parallel_loop3A_431 {strides = array<i32>} : memref<128x64xf32, #tpu.memory_space<vmem>>, vector<1x16xf32>,
        %parallel_loop3A_432 = vector.extract_strided_slice %parallel_loop3A_193 {offsets = [4], sizes = [1], strides = [1]} : vector<16xf32> to vector<1xf32>
        %parallel_loop3A_433 = vector.extract %parallel_loop3A_432[0] : f32 from vector<1xf32>
        %parallel_loop3A_434 = vector.broadcast %parallel_loop3A_433 : f32 to vector<16xf32>
        %parallel_loop3A_435 = arith.constant 4 : i32
        %parallel_loop3A_436 = arith.addi %parallel_loop3A_195, %parallel_loop3A_435 : i32
        %parallel_loop3A_437 = arith.index_cast %parallel_loop3A_436 : i32 to index
        %parallel_loop3A_438 = arith.constant 0 : index
        %parallel_loop3A_439 = tpu.vector_load %arg10[%parallel_loop3A_437, %parallel_loop3A_438] {strides = array<i32>} : memref<128x64xf32, #tpu.memory_space<vmem>>, vector<1x16xf32>,
        %parallel_loop3A_440 = vector.shape_cast %parallel_loop3A_439 : vector<1x16xf32> to vector<16xf32>
        %parallel_loop3A_441 = arith.mulf %parallel_loop3A_440, %parallel_loop3A_434 : vector<16xf32>
        %parallel_loop3A_442 = arith.constant 4 : i32
        %parallel_loop3A_443 = arith.addi %parallel_loop3A_195, %parallel_loop3A_442 : i32
        %parallel_loop3A_444 = arith.index_cast %parallel_loop3A_443 : i32 to index
        %parallel_loop3A_445 = arith.constant 0 : index
        %parallel_loop3A_446 = tpu.vector_load %arg10[%parallel_loop3A_444, %parallel_loop3A_445] {strides = array<i32>} : memref<128x64xf32, #tpu.memory_space<vmem>>, vector<1x16xf32>,
        %parallel_loop3A_447 = vector.shape_cast %parallel_loop3A_446 : vector<1x16xf32> to vector<16xf32>
        %parallel_loop3A_448 = vector.shape_cast %parallel_loop3A_441 : vector<16xf32> to vector<1x16xf32>
        tpu.vector_store %arg10[%parallel_loop3A_444, %parallel_loop3A_445], %parallel_loop3A_448 {strides = array<i32>} : memref<128x64xf32, #tpu.memory_space<vmem>>, vector<1x16xf32>,
        %parallel_loop3A_449 = arith.constant 4 : i32
        %parallel_loop3A_450 = arith.addi %parallel_loop3A_195, %parallel_loop3A_449 : i32
        %parallel_loop3A_451 = arith.index_cast %parallel_loop3A_450 : i32 to index
        %parallel_loop3A_452 = arith.constant 16 : index
        %parallel_loop3A_453 = tpu.vector_load %arg10[%parallel_loop3A_451, %parallel_loop3A_452] {strides = array<i32>} : memref<128x64xf32, #tpu.memory_space<vmem>>, vector<1x16xf32>,
        %parallel_loop3A_454 = vector.shape_cast %parallel_loop3A_453 : vector<1x16xf32> to vector<16xf32>
        %parallel_loop3A_455 = arith.mulf %parallel_loop3A_454, %parallel_loop3A_434 : vector<16xf32>
        %parallel_loop3A_456 = arith.constant 4 : i32
        %parallel_loop3A_457 = arith.addi %parallel_loop3A_195, %parallel_loop3A_456 : i32
        %parallel_loop3A_458 = arith.index_cast %parallel_loop3A_457 : i32 to index
        %parallel_loop3A_459 = arith.constant 16 : index
        %parallel_loop3A_460 = tpu.vector_load %arg10[%parallel_loop3A_458, %parallel_loop3A_459] {strides = array<i32>} : memref<128x64xf32, #tpu.memory_space<vmem>>, vector<1x16xf32>,
        %parallel_loop3A_461 = vector.shape_cast %parallel_loop3A_460 : vector<1x16xf32> to vector<16xf32>
        %parallel_loop3A_462 = vector.shape_cast %parallel_loop3A_455 : vector<16xf32> to vector<1x16xf32>
        tpu.vector_store %arg10[%parallel_loop3A_458, %parallel_loop3A_459], %parallel_loop3A_462 {strides = array<i32>} : memref<128x64xf32, #tpu.memory_space<vmem>>, vector<1x16xf32>,
        %parallel_loop3A_463 = arith.constant 4 : i32
        %parallel_loop3A_464 = arith.addi %parallel_loop3A_195, %parallel_loop3A_463 : i32
        %parallel_loop3A_465 = arith.index_cast %parallel_loop3A_464 : i32 to index
        %parallel_loop3A_466 = arith.constant 32 : index
        %parallel_loop3A_467 = tpu.vector_load %arg10[%parallel_loop3A_465, %parallel_loop3A_466] {strides = array<i32>} : memref<128x64xf32, #tpu.memory_space<vmem>>, vector<1x16xf32>,
        %parallel_loop3A_468 = vector.shape_cast %parallel_loop3A_467 : vector<1x16xf32> to vector<16xf32>
        %parallel_loop3A_469 = arith.mulf %parallel_loop3A_468, %parallel_loop3A_434 : vector<16xf32>
        %parallel_loop3A_470 = arith.constant 4 : i32
        %parallel_loop3A_471 = arith.addi %parallel_loop3A_195, %parallel_loop3A_470 : i32
        %parallel_loop3A_472 = arith.index_cast %parallel_loop3A_471 : i32 to index
        %parallel_loop3A_473 = arith.constant 32 : index
        %parallel_loop3A_474 = tpu.vector_load %arg10[%parallel_loop3A_472, %parallel_loop3A_473] {strides = array<i32>} : memref<128x64xf32, #tpu.memory_space<vmem>>, vector<1x16xf32>,
        %parallel_loop3A_475 = vector.shape_cast %parallel_loop3A_474 : vector<1x16xf32> to vector<16xf32>
        %parallel_loop3A_476 = vector.shape_cast %parallel_loop3A_469 : vector<16xf32> to vector<1x16xf32>
        tpu.vector_store %arg10[%parallel_loop3A_472, %parallel_loop3A_473], %parallel_loop3A_476 {strides = array<i32>} : memref<128x64xf32, #tpu.memory_space<vmem>>, vector<1x16xf32>,
        %parallel_loop3A_477 = arith.constant 4 : i32
        %parallel_loop3A_478 = arith.addi %parallel_loop3A_195, %parallel_loop3A_477 : i32
        %parallel_loop3A_479 = arith.index_cast %parallel_loop3A_478 : i32 to index
        %parallel_loop3A_480 = arith.constant 48 : index
        %parallel_loop3A_481 = tpu.vector_load %arg10[%parallel_loop3A_479, %parallel_loop3A_480] {strides = array<i32>} : memref<128x64xf32, #tpu.memory_space<vmem>>, vector<1x16xf32>,
        %parallel_loop3A_482 = vector.shape_cast %parallel_loop3A_481 : vector<1x16xf32> to vector<16xf32>
        %parallel_loop3A_483 = arith.mulf %parallel_loop3A_482, %parallel_loop3A_434 : vector<16xf32>
        %parallel_loop3A_484 = arith.constant 4 : i32
        %parallel_loop3A_485 = arith.addi %parallel_loop3A_195, %parallel_loop3A_484 : i32
        %parallel_loop3A_486 = arith.index_cast %parallel_loop3A_485 : i32 to index
        %parallel_loop3A_487 = arith.constant 48 : index
        %parallel_loop3A_488 = tpu.vector_load %arg10[%parallel_loop3A_486, %parallel_loop3A_487] {strides = array<i32>} : memref<128x64xf32, #tpu.memory_space<vmem>>, vector<1x16xf32>,
        %parallel_loop3A_489 = vector.shape_cast %parallel_loop3A_488 : vector<1x16xf32> to vector<16xf32>
        %parallel_loop3A_490 = vector.shape_cast %parallel_loop3A_483 : vector<16xf32> to vector<1x16xf32>
        tpu.vector_store %arg10[%parallel_loop3A_486, %parallel_loop3A_487], %parallel_loop3A_490 {strides = array<i32>} : memref<128x64xf32, #tpu.memory_space<vmem>>, vector<1x16xf32>,
        %parallel_loop3A_491 = vector.extract_strided_slice %parallel_loop3A_193 {offsets = [5], sizes = [1], strides = [1]} : vector<16xf32> to vector<1xf32>
        %parallel_loop3A_492 = vector.extract %parallel_loop3A_491[0] : f32 from vector<1xf32>
        %parallel_loop3A_493 = vector.broadcast %parallel_loop3A_492 : f32 to vector<16xf32>
        %parallel_loop3A_494 = arith.constant 5 : i32
        %parallel_loop3A_495 = arith.addi %parallel_loop3A_195, %parallel_loop3A_494 : i32
        %parallel_loop3A_496 = arith.index_cast %parallel_loop3A_495 : i32 to index
        %parallel_loop3A_497 = arith.constant 0 : index
        %parallel_loop3A_498 = tpu.vector_load %arg10[%parallel_loop3A_496, %parallel_loop3A_497] {strides = array<i32>} : memref<128x64xf32, #tpu.memory_space<vmem>>, vector<1x16xf32>,
        %parallel_loop3A_499 = vector.shape_cast %parallel_loop3A_498 : vector<1x16xf32> to vector<16xf32>
        %parallel_loop3A_500 = arith.mulf %parallel_loop3A_499, %parallel_loop3A_493 : vector<16xf32>
        %parallel_loop3A_501 = arith.constant 5 : i32
        %parallel_loop3A_502 = arith.addi %parallel_loop3A_195, %parallel_loop3A_501 : i32
        %parallel_loop3A_503 = arith.index_cast %parallel_loop3A_502 : i32 to index
        %parallel_loop3A_504 = arith.constant 0 : index
        %parallel_loop3A_505 = tpu.vector_load %arg10[%parallel_loop3A_503, %parallel_loop3A_504] {strides = array<i32>} : memref<128x64xf32, #tpu.memory_space<vmem>>, vector<1x16xf32>,
        %parallel_loop3A_506 = vector.shape_cast %parallel_loop3A_505 : vector<1x16xf32> to vector<16xf32>
        %parallel_loop3A_507 = vector.shape_cast %parallel_loop3A_500 : vector<16xf32> to vector<1x16xf32>
        tpu.vector_store %arg10[%parallel_loop3A_503, %parallel_loop3A_504], %parallel_loop3A_507 {strides = array<i32>} : memref<128x64xf32, #tpu.memory_space<vmem>>, vector<1x16xf32>,
        %parallel_loop3A_508 = arith.constant 5 : i32
        %parallel_loop3A_509 = arith.addi %parallel_loop3A_195, %parallel_loop3A_508 : i32
        %parallel_loop3A_510 = arith.index_cast %parallel_loop3A_509 : i32 to index
        %parallel_loop3A_511 = arith.constant 16 : index
        %parallel_loop3A_512 = tpu.vector_load %arg10[%parallel_loop3A_510, %parallel_loop3A_511] {strides = array<i32>} : memref<128x64xf32, #tpu.memory_space<vmem>>, vector<1x16xf32>,
        %parallel_loop3A_513 = vector.shape_cast %parallel_loop3A_512 : vector<1x16xf32> to vector<16xf32>
        %parallel_loop3A_514 = arith.mulf %parallel_loop3A_513, %parallel_loop3A_493 : vector<16xf32>
        %parallel_loop3A_515 = arith.constant 5 : i32
        %parallel_loop3A_516 = arith.addi %parallel_loop3A_195, %parallel_loop3A_515 : i32
        %parallel_loop3A_517 = arith.index_cast %parallel_loop3A_516 : i32 to index
        %parallel_loop3A_518 = arith.constant 16 : index
        %parallel_loop3A_519 = tpu.vector_load %arg10[%parallel_loop3A_517, %parallel_loop3A_518] {strides = array<i32>} : memref<128x64xf32, #tpu.memory_space<vmem>>, vector<1x16xf32>,
        %parallel_loop3A_520 = vector.shape_cast %parallel_loop3A_519 : vector<1x16xf32> to vector<16xf32>
        %parallel_loop3A_521 = vector.shape_cast %parallel_loop3A_514 : vector<16xf32> to vector<1x16xf32>
        tpu.vector_store %arg10[%parallel_loop3A_517, %parallel_loop3A_518], %parallel_loop3A_521 {strides = array<i32>} : memref<128x64xf32, #tpu.memory_space<vmem>>, vector<1x16xf32>,
        %parallel_loop3A_522 = arith.constant 5 : i32
        %parallel_loop3A_523 = arith.addi %parallel_loop3A_195, %parallel_loop3A_522 : i32
        %parallel_loop3A_524 = arith.index_cast %parallel_loop3A_523 : i32 to index
        %parallel_loop3A_525 = arith.constant 32 : index
        %parallel_loop3A_526 = tpu.vector_load %arg10[%parallel_loop3A_524, %parallel_loop3A_525] {strides = array<i32>} : memref<128x64xf32, #tpu.memory_space<vmem>>, vector<1x16xf32>,
        %parallel_loop3A_527 = vector.shape_cast %parallel_loop3A_526 : vector<1x16xf32> to vector<16xf32>
        %parallel_loop3A_528 = arith.mulf %parallel_loop3A_527, %parallel_loop3A_493 : vector<16xf32>
        %parallel_loop3A_529 = arith.constant 5 : i32
        %parallel_loop3A_530 = arith.addi %parallel_loop3A_195, %parallel_loop3A_529 : i32
        %parallel_loop3A_531 = arith.index_cast %parallel_loop3A_530 : i32 to index
        %parallel_loop3A_532 = arith.constant 32 : index
        %parallel_loop3A_533 = tpu.vector_load %arg10[%parallel_loop3A_531, %parallel_loop3A_532] {strides = array<i32>} : memref<128x64xf32, #tpu.memory_space<vmem>>, vector<1x16xf32>,
        %parallel_loop3A_534 = vector.shape_cast %parallel_loop3A_533 : vector<1x16xf32> to vector<16xf32>
        %parallel_loop3A_535 = vector.shape_cast %parallel_loop3A_528 : vector<16xf32> to vector<1x16xf32>
        tpu.vector_store %arg10[%parallel_loop3A_531, %parallel_loop3A_532], %parallel_loop3A_535 {strides = array<i32>} : memref<128x64xf32, #tpu.memory_space<vmem>>, vector<1x16xf32>,
        %parallel_loop3A_536 = arith.constant 5 : i32
        %parallel_loop3A_537 = arith.addi %parallel_loop3A_195, %parallel_loop3A_536 : i32
        %parallel_loop3A_538 = arith.index_cast %parallel_loop3A_537 : i32 to index
        %parallel_loop3A_539 = arith.constant 48 : index
        %parallel_loop3A_540 = tpu.vector_load %arg10[%parallel_loop3A_538, %parallel_loop3A_539] {strides = array<i32>} : memref<128x64xf32, #tpu.memory_space<vmem>>, vector<1x16xf32>,
        %parallel_loop3A_541 = vector.shape_cast %parallel_loop3A_540 : vector<1x16xf32> to vector<16xf32>
        %parallel_loop3A_542 = arith.mulf %parallel_loop3A_541, %parallel_loop3A_493 : vector<16xf32>
        %parallel_loop3A_543 = arith.constant 5 : i32
        %parallel_loop3A_544 = arith.addi %parallel_loop3A_195, %parallel_loop3A_543 : i32
        %parallel_loop3A_545 = arith.index_cast %parallel_loop3A_544 : i32 to index
        %parallel_loop3A_546 = arith.constant 48 : index
        %parallel_loop3A_547 = tpu.vector_load %arg10[%parallel_loop3A_545, %parallel_loop3A_546] {strides = array<i32>} : memref<128x64xf32, #tpu.memory_space<vmem>>, vector<1x16xf32>,
        %parallel_loop3A_548 = vector.shape_cast %parallel_loop3A_547 : vector<1x16xf32> to vector<16xf32>
        %parallel_loop3A_549 = vector.shape_cast %parallel_loop3A_542 : vector<16xf32> to vector<1x16xf32>
        tpu.vector_store %arg10[%parallel_loop3A_545, %parallel_loop3A_546], %parallel_loop3A_549 {strides = array<i32>} : memref<128x64xf32, #tpu.memory_space<vmem>>, vector<1x16xf32>,
        %parallel_loop3A_550 = vector.extract_strided_slice %parallel_loop3A_193 {offsets = [6], sizes = [1], strides = [1]} : vector<16xf32> to vector<1xf32>
        %parallel_loop3A_551 = vector.extract %parallel_loop3A_550[0] : f32 from vector<1xf32>
        %parallel_loop3A_552 = vector.broadcast %parallel_loop3A_551 : f32 to vector<16xf32>
        %parallel_loop3A_553 = arith.constant 6 : i32
        %parallel_loop3A_554 = arith.addi %parallel_loop3A_195, %parallel_loop3A_553 : i32
        %parallel_loop3A_555 = arith.index_cast %parallel_loop3A_554 : i32 to index
        %parallel_loop3A_556 = arith.constant 0 : index
        %parallel_loop3A_557 = tpu.vector_load %arg10[%parallel_loop3A_555, %parallel_loop3A_556] {strides = array<i32>} : memref<128x64xf32, #tpu.memory_space<vmem>>, vector<1x16xf32>,
        %parallel_loop3A_558 = vector.shape_cast %parallel_loop3A_557 : vector<1x16xf32> to vector<16xf32>
        %parallel_loop3A_559 = arith.mulf %parallel_loop3A_558, %parallel_loop3A_552 : vector<16xf32>
        %parallel_loop3A_560 = arith.constant 6 : i32
        %parallel_loop3A_561 = arith.addi %parallel_loop3A_195, %parallel_loop3A_560 : i32
        %parallel_loop3A_562 = arith.index_cast %parallel_loop3A_561 : i32 to index
        %parallel_loop3A_563 = arith.constant 0 : index
        %parallel_loop3A_564 = tpu.vector_load %arg10[%parallel_loop3A_562, %parallel_loop3A_563] {strides = array<i32>} : memref<128x64xf32, #tpu.memory_space<vmem>>, vector<1x16xf32>,
        %parallel_loop3A_565 = vector.shape_cast %parallel_loop3A_564 : vector<1x16xf32> to vector<16xf32>
        %parallel_loop3A_566 = vector.shape_cast %parallel_loop3A_559 : vector<16xf32> to vector<1x16xf32>
        tpu.vector_store %arg10[%parallel_loop3A_562, %parallel_loop3A_563], %parallel_loop3A_566 {strides = array<i32>} : memref<128x64xf32, #tpu.memory_space<vmem>>, vector<1x16xf32>,
        %parallel_loop3A_567 = arith.constant 6 : i32
        %parallel_loop3A_568 = arith.addi %parallel_loop3A_195, %parallel_loop3A_567 : i32
        %parallel_loop3A_569 = arith.index_cast %parallel_loop3A_568 : i32 to index
        %parallel_loop3A_570 = arith.constant 16 : index
        %parallel_loop3A_571 = tpu.vector_load %arg10[%parallel_loop3A_569, %parallel_loop3A_570] {strides = array<i32>} : memref<128x64xf32, #tpu.memory_space<vmem>>, vector<1x16xf32>,
        %parallel_loop3A_572 = vector.shape_cast %parallel_loop3A_571 : vector<1x16xf32> to vector<16xf32>
        %parallel_loop3A_573 = arith.mulf %parallel_loop3A_572, %parallel_loop3A_552 : vector<16xf32>
        %parallel_loop3A_574 = arith.constant 6 : i32
        %parallel_loop3A_575 = arith.addi %parallel_loop3A_195, %parallel_loop3A_574 : i32
        %parallel_loop3A_576 = arith.index_cast %parallel_loop3A_575 : i32 to index
        %parallel_loop3A_577 = arith.constant 16 : index
        %parallel_loop3A_578 = tpu.vector_load %arg10[%parallel_loop3A_576, %parallel_loop3A_577] {strides = array<i32>} : memref<128x64xf32, #tpu.memory_space<vmem>>, vector<1x16xf32>,
        %parallel_loop3A_579 = vector.shape_cast %parallel_loop3A_578 : vector<1x16xf32> to vector<16xf32>
        %parallel_loop3A_580 = vector.shape_cast %parallel_loop3A_573 : vector<16xf32> to vector<1x16xf32>
        tpu.vector_store %arg10[%parallel_loop3A_576, %parallel_loop3A_577], %parallel_loop3A_580 {strides = array<i32>} : memref<128x64xf32, #tpu.memory_space<vmem>>, vector<1x16xf32>,
        %parallel_loop3A_581 = arith.constant 6 : i32
        %parallel_loop3A_582 = arith.addi %parallel_loop3A_195, %parallel_loop3A_581 : i32
        %parallel_loop3A_583 = arith.index_cast %parallel_loop3A_582 : i32 to index
        %parallel_loop3A_584 = arith.constant 32 : index
        %parallel_loop3A_585 = tpu.vector_load %arg10[%parallel_loop3A_583, %parallel_loop3A_584] {strides = array<i32>} : memref<128x64xf32, #tpu.memory_space<vmem>>, vector<1x16xf32>,
        %parallel_loop3A_586 = vector.shape_cast %parallel_loop3A_585 : vector<1x16xf32> to vector<16xf32>
        %parallel_loop3A_587 = arith.mulf %parallel_loop3A_586, %parallel_loop3A_552 : vector<16xf32>
        %parallel_loop3A_588 = arith.constant 6 : i32
        %parallel_loop3A_589 = arith.addi %parallel_loop3A_195, %parallel_loop3A_588 : i32
        %parallel_loop3A_590 = arith.index_cast %parallel_loop3A_589 : i32 to index
        %parallel_loop3A_591 = arith.constant 32 : index
        %parallel_loop3A_592 = tpu.vector_load %arg10[%parallel_loop3A_590, %parallel_loop3A_591] {strides = array<i32>} : memref<128x64xf32, #tpu.memory_space<vmem>>, vector<1x16xf32>,
        %parallel_loop3A_593 = vector.shape_cast %parallel_loop3A_592 : vector<1x16xf32> to vector<16xf32>
        %parallel_loop3A_594 = vector.shape_cast %parallel_loop3A_587 : vector<16xf32> to vector<1x16xf32>
        tpu.vector_store %arg10[%parallel_loop3A_590, %parallel_loop3A_591], %parallel_loop3A_594 {strides = array<i32>} : memref<128x64xf32, #tpu.memory_space<vmem>>, vector<1x16xf32>,
        %parallel_loop3A_595 = arith.constant 6 : i32
        %parallel_loop3A_596 = arith.addi %parallel_loop3A_195, %parallel_loop3A_595 : i32
        %parallel_loop3A_597 = arith.index_cast %parallel_loop3A_596 : i32 to index
        %parallel_loop3A_598 = arith.constant 48 : index
        %parallel_loop3A_599 = tpu.vector_load %arg10[%parallel_loop3A_597, %parallel_loop3A_598] {strides = array<i32>} : memref<128x64xf32, #tpu.memory_space<vmem>>, vector<1x16xf32>,
        %parallel_loop3A_600 = vector.shape_cast %parallel_loop3A_599 : vector<1x16xf32> to vector<16xf32>
        %parallel_loop3A_601 = arith.mulf %parallel_loop3A_600, %parallel_loop3A_552 : vector<16xf32>
        %parallel_loop3A_602 = arith.constant 6 : i32
        %parallel_loop3A_603 = arith.addi %parallel_loop3A_195, %parallel_loop3A_602 : i32
        %parallel_loop3A_604 = arith.index_cast %parallel_loop3A_603 : i32 to index
        %parallel_loop3A_605 = arith.constant 48 : index
        %parallel_loop3A_606 = tpu.vector_load %arg10[%parallel_loop3A_604, %parallel_loop3A_605] {strides = array<i32>} : memref<128x64xf32, #tpu.memory_space<vmem>>, vector<1x16xf32>,
        %parallel_loop3A_607 = vector.shape_cast %parallel_loop3A_606 : vector<1x16xf32> to vector<16xf32>
        %parallel_loop3A_608 = vector.shape_cast %parallel_loop3A_601 : vector<16xf32> to vector<1x16xf32>
        tpu.vector_store %arg10[%parallel_loop3A_604, %parallel_loop3A_605], %parallel_loop3A_608 {strides = array<i32>} : memref<128x64xf32, #tpu.memory_space<vmem>>, vector<1x16xf32>,
        %parallel_loop3A_609 = vector.extract_strided_slice %parallel_loop3A_193 {offsets = [7], sizes = [1], strides = [1]} : vector<16xf32> to vector<1xf32>
        %parallel_loop3A_610 = vector.extract %parallel_loop3A_609[0] : f32 from vector<1xf32>
        %parallel_loop3A_611 = vector.broadcast %parallel_loop3A_610 : f32 to vector<16xf32>
        %parallel_loop3A_612 = arith.constant 7 : i32
        %parallel_loop3A_613 = arith.addi %parallel_loop3A_195, %parallel_loop3A_612 : i32
        %parallel_loop3A_614 = arith.index_cast %parallel_loop3A_613 : i32 to index
        %parallel_loop3A_615 = arith.constant 0 : index
        %parallel_loop3A_616 = tpu.vector_load %arg10[%parallel_loop3A_614, %parallel_loop3A_615] {strides = array<i32>} : memref<128x64xf32, #tpu.memory_space<vmem>>, vector<1x16xf32>,
        %parallel_loop3A_617 = vector.shape_cast %parallel_loop3A_616 : vector<1x16xf32> to vector<16xf32>
        %parallel_loop3A_618 = arith.mulf %parallel_loop3A_617, %parallel_loop3A_611 : vector<16xf32>
        %parallel_loop3A_619 = arith.constant 7 : i32
        %parallel_loop3A_620 = arith.addi %parallel_loop3A_195, %parallel_loop3A_619 : i32
        %parallel_loop3A_621 = arith.index_cast %parallel_loop3A_620 : i32 to index
        %parallel_loop3A_622 = arith.constant 0 : index
        %parallel_loop3A_623 = tpu.vector_load %arg10[%parallel_loop3A_621, %parallel_loop3A_622] {strides = array<i32>} : memref<128x64xf32, #tpu.memory_space<vmem>>, vector<1x16xf32>,
        %parallel_loop3A_624 = vector.shape_cast %parallel_loop3A_623 : vector<1x16xf32> to vector<16xf32>
        %parallel_loop3A_625 = vector.shape_cast %parallel_loop3A_618 : vector<16xf32> to vector<1x16xf32>
        tpu.vector_store %arg10[%parallel_loop3A_621, %parallel_loop3A_622], %parallel_loop3A_625 {strides = array<i32>} : memref<128x64xf32, #tpu.memory_space<vmem>>, vector<1x16xf32>,
        %parallel_loop3A_626 = arith.constant 7 : i32
        %parallel_loop3A_627 = arith.addi %parallel_loop3A_195, %parallel_loop3A_626 : i32
        %parallel_loop3A_628 = arith.index_cast %parallel_loop3A_627 : i32 to index
        %parallel_loop3A_629 = arith.constant 16 : index
        %parallel_loop3A_630 = tpu.vector_load %arg10[%parallel_loop3A_628, %parallel_loop3A_629] {strides = array<i32>} : memref<128x64xf32, #tpu.memory_space<vmem>>, vector<1x16xf32>,
        %parallel_loop3A_631 = vector.shape_cast %parallel_loop3A_630 : vector<1x16xf32> to vector<16xf32>
        %parallel_loop3A_632 = arith.mulf %parallel_loop3A_631, %parallel_loop3A_611 : vector<16xf32>
        %parallel_loop3A_633 = arith.constant 7 : i32
        %parallel_loop3A_634 = arith.addi %parallel_loop3A_195, %parallel_loop3A_633 : i32
        %parallel_loop3A_635 = arith.index_cast %parallel_loop3A_634 : i32 to index
        %parallel_loop3A_636 = arith.constant 16 : index
        %parallel_loop3A_637 = tpu.vector_load %arg10[%parallel_loop3A_635, %parallel_loop3A_636] {strides = array<i32>} : memref<128x64xf32, #tpu.memory_space<vmem>>, vector<1x16xf32>,
        %parallel_loop3A_638 = vector.shape_cast %parallel_loop3A_637 : vector<1x16xf32> to vector<16xf32>
        %parallel_loop3A_639 = vector.shape_cast %parallel_loop3A_632 : vector<16xf32> to vector<1x16xf32>
        tpu.vector_store %arg10[%parallel_loop3A_635, %parallel_loop3A_636], %parallel_loop3A_639 {strides = array<i32>} : memref<128x64xf32, #tpu.memory_space<vmem>>, vector<1x16xf32>,
        %parallel_loop3A_640 = arith.constant 7 : i32
        %parallel_loop3A_641 = arith.addi %parallel_loop3A_195, %parallel_loop3A_640 : i32
        %parallel_loop3A_642 = arith.index_cast %parallel_loop3A_641 : i32 to index
        %parallel_loop3A_643 = arith.constant 32 : index
        %parallel_loop3A_644 = tpu.vector_load %arg10[%parallel_loop3A_642, %parallel_loop3A_643] {strides = array<i32>} : memref<128x64xf32, #tpu.memory_space<vmem>>, vector<1x16xf32>,
        %parallel_loop3A_645 = vector.shape_cast %parallel_loop3A_644 : vector<1x16xf32> to vector<16xf32>
        %parallel_loop3A_646 = arith.mulf %parallel_loop3A_645, %parallel_loop3A_611 : vector<16xf32>
        %parallel_loop3A_647 = arith.constant 7 : i32
        %parallel_loop3A_648 = arith.addi %parallel_loop3A_195, %parallel_loop3A_647 : i32
        %parallel_loop3A_649 = arith.index_cast %parallel_loop3A_648 : i32 to index
        %parallel_loop3A_650 = arith.constant 32 : index
        %parallel_loop3A_651 = tpu.vector_load %arg10[%parallel_loop3A_649, %parallel_loop3A_650] {strides = array<i32>} : memref<128x64xf32, #tpu.memory_space<vmem>>, vector<1x16xf32>,
        %parallel_loop3A_652 = vector.shape_cast %parallel_loop3A_651 : vector<1x16xf32> to vector<16xf32>
        %parallel_loop3A_653 = vector.shape_cast %parallel_loop3A_646 : vector<16xf32> to vector<1x16xf32>
        tpu.vector_store %arg10[%parallel_loop3A_649, %parallel_loop3A_650], %parallel_loop3A_653 {strides = array<i32>} : memref<128x64xf32, #tpu.memory_space<vmem>>, vector<1x16xf32>,
        %parallel_loop3A_654 = arith.constant 7 : i32
        %parallel_loop3A_655 = arith.addi %parallel_loop3A_195, %parallel_loop3A_654 : i32
        %parallel_loop3A_656 = arith.index_cast %parallel_loop3A_655 : i32 to index
        %parallel_loop3A_657 = arith.constant 48 : index
        %parallel_loop3A_658 = tpu.vector_load %arg10[%parallel_loop3A_656, %parallel_loop3A_657] {strides = array<i32>} : memref<128x64xf32, #tpu.memory_space<vmem>>, vector<1x16xf32>,
        %parallel_loop3A_659 = vector.shape_cast %parallel_loop3A_658 : vector<1x16xf32> to vector<16xf32>
        %parallel_loop3A_660 = arith.mulf %parallel_loop3A_659, %parallel_loop3A_611 : vector<16xf32>
        %parallel_loop3A_661 = arith.constant 7 : i32
        %parallel_loop3A_662 = arith.addi %parallel_loop3A_195, %parallel_loop3A_661 : i32
        %parallel_loop3A_663 = arith.index_cast %parallel_loop3A_662 : i32 to index
        %parallel_loop3A_664 = arith.constant 48 : index
        %parallel_loop3A_665 = tpu.vector_load %arg10[%parallel_loop3A_663, %parallel_loop3A_664] {strides = array<i32>} : memref<128x64xf32, #tpu.memory_space<vmem>>, vector<1x16xf32>,
        %parallel_loop3A_666 = vector.shape_cast %parallel_loop3A_665 : vector<1x16xf32> to vector<16xf32>
        %parallel_loop3A_667 = vector.shape_cast %parallel_loop3A_660 : vector<16xf32> to vector<1x16xf32>
        tpu.vector_store %arg10[%parallel_loop3A_663, %parallel_loop3A_664], %parallel_loop3A_667 {strides = array<i32>} : memref<128x64xf32, #tpu.memory_space<vmem>>, vector<1x16xf32>,
        %parallel_loop3A_668 = vector.extract_strided_slice %parallel_loop3A_193 {offsets = [8], sizes = [1], strides = [1]} : vector<16xf32> to vector<1xf32>
        %parallel_loop3A_669 = vector.extract %parallel_loop3A_668[0] : f32 from vector<1xf32>
        %parallel_loop3A_670 = vector.broadcast %parallel_loop3A_669 : f32 to vector<16xf32>
        %parallel_loop3A_671 = arith.constant 8 : i32
        %parallel_loop3A_672 = arith.addi %parallel_loop3A_195, %parallel_loop3A_671 : i32
        %parallel_loop3A_673 = arith.index_cast %parallel_loop3A_672 : i32 to index
        %parallel_loop3A_674 = arith.constant 0 : index
        %parallel_loop3A_675 = tpu.vector_load %arg10[%parallel_loop3A_673, %parallel_loop3A_674] {strides = array<i32>} : memref<128x64xf32, #tpu.memory_space<vmem>>, vector<1x16xf32>,
        %parallel_loop3A_676 = vector.shape_cast %parallel_loop3A_675 : vector<1x16xf32> to vector<16xf32>
        %parallel_loop3A_677 = arith.mulf %parallel_loop3A_676, %parallel_loop3A_670 : vector<16xf32>
        %parallel_loop3A_678 = arith.constant 8 : i32
        %parallel_loop3A_679 = arith.addi %parallel_loop3A_195, %parallel_loop3A_678 : i32
        %parallel_loop3A_680 = arith.index_cast %parallel_loop3A_679 : i32 to index
        %parallel_loop3A_681 = arith.constant 0 : index
        %parallel_loop3A_682 = tpu.vector_load %arg10[%parallel_loop3A_680, %parallel_loop3A_681] {strides = array<i32>} : memref<128x64xf32, #tpu.memory_space<vmem>>, vector<1x16xf32>,
        %parallel_loop3A_683 = vector.shape_cast %parallel_loop3A_682 : vector<1x16xf32> to vector<16xf32>
        %parallel_loop3A_684 = vector.shape_cast %parallel_loop3A_677 : vector<16xf32> to vector<1x16xf32>
        tpu.vector_store %arg10[%parallel_loop3A_680, %parallel_loop3A_681], %parallel_loop3A_684 {strides = array<i32>} : memref<128x64xf32, #tpu.memory_space<vmem>>, vector<1x16xf32>,
        %parallel_loop3A_685 = arith.constant 8 : i32
        %parallel_loop3A_686 = arith.addi %parallel_loop3A_195, %parallel_loop3A_685 : i32
        %parallel_loop3A_687 = arith.index_cast %parallel_loop3A_686 : i32 to index
        %parallel_loop3A_688 = arith.constant 16 : index
        %parallel_loop3A_689 = tpu.vector_load %arg10[%parallel_loop3A_687, %parallel_loop3A_688] {strides = array<i32>} : memref<128x64xf32, #tpu.memory_space<vmem>>, vector<1x16xf32>,
        %parallel_loop3A_690 = vector.shape_cast %parallel_loop3A_689 : vector<1x16xf32> to vector<16xf32>
        %parallel_loop3A_691 = arith.mulf %parallel_loop3A_690, %parallel_loop3A_670 : vector<16xf32>
        %parallel_loop3A_692 = arith.constant 8 : i32
        %parallel_loop3A_693 = arith.addi %parallel_loop3A_195, %parallel_loop3A_692 : i32
        %parallel_loop3A_694 = arith.index_cast %parallel_loop3A_693 : i32 to index
        %parallel_loop3A_695 = arith.constant 16 : index
        %parallel_loop3A_696 = tpu.vector_load %arg10[%parallel_loop3A_694, %parallel_loop3A_695] {strides = array<i32>} : memref<128x64xf32, #tpu.memory_space<vmem>>, vector<1x16xf32>,
        %parallel_loop3A_697 = vector.shape_cast %parallel_loop3A_696 : vector<1x16xf32> to vector<16xf32>
        %parallel_loop3A_698 = vector.shape_cast %parallel_loop3A_691 : vector<16xf32> to vector<1x16xf32>
        tpu.vector_store %arg10[%parallel_loop3A_694, %parallel_loop3A_695], %parallel_loop3A_698 {strides = array<i32>} : memref<128x64xf32, #tpu.memory_space<vmem>>, vector<1x16xf32>,
        %parallel_loop3A_699 = arith.constant 8 : i32
        %parallel_loop3A_700 = arith.addi %parallel_loop3A_195, %parallel_loop3A_699 : i32
        %parallel_loop3A_701 = arith.index_cast %parallel_loop3A_700 : i32 to index
        %parallel_loop3A_702 = arith.constant 32 : index
        %parallel_loop3A_703 = tpu.vector_load %arg10[%parallel_loop3A_701, %parallel_loop3A_702] {strides = array<i32>} : memref<128x64xf32, #tpu.memory_space<vmem>>, vector<1x16xf32>,
        %parallel_loop3A_704 = vector.shape_cast %parallel_loop3A_703 : vector<1x16xf32> to vector<16xf32>
        %parallel_loop3A_705 = arith.mulf %parallel_loop3A_704, %parallel_loop3A_670 : vector<16xf32>
        %parallel_loop3A_706 = arith.constant 8 : i32
        %parallel_loop3A_707 = arith.addi %parallel_loop3A_195, %parallel_loop3A_706 : i32
        %parallel_loop3A_708 = arith.index_cast %parallel_loop3A_707 : i32 to index
        %parallel_loop3A_709 = arith.constant 32 : index
        %parallel_loop3A_710 = tpu.vector_load %arg10[%parallel_loop3A_708, %parallel_loop3A_709] {strides = array<i32>} : memref<128x64xf32, #tpu.memory_space<vmem>>, vector<1x16xf32>,
        %parallel_loop3A_711 = vector.shape_cast %parallel_loop3A_710 : vector<1x16xf32> to vector<16xf32>
        %parallel_loop3A_712 = vector.shape_cast %parallel_loop3A_705 : vector<16xf32> to vector<1x16xf32>
        tpu.vector_store %arg10[%parallel_loop3A_708, %parallel_loop3A_709], %parallel_loop3A_712 {strides = array<i32>} : memref<128x64xf32, #tpu.memory_space<vmem>>, vector<1x16xf32>,
        %parallel_loop3A_713 = arith.constant 8 : i32
        %parallel_loop3A_714 = arith.addi %parallel_loop3A_195, %parallel_loop3A_713 : i32
        %parallel_loop3A_715 = arith.index_cast %parallel_loop3A_714 : i32 to index
        %parallel_loop3A_716 = arith.constant 48 : index
        %parallel_loop3A_717 = tpu.vector_load %arg10[%parallel_loop3A_715, %parallel_loop3A_716] {strides = array<i32>} : memref<128x64xf32, #tpu.memory_space<vmem>>, vector<1x16xf32>,
        %parallel_loop3A_718 = vector.shape_cast %parallel_loop3A_717 : vector<1x16xf32> to vector<16xf32>
        %parallel_loop3A_719 = arith.mulf %parallel_loop3A_718, %parallel_loop3A_670 : vector<16xf32>
        %parallel_loop3A_720 = arith.constant 8 : i32
        %parallel_loop3A_721 = arith.addi %parallel_loop3A_195, %parallel_loop3A_720 : i32
        %parallel_loop3A_722 = arith.index_cast %parallel_loop3A_721 : i32 to index
        %parallel_loop3A_723 = arith.constant 48 : index
        %parallel_loop3A_724 = tpu.vector_load %arg10[%parallel_loop3A_722, %parallel_loop3A_723] {strides = array<i32>} : memref<128x64xf32, #tpu.memory_space<vmem>>, vector<1x16xf32>,
        %parallel_loop3A_725 = vector.shape_cast %parallel_loop3A_724 : vector<1x16xf32> to vector<16xf32>
        %parallel_loop3A_726 = vector.shape_cast %parallel_loop3A_719 : vector<16xf32> to vector<1x16xf32>
        tpu.vector_store %arg10[%parallel_loop3A_722, %parallel_loop3A_723], %parallel_loop3A_726 {strides = array<i32>} : memref<128x64xf32, #tpu.memory_space<vmem>>, vector<1x16xf32>,
        %parallel_loop3A_727 = vector.extract_strided_slice %parallel_loop3A_193 {offsets = [9], sizes = [1], strides = [1]} : vector<16xf32> to vector<1xf32>
        %parallel_loop3A_728 = vector.extract %parallel_loop3A_727[0] : f32 from vector<1xf32>
        %parallel_loop3A_729 = vector.broadcast %parallel_loop3A_728 : f32 to vector<16xf32>
        %parallel_loop3A_730 = arith.constant 9 : i32
        %parallel_loop3A_731 = arith.addi %parallel_loop3A_195, %parallel_loop3A_730 : i32
        %parallel_loop3A_732 = arith.index_cast %parallel_loop3A_731 : i32 to index
        %parallel_loop3A_733 = arith.constant 0 : index
        %parallel_loop3A_734 = tpu.vector_load %arg10[%parallel_loop3A_732, %parallel_loop3A_733] {strides = array<i32>} : memref<128x64xf32, #tpu.memory_space<vmem>>, vector<1x16xf32>,
        %parallel_loop3A_735 = vector.shape_cast %parallel_loop3A_734 : vector<1x16xf32> to vector<16xf32>
        %parallel_loop3A_736 = arith.mulf %parallel_loop3A_735, %parallel_loop3A_729 : vector<16xf32>
        %parallel_loop3A_737 = arith.constant 9 : i32
        %parallel_loop3A_738 = arith.addi %parallel_loop3A_195, %parallel_loop3A_737 : i32
        %parallel_loop3A_739 = arith.index_cast %parallel_loop3A_738 : i32 to index
        %parallel_loop3A_740 = arith.constant 0 : index
        %parallel_loop3A_741 = tpu.vector_load %arg10[%parallel_loop3A_739, %parallel_loop3A_740] {strides = array<i32>} : memref<128x64xf32, #tpu.memory_space<vmem>>, vector<1x16xf32>,
        %parallel_loop3A_742 = vector.shape_cast %parallel_loop3A_741 : vector<1x16xf32> to vector<16xf32>
        %parallel_loop3A_743 = vector.shape_cast %parallel_loop3A_736 : vector<16xf32> to vector<1x16xf32>
        tpu.vector_store %arg10[%parallel_loop3A_739, %parallel_loop3A_740], %parallel_loop3A_743 {strides = array<i32>} : memref<128x64xf32, #tpu.memory_space<vmem>>, vector<1x16xf32>,
        %parallel_loop3A_744 = arith.constant 9 : i32
        %parallel_loop3A_745 = arith.addi %parallel_loop3A_195, %parallel_loop3A_744 : i32
        %parallel_loop3A_746 = arith.index_cast %parallel_loop3A_745 : i32 to index
        %parallel_loop3A_747 = arith.constant 16 : index
        %parallel_loop3A_748 = tpu.vector_load %arg10[%parallel_loop3A_746, %parallel_loop3A_747] {strides = array<i32>} : memref<128x64xf32, #tpu.memory_space<vmem>>, vector<1x16xf32>,
        %parallel_loop3A_749 = vector.shape_cast %parallel_loop3A_748 : vector<1x16xf32> to vector<16xf32>
        %parallel_loop3A_750 = arith.mulf %parallel_loop3A_749, %parallel_loop3A_729 : vector<16xf32>
        %parallel_loop3A_751 = arith.constant 9 : i32
        %parallel_loop3A_752 = arith.addi %parallel_loop3A_195, %parallel_loop3A_751 : i32
        %parallel_loop3A_753 = arith.index_cast %parallel_loop3A_752 : i32 to index
        %parallel_loop3A_754 = arith.constant 16 : index
        %parallel_loop3A_755 = tpu.vector_load %arg10[%parallel_loop3A_753, %parallel_loop3A_754] {strides = array<i32>} : memref<128x64xf32, #tpu.memory_space<vmem>>, vector<1x16xf32>,
        %parallel_loop3A_756 = vector.shape_cast %parallel_loop3A_755 : vector<1x16xf32> to vector<16xf32>
        %parallel_loop3A_757 = vector.shape_cast %parallel_loop3A_750 : vector<16xf32> to vector<1x16xf32>
        tpu.vector_store %arg10[%parallel_loop3A_753, %parallel_loop3A_754], %parallel_loop3A_757 {strides = array<i32>} : memref<128x64xf32, #tpu.memory_space<vmem>>, vector<1x16xf32>,
        %parallel_loop3A_758 = arith.constant 9 : i32
        %parallel_loop3A_759 = arith.addi %parallel_loop3A_195, %parallel_loop3A_758 : i32
        %parallel_loop3A_760 = arith.index_cast %parallel_loop3A_759 : i32 to index
        %parallel_loop3A_761 = arith.constant 32 : index
        %parallel_loop3A_762 = tpu.vector_load %arg10[%parallel_loop3A_760, %parallel_loop3A_761] {strides = array<i32>} : memref<128x64xf32, #tpu.memory_space<vmem>>, vector<1x16xf32>,
        %parallel_loop3A_763 = vector.shape_cast %parallel_loop3A_762 : vector<1x16xf32> to vector<16xf32>
        %parallel_loop3A_764 = arith.mulf %parallel_loop3A_763, %parallel_loop3A_729 : vector<16xf32>
        %parallel_loop3A_765 = arith.constant 9 : i32
        %parallel_loop3A_766 = arith.addi %parallel_loop3A_195, %parallel_loop3A_765 : i32
        %parallel_loop3A_767 = arith.index_cast %parallel_loop3A_766 : i32 to index
        %parallel_loop3A_768 = arith.constant 32 : index
        %parallel_loop3A_769 = tpu.vector_load %arg10[%parallel_loop3A_767, %parallel_loop3A_768] {strides = array<i32>} : memref<128x64xf32, #tpu.memory_space<vmem>>, vector<1x16xf32>,
        %parallel_loop3A_770 = vector.shape_cast %parallel_loop3A_769 : vector<1x16xf32> to vector<16xf32>
        %parallel_loop3A_771 = vector.shape_cast %parallel_loop3A_764 : vector<16xf32> to vector<1x16xf32>
        tpu.vector_store %arg10[%parallel_loop3A_767, %parallel_loop3A_768], %parallel_loop3A_771 {strides = array<i32>} : memref<128x64xf32, #tpu.memory_space<vmem>>, vector<1x16xf32>,
        %parallel_loop3A_772 = arith.constant 9 : i32
        %parallel_loop3A_773 = arith.addi %parallel_loop3A_195, %parallel_loop3A_772 : i32
        %parallel_loop3A_774 = arith.index_cast %parallel_loop3A_773 : i32 to index
        %parallel_loop3A_775 = arith.constant 48 : index
        %parallel_loop3A_776 = tpu.vector_load %arg10[%parallel_loop3A_774, %parallel_loop3A_775] {strides = array<i32>} : memref<128x64xf32, #tpu.memory_space<vmem>>, vector<1x16xf32>,
        %parallel_loop3A_777 = vector.shape_cast %parallel_loop3A_776 : vector<1x16xf32> to vector<16xf32>
        %parallel_loop3A_778 = arith.mulf %parallel_loop3A_777, %parallel_loop3A_729 : vector<16xf32>
        %parallel_loop3A_779 = arith.constant 9 : i32
        %parallel_loop3A_780 = arith.addi %parallel_loop3A_195, %parallel_loop3A_779 : i32
        %parallel_loop3A_781 = arith.index_cast %parallel_loop3A_780 : i32 to index
        %parallel_loop3A_782 = arith.constant 48 : index
        %parallel_loop3A_783 = tpu.vector_load %arg10[%parallel_loop3A_781, %parallel_loop3A_782] {strides = array<i32>} : memref<128x64xf32, #tpu.memory_space<vmem>>, vector<1x16xf32>,
        %parallel_loop3A_784 = vector.shape_cast %parallel_loop3A_783 : vector<1x16xf32> to vector<16xf32>
        %parallel_loop3A_785 = vector.shape_cast %parallel_loop3A_778 : vector<16xf32> to vector<1x16xf32>
        tpu.vector_store %arg10[%parallel_loop3A_781, %parallel_loop3A_782], %parallel_loop3A_785 {strides = array<i32>} : memref<128x64xf32, #tpu.memory_space<vmem>>, vector<1x16xf32>,
        %parallel_loop3A_786 = vector.extract_strided_slice %parallel_loop3A_193 {offsets = [10], sizes = [1], strides = [1]} : vector<16xf32> to vector<1xf32>
        %parallel_loop3A_787 = vector.extract %parallel_loop3A_786[0] : f32 from vector<1xf32>
        %parallel_loop3A_788 = vector.broadcast %parallel_loop3A_787 : f32 to vector<16xf32>
        %parallel_loop3A_789 = arith.constant 10 : i32
        %parallel_loop3A_790 = arith.addi %parallel_loop3A_195, %parallel_loop3A_789 : i32
        %parallel_loop3A_791 = arith.index_cast %parallel_loop3A_790 : i32 to index
        %parallel_loop3A_792 = arith.constant 0 : index
        %parallel_loop3A_793 = tpu.vector_load %arg10[%parallel_loop3A_791, %parallel_loop3A_792] {strides = array<i32>} : memref<128x64xf32, #tpu.memory_space<vmem>>, vector<1x16xf32>,
        %parallel_loop3A_794 = vector.shape_cast %parallel_loop3A_793 : vector<1x16xf32> to vector<16xf32>
        %parallel_loop3A_795 = arith.mulf %parallel_loop3A_794, %parallel_loop3A_788 : vector<16xf32>
        %parallel_loop3A_796 = arith.constant 10 : i32
        %parallel_loop3A_797 = arith.addi %parallel_loop3A_195, %parallel_loop3A_796 : i32
        %parallel_loop3A_798 = arith.index_cast %parallel_loop3A_797 : i32 to index
        %parallel_loop3A_799 = arith.constant 0 : index
        %parallel_loop3A_800 = tpu.vector_load %arg10[%parallel_loop3A_798, %parallel_loop3A_799] {strides = array<i32>} : memref<128x64xf32, #tpu.memory_space<vmem>>, vector<1x16xf32>,
        %parallel_loop3A_801 = vector.shape_cast %parallel_loop3A_800 : vector<1x16xf32> to vector<16xf32>
        %parallel_loop3A_802 = vector.shape_cast %parallel_loop3A_795 : vector<16xf32> to vector<1x16xf32>
        tpu.vector_store %arg10[%parallel_loop3A_798, %parallel_loop3A_799], %parallel_loop3A_802 {strides = array<i32>} : memref<128x64xf32, #tpu.memory_space<vmem>>, vector<1x16xf32>,
        %parallel_loop3A_803 = arith.constant 10 : i32
        %parallel_loop3A_804 = arith.addi %parallel_loop3A_195, %parallel_loop3A_803 : i32
        %parallel_loop3A_805 = arith.index_cast %parallel_loop3A_804 : i32 to index
        %parallel_loop3A_806 = arith.constant 16 : index
        %parallel_loop3A_807 = tpu.vector_load %arg10[%parallel_loop3A_805, %parallel_loop3A_806] {strides = array<i32>} : memref<128x64xf32, #tpu.memory_space<vmem>>, vector<1x16xf32>,
        %parallel_loop3A_808 = vector.shape_cast %parallel_loop3A_807 : vector<1x16xf32> to vector<16xf32>
        %parallel_loop3A_809 = arith.mulf %parallel_loop3A_808, %parallel_loop3A_788 : vector<16xf32>
        %parallel_loop3A_810 = arith.constant 10 : i32
        %parallel_loop3A_811 = arith.addi %parallel_loop3A_195, %parallel_loop3A_810 : i32
        %parallel_loop3A_812 = arith.index_cast %parallel_loop3A_811 : i32 to index
        %parallel_loop3A_813 = arith.constant 16 : index
        %parallel_loop3A_814 = tpu.vector_load %arg10[%parallel_loop3A_812, %parallel_loop3A_813] {strides = array<i32>} : memref<128x64xf32, #tpu.memory_space<vmem>>, vector<1x16xf32>,
        %parallel_loop3A_815 = vector.shape_cast %parallel_loop3A_814 : vector<1x16xf32> to vector<16xf32>
        %parallel_loop3A_816 = vector.shape_cast %parallel_loop3A_809 : vector<16xf32> to vector<1x16xf32>
        tpu.vector_store %arg10[%parallel_loop3A_812, %parallel_loop3A_813], %parallel_loop3A_816 {strides = array<i32>} : memref<128x64xf32, #tpu.memory_space<vmem>>, vector<1x16xf32>,
        %parallel_loop3A_817 = arith.constant 10 : i32
        %parallel_loop3A_818 = arith.addi %parallel_loop3A_195, %parallel_loop3A_817 : i32
        %parallel_loop3A_819 = arith.index_cast %parallel_loop3A_818 : i32 to index
        %parallel_loop3A_820 = arith.constant 32 : index
        %parallel_loop3A_821 = tpu.vector_load %arg10[%parallel_loop3A_819, %parallel_loop3A_820] {strides = array<i32>} : memref<128x64xf32, #tpu.memory_space<vmem>>, vector<1x16xf32>,
        %parallel_loop3A_822 = vector.shape_cast %parallel_loop3A_821 : vector<1x16xf32> to vector<16xf32>
        %parallel_loop3A_823 = arith.mulf %parallel_loop3A_822, %parallel_loop3A_788 : vector<16xf32>
        %parallel_loop3A_824 = arith.constant 10 : i32
        %parallel_loop3A_825 = arith.addi %parallel_loop3A_195, %parallel_loop3A_824 : i32
        %parallel_loop3A_826 = arith.index_cast %parallel_loop3A_825 : i32 to index
        %parallel_loop3A_827 = arith.constant 32 : index
        %parallel_loop3A_828 = tpu.vector_load %arg10[%parallel_loop3A_826, %parallel_loop3A_827] {strides = array<i32>} : memref<128x64xf32, #tpu.memory_space<vmem>>, vector<1x16xf32>,
        %parallel_loop3A_829 = vector.shape_cast %parallel_loop3A_828 : vector<1x16xf32> to vector<16xf32>
        %parallel_loop3A_830 = vector.shape_cast %parallel_loop3A_823 : vector<16xf32> to vector<1x16xf32>
        tpu.vector_store %arg10[%parallel_loop3A_826, %parallel_loop3A_827], %parallel_loop3A_830 {strides = array<i32>} : memref<128x64xf32, #tpu.memory_space<vmem>>, vector<1x16xf32>,
        %parallel_loop3A_831 = arith.constant 10 : i32
        %parallel_loop3A_832 = arith.addi %parallel_loop3A_195, %parallel_loop3A_831 : i32
        %parallel_loop3A_833 = arith.index_cast %parallel_loop3A_832 : i32 to index
        %parallel_loop3A_834 = arith.constant 48 : index
        %parallel_loop3A_835 = tpu.vector_load %arg10[%parallel_loop3A_833, %parallel_loop3A_834] {strides = array<i32>} : memref<128x64xf32, #tpu.memory_space<vmem>>, vector<1x16xf32>,
        %parallel_loop3A_836 = vector.shape_cast %parallel_loop3A_835 : vector<1x16xf32> to vector<16xf32>
        %parallel_loop3A_837 = arith.mulf %parallel_loop3A_836, %parallel_loop3A_788 : vector<16xf32>
        %parallel_loop3A_838 = arith.constant 10 : i32
        %parallel_loop3A_839 = arith.addi %parallel_loop3A_195, %parallel_loop3A_838 : i32
        %parallel_loop3A_840 = arith.index_cast %parallel_loop3A_839 : i32 to index
        %parallel_loop3A_841 = arith.constant 48 : index
        %parallel_loop3A_842 = tpu.vector_load %arg10[%parallel_loop3A_840, %parallel_loop3A_841] {strides = array<i32>} : memref<128x64xf32, #tpu.memory_space<vmem>>, vector<1x16xf32>,
        %parallel_loop3A_843 = vector.shape_cast %parallel_loop3A_842 : vector<1x16xf32> to vector<16xf32>
        %parallel_loop3A_844 = vector.shape_cast %parallel_loop3A_837 : vector<16xf32> to vector<1x16xf32>
        tpu.vector_store %arg10[%parallel_loop3A_840, %parallel_loop3A_841], %parallel_loop3A_844 {strides = array<i32>} : memref<128x64xf32, #tpu.memory_space<vmem>>, vector<1x16xf32>,
        %parallel_loop3A_845 = vector.extract_strided_slice %parallel_loop3A_193 {offsets = [11], sizes = [1], strides = [1]} : vector<16xf32> to vector<1xf32>
        %parallel_loop3A_846 = vector.extract %parallel_loop3A_845[0] : f32 from vector<1xf32>
        %parallel_loop3A_847 = vector.broadcast %parallel_loop3A_846 : f32 to vector<16xf32>
        %parallel_loop3A_848 = arith.constant 11 : i32
        %parallel_loop3A_849 = arith.addi %parallel_loop3A_195, %parallel_loop3A_848 : i32
        %parallel_loop3A_850 = arith.index_cast %parallel_loop3A_849 : i32 to index
        %parallel_loop3A_851 = arith.constant 0 : index
        %parallel_loop3A_852 = tpu.vector_load %arg10[%parallel_loop3A_850, %parallel_loop3A_851] {strides = array<i32>} : memref<128x64xf32, #tpu.memory_space<vmem>>, vector<1x16xf32>,
        %parallel_loop3A_853 = vector.shape_cast %parallel_loop3A_852 : vector<1x16xf32> to vector<16xf32>
        %parallel_loop3A_854 = arith.mulf %parallel_loop3A_853, %parallel_loop3A_847 : vector<16xf32>
        %parallel_loop3A_855 = arith.constant 11 : i32
        %parallel_loop3A_856 = arith.addi %parallel_loop3A_195, %parallel_loop3A_855 : i32
        %parallel_loop3A_857 = arith.index_cast %parallel_loop3A_856 : i32 to index
        %parallel_loop3A_858 = arith.constant 0 : index
        %parallel_loop3A_859 = tpu.vector_load %arg10[%parallel_loop3A_857, %parallel_loop3A_858] {strides = array<i32>} : memref<128x64xf32, #tpu.memory_space<vmem>>, vector<1x16xf32>,
        %parallel_loop3A_860 = vector.shape_cast %parallel_loop3A_859 : vector<1x16xf32> to vector<16xf32>
        %parallel_loop3A_861 = vector.shape_cast %parallel_loop3A_854 : vector<16xf32> to vector<1x16xf32>
        tpu.vector_store %arg10[%parallel_loop3A_857, %parallel_loop3A_858], %parallel_loop3A_861 {strides = array<i32>} : memref<128x64xf32, #tpu.memory_space<vmem>>, vector<1x16xf32>,
        %parallel_loop3A_862 = arith.constant 11 : i32
        %parallel_loop3A_863 = arith.addi %parallel_loop3A_195, %parallel_loop3A_862 : i32
        %parallel_loop3A_864 = arith.index_cast %parallel_loop3A_863 : i32 to index
        %parallel_loop3A_865 = arith.constant 16 : index
        %parallel_loop3A_866 = tpu.vector_load %arg10[%parallel_loop3A_864, %parallel_loop3A_865] {strides = array<i32>} : memref<128x64xf32, #tpu.memory_space<vmem>>, vector<1x16xf32>,
        %parallel_loop3A_867 = vector.shape_cast %parallel_loop3A_866 : vector<1x16xf32> to vector<16xf32>
        %parallel_loop3A_868 = arith.mulf %parallel_loop3A_867, %parallel_loop3A_847 : vector<16xf32>
        %parallel_loop3A_869 = arith.constant 11 : i32
        %parallel_loop3A_870 = arith.addi %parallel_loop3A_195, %parallel_loop3A_869 : i32
        %parallel_loop3A_871 = arith.index_cast %parallel_loop3A_870 : i32 to index
        %parallel_loop3A_872 = arith.constant 16 : index
        %parallel_loop3A_873 = tpu.vector_load %arg10[%parallel_loop3A_871, %parallel_loop3A_872] {strides = array<i32>} : memref<128x64xf32, #tpu.memory_space<vmem>>, vector<1x16xf32>,
        %parallel_loop3A_874 = vector.shape_cast %parallel_loop3A_873 : vector<1x16xf32> to vector<16xf32>
        %parallel_loop3A_875 = vector.shape_cast %parallel_loop3A_868 : vector<16xf32> to vector<1x16xf32>
        tpu.vector_store %arg10[%parallel_loop3A_871, %parallel_loop3A_872], %parallel_loop3A_875 {strides = array<i32>} : memref<128x64xf32, #tpu.memory_space<vmem>>, vector<1x16xf32>,
        %parallel_loop3A_876 = arith.constant 11 : i32
        %parallel_loop3A_877 = arith.addi %parallel_loop3A_195, %parallel_loop3A_876 : i32
        %parallel_loop3A_878 = arith.index_cast %parallel_loop3A_877 : i32 to index
        %parallel_loop3A_879 = arith.constant 32 : index
        %parallel_loop3A_880 = tpu.vector_load %arg10[%parallel_loop3A_878, %parallel_loop3A_879] {strides = array<i32>} : memref<128x64xf32, #tpu.memory_space<vmem>>, vector<1x16xf32>,
        %parallel_loop3A_881 = vector.shape_cast %parallel_loop3A_880 : vector<1x16xf32> to vector<16xf32>
        %parallel_loop3A_882 = arith.mulf %parallel_loop3A_881, %parallel_loop3A_847 : vector<16xf32>
        %parallel_loop3A_883 = arith.constant 11 : i32
        %parallel_loop3A_884 = arith.addi %parallel_loop3A_195, %parallel_loop3A_883 : i32
        %parallel_loop3A_885 = arith.index_cast %parallel_loop3A_884 : i32 to index
        %parallel_loop3A_886 = arith.constant 32 : index
        %parallel_loop3A_887 = tpu.vector_load %arg10[%parallel_loop3A_885, %parallel_loop3A_886] {strides = array<i32>} : memref<128x64xf32, #tpu.memory_space<vmem>>, vector<1x16xf32>,
        %parallel_loop3A_888 = vector.shape_cast %parallel_loop3A_887 : vector<1x16xf32> to vector<16xf32>
        %parallel_loop3A_889 = vector.shape_cast %parallel_loop3A_882 : vector<16xf32> to vector<1x16xf32>
        tpu.vector_store %arg10[%parallel_loop3A_885, %parallel_loop3A_886], %parallel_loop3A_889 {strides = array<i32>} : memref<128x64xf32, #tpu.memory_space<vmem>>, vector<1x16xf32>,
        %parallel_loop3A_890 = arith.constant 11 : i32
        %parallel_loop3A_891 = arith.addi %parallel_loop3A_195, %parallel_loop3A_890 : i32
        %parallel_loop3A_892 = arith.index_cast %parallel_loop3A_891 : i32 to index
        %parallel_loop3A_893 = arith.constant 48 : index
        %parallel_loop3A_894 = tpu.vector_load %arg10[%parallel_loop3A_892, %parallel_loop3A_893] {strides = array<i32>} : memref<128x64xf32, #tpu.memory_space<vmem>>, vector<1x16xf32>,
        %parallel_loop3A_895 = vector.shape_cast %parallel_loop3A_894 : vector<1x16xf32> to vector<16xf32>
        %parallel_loop3A_896 = arith.mulf %parallel_loop3A_895, %parallel_loop3A_847 : vector<16xf32>
        %parallel_loop3A_897 = arith.constant 11 : i32
        %parallel_loop3A_898 = arith.addi %parallel_loop3A_195, %parallel_loop3A_897 : i32
        %parallel_loop3A_899 = arith.index_cast %parallel_loop3A_898 : i32 to index
        %parallel_loop3A_900 = arith.constant 48 : index
        %parallel_loop3A_901 = tpu.vector_load %arg10[%parallel_loop3A_899, %parallel_loop3A_900] {strides = array<i32>} : memref<128x64xf32, #tpu.memory_space<vmem>>, vector<1x16xf32>,
        %parallel_loop3A_902 = vector.shape_cast %parallel_loop3A_901 : vector<1x16xf32> to vector<16xf32>
        %parallel_loop3A_903 = vector.shape_cast %parallel_loop3A_896 : vector<16xf32> to vector<1x16xf32>
        tpu.vector_store %arg10[%parallel_loop3A_899, %parallel_loop3A_900], %parallel_loop3A_903 {strides = array<i32>} : memref<128x64xf32, #tpu.memory_space<vmem>>, vector<1x16xf32>,
        %parallel_loop3A_904 = vector.extract_strided_slice %parallel_loop3A_193 {offsets = [12], sizes = [1], strides = [1]} : vector<16xf32> to vector<1xf32>
        %parallel_loop3A_905 = vector.extract %parallel_loop3A_904[0] : f32 from vector<1xf32>
        %parallel_loop3A_906 = vector.broadcast %parallel_loop3A_905 : f32 to vector<16xf32>
        %parallel_loop3A_907 = arith.constant 12 : i32
        %parallel_loop3A_908 = arith.addi %parallel_loop3A_195, %parallel_loop3A_907 : i32
        %parallel_loop3A_909 = arith.index_cast %parallel_loop3A_908 : i32 to index
        %parallel_loop3A_910 = arith.constant 0 : index
        %parallel_loop3A_911 = tpu.vector_load %arg10[%parallel_loop3A_909, %parallel_loop3A_910] {strides = array<i32>} : memref<128x64xf32, #tpu.memory_space<vmem>>, vector<1x16xf32>,
        %parallel_loop3A_912 = vector.shape_cast %parallel_loop3A_911 : vector<1x16xf32> to vector<16xf32>
        %parallel_loop3A_913 = arith.mulf %parallel_loop3A_912, %parallel_loop3A_906 : vector<16xf32>
        %parallel_loop3A_914 = arith.constant 12 : i32
        %parallel_loop3A_915 = arith.addi %parallel_loop3A_195, %parallel_loop3A_914 : i32
        %parallel_loop3A_916 = arith.index_cast %parallel_loop3A_915 : i32 to index
        %parallel_loop3A_917 = arith.constant 0 : index
        %parallel_loop3A_918 = tpu.vector_load %arg10[%parallel_loop3A_916, %parallel_loop3A_917] {strides = array<i32>} : memref<128x64xf32, #tpu.memory_space<vmem>>, vector<1x16xf32>,
        %parallel_loop3A_919 = vector.shape_cast %parallel_loop3A_918 : vector<1x16xf32> to vector<16xf32>
        %parallel_loop3A_920 = vector.shape_cast %parallel_loop3A_913 : vector<16xf32> to vector<1x16xf32>
        tpu.vector_store %arg10[%parallel_loop3A_916, %parallel_loop3A_917], %parallel_loop3A_920 {strides = array<i32>} : memref<128x64xf32, #tpu.memory_space<vmem>>, vector<1x16xf32>,
        %parallel_loop3A_921 = arith.constant 12 : i32
        %parallel_loop3A_922 = arith.addi %parallel_loop3A_195, %parallel_loop3A_921 : i32
        %parallel_loop3A_923 = arith.index_cast %parallel_loop3A_922 : i32 to index
        %parallel_loop3A_924 = arith.constant 16 : index
        %parallel_loop3A_925 = tpu.vector_load %arg10[%parallel_loop3A_923, %parallel_loop3A_924] {strides = array<i32>} : memref<128x64xf32, #tpu.memory_space<vmem>>, vector<1x16xf32>,
        %parallel_loop3A_926 = vector.shape_cast %parallel_loop3A_925 : vector<1x16xf32> to vector<16xf32>
        %parallel_loop3A_927 = arith.mulf %parallel_loop3A_926, %parallel_loop3A_906 : vector<16xf32>
        %parallel_loop3A_928 = arith.constant 12 : i32
        %parallel_loop3A_929 = arith.addi %parallel_loop3A_195, %parallel_loop3A_928 : i32
        %parallel_loop3A_930 = arith.index_cast %parallel_loop3A_929 : i32 to index
        %parallel_loop3A_931 = arith.constant 16 : index
        %parallel_loop3A_932 = tpu.vector_load %arg10[%parallel_loop3A_930, %parallel_loop3A_931] {strides = array<i32>} : memref<128x64xf32, #tpu.memory_space<vmem>>, vector<1x16xf32>,
        %parallel_loop3A_933 = vector.shape_cast %parallel_loop3A_932 : vector<1x16xf32> to vector<16xf32>
        %parallel_loop3A_934 = vector.shape_cast %parallel_loop3A_927 : vector<16xf32> to vector<1x16xf32>
        tpu.vector_store %arg10[%parallel_loop3A_930, %parallel_loop3A_931], %parallel_loop3A_934 {strides = array<i32>} : memref<128x64xf32, #tpu.memory_space<vmem>>, vector<1x16xf32>,
        %parallel_loop3A_935 = arith.constant 12 : i32
        %parallel_loop3A_936 = arith.addi %parallel_loop3A_195, %parallel_loop3A_935 : i32
        %parallel_loop3A_937 = arith.index_cast %parallel_loop3A_936 : i32 to index
        %parallel_loop3A_938 = arith.constant 32 : index
        %parallel_loop3A_939 = tpu.vector_load %arg10[%parallel_loop3A_937, %parallel_loop3A_938] {strides = array<i32>} : memref<128x64xf32, #tpu.memory_space<vmem>>, vector<1x16xf32>,
        %parallel_loop3A_940 = vector.shape_cast %parallel_loop3A_939 : vector<1x16xf32> to vector<16xf32>
        %parallel_loop3A_941 = arith.mulf %parallel_loop3A_940, %parallel_loop3A_906 : vector<16xf32>
        %parallel_loop3A_942 = arith.constant 12 : i32
        %parallel_loop3A_943 = arith.addi %parallel_loop3A_195, %parallel_loop3A_942 : i32
        %parallel_loop3A_944 = arith.index_cast %parallel_loop3A_943 : i32 to index
        %parallel_loop3A_945 = arith.constant 32 : index
        %parallel_loop3A_946 = tpu.vector_load %arg10[%parallel_loop3A_944, %parallel_loop3A_945] {strides = array<i32>} : memref<128x64xf32, #tpu.memory_space<vmem>>, vector<1x16xf32>,
        %parallel_loop3A_947 = vector.shape_cast %parallel_loop3A_946 : vector<1x16xf32> to vector<16xf32>
        %parallel_loop3A_948 = vector.shape_cast %parallel_loop3A_941 : vector<16xf32> to vector<1x16xf32>
        tpu.vector_store %arg10[%parallel_loop3A_944, %parallel_loop3A_945], %parallel_loop3A_948 {strides = array<i32>} : memref<128x64xf32, #tpu.memory_space<vmem>>, vector<1x16xf32>,
        %parallel_loop3A_949 = arith.constant 12 : i32
        %parallel_loop3A_950 = arith.addi %parallel_loop3A_195, %parallel_loop3A_949 : i32
        %parallel_loop3A_951 = arith.index_cast %parallel_loop3A_950 : i32 to index
        %parallel_loop3A_952 = arith.constant 48 : index
        %parallel_loop3A_953 = tpu.vector_load %arg10[%parallel_loop3A_951, %parallel_loop3A_952] {strides = array<i32>} : memref<128x64xf32, #tpu.memory_space<vmem>>, vector<1x16xf32>,
        %parallel_loop3A_954 = vector.shape_cast %parallel_loop3A_953 : vector<1x16xf32> to vector<16xf32>
        %parallel_loop3A_955 = arith.mulf %parallel_loop3A_954, %parallel_loop3A_906 : vector<16xf32>
        %parallel_loop3A_956 = arith.constant 12 : i32
        %parallel_loop3A_957 = arith.addi %parallel_loop3A_195, %parallel_loop3A_956 : i32
        %parallel_loop3A_958 = arith.index_cast %parallel_loop3A_957 : i32 to index
        %parallel_loop3A_959 = arith.constant 48 : index
        %parallel_loop3A_960 = tpu.vector_load %arg10[%parallel_loop3A_958, %parallel_loop3A_959] {strides = array<i32>} : memref<128x64xf32, #tpu.memory_space<vmem>>, vector<1x16xf32>,
        %parallel_loop3A_961 = vector.shape_cast %parallel_loop3A_960 : vector<1x16xf32> to vector<16xf32>
        %parallel_loop3A_962 = vector.shape_cast %parallel_loop3A_955 : vector<16xf32> to vector<1x16xf32>
        tpu.vector_store %arg10[%parallel_loop3A_958, %parallel_loop3A_959], %parallel_loop3A_962 {strides = array<i32>} : memref<128x64xf32, #tpu.memory_space<vmem>>, vector<1x16xf32>,
        %parallel_loop3A_963 = vector.extract_strided_slice %parallel_loop3A_193 {offsets = [13], sizes = [1], strides = [1]} : vector<16xf32> to vector<1xf32>
        %parallel_loop3A_964 = vector.extract %parallel_loop3A_963[0] : f32 from vector<1xf32>
        %parallel_loop3A_965 = vector.broadcast %parallel_loop3A_964 : f32 to vector<16xf32>
        %parallel_loop3A_966 = arith.constant 13 : i32
        %parallel_loop3A_967 = arith.addi %parallel_loop3A_195, %parallel_loop3A_966 : i32
        %parallel_loop3A_968 = arith.index_cast %parallel_loop3A_967 : i32 to index
        %parallel_loop3A_969 = arith.constant 0 : index
        %parallel_loop3A_970 = tpu.vector_load %arg10[%parallel_loop3A_968, %parallel_loop3A_969] {strides = array<i32>} : memref<128x64xf32, #tpu.memory_space<vmem>>, vector<1x16xf32>,
        %parallel_loop3A_971 = vector.shape_cast %parallel_loop3A_970 : vector<1x16xf32> to vector<16xf32>
        %parallel_loop3A_972 = arith.mulf %parallel_loop3A_971, %parallel_loop3A_965 : vector<16xf32>
        %parallel_loop3A_973 = arith.constant 13 : i32
        %parallel_loop3A_974 = arith.addi %parallel_loop3A_195, %parallel_loop3A_973 : i32
        %parallel_loop3A_975 = arith.index_cast %parallel_loop3A_974 : i32 to index
        %parallel_loop3A_976 = arith.constant 0 : index
        %parallel_loop3A_977 = tpu.vector_load %arg10[%parallel_loop3A_975, %parallel_loop3A_976] {strides = array<i32>} : memref<128x64xf32, #tpu.memory_space<vmem>>, vector<1x16xf32>,
        %parallel_loop3A_978 = vector.shape_cast %parallel_loop3A_977 : vector<1x16xf32> to vector<16xf32>
        %parallel_loop3A_979 = vector.shape_cast %parallel_loop3A_972 : vector<16xf32> to vector<1x16xf32>
        tpu.vector_store %arg10[%parallel_loop3A_975, %parallel_loop3A_976], %parallel_loop3A_979 {strides = array<i32>} : memref<128x64xf32, #tpu.memory_space<vmem>>, vector<1x16xf32>,
        %parallel_loop3A_980 = arith.constant 13 : i32
        %parallel_loop3A_981 = arith.addi %parallel_loop3A_195, %parallel_loop3A_980 : i32
        %parallel_loop3A_982 = arith.index_cast %parallel_loop3A_981 : i32 to index
        %parallel_loop3A_983 = arith.constant 16 : index
        %parallel_loop3A_984 = tpu.vector_load %arg10[%parallel_loop3A_982, %parallel_loop3A_983] {strides = array<i32>} : memref<128x64xf32, #tpu.memory_space<vmem>>, vector<1x16xf32>,
        %parallel_loop3A_985 = vector.shape_cast %parallel_loop3A_984 : vector<1x16xf32> to vector<16xf32>
        %parallel_loop3A_986 = arith.mulf %parallel_loop3A_985, %parallel_loop3A_965 : vector<16xf32>
        %parallel_loop3A_987 = arith.constant 13 : i32
        %parallel_loop3A_988 = arith.addi %parallel_loop3A_195, %parallel_loop3A_987 : i32
        %parallel_loop3A_989 = arith.index_cast %parallel_loop3A_988 : i32 to index
        %parallel_loop3A_990 = arith.constant 16 : index
        %parallel_loop3A_991 = tpu.vector_load %arg10[%parallel_loop3A_989, %parallel_loop3A_990] {strides = array<i32>} : memref<128x64xf32, #tpu.memory_space<vmem>>, vector<1x16xf32>,
        %parallel_loop3A_992 = vector.shape_cast %parallel_loop3A_991 : vector<1x16xf32> to vector<16xf32>
        %parallel_loop3A_993 = vector.shape_cast %parallel_loop3A_986 : vector<16xf32> to vector<1x16xf32>
        tpu.vector_store %arg10[%parallel_loop3A_989, %parallel_loop3A_990], %parallel_loop3A_993 {strides = array<i32>} : memref<128x64xf32, #tpu.memory_space<vmem>>, vector<1x16xf32>,
        %parallel_loop3A_994 = arith.constant 13 : i32
        %parallel_loop3A_995 = arith.addi %parallel_loop3A_195, %parallel_loop3A_994 : i32
        %parallel_loop3A_996 = arith.index_cast %parallel_loop3A_995 : i32 to index
        %parallel_loop3A_997 = arith.constant 32 : index
        %parallel_loop3A_998 = tpu.vector_load %arg10[%parallel_loop3A_996, %parallel_loop3A_997] {strides = array<i32>} : memref<128x64xf32, #tpu.memory_space<vmem>>, vector<1x16xf32>,
        %parallel_loop3A_999 = vector.shape_cast %parallel_loop3A_998 : vector<1x16xf32> to vector<16xf32>
        %parallel_loop3A_1000 = arith.mulf %parallel_loop3A_999, %parallel_loop3A_965 : vector<16xf32>
        %parallel_loop3A_1001 = arith.constant 13 : i32
        %parallel_loop3A_1002 = arith.addi %parallel_loop3A_195, %parallel_loop3A_1001 : i32
        %parallel_loop3A_1003 = arith.index_cast %parallel_loop3A_1002 : i32 to index
        %parallel_loop3A_1004 = arith.constant 32 : index
        %parallel_loop3A_1005 = tpu.vector_load %arg10[%parallel_loop3A_1003, %parallel_loop3A_1004] {strides = array<i32>} : memref<128x64xf32, #tpu.memory_space<vmem>>, vector<1x16xf32>,
        %parallel_loop3A_1006 = vector.shape_cast %parallel_loop3A_1005 : vector<1x16xf32> to vector<16xf32>
        %parallel_loop3A_1007 = vector.shape_cast %parallel_loop3A_1000 : vector<16xf32> to vector<1x16xf32>
        tpu.vector_store %arg10[%parallel_loop3A_1003, %parallel_loop3A_1004], %parallel_loop3A_1007 {strides = array<i32>} : memref<128x64xf32, #tpu.memory_space<vmem>>, vector<1x16xf32>,
        %parallel_loop3A_1008 = arith.constant 13 : i32
        %parallel_loop3A_1009 = arith.addi %parallel_loop3A_195, %parallel_loop3A_1008 : i32
        %parallel_loop3A_1010 = arith.index_cast %parallel_loop3A_1009 : i32 to index
        %parallel_loop3A_1011 = arith.constant 48 : index
        %parallel_loop3A_1012 = tpu.vector_load %arg10[%parallel_loop3A_1010, %parallel_loop3A_1011] {strides = array<i32>} : memref<128x64xf32, #tpu.memory_space<vmem>>, vector<1x16xf32>,
        %parallel_loop3A_1013 = vector.shape_cast %parallel_loop3A_1012 : vector<1x16xf32> to vector<16xf32>
        %parallel_loop3A_1014 = arith.mulf %parallel_loop3A_1013, %parallel_loop3A_965 : vector<16xf32>
        %parallel_loop3A_1015 = arith.constant 13 : i32
        %parallel_loop3A_1016 = arith.addi %parallel_loop3A_195, %parallel_loop3A_1015 : i32
        %parallel_loop3A_1017 = arith.index_cast %parallel_loop3A_1016 : i32 to index
        %parallel_loop3A_1018 = arith.constant 48 : index
        %parallel_loop3A_1019 = tpu.vector_load %arg10[%parallel_loop3A_1017, %parallel_loop3A_1018] {strides = array<i32>} : memref<128x64xf32, #tpu.memory_space<vmem>>, vector<1x16xf32>,
        %parallel_loop3A_1020 = vector.shape_cast %parallel_loop3A_1019 : vector<1x16xf32> to vector<16xf32>
        %parallel_loop3A_1021 = vector.shape_cast %parallel_loop3A_1014 : vector<16xf32> to vector<1x16xf32>
        tpu.vector_store %arg10[%parallel_loop3A_1017, %parallel_loop3A_1018], %parallel_loop3A_1021 {strides = array<i32>} : memref<128x64xf32, #tpu.memory_space<vmem>>, vector<1x16xf32>,
        %parallel_loop3A_1022 = vector.extract_strided_slice %parallel_loop3A_193 {offsets = [14], sizes = [1], strides = [1]} : vector<16xf32> to vector<1xf32>
        %parallel_loop3A_1023 = vector.extract %parallel_loop3A_1022[0] : f32 from vector<1xf32>
        %parallel_loop3A_1024 = vector.broadcast %parallel_loop3A_1023 : f32 to vector<16xf32>
        %parallel_loop3A_1025 = arith.constant 14 : i32
        %parallel_loop3A_1026 = arith.addi %parallel_loop3A_195, %parallel_loop3A_1025 : i32
        %parallel_loop3A_1027 = arith.index_cast %parallel_loop3A_1026 : i32 to index
        %parallel_loop3A_1028 = arith.constant 0 : index
        %parallel_loop3A_1029 = tpu.vector_load %arg10[%parallel_loop3A_1027, %parallel_loop3A_1028] {strides = array<i32>} : memref<128x64xf32, #tpu.memory_space<vmem>>, vector<1x16xf32>,
        %parallel_loop3A_1030 = vector.shape_cast %parallel_loop3A_1029 : vector<1x16xf32> to vector<16xf32>
        %parallel_loop3A_1031 = arith.mulf %parallel_loop3A_1030, %parallel_loop3A_1024 : vector<16xf32>
        %parallel_loop3A_1032 = arith.constant 14 : i32
        %parallel_loop3A_1033 = arith.addi %parallel_loop3A_195, %parallel_loop3A_1032 : i32
        %parallel_loop3A_1034 = arith.index_cast %parallel_loop3A_1033 : i32 to index
        %parallel_loop3A_1035 = arith.constant 0 : index
        %parallel_loop3A_1036 = tpu.vector_load %arg10[%parallel_loop3A_1034, %parallel_loop3A_1035] {strides = array<i32>} : memref<128x64xf32, #tpu.memory_space<vmem>>, vector<1x16xf32>,
        %parallel_loop3A_1037 = vector.shape_cast %parallel_loop3A_1036 : vector<1x16xf32> to vector<16xf32>
        %parallel_loop3A_1038 = vector.shape_cast %parallel_loop3A_1031 : vector<16xf32> to vector<1x16xf32>
        tpu.vector_store %arg10[%parallel_loop3A_1034, %parallel_loop3A_1035], %parallel_loop3A_1038 {strides = array<i32>} : memref<128x64xf32, #tpu.memory_space<vmem>>, vector<1x16xf32>,
        %parallel_loop3A_1039 = arith.constant 14 : i32
        %parallel_loop3A_1040 = arith.addi %parallel_loop3A_195, %parallel_loop3A_1039 : i32
        %parallel_loop3A_1041 = arith.index_cast %parallel_loop3A_1040 : i32 to index
        %parallel_loop3A_1042 = arith.constant 16 : index
        %parallel_loop3A_1043 = tpu.vector_load %arg10[%parallel_loop3A_1041, %parallel_loop3A_1042] {strides = array<i32>} : memref<128x64xf32, #tpu.memory_space<vmem>>, vector<1x16xf32>,
        %parallel_loop3A_1044 = vector.shape_cast %parallel_loop3A_1043 : vector<1x16xf32> to vector<16xf32>
        %parallel_loop3A_1045 = arith.mulf %parallel_loop3A_1044, %parallel_loop3A_1024 : vector<16xf32>
        %parallel_loop3A_1046 = arith.constant 14 : i32
        %parallel_loop3A_1047 = arith.addi %parallel_loop3A_195, %parallel_loop3A_1046 : i32
        %parallel_loop3A_1048 = arith.index_cast %parallel_loop3A_1047 : i32 to index
        %parallel_loop3A_1049 = arith.constant 16 : index
        %parallel_loop3A_1050 = tpu.vector_load %arg10[%parallel_loop3A_1048, %parallel_loop3A_1049] {strides = array<i32>} : memref<128x64xf32, #tpu.memory_space<vmem>>, vector<1x16xf32>,
        %parallel_loop3A_1051 = vector.shape_cast %parallel_loop3A_1050 : vector<1x16xf32> to vector<16xf32>
        %parallel_loop3A_1052 = vector.shape_cast %parallel_loop3A_1045 : vector<16xf32> to vector<1x16xf32>
        tpu.vector_store %arg10[%parallel_loop3A_1048, %parallel_loop3A_1049], %parallel_loop3A_1052 {strides = array<i32>} : memref<128x64xf32, #tpu.memory_space<vmem>>, vector<1x16xf32>,
        %parallel_loop3A_1053 = arith.constant 14 : i32
        %parallel_loop3A_1054 = arith.addi %parallel_loop3A_195, %parallel_loop3A_1053 : i32
        %parallel_loop3A_1055 = arith.index_cast %parallel_loop3A_1054 : i32 to index
        %parallel_loop3A_1056 = arith.constant 32 : index
        %parallel_loop3A_1057 = tpu.vector_load %arg10[%parallel_loop3A_1055, %parallel_loop3A_1056] {strides = array<i32>} : memref<128x64xf32, #tpu.memory_space<vmem>>, vector<1x16xf32>,
        %parallel_loop3A_1058 = vector.shape_cast %parallel_loop3A_1057 : vector<1x16xf32> to vector<16xf32>
        %parallel_loop3A_1059 = arith.mulf %parallel_loop3A_1058, %parallel_loop3A_1024 : vector<16xf32>
        %parallel_loop3A_1060 = arith.constant 14 : i32
        %parallel_loop3A_1061 = arith.addi %parallel_loop3A_195, %parallel_loop3A_1060 : i32
        %parallel_loop3A_1062 = arith.index_cast %parallel_loop3A_1061 : i32 to index
        %parallel_loop3A_1063 = arith.constant 32 : index
        %parallel_loop3A_1064 = tpu.vector_load %arg10[%parallel_loop3A_1062, %parallel_loop3A_1063] {strides = array<i32>} : memref<128x64xf32, #tpu.memory_space<vmem>>, vector<1x16xf32>,
        %parallel_loop3A_1065 = vector.shape_cast %parallel_loop3A_1064 : vector<1x16xf32> to vector<16xf32>
        %parallel_loop3A_1066 = vector.shape_cast %parallel_loop3A_1059 : vector<16xf32> to vector<1x16xf32>
        tpu.vector_store %arg10[%parallel_loop3A_1062, %parallel_loop3A_1063], %parallel_loop3A_1066 {strides = array<i32>} : memref<128x64xf32, #tpu.memory_space<vmem>>, vector<1x16xf32>,
        %parallel_loop3A_1067 = arith.constant 14 : i32
        %parallel_loop3A_1068 = arith.addi %parallel_loop3A_195, %parallel_loop3A_1067 : i32
        %parallel_loop3A_1069 = arith.index_cast %parallel_loop3A_1068 : i32 to index
        %parallel_loop3A_1070 = arith.constant 48 : index
        %parallel_loop3A_1071 = tpu.vector_load %arg10[%parallel_loop3A_1069, %parallel_loop3A_1070] {strides = array<i32>} : memref<128x64xf32, #tpu.memory_space<vmem>>, vector<1x16xf32>,
        %parallel_loop3A_1072 = vector.shape_cast %parallel_loop3A_1071 : vector<1x16xf32> to vector<16xf32>
        %parallel_loop3A_1073 = arith.mulf %parallel_loop3A_1072, %parallel_loop3A_1024 : vector<16xf32>
        %parallel_loop3A_1074 = arith.constant 14 : i32
        %parallel_loop3A_1075 = arith.addi %parallel_loop3A_195, %parallel_loop3A_1074 : i32
        %parallel_loop3A_1076 = arith.index_cast %parallel_loop3A_1075 : i32 to index
        %parallel_loop3A_1077 = arith.constant 48 : index
        %parallel_loop3A_1078 = tpu.vector_load %arg10[%parallel_loop3A_1076, %parallel_loop3A_1077] {strides = array<i32>} : memref<128x64xf32, #tpu.memory_space<vmem>>, vector<1x16xf32>,
        %parallel_loop3A_1079 = vector.shape_cast %parallel_loop3A_1078 : vector<1x16xf32> to vector<16xf32>
        %parallel_loop3A_1080 = vector.shape_cast %parallel_loop3A_1073 : vector<16xf32> to vector<1x16xf32>
        tpu.vector_store %arg10[%parallel_loop3A_1076, %parallel_loop3A_1077], %parallel_loop3A_1080 {strides = array<i32>} : memref<128x64xf32, #tpu.memory_space<vmem>>, vector<1x16xf32>,
        %parallel_loop3A_1081 = vector.extract_strided_slice %parallel_loop3A_193 {offsets = [15], sizes = [1], strides = [1]} : vector<16xf32> to vector<1xf32>
        %parallel_loop3A_1082 = vector.extract %parallel_loop3A_1081[0] : f32 from vector<1xf32>
        %parallel_loop3A_1083 = vector.broadcast %parallel_loop3A_1082 : f32 to vector<16xf32>
        %parallel_loop3A_1084 = arith.constant 15 : i32
        %parallel_loop3A_1085 = arith.addi %parallel_loop3A_195, %parallel_loop3A_1084 : i32
        %parallel_loop3A_1086 = arith.index_cast %parallel_loop3A_1085 : i32 to index
        %parallel_loop3A_1087 = arith.constant 0 : index
        %parallel_loop3A_1088 = tpu.vector_load %arg10[%parallel_loop3A_1086, %parallel_loop3A_1087] {strides = array<i32>} : memref<128x64xf32, #tpu.memory_space<vmem>>, vector<1x16xf32>,
        %parallel_loop3A_1089 = vector.shape_cast %parallel_loop3A_1088 : vector<1x16xf32> to vector<16xf32>
        %parallel_loop3A_1090 = arith.mulf %parallel_loop3A_1089, %parallel_loop3A_1083 : vector<16xf32>
        %parallel_loop3A_1091 = arith.constant 15 : i32
        %parallel_loop3A_1092 = arith.addi %parallel_loop3A_195, %parallel_loop3A_1091 : i32
        %parallel_loop3A_1093 = arith.index_cast %parallel_loop3A_1092 : i32 to index
        %parallel_loop3A_1094 = arith.constant 0 : index
        %parallel_loop3A_1095 = tpu.vector_load %arg10[%parallel_loop3A_1093, %parallel_loop3A_1094] {strides = array<i32>} : memref<128x64xf32, #tpu.memory_space<vmem>>, vector<1x16xf32>,
        %parallel_loop3A_1096 = vector.shape_cast %parallel_loop3A_1095 : vector<1x16xf32> to vector<16xf32>
        %parallel_loop3A_1097 = vector.shape_cast %parallel_loop3A_1090 : vector<16xf32> to vector<1x16xf32>
        tpu.vector_store %arg10[%parallel_loop3A_1093, %parallel_loop3A_1094], %parallel_loop3A_1097 {strides = array<i32>} : memref<128x64xf32, #tpu.memory_space<vmem>>, vector<1x16xf32>,
        %parallel_loop3A_1098 = arith.constant 15 : i32
        %parallel_loop3A_1099 = arith.addi %parallel_loop3A_195, %parallel_loop3A_1098 : i32
        %parallel_loop3A_1100 = arith.index_cast %parallel_loop3A_1099 : i32 to index
        %parallel_loop3A_1101 = arith.constant 16 : index
        %parallel_loop3A_1102 = tpu.vector_load %arg10[%parallel_loop3A_1100, %parallel_loop3A_1101] {strides = array<i32>} : memref<128x64xf32, #tpu.memory_space<vmem>>, vector<1x16xf32>,
        %parallel_loop3A_1103 = vector.shape_cast %parallel_loop3A_1102 : vector<1x16xf32> to vector<16xf32>
        %parallel_loop3A_1104 = arith.mulf %parallel_loop3A_1103, %parallel_loop3A_1083 : vector<16xf32>
        %parallel_loop3A_1105 = arith.constant 15 : i32
        %parallel_loop3A_1106 = arith.addi %parallel_loop3A_195, %parallel_loop3A_1105 : i32
        %parallel_loop3A_1107 = arith.index_cast %parallel_loop3A_1106 : i32 to index
        %parallel_loop3A_1108 = arith.constant 16 : index
        %parallel_loop3A_1109 = tpu.vector_load %arg10[%parallel_loop3A_1107, %parallel_loop3A_1108] {strides = array<i32>} : memref<128x64xf32, #tpu.memory_space<vmem>>, vector<1x16xf32>,
        %parallel_loop3A_1110 = vector.shape_cast %parallel_loop3A_1109 : vector<1x16xf32> to vector<16xf32>
        %parallel_loop3A_1111 = vector.shape_cast %parallel_loop3A_1104 : vector<16xf32> to vector<1x16xf32>
        tpu.vector_store %arg10[%parallel_loop3A_1107, %parallel_loop3A_1108], %parallel_loop3A_1111 {strides = array<i32>} : memref<128x64xf32, #tpu.memory_space<vmem>>, vector<1x16xf32>,
        %parallel_loop3A_1112 = arith.constant 15 : i32
        %parallel_loop3A_1113 = arith.addi %parallel_loop3A_195, %parallel_loop3A_1112 : i32
        %parallel_loop3A_1114 = arith.index_cast %parallel_loop3A_1113 : i32 to index
        %parallel_loop3A_1115 = arith.constant 32 : index
        %parallel_loop3A_1116 = tpu.vector_load %arg10[%parallel_loop3A_1114, %parallel_loop3A_1115] {strides = array<i32>} : memref<128x64xf32, #tpu.memory_space<vmem>>, vector<1x16xf32>,
        %parallel_loop3A_1117 = vector.shape_cast %parallel_loop3A_1116 : vector<1x16xf32> to vector<16xf32>
        %parallel_loop3A_1118 = arith.mulf %parallel_loop3A_1117, %parallel_loop3A_1083 : vector<16xf32>
        %parallel_loop3A_1119 = arith.constant 15 : i32
        %parallel_loop3A_1120 = arith.addi %parallel_loop3A_195, %parallel_loop3A_1119 : i32
        %parallel_loop3A_1121 = arith.index_cast %parallel_loop3A_1120 : i32 to index
        %parallel_loop3A_1122 = arith.constant 32 : index
        %parallel_loop3A_1123 = tpu.vector_load %arg10[%parallel_loop3A_1121, %parallel_loop3A_1122] {strides = array<i32>} : memref<128x64xf32, #tpu.memory_space<vmem>>, vector<1x16xf32>,
        %parallel_loop3A_1124 = vector.shape_cast %parallel_loop3A_1123 : vector<1x16xf32> to vector<16xf32>
        %parallel_loop3A_1125 = vector.shape_cast %parallel_loop3A_1118 : vector<16xf32> to vector<1x16xf32>
        tpu.vector_store %arg10[%parallel_loop3A_1121, %parallel_loop3A_1122], %parallel_loop3A_1125 {strides = array<i32>} : memref<128x64xf32, #tpu.memory_space<vmem>>, vector<1x16xf32>,
        %parallel_loop3A_1126 = arith.constant 15 : i32
        %parallel_loop3A_1127 = arith.addi %parallel_loop3A_195, %parallel_loop3A_1126 : i32
        %parallel_loop3A_1128 = arith.index_cast %parallel_loop3A_1127 : i32 to index
        %parallel_loop3A_1129 = arith.constant 48 : index
        %parallel_loop3A_1130 = tpu.vector_load %arg10[%parallel_loop3A_1128, %parallel_loop3A_1129] {strides = array<i32>} : memref<128x64xf32, #tpu.memory_space<vmem>>, vector<1x16xf32>,
        %parallel_loop3A_1131 = vector.shape_cast %parallel_loop3A_1130 : vector<1x16xf32> to vector<16xf32>
        %parallel_loop3A_1132 = arith.mulf %parallel_loop3A_1131, %parallel_loop3A_1083 : vector<16xf32>
        %parallel_loop3A_1133 = arith.constant 15 : i32
        %parallel_loop3A_1134 = arith.addi %parallel_loop3A_195, %parallel_loop3A_1133 : i32
        %parallel_loop3A_1135 = arith.index_cast %parallel_loop3A_1134 : i32 to index
        %parallel_loop3A_1136 = arith.constant 48 : index
        %parallel_loop3A_1137 = tpu.vector_load %arg10[%parallel_loop3A_1135, %parallel_loop3A_1136] {strides = array<i32>} : memref<128x64xf32, #tpu.memory_space<vmem>>, vector<1x16xf32>,
        %parallel_loop3A_1138 = vector.shape_cast %parallel_loop3A_1137 : vector<1x16xf32> to vector<16xf32>
        %parallel_loop3A_1139 = vector.shape_cast %parallel_loop3A_1132 : vector<16xf32> to vector<1x16xf32>
        tpu.vector_store %arg10[%parallel_loop3A_1135, %parallel_loop3A_1136], %parallel_loop3A_1139 {strides = array<i32>} : memref<128x64xf32, #tpu.memory_space<vmem>>, vector<1x16xf32>,
      } {sc.loop_unroll_factor = 2 : i64, sc.parallel_access}
      %dma_start3A_108 = arith.constant 0 : i32
      %dma_start3A_109 = tpu.memref_slice %arg9[%add3A_85, %dma_start3A_108] : memref<162x128xi32, #tpu.memory_space<vmem>> -> memref<1x128xi32, #tpu.memory_space<vmem>>
      %dma_start3A_110 = tpu.memref_squeeze %dma_start3A_109 : memref<1x128xi32, #tpu.memory_space<vmem>> -> memref<128xi32, #tpu.memory_space<vmem>>
      %dma_start3A_111 = arith.constant 0 : i32
      %dma_start3A_112 = arith.constant 0 : i32
      %dma_start3A_113 = tpu.memref_slice %arg19[%dma_start3A_111, %dma_start3A_112] : memref<10000x64xf32, #tpu.memory_space<vmem_shared>> -> memref<10000x64xf32, #tpu.memory_space<vmem_shared>>
      tpu.enqueue_indirect_dma source(%arg10 : memref<128x64xf32, #tpu.memory_space<vmem>>) target(%dma_start3A_113 : memref<10000x64xf32, #tpu.memory_space<vmem_shared>>) offsets(%dma_start3A_110 : memref<128xi32, #tpu.memory_space<vmem>>) semaphore(%arg16 : memref<!tpu.dma_semaphore, #tpu.memory_space<semaphore_mem>>) {add = true}
      %mul3A_114 = arith.constant 3 : i32
      %mul3A_115 = arith.muli %scan3A_80, %mul3A_114 : i32
      %add3A_116 = arith.constant 1 : i32
      %add3A_117 = arith.addi %mul3A_115, %add3A_116 : i32
      %ge3A_118 = arith.constant 1 : i32
      %ge3A_119 = arith.cmpi sge, %add3A_117, %ge3A_118 : i32
      %convert_element_type3A_120 = arith.extui %ge3A_119 : i1 to i32
      %cond3A_121 = arith.constant 0 : i32
      %cond3A_122 = arith.cmpi ne, %convert_element_type3A_120, %cond3A_121 : i32
      scf.if %cond3A_122 {
        %sub3A = arith.constant 1 : i32
        %sub3A_185 = arith.subi %add3A_117, %sub3A : i32
        %dma_wait3A_186 = arith.constant 0 : i32
        %dma_wait3A_187 = tpu.memref_slice %arg9[%sub3A_185, %dma_wait3A_186] : memref<162x128xi32, #tpu.memory_space<vmem>> -> memref<1x128xi32, #tpu.memory_space<vmem>>
        %dma_wait3A_188 = tpu.memref_squeeze %dma_wait3A_187 : memref<1x128xi32, #tpu.memory_space<vmem>> -> memref<128xi32, #tpu.memory_space<vmem>>
        %dma_wait3A_189 = arith.constant 0 : i32
        %dma_wait3A_190 = arith.constant 0 : i32
        %dma_wait3A_191 = tpu.memref_slice %arg19[%dma_wait3A_189, %dma_wait3A_190] : memref<10000x64xf32, #tpu.memory_space<vmem_shared>> -> memref<10000x64xf32, #tpu.memory_space<vmem_shared>>
        tpu.wait_indirect_dma semaphore(%arg16 : memref<!tpu.dma_semaphore, #tpu.memory_space<semaphore_mem>>) src(%arg10 : memref<128x64xf32, #tpu.memory_space<vmem>>) dst(%dma_wait3A_191 : memref<10000x64xf32, #tpu.memory_space<vmem_shared>>)
      } else {
      }
      %add3A_123 = arith.constant 2 : i32
      %add3A_124 = arith.addi %add3A_117, %add3A_123 : i32
      %lt3A_125 = arith.constant 162 : i32
      %lt3A_126 = arith.cmpi slt, %add3A_124, %lt3A_125 : i32
      %convert_element_type3A_127 = arith.extui %lt3A_126 : i1 to i32
      %cond3A_128 = arith.constant 0 : i32
      %cond3A_129 = arith.cmpi ne, %convert_element_type3A_127, %cond3A_128 : i32
      scf.if %cond3A_129 {
        %add3A_185 = arith.constant 2 : i32
        %add3A_186 = arith.addi %add3A_117, %add3A_185 : i32
        %dma_start3A_187 = arith.constant 0 : i32
        %dma_start3A_188 = tpu.memref_slice %arg7[%add3A_186, %dma_start3A_187] : memref<162x128xi32, #tpu.memory_space<vmem>> -> memref<1x128xi32, #tpu.memory_space<vmem>>
        %dma_start3A_189 = tpu.memref_squeeze %dma_start3A_188 : memref<1x128xi32, #tpu.memory_space<vmem>> -> memref<128xi32, #tpu.memory_space<vmem>>
        %dma_start3A_190 = arith.constant 0 : i32
        %dma_start3A_191 = arith.constant 0 : i32
        %dma_start3A_192 = tpu.memref_slice %arg2[%arg0, %dma_start3A_190, %dma_start3A_191] : memref<2x10000x64xf32, #tpu.memory_space<hbm>> -> memref<1x10000x64xf32, #tpu.memory_space<hbm>>
        %dma_start3A_193 = tpu.memref_squeeze %dma_start3A_192 : memref<1x10000x64xf32, #tpu.memory_space<hbm>> -> memref<10000x64xf32, #tpu.memory_space<hbm>>
        %dma_start3A_194 = arith.constant 0 : i32
        %dma_start3A_195 = arith.constant 0 : i32
        %dma_start3A_196 = tpu.memref_slice %dma_start3A_193[%dma_start3A_194, %dma_start3A_195] : memref<10000x64xf32, #tpu.memory_space<hbm>> -> memref<10000x64xf32, #tpu.memory_space<hbm>>
        tpu.enqueue_indirect_dma source(%dma_start3A_196 : memref<10000x64xf32, #tpu.memory_space<hbm>>) target(%arg10 : memref<128x64xf32, #tpu.memory_space<vmem>>) offsets(%dma_start3A_189 : memref<128xi32, #tpu.memory_space<vmem>>) semaphore(%arg13 : memref<!tpu.dma_semaphore, #tpu.memory_space<semaphore_mem>>)
      } else {
      }
      %dma_wait3A_130 = arith.constant 0 : i32
      %dma_wait3A_131 = tpu.memref_slice %arg7[%add3A_117, %dma_wait3A_130] : memref<162x128xi32, #tpu.memory_space<vmem>> -> memref<1x128xi32, #tpu.memory_space<vmem>>
      %dma_wait3A_132 = tpu.memref_squeeze %dma_wait3A_131 : memref<1x128xi32, #tpu.memory_space<vmem>> -> memref<128xi32, #tpu.memory_space<vmem>>
      %dma_wait3A_133 = arith.constant 0 : i32
      %dma_wait3A_134 = arith.constant 0 : i32
      %dma_wait3A_135 = tpu.memref_slice %arg2[%arg0, %dma_wait3A_133, %dma_wait3A_134] : memref<2x10000x64xf32, #tpu.memory_space<hbm>> -> memref<1x10000x64xf32, #tpu.memory_space<hbm>>
      %dma_wait3A_136 = tpu.memref_squeeze %dma_wait3A_135 : memref<1x10000x64xf32, #tpu.memory_space<hbm>> -> memref<10000x64xf32, #tpu.memory_space<hbm>>
      %dma_wait3A_137 = arith.constant 0 : i32
      %dma_wait3A_138 = arith.constant 0 : i32
      %dma_wait3A_139 = tpu.memref_slice %dma_wait3A_136[%dma_wait3A_137, %dma_wait3A_138] : memref<10000x64xf32, #tpu.memory_space<hbm>> -> memref<10000x64xf32, #tpu.memory_space<hbm>>
      tpu.wait_indirect_dma semaphore(%arg14 : memref<!tpu.dma_semaphore, #tpu.memory_space<semaphore_mem>>) src(%dma_wait3A_139 : memref<10000x64xf32, #tpu.memory_space<hbm>>) dst(%arg11 : memref<128x64xf32, #tpu.memory_space<vmem>>)
      %parallel_loop3A_140 = arith.constant 0 : i32
      %parallel_loop3A_141 = arith.constant 8 : i32
      %parallel_loop3A_142 = arith.constant 1 : i32
      scf.for %parallel_loop3A_185 = %parallel_loop3A_140 to %parallel_loop3A_141 step %parallel_loop3A_142  : i32 {
        %parallel_loop3A_186 = arith.constant 128 : i32
        %parallel_loop3A_187 = arith.muli %add3A_117, %parallel_loop3A_186 : i32
        %parallel_loop3A_188 = arith.constant 16 : i32
        %parallel_loop3A_189 = arith.muli %parallel_loop3A_185, %parallel_loop3A_188 : i32
        %parallel_loop3A_190 = arith.addi %parallel_loop3A_187, %parallel_loop3A_189 : i32
        %parallel_loop3A_191 = arith.index_cast %parallel_loop3A_190 : i32 to index
        %parallel_loop3A_192 = tpu.vector_load %arg8[%parallel_loop3A_191] {strides = array<i32>} : memref<20736xf32, #tpu.memory_space<vmem>>, vector<16xf32>,
        %parallel_loop3A_193 = vector.shape_cast %parallel_loop3A_192 : vector<16xf32> to vector<16xf32>
        %parallel_loop3A_194 = arith.constant 16 : i32
        %parallel_loop3A_195 = arith.muli %parallel_loop3A_185, %parallel_loop3A_194 : i32
        %parallel_loop3A_196 = vector.extract_strided_slice %parallel_loop3A_193 {offsets = [0], sizes = [1], strides = [1]} : vector<16xf32> to vector<1xf32>
        %parallel_loop3A_197 = vector.extract %parallel_loop3A_196[0] : f32 from vector<1xf32>
        %parallel_loop3A_198 = vector.broadcast %parallel_loop3A_197 : f32 to vector<16xf32>
        %parallel_loop3A_199 = arith.constant 0 : i32
        %parallel_loop3A_200 = arith.addi %parallel_loop3A_195, %parallel_loop3A_199 : i32
        %parallel_loop3A_201 = arith.index_cast %parallel_loop3A_200 : i32 to index
        %parallel_loop3A_202 = arith.constant 0 : index
        %parallel_loop3A_203 = tpu.vector_load %arg11[%parallel_loop3A_201, %parallel_loop3A_202] {strides = array<i32>} : memref<128x64xf32, #tpu.memory_space<vmem>>, vector<1x16xf32>,
        %parallel_loop3A_204 = vector.shape_cast %parallel_loop3A_203 : vector<1x16xf32> to vector<16xf32>
        %parallel_loop3A_205 = arith.mulf %parallel_loop3A_204, %parallel_loop3A_198 : vector<16xf32>
        %parallel_loop3A_206 = arith.constant 0 : i32
        %parallel_loop3A_207 = arith.addi %parallel_loop3A_195, %parallel_loop3A_206 : i32
        %parallel_loop3A_208 = arith.index_cast %parallel_loop3A_207 : i32 to index
        %parallel_loop3A_209 = arith.constant 0 : index
        %parallel_loop3A_210 = tpu.vector_load %arg11[%parallel_loop3A_208, %parallel_loop3A_209] {strides = array<i32>} : memref<128x64xf32, #tpu.memory_space<vmem>>, vector<1x16xf32>,
        %parallel_loop3A_211 = vector.shape_cast %parallel_loop3A_210 : vector<1x16xf32> to vector<16xf32>
        %parallel_loop3A_212 = vector.shape_cast %parallel_loop3A_205 : vector<16xf32> to vector<1x16xf32>
        tpu.vector_store %arg11[%parallel_loop3A_208, %parallel_loop3A_209], %parallel_loop3A_212 {strides = array<i32>} : memref<128x64xf32, #tpu.memory_space<vmem>>, vector<1x16xf32>,
        %parallel_loop3A_213 = arith.constant 0 : i32
        %parallel_loop3A_214 = arith.addi %parallel_loop3A_195, %parallel_loop3A_213 : i32
        %parallel_loop3A_215 = arith.index_cast %parallel_loop3A_214 : i32 to index
        %parallel_loop3A_216 = arith.constant 16 : index
        %parallel_loop3A_217 = tpu.vector_load %arg11[%parallel_loop3A_215, %parallel_loop3A_216] {strides = array<i32>} : memref<128x64xf32, #tpu.memory_space<vmem>>, vector<1x16xf32>,
        %parallel_loop3A_218 = vector.shape_cast %parallel_loop3A_217 : vector<1x16xf32> to vector<16xf32>
        %parallel_loop3A_219 = arith.mulf %parallel_loop3A_218, %parallel_loop3A_198 : vector<16xf32>
        %parallel_loop3A_220 = arith.constant 0 : i32
        %parallel_loop3A_221 = arith.addi %parallel_loop3A_195, %parallel_loop3A_220 : i32
        %parallel_loop3A_222 = arith.index_cast %parallel_loop3A_221 : i32 to index
        %parallel_loop3A_223 = arith.constant 16 : index
        %parallel_loop3A_224 = tpu.vector_load %arg11[%parallel_loop3A_222, %parallel_loop3A_223] {strides = array<i32>} : memref<128x64xf32, #tpu.memory_space<vmem>>, vector<1x16xf32>,
        %parallel_loop3A_225 = vector.shape_cast %parallel_loop3A_224 : vector<1x16xf32> to vector<16xf32>
        %parallel_loop3A_226 = vector.shape_cast %parallel_loop3A_219 : vector<16xf32> to vector<1x16xf32>
        tpu.vector_store %arg11[%parallel_loop3A_222, %parallel_loop3A_223], %parallel_loop3A_226 {strides = array<i32>} : memref<128x64xf32, #tpu.memory_space<vmem>>, vector<1x16xf32>,
        %parallel_loop3A_227 = arith.constant 0 : i32
        %parallel_loop3A_228 = arith.addi %parallel_loop3A_195, %parallel_loop3A_227 : i32
        %parallel_loop3A_229 = arith.index_cast %parallel_loop3A_228 : i32 to index
        %parallel_loop3A_230 = arith.constant 32 : index
        %parallel_loop3A_231 = tpu.vector_load %arg11[%parallel_loop3A_229, %parallel_loop3A_230] {strides = array<i32>} : memref<128x64xf32, #tpu.memory_space<vmem>>, vector<1x16xf32>,
        %parallel_loop3A_232 = vector.shape_cast %parallel_loop3A_231 : vector<1x16xf32> to vector<16xf32>
        %parallel_loop3A_233 = arith.mulf %parallel_loop3A_232, %parallel_loop3A_198 : vector<16xf32>
        %parallel_loop3A_234 = arith.constant 0 : i32
        %parallel_loop3A_235 = arith.addi %parallel_loop3A_195, %parallel_loop3A_234 : i32
        %parallel_loop3A_236 = arith.index_cast %parallel_loop3A_235 : i32 to index
        %parallel_loop3A_237 = arith.constant 32 : index
        %parallel_loop3A_238 = tpu.vector_load %arg11[%parallel_loop3A_236, %parallel_loop3A_237] {strides = array<i32>} : memref<128x64xf32, #tpu.memory_space<vmem>>, vector<1x16xf32>,
        %parallel_loop3A_239 = vector.shape_cast %parallel_loop3A_238 : vector<1x16xf32> to vector<16xf32>
        %parallel_loop3A_240 = vector.shape_cast %parallel_loop3A_233 : vector<16xf32> to vector<1x16xf32>
        tpu.vector_store %arg11[%parallel_loop3A_236, %parallel_loop3A_237], %parallel_loop3A_240 {strides = array<i32>} : memref<128x64xf32, #tpu.memory_space<vmem>>, vector<1x16xf32>,
        %parallel_loop3A_241 = arith.constant 0 : i32
        %parallel_loop3A_242 = arith.addi %parallel_loop3A_195, %parallel_loop3A_241 : i32
        %parallel_loop3A_243 = arith.index_cast %parallel_loop3A_242 : i32 to index
        %parallel_loop3A_244 = arith.constant 48 : index
        %parallel_loop3A_245 = tpu.vector_load %arg11[%parallel_loop3A_243, %parallel_loop3A_244] {strides = array<i32>} : memref<128x64xf32, #tpu.memory_space<vmem>>, vector<1x16xf32>,
        %parallel_loop3A_246 = vector.shape_cast %parallel_loop3A_245 : vector<1x16xf32> to vector<16xf32>
        %parallel_loop3A_247 = arith.mulf %parallel_loop3A_246, %parallel_loop3A_198 : vector<16xf32>
        %parallel_loop3A_248 = arith.constant 0 : i32
        %parallel_loop3A_249 = arith.addi %parallel_loop3A_195, %parallel_loop3A_248 : i32
        %parallel_loop3A_250 = arith.index_cast %parallel_loop3A_249 : i32 to index
        %parallel_loop3A_251 = arith.constant 48 : index
        %parallel_loop3A_252 = tpu.vector_load %arg11[%parallel_loop3A_250, %parallel_loop3A_251] {strides = array<i32>} : memref<128x64xf32, #tpu.memory_space<vmem>>, vector<1x16xf32>,
        %parallel_loop3A_253 = vector.shape_cast %parallel_loop3A_252 : vector<1x16xf32> to vector<16xf32>
        %parallel_loop3A_254 = vector.shape_cast %parallel_loop3A_247 : vector<16xf32> to vector<1x16xf32>
        tpu.vector_store %arg11[%parallel_loop3A_250, %parallel_loop3A_251], %parallel_loop3A_254 {strides = array<i32>} : memref<128x64xf32, #tpu.memory_space<vmem>>, vector<1x16xf32>,
        %parallel_loop3A_255 = vector.extract_strided_slice %parallel_loop3A_193 {offsets = [1], sizes = [1], strides = [1]} : vector<16xf32> to vector<1xf32>
        %parallel_loop3A_256 = vector.extract %parallel_loop3A_255[0] : f32 from vector<1xf32>
        %parallel_loop3A_257 = vector.broadcast %parallel_loop3A_256 : f32 to vector<16xf32>
        %parallel_loop3A_258 = arith.constant 1 : i32
        %parallel_loop3A_259 = arith.addi %parallel_loop3A_195, %parallel_loop3A_258 : i32
        %parallel_loop3A_260 = arith.index_cast %parallel_loop3A_259 : i32 to index
        %parallel_loop3A_261 = arith.constant 0 : index
        %parallel_loop3A_262 = tpu.vector_load %arg11[%parallel_loop3A_260, %parallel_loop3A_261] {strides = array<i32>} : memref<128x64xf32, #tpu.memory_space<vmem>>, vector<1x16xf32>,
        %parallel_loop3A_263 = vector.shape_cast %parallel_loop3A_262 : vector<1x16xf32> to vector<16xf32>
        %parallel_loop3A_264 = arith.mulf %parallel_loop3A_263, %parallel_loop3A_257 : vector<16xf32>
        %parallel_loop3A_265 = arith.constant 1 : i32
        %parallel_loop3A_266 = arith.addi %parallel_loop3A_195, %parallel_loop3A_265 : i32
        %parallel_loop3A_267 = arith.index_cast %parallel_loop3A_266 : i32 to index
        %parallel_loop3A_268 = arith.constant 0 : index
        %parallel_loop3A_269 = tpu.vector_load %arg11[%parallel_loop3A_267, %parallel_loop3A_268] {strides = array<i32>} : memref<128x64xf32, #tpu.memory_space<vmem>>, vector<1x16xf32>,
        %parallel_loop3A_270 = vector.shape_cast %parallel_loop3A_269 : vector<1x16xf32> to vector<16xf32>
        %parallel_loop3A_271 = vector.shape_cast %parallel_loop3A_264 : vector<16xf32> to vector<1x16xf32>
        tpu.vector_store %arg11[%parallel_loop3A_267, %parallel_loop3A_268], %parallel_loop3A_271 {strides = array<i32>} : memref<128x64xf32, #tpu.memory_space<vmem>>, vector<1x16xf32>,
        %parallel_loop3A_272 = arith.constant 1 : i32
        %parallel_loop3A_273 = arith.addi %parallel_loop3A_195, %parallel_loop3A_272 : i32
        %parallel_loop3A_274 = arith.index_cast %parallel_loop3A_273 : i32 to index
        %parallel_loop3A_275 = arith.constant 16 : index
        %parallel_loop3A_276 = tpu.vector_load %arg11[%parallel_loop3A_274, %parallel_loop3A_275] {strides = array<i32>} : memref<128x64xf32, #tpu.memory_space<vmem>>, vector<1x16xf32>,
        %parallel_loop3A_277 = vector.shape_cast %parallel_loop3A_276 : vector<1x16xf32> to vector<16xf32>
        %parallel_loop3A_278 = arith.mulf %parallel_loop3A_277, %parallel_loop3A_257 : vector<16xf32>
        %parallel_loop3A_279 = arith.constant 1 : i32
        %parallel_loop3A_280 = arith.addi %parallel_loop3A_195, %parallel_loop3A_279 : i32
        %parallel_loop3A_281 = arith.index_cast %parallel_loop3A_280 : i32 to index
        %parallel_loop3A_282 = arith.constant 16 : index
        %parallel_loop3A_283 = tpu.vector_load %arg11[%parallel_loop3A_281, %parallel_loop3A_282] {strides = array<i32>} : memref<128x64xf32, #tpu.memory_space<vmem>>, vector<1x16xf32>,
        %parallel_loop3A_284 = vector.shape_cast %parallel_loop3A_283 : vector<1x16xf32> to vector<16xf32>
        %parallel_loop3A_285 = vector.shape_cast %parallel_loop3A_278 : vector<16xf32> to vector<1x16xf32>
        tpu.vector_store %arg11[%parallel_loop3A_281, %parallel_loop3A_282], %parallel_loop3A_285 {strides = array<i32>} : memref<128x64xf32, #tpu.memory_space<vmem>>, vector<1x16xf32>,
        %parallel_loop3A_286 = arith.constant 1 : i32
        %parallel_loop3A_287 = arith.addi %parallel_loop3A_195, %parallel_loop3A_286 : i32
        %parallel_loop3A_288 = arith.index_cast %parallel_loop3A_287 : i32 to index
        %parallel_loop3A_289 = arith.constant 32 : index
        %parallel_loop3A_290 = tpu.vector_load %arg11[%parallel_loop3A_288, %parallel_loop3A_289] {strides = array<i32>} : memref<128x64xf32, #tpu.memory_space<vmem>>, vector<1x16xf32>,
        %parallel_loop3A_291 = vector.shape_cast %parallel_loop3A_290 : vector<1x16xf32> to vector<16xf32>
        %parallel_loop3A_292 = arith.mulf %parallel_loop3A_291, %parallel_loop3A_257 : vector<16xf32>
        %parallel_loop3A_293 = arith.constant 1 : i32
        %parallel_loop3A_294 = arith.addi %parallel_loop3A_195, %parallel_loop3A_293 : i32
        %parallel_loop3A_295 = arith.index_cast %parallel_loop3A_294 : i32 to index
        %parallel_loop3A_296 = arith.constant 32 : index
        %parallel_loop3A_297 = tpu.vector_load %arg11[%parallel_loop3A_295, %parallel_loop3A_296] {strides = array<i32>} : memref<128x64xf32, #tpu.memory_space<vmem>>, vector<1x16xf32>,
        %parallel_loop3A_298 = vector.shape_cast %parallel_loop3A_297 : vector<1x16xf32> to vector<16xf32>
        %parallel_loop3A_299 = vector.shape_cast %parallel_loop3A_292 : vector<16xf32> to vector<1x16xf32>
        tpu.vector_store %arg11[%parallel_loop3A_295, %parallel_loop3A_296], %parallel_loop3A_299 {strides = array<i32>} : memref<128x64xf32, #tpu.memory_space<vmem>>, vector<1x16xf32>,
        %parallel_loop3A_300 = arith.constant 1 : i32
        %parallel_loop3A_301 = arith.addi %parallel_loop3A_195, %parallel_loop3A_300 : i32
        %parallel_loop3A_302 = arith.index_cast %parallel_loop3A_301 : i32 to index
        %parallel_loop3A_303 = arith.constant 48 : index
        %parallel_loop3A_304 = tpu.vector_load %arg11[%parallel_loop3A_302, %parallel_loop3A_303] {strides = array<i32>} : memref<128x64xf32, #tpu.memory_space<vmem>>, vector<1x16xf32>,
        %parallel_loop3A_305 = vector.shape_cast %parallel_loop3A_304 : vector<1x16xf32> to vector<16xf32>
        %parallel_loop3A_306 = arith.mulf %parallel_loop3A_305, %parallel_loop3A_257 : vector<16xf32>
        %parallel_loop3A_307 = arith.constant 1 : i32
        %parallel_loop3A_308 = arith.addi %parallel_loop3A_195, %parallel_loop3A_307 : i32
        %parallel_loop3A_309 = arith.index_cast %parallel_loop3A_308 : i32 to index
        %parallel_loop3A_310 = arith.constant 48 : index
        %parallel_loop3A_311 = tpu.vector_load %arg11[%parallel_loop3A_309, %parallel_loop3A_310] {strides = array<i32>} : memref<128x64xf32, #tpu.memory_space<vmem>>, vector<1x16xf32>,
        %parallel_loop3A_312 = vector.shape_cast %parallel_loop3A_311 : vector<1x16xf32> to vector<16xf32>
        %parallel_loop3A_313 = vector.shape_cast %parallel_loop3A_306 : vector<16xf32> to vector<1x16xf32>
        tpu.vector_store %arg11[%parallel_loop3A_309, %parallel_loop3A_310], %parallel_loop3A_313 {strides = array<i32>} : memref<128x64xf32, #tpu.memory_space<vmem>>, vector<1x16xf32>,
        %parallel_loop3A_314 = vector.extract_strided_slice %parallel_loop3A_193 {offsets = [2], sizes = [1], strides = [1]} : vector<16xf32> to vector<1xf32>
        %parallel_loop3A_315 = vector.extract %parallel_loop3A_314[0] : f32 from vector<1xf32>
        %parallel_loop3A_316 = vector.broadcast %parallel_loop3A_315 : f32 to vector<16xf32>
        %parallel_loop3A_317 = arith.constant 2 : i32
        %parallel_loop3A_318 = arith.addi %parallel_loop3A_195, %parallel_loop3A_317 : i32
        %parallel_loop3A_319 = arith.index_cast %parallel_loop3A_318 : i32 to index
        %parallel_loop3A_320 = arith.constant 0 : index
        %parallel_loop3A_321 = tpu.vector_load %arg11[%parallel_loop3A_319, %parallel_loop3A_320] {strides = array<i32>} : memref<128x64xf32, #tpu.memory_space<vmem>>, vector<1x16xf32>,
        %parallel_loop3A_322 = vector.shape_cast %parallel_loop3A_321 : vector<1x16xf32> to vector<16xf32>
        %parallel_loop3A_323 = arith.mulf %parallel_loop3A_322, %parallel_loop3A_316 : vector<16xf32>
        %parallel_loop3A_324 = arith.constant 2 : i32
        %parallel_loop3A_325 = arith.addi %parallel_loop3A_195, %parallel_loop3A_324 : i32
        %parallel_loop3A_326 = arith.index_cast %parallel_loop3A_325 : i32 to index
        %parallel_loop3A_327 = arith.constant 0 : index
        %parallel_loop3A_328 = tpu.vector_load %arg11[%parallel_loop3A_326, %parallel_loop3A_327] {strides = array<i32>} : memref<128x64xf32, #tpu.memory_space<vmem>>, vector<1x16xf32>,
        %parallel_loop3A_329 = vector.shape_cast %parallel_loop3A_328 : vector<1x16xf32> to vector<16xf32>
        %parallel_loop3A_330 = vector.shape_cast %parallel_loop3A_323 : vector<16xf32> to vector<1x16xf32>
        tpu.vector_store %arg11[%parallel_loop3A_326, %parallel_loop3A_327], %parallel_loop3A_330 {strides = array<i32>} : memref<128x64xf32, #tpu.memory_space<vmem>>, vector<1x16xf32>,
        %parallel_loop3A_331 = arith.constant 2 : i32
        %parallel_loop3A_332 = arith.addi %parallel_loop3A_195, %parallel_loop3A_331 : i32
        %parallel_loop3A_333 = arith.index_cast %parallel_loop3A_332 : i32 to index
        %parallel_loop3A_334 = arith.constant 16 : index
        %parallel_loop3A_335 = tpu.vector_load %arg11[%parallel_loop3A_333, %parallel_loop3A_334] {strides = array<i32>} : memref<128x64xf32, #tpu.memory_space<vmem>>, vector<1x16xf32>,
        %parallel_loop3A_336 = vector.shape_cast %parallel_loop3A_335 : vector<1x16xf32> to vector<16xf32>
        %parallel_loop3A_337 = arith.mulf %parallel_loop3A_336, %parallel_loop3A_316 : vector<16xf32>
        %parallel_loop3A_338 = arith.constant 2 : i32
        %parallel_loop3A_339 = arith.addi %parallel_loop3A_195, %parallel_loop3A_338 : i32
        %parallel_loop3A_340 = arith.index_cast %parallel_loop3A_339 : i32 to index
        %parallel_loop3A_341 = arith.constant 16 : index
        %parallel_loop3A_342 = tpu.vector_load %arg11[%parallel_loop3A_340, %parallel_loop3A_341] {strides = array<i32>} : memref<128x64xf32, #tpu.memory_space<vmem>>, vector<1x16xf32>,
        %parallel_loop3A_343 = vector.shape_cast %parallel_loop3A_342 : vector<1x16xf32> to vector<16xf32>
        %parallel_loop3A_344 = vector.shape_cast %parallel_loop3A_337 : vector<16xf32> to vector<1x16xf32>
        tpu.vector_store %arg11[%parallel_loop3A_340, %parallel_loop3A_341], %parallel_loop3A_344 {strides = array<i32>} : memref<128x64xf32, #tpu.memory_space<vmem>>, vector<1x16xf32>,
        %parallel_loop3A_345 = arith.constant 2 : i32
        %parallel_loop3A_346 = arith.addi %parallel_loop3A_195, %parallel_loop3A_345 : i32
        %parallel_loop3A_347 = arith.index_cast %parallel_loop3A_346 : i32 to index
        %parallel_loop3A_348 = arith.constant 32 : index
        %parallel_loop3A_349 = tpu.vector_load %arg11[%parallel_loop3A_347, %parallel_loop3A_348] {strides = array<i32>} : memref<128x64xf32, #tpu.memory_space<vmem>>, vector<1x16xf32>,
        %parallel_loop3A_350 = vector.shape_cast %parallel_loop3A_349 : vector<1x16xf32> to vector<16xf32>
        %parallel_loop3A_351 = arith.mulf %parallel_loop3A_350, %parallel_loop3A_316 : vector<16xf32>
        %parallel_loop3A_352 = arith.constant 2 : i32
        %parallel_loop3A_353 = arith.addi %parallel_loop3A_195, %parallel_loop3A_352 : i32
        %parallel_loop3A_354 = arith.index_cast %parallel_loop3A_353 : i32 to index
        %parallel_loop3A_355 = arith.constant 32 : index
        %parallel_loop3A_356 = tpu.vector_load %arg11[%parallel_loop3A_354, %parallel_loop3A_355] {strides = array<i32>} : memref<128x64xf32, #tpu.memory_space<vmem>>, vector<1x16xf32>,
        %parallel_loop3A_357 = vector.shape_cast %parallel_loop3A_356 : vector<1x16xf32> to vector<16xf32>
        %parallel_loop3A_358 = vector.shape_cast %parallel_loop3A_351 : vector<16xf32> to vector<1x16xf32>
        tpu.vector_store %arg11[%parallel_loop3A_354, %parallel_loop3A_355], %parallel_loop3A_358 {strides = array<i32>} : memref<128x64xf32, #tpu.memory_space<vmem>>, vector<1x16xf32>,
        %parallel_loop3A_359 = arith.constant 2 : i32
        %parallel_loop3A_360 = arith.addi %parallel_loop3A_195, %parallel_loop3A_359 : i32
        %parallel_loop3A_361 = arith.index_cast %parallel_loop3A_360 : i32 to index
        %parallel_loop3A_362 = arith.constant 48 : index
        %parallel_loop3A_363 = tpu.vector_load %arg11[%parallel_loop3A_361, %parallel_loop3A_362] {strides = array<i32>} : memref<128x64xf32, #tpu.memory_space<vmem>>, vector<1x16xf32>,
        %parallel_loop3A_364 = vector.shape_cast %parallel_loop3A_363 : vector<1x16xf32> to vector<16xf32>
        %parallel_loop3A_365 = arith.mulf %parallel_loop3A_364, %parallel_loop3A_316 : vector<16xf32>
        %parallel_loop3A_366 = arith.constant 2 : i32
        %parallel_loop3A_367 = arith.addi %parallel_loop3A_195, %parallel_loop3A_366 : i32
        %parallel_loop3A_368 = arith.index_cast %parallel_loop3A_367 : i32 to index
        %parallel_loop3A_369 = arith.constant 48 : index
        %parallel_loop3A_370 = tpu.vector_load %arg11[%parallel_loop3A_368, %parallel_loop3A_369] {strides = array<i32>} : memref<128x64xf32, #tpu.memory_space<vmem>>, vector<1x16xf32>,
        %parallel_loop3A_371 = vector.shape_cast %parallel_loop3A_370 : vector<1x16xf32> to vector<16xf32>
        %parallel_loop3A_372 = vector.shape_cast %parallel_loop3A_365 : vector<16xf32> to vector<1x16xf32>
        tpu.vector_store %arg11[%parallel_loop3A_368, %parallel_loop3A_369], %parallel_loop3A_372 {strides = array<i32>} : memref<128x64xf32, #tpu.memory_space<vmem>>, vector<1x16xf32>,
        %parallel_loop3A_373 = vector.extract_strided_slice %parallel_loop3A_193 {offsets = [3], sizes = [1], strides = [1]} : vector<16xf32> to vector<1xf32>
        %parallel_loop3A_374 = vector.extract %parallel_loop3A_373[0] : f32 from vector<1xf32>
        %parallel_loop3A_375 = vector.broadcast %parallel_loop3A_374 : f32 to vector<16xf32>
        %parallel_loop3A_376 = arith.constant 3 : i32
        %parallel_loop3A_377 = arith.addi %parallel_loop3A_195, %parallel_loop3A_376 : i32
        %parallel_loop3A_378 = arith.index_cast %parallel_loop3A_377 : i32 to index
        %parallel_loop3A_379 = arith.constant 0 : index
        %parallel_loop3A_380 = tpu.vector_load %arg11[%parallel_loop3A_378, %parallel_loop3A_379] {strides = array<i32>} : memref<128x64xf32, #tpu.memory_space<vmem>>, vector<1x16xf32>,
        %parallel_loop3A_381 = vector.shape_cast %parallel_loop3A_380 : vector<1x16xf32> to vector<16xf32>
        %parallel_loop3A_382 = arith.mulf %parallel_loop3A_381, %parallel_loop3A_375 : vector<16xf32>
        %parallel_loop3A_383 = arith.constant 3 : i32
        %parallel_loop3A_384 = arith.addi %parallel_loop3A_195, %parallel_loop3A_383 : i32
        %parallel_loop3A_385 = arith.index_cast %parallel_loop3A_384 : i32 to index
        %parallel_loop3A_386 = arith.constant 0 : index
        %parallel_loop3A_387 = tpu.vector_load %arg11[%parallel_loop3A_385, %parallel_loop3A_386] {strides = array<i32>} : memref<128x64xf32, #tpu.memory_space<vmem>>, vector<1x16xf32>,
        %parallel_loop3A_388 = vector.shape_cast %parallel_loop3A_387 : vector<1x16xf32> to vector<16xf32>
        %parallel_loop3A_389 = vector.shape_cast %parallel_loop3A_382 : vector<16xf32> to vector<1x16xf32>
        tpu.vector_store %arg11[%parallel_loop3A_385, %parallel_loop3A_386], %parallel_loop3A_389 {strides = array<i32>} : memref<128x64xf32, #tpu.memory_space<vmem>>, vector<1x16xf32>,
        %parallel_loop3A_390 = arith.constant 3 : i32
        %parallel_loop3A_391 = arith.addi %parallel_loop3A_195, %parallel_loop3A_390 : i32
        %parallel_loop3A_392 = arith.index_cast %parallel_loop3A_391 : i32 to index
        %parallel_loop3A_393 = arith.constant 16 : index
        %parallel_loop3A_394 = tpu.vector_load %arg11[%parallel_loop3A_392, %parallel_loop3A_393] {strides = array<i32>} : memref<128x64xf32, #tpu.memory_space<vmem>>, vector<1x16xf32>,
        %parallel_loop3A_395 = vector.shape_cast %parallel_loop3A_394 : vector<1x16xf32> to vector<16xf32>
        %parallel_loop3A_396 = arith.mulf %parallel_loop3A_395, %parallel_loop3A_375 : vector<16xf32>
        %parallel_loop3A_397 = arith.constant 3 : i32
        %parallel_loop3A_398 = arith.addi %parallel_loop3A_195, %parallel_loop3A_397 : i32
        %parallel_loop3A_399 = arith.index_cast %parallel_loop3A_398 : i32 to index
        %parallel_loop3A_400 = arith.constant 16 : index
        %parallel_loop3A_401 = tpu.vector_load %arg11[%parallel_loop3A_399, %parallel_loop3A_400] {strides = array<i32>} : memref<128x64xf32, #tpu.memory_space<vmem>>, vector<1x16xf32>,
        %parallel_loop3A_402 = vector.shape_cast %parallel_loop3A_401 : vector<1x16xf32> to vector<16xf32>
        %parallel_loop3A_403 = vector.shape_cast %parallel_loop3A_396 : vector<16xf32> to vector<1x16xf32>
        tpu.vector_store %arg11[%parallel_loop3A_399, %parallel_loop3A_400], %parallel_loop3A_403 {strides = array<i32>} : memref<128x64xf32, #tpu.memory_space<vmem>>, vector<1x16xf32>,
        %parallel_loop3A_404 = arith.constant 3 : i32
        %parallel_loop3A_405 = arith.addi %parallel_loop3A_195, %parallel_loop3A_404 : i32
        %parallel_loop3A_406 = arith.index_cast %parallel_loop3A_405 : i32 to index
        %parallel_loop3A_407 = arith.constant 32 : index
        %parallel_loop3A_408 = tpu.vector_load %arg11[%parallel_loop3A_406, %parallel_loop3A_407] {strides = array<i32>} : memref<128x64xf32, #tpu.memory_space<vmem>>, vector<1x16xf32>,
        %parallel_loop3A_409 = vector.shape_cast %parallel_loop3A_408 : vector<1x16xf32> to vector<16xf32>
        %parallel_loop3A_410 = arith.mulf %parallel_loop3A_409, %parallel_loop3A_375 : vector<16xf32>
        %parallel_loop3A_411 = arith.constant 3 : i32
        %parallel_loop3A_412 = arith.addi %parallel_loop3A_195, %parallel_loop3A_411 : i32
        %parallel_loop3A_413 = arith.index_cast %parallel_loop3A_412 : i32 to index
        %parallel_loop3A_414 = arith.constant 32 : index
        %parallel_loop3A_415 = tpu.vector_load %arg11[%parallel_loop3A_413, %parallel_loop3A_414] {strides = array<i32>} : memref<128x64xf32, #tpu.memory_space<vmem>>, vector<1x16xf32>,
        %parallel_loop3A_416 = vector.shape_cast %parallel_loop3A_415 : vector<1x16xf32> to vector<16xf32>
        %parallel_loop3A_417 = vector.shape_cast %parallel_loop3A_410 : vector<16xf32> to vector<1x16xf32>
        tpu.vector_store %arg11[%parallel_loop3A_413, %parallel_loop3A_414], %parallel_loop3A_417 {strides = array<i32>} : memref<128x64xf32, #tpu.memory_space<vmem>>, vector<1x16xf32>,
        %parallel_loop3A_418 = arith.constant 3 : i32
        %parallel_loop3A_419 = arith.addi %parallel_loop3A_195, %parallel_loop3A_418 : i32
        %parallel_loop3A_420 = arith.index_cast %parallel_loop3A_419 : i32 to index
        %parallel_loop3A_421 = arith.constant 48 : index
        %parallel_loop3A_422 = tpu.vector_load %arg11[%parallel_loop3A_420, %parallel_loop3A_421] {strides = array<i32>} : memref<128x64xf32, #tpu.memory_space<vmem>>, vector<1x16xf32>,
        %parallel_loop3A_423 = vector.shape_cast %parallel_loop3A_422 : vector<1x16xf32> to vector<16xf32>
        %parallel_loop3A_424 = arith.mulf %parallel_loop3A_423, %parallel_loop3A_375 : vector<16xf32>
        %parallel_loop3A_425 = arith.constant 3 : i32
        %parallel_loop3A_426 = arith.addi %parallel_loop3A_195, %parallel_loop3A_425 : i32
        %parallel_loop3A_427 = arith.index_cast %parallel_loop3A_426 : i32 to index
        %parallel_loop3A_428 = arith.constant 48 : index
        %parallel_loop3A_429 = tpu.vector_load %arg11[%parallel_loop3A_427, %parallel_loop3A_428] {strides = array<i32>} : memref<128x64xf32, #tpu.memory_space<vmem>>, vector<1x16xf32>,
        %parallel_loop3A_430 = vector.shape_cast %parallel_loop3A_429 : vector<1x16xf32> to vector<16xf32>
        %parallel_loop3A_431 = vector.shape_cast %parallel_loop3A_424 : vector<16xf32> to vector<1x16xf32>
        tpu.vector_store %arg11[%parallel_loop3A_427, %parallel_loop3A_428], %parallel_loop3A_431 {strides = array<i32>} : memref<128x64xf32, #tpu.memory_space<vmem>>, vector<1x16xf32>,
        %parallel_loop3A_432 = vector.extract_strided_slice %parallel_loop3A_193 {offsets = [4], sizes = [1], strides = [1]} : vector<16xf32> to vector<1xf32>
        %parallel_loop3A_433 = vector.extract %parallel_loop3A_432[0] : f32 from vector<1xf32>
        %parallel_loop3A_434 = vector.broadcast %parallel_loop3A_433 : f32 to vector<16xf32>
        %parallel_loop3A_435 = arith.constant 4 : i32
        %parallel_loop3A_436 = arith.addi %parallel_loop3A_195, %parallel_loop3A_435 : i32
        %parallel_loop3A_437 = arith.index_cast %parallel_loop3A_436 : i32 to index
        %parallel_loop3A_438 = arith.constant 0 : index
        %parallel_loop3A_439 = tpu.vector_load %arg11[%parallel_loop3A_437, %parallel_loop3A_438] {strides = array<i32>} : memref<128x64xf32, #tpu.memory_space<vmem>>, vector<1x16xf32>,
        %parallel_loop3A_440 = vector.shape_cast %parallel_loop3A_439 : vector<1x16xf32> to vector<16xf32>
        %parallel_loop3A_441 = arith.mulf %parallel_loop3A_440, %parallel_loop3A_434 : vector<16xf32>
        %parallel_loop3A_442 = arith.constant 4 : i32
        %parallel_loop3A_443 = arith.addi %parallel_loop3A_195, %parallel_loop3A_442 : i32
        %parallel_loop3A_444 = arith.index_cast %parallel_loop3A_443 : i32 to index
        %parallel_loop3A_445 = arith.constant 0 : index
        %parallel_loop3A_446 = tpu.vector_load %arg11[%parallel_loop3A_444, %parallel_loop3A_445] {strides = array<i32>} : memref<128x64xf32, #tpu.memory_space<vmem>>, vector<1x16xf32>,
        %parallel_loop3A_447 = vector.shape_cast %parallel_loop3A_446 : vector<1x16xf32> to vector<16xf32>
        %parallel_loop3A_448 = vector.shape_cast %parallel_loop3A_441 : vector<16xf32> to vector<1x16xf32>
        tpu.vector_store %arg11[%parallel_loop3A_444, %parallel_loop3A_445], %parallel_loop3A_448 {strides = array<i32>} : memref<128x64xf32, #tpu.memory_space<vmem>>, vector<1x16xf32>,
        %parallel_loop3A_449 = arith.constant 4 : i32
        %parallel_loop3A_450 = arith.addi %parallel_loop3A_195, %parallel_loop3A_449 : i32
        %parallel_loop3A_451 = arith.index_cast %parallel_loop3A_450 : i32 to index
        %parallel_loop3A_452 = arith.constant 16 : index
        %parallel_loop3A_453 = tpu.vector_load %arg11[%parallel_loop3A_451, %parallel_loop3A_452] {strides = array<i32>} : memref<128x64xf32, #tpu.memory_space<vmem>>, vector<1x16xf32>,
        %parallel_loop3A_454 = vector.shape_cast %parallel_loop3A_453 : vector<1x16xf32> to vector<16xf32>
        %parallel_loop3A_455 = arith.mulf %parallel_loop3A_454, %parallel_loop3A_434 : vector<16xf32>
        %parallel_loop3A_456 = arith.constant 4 : i32
        %parallel_loop3A_457 = arith.addi %parallel_loop3A_195, %parallel_loop3A_456 : i32
        %parallel_loop3A_458 = arith.index_cast %parallel_loop3A_457 : i32 to index
        %parallel_loop3A_459 = arith.constant 16 : index
        %parallel_loop3A_460 = tpu.vector_load %arg11[%parallel_loop3A_458, %parallel_loop3A_459] {strides = array<i32>} : memref<128x64xf32, #tpu.memory_space<vmem>>, vector<1x16xf32>,
        %parallel_loop3A_461 = vector.shape_cast %parallel_loop3A_460 : vector<1x16xf32> to vector<16xf32>
        %parallel_loop3A_462 = vector.shape_cast %parallel_loop3A_455 : vector<16xf32> to vector<1x16xf32>
        tpu.vector_store %arg11[%parallel_loop3A_458, %parallel_loop3A_459], %parallel_loop3A_462 {strides = array<i32>} : memref<128x64xf32, #tpu.memory_space<vmem>>, vector<1x16xf32>,
        %parallel_loop3A_463 = arith.constant 4 : i32
        %parallel_loop3A_464 = arith.addi %parallel_loop3A_195, %parallel_loop3A_463 : i32
        %parallel_loop3A_465 = arith.index_cast %parallel_loop3A_464 : i32 to index
        %parallel_loop3A_466 = arith.constant 32 : index
        %parallel_loop3A_467 = tpu.vector_load %arg11[%parallel_loop3A_465, %parallel_loop3A_466] {strides = array<i32>} : memref<128x64xf32, #tpu.memory_space<vmem>>, vector<1x16xf32>,
        %parallel_loop3A_468 = vector.shape_cast %parallel_loop3A_467 : vector<1x16xf32> to vector<16xf32>
        %parallel_loop3A_469 = arith.mulf %parallel_loop3A_468, %parallel_loop3A_434 : vector<16xf32>
        %parallel_loop3A_470 = arith.constant 4 : i32
        %parallel_loop3A_471 = arith.addi %parallel_loop3A_195, %parallel_loop3A_470 : i32
        %parallel_loop3A_472 = arith.index_cast %parallel_loop3A_471 : i32 to index
        %parallel_loop3A_473 = arith.constant 32 : index
        %parallel_loop3A_474 = tpu.vector_load %arg11[%parallel_loop3A_472, %parallel_loop3A_473] {strides = array<i32>} : memref<128x64xf32, #tpu.memory_space<vmem>>, vector<1x16xf32>,
        %parallel_loop3A_475 = vector.shape_cast %parallel_loop3A_474 : vector<1x16xf32> to vector<16xf32>
        %parallel_loop3A_476 = vector.shape_cast %parallel_loop3A_469 : vector<16xf32> to vector<1x16xf32>
        tpu.vector_store %arg11[%parallel_loop3A_472, %parallel_loop3A_473], %parallel_loop3A_476 {strides = array<i32>} : memref<128x64xf32, #tpu.memory_space<vmem>>, vector<1x16xf32>,
        %parallel_loop3A_477 = arith.constant 4 : i32
        %parallel_loop3A_478 = arith.addi %parallel_loop3A_195, %parallel_loop3A_477 : i32
        %parallel_loop3A_479 = arith.index_cast %parallel_loop3A_478 : i32 to index
        %parallel_loop3A_480 = arith.constant 48 : index
        %parallel_loop3A_481 = tpu.vector_load %arg11[%parallel_loop3A_479, %parallel_loop3A_480] {strides = array<i32>} : memref<128x64xf32, #tpu.memory_space<vmem>>, vector<1x16xf32>,
        %parallel_loop3A_482 = vector.shape_cast %parallel_loop3A_481 : vector<1x16xf32> to vector<16xf32>
        %parallel_loop3A_483 = arith.mulf %parallel_loop3A_482, %parallel_loop3A_434 : vector<16xf32>
        %parallel_loop3A_484 = arith.constant 4 : i32
        %parallel_loop3A_485 = arith.addi %parallel_loop3A_195, %parallel_loop3A_484 : i32
        %parallel_loop3A_486 = arith.index_cast %parallel_loop3A_485 : i32 to index
        %parallel_loop3A_487 = arith.constant 48 : index
        %parallel_loop3A_488 = tpu.vector_load %arg11[%parallel_loop3A_486, %parallel_loop3A_487] {strides = array<i32>} : memref<128x64xf32, #tpu.memory_space<vmem>>, vector<1x16xf32>,
        %parallel_loop3A_489 = vector.shape_cast %parallel_loop3A_488 : vector<1x16xf32> to vector<16xf32>
        %parallel_loop3A_490 = vector.shape_cast %parallel_loop3A_483 : vector<16xf32> to vector<1x16xf32>
        tpu.vector_store %arg11[%parallel_loop3A_486, %parallel_loop3A_487], %parallel_loop3A_490 {strides = array<i32>} : memref<128x64xf32, #tpu.memory_space<vmem>>, vector<1x16xf32>,
        %parallel_loop3A_491 = vector.extract_strided_slice %parallel_loop3A_193 {offsets = [5], sizes = [1], strides = [1]} : vector<16xf32> to vector<1xf32>
        %parallel_loop3A_492 = vector.extract %parallel_loop3A_491[0] : f32 from vector<1xf32>
        %parallel_loop3A_493 = vector.broadcast %parallel_loop3A_492 : f32 to vector<16xf32>
        %parallel_loop3A_494 = arith.constant 5 : i32
        %parallel_loop3A_495 = arith.addi %parallel_loop3A_195, %parallel_loop3A_494 : i32
        %parallel_loop3A_496 = arith.index_cast %parallel_loop3A_495 : i32 to index
        %parallel_loop3A_497 = arith.constant 0 : index
        %parallel_loop3A_498 = tpu.vector_load %arg11[%parallel_loop3A_496, %parallel_loop3A_497] {strides = array<i32>} : memref<128x64xf32, #tpu.memory_space<vmem>>, vector<1x16xf32>,
        %parallel_loop3A_499 = vector.shape_cast %parallel_loop3A_498 : vector<1x16xf32> to vector<16xf32>
        %parallel_loop3A_500 = arith.mulf %parallel_loop3A_499, %parallel_loop3A_493 : vector<16xf32>
        %parallel_loop3A_501 = arith.constant 5 : i32
        %parallel_loop3A_502 = arith.addi %parallel_loop3A_195, %parallel_loop3A_501 : i32
        %parallel_loop3A_503 = arith.index_cast %parallel_loop3A_502 : i32 to index
        %parallel_loop3A_504 = arith.constant 0 : index
        %parallel_loop3A_505 = tpu.vector_load %arg11[%parallel_loop3A_503, %parallel_loop3A_504] {strides = array<i32>} : memref<128x64xf32, #tpu.memory_space<vmem>>, vector<1x16xf32>,
        %parallel_loop3A_506 = vector.shape_cast %parallel_loop3A_505 : vector<1x16xf32> to vector<16xf32>
        %parallel_loop3A_507 = vector.shape_cast %parallel_loop3A_500 : vector<16xf32> to vector<1x16xf32>
        tpu.vector_store %arg11[%parallel_loop3A_503, %parallel_loop3A_504], %parallel_loop3A_507 {strides = array<i32>} : memref<128x64xf32, #tpu.memory_space<vmem>>, vector<1x16xf32>,
        %parallel_loop3A_508 = arith.constant 5 : i32
        %parallel_loop3A_509 = arith.addi %parallel_loop3A_195, %parallel_loop3A_508 : i32
        %parallel_loop3A_510 = arith.index_cast %parallel_loop3A_509 : i32 to index
        %parallel_loop3A_511 = arith.constant 16 : index
        %parallel_loop3A_512 = tpu.vector_load %arg11[%parallel_loop3A_510, %parallel_loop3A_511] {strides = array<i32>} : memref<128x64xf32, #tpu.memory_space<vmem>>, vector<1x16xf32>,
        %parallel_loop3A_513 = vector.shape_cast %parallel_loop3A_512 : vector<1x16xf32> to vector<16xf32>
        %parallel_loop3A_514 = arith.mulf %parallel_loop3A_513, %parallel_loop3A_493 : vector<16xf32>
        %parallel_loop3A_515 = arith.constant 5 : i32
        %parallel_loop3A_516 = arith.addi %parallel_loop3A_195, %parallel_loop3A_515 : i32
        %parallel_loop3A_517 = arith.index_cast %parallel_loop3A_516 : i32 to index
        %parallel_loop3A_518 = arith.constant 16 : index
        %parallel_loop3A_519 = tpu.vector_load %arg11[%parallel_loop3A_517, %parallel_loop3A_518] {strides = array<i32>} : memref<128x64xf32, #tpu.memory_space<vmem>>, vector<1x16xf32>,
        %parallel_loop3A_520 = vector.shape_cast %parallel_loop3A_519 : vector<1x16xf32> to vector<16xf32>
        %parallel_loop3A_521 = vector.shape_cast %parallel_loop3A_514 : vector<16xf32> to vector<1x16xf32>
        tpu.vector_store %arg11[%parallel_loop3A_517, %parallel_loop3A_518], %parallel_loop3A_521 {strides = array<i32>} : memref<128x64xf32, #tpu.memory_space<vmem>>, vector<1x16xf32>,
        %parallel_loop3A_522 = arith.constant 5 : i32
        %parallel_loop3A_523 = arith.addi %parallel_loop3A_195, %parallel_loop3A_522 : i32
        %parallel_loop3A_524 = arith.index_cast %parallel_loop3A_523 : i32 to index
        %parallel_loop3A_525 = arith.constant 32 : index
        %parallel_loop3A_526 = tpu.vector_load %arg11[%parallel_loop3A_524, %parallel_loop3A_525] {strides = array<i32>} : memref<128x64xf32, #tpu.memory_space<vmem>>, vector<1x16xf32>,
        %parallel_loop3A_527 = vector.shape_cast %parallel_loop3A_526 : vector<1x16xf32> to vector<16xf32>
        %parallel_loop3A_528 = arith.mulf %parallel_loop3A_527, %parallel_loop3A_493 : vector<16xf32>
        %parallel_loop3A_529 = arith.constant 5 : i32
        %parallel_loop3A_530 = arith.addi %parallel_loop3A_195, %parallel_loop3A_529 : i32
        %parallel_loop3A_531 = arith.index_cast %parallel_loop3A_530 : i32 to index
        %parallel_loop3A_532 = arith.constant 32 : index
        %parallel_loop3A_533 = tpu.vector_load %arg11[%parallel_loop3A_531, %parallel_loop3A_532] {strides = array<i32>} : memref<128x64xf32, #tpu.memory_space<vmem>>, vector<1x16xf32>,
        %parallel_loop3A_534 = vector.shape_cast %parallel_loop3A_533 : vector<1x16xf32> to vector<16xf32>
        %parallel_loop3A_535 = vector.shape_cast %parallel_loop3A_528 : vector<16xf32> to vector<1x16xf32>
        tpu.vector_store %arg11[%parallel_loop3A_531, %parallel_loop3A_532], %parallel_loop3A_535 {strides = array<i32>} : memref<128x64xf32, #tpu.memory_space<vmem>>, vector<1x16xf32>,
        %parallel_loop3A_536 = arith.constant 5 : i32
        %parallel_loop3A_537 = arith.addi %parallel_loop3A_195, %parallel_loop3A_536 : i32
        %parallel_loop3A_538 = arith.index_cast %parallel_loop3A_537 : i32 to index
        %parallel_loop3A_539 = arith.constant 48 : index
        %parallel_loop3A_540 = tpu.vector_load %arg11[%parallel_loop3A_538, %parallel_loop3A_539] {strides = array<i32>} : memref<128x64xf32, #tpu.memory_space<vmem>>, vector<1x16xf32>,
        %parallel_loop3A_541 = vector.shape_cast %parallel_loop3A_540 : vector<1x16xf32> to vector<16xf32>
        %parallel_loop3A_542 = arith.mulf %parallel_loop3A_541, %parallel_loop3A_493 : vector<16xf32>
        %parallel_loop3A_543 = arith.constant 5 : i32
        %parallel_loop3A_544 = arith.addi %parallel_loop3A_195, %parallel_loop3A_543 : i32
        %parallel_loop3A_545 = arith.index_cast %parallel_loop3A_544 : i32 to index
        %parallel_loop3A_546 = arith.constant 48 : index
        %parallel_loop3A_547 = tpu.vector_load %arg11[%parallel_loop3A_545, %parallel_loop3A_546] {strides = array<i32>} : memref<128x64xf32, #tpu.memory_space<vmem>>, vector<1x16xf32>,
        %parallel_loop3A_548 = vector.shape_cast %parallel_loop3A_547 : vector<1x16xf32> to vector<16xf32>
        %parallel_loop3A_549 = vector.shape_cast %parallel_loop3A_542 : vector<16xf32> to vector<1x16xf32>
        tpu.vector_store %arg11[%parallel_loop3A_545, %parallel_loop3A_546], %parallel_loop3A_549 {strides = array<i32>} : memref<128x64xf32, #tpu.memory_space<vmem>>, vector<1x16xf32>,
        %parallel_loop3A_550 = vector.extract_strided_slice %parallel_loop3A_193 {offsets = [6], sizes = [1], strides = [1]} : vector<16xf32> to vector<1xf32>
        %parallel_loop3A_551 = vector.extract %parallel_loop3A_550[0] : f32 from vector<1xf32>
        %parallel_loop3A_552 = vector.broadcast %parallel_loop3A_551 : f32 to vector<16xf32>
        %parallel_loop3A_553 = arith.constant 6 : i32
        %parallel_loop3A_554 = arith.addi %parallel_loop3A_195, %parallel_loop3A_553 : i32
        %parallel_loop3A_555 = arith.index_cast %parallel_loop3A_554 : i32 to index
        %parallel_loop3A_556 = arith.constant 0 : index
        %parallel_loop3A_557 = tpu.vector_load %arg11[%parallel_loop3A_555, %parallel_loop3A_556] {strides = array<i32>} : memref<128x64xf32, #tpu.memory_space<vmem>>, vector<1x16xf32>,
        %parallel_loop3A_558 = vector.shape_cast %parallel_loop3A_557 : vector<1x16xf32> to vector<16xf32>
        %parallel_loop3A_559 = arith.mulf %parallel_loop3A_558, %parallel_loop3A_552 : vector<16xf32>
        %parallel_loop3A_560 = arith.constant 6 : i32
        %parallel_loop3A_561 = arith.addi %parallel_loop3A_195, %parallel_loop3A_560 : i32
        %parallel_loop3A_562 = arith.index_cast %parallel_loop3A_561 : i32 to index
        %parallel_loop3A_563 = arith.constant 0 : index
        %parallel_loop3A_564 = tpu.vector_load %arg11[%parallel_loop3A_562, %parallel_loop3A_563] {strides = array<i32>} : memref<128x64xf32, #tpu.memory_space<vmem>>, vector<1x16xf32>,
        %parallel_loop3A_565 = vector.shape_cast %parallel_loop3A_564 : vector<1x16xf32> to vector<16xf32>
        %parallel_loop3A_566 = vector.shape_cast %parallel_loop3A_559 : vector<16xf32> to vector<1x16xf32>
        tpu.vector_store %arg11[%parallel_loop3A_562, %parallel_loop3A_563], %parallel_loop3A_566 {strides = array<i32>} : memref<128x64xf32, #tpu.memory_space<vmem>>, vector<1x16xf32>,
        %parallel_loop3A_567 = arith.constant 6 : i32
        %parallel_loop3A_568 = arith.addi %parallel_loop3A_195, %parallel_loop3A_567 : i32
        %parallel_loop3A_569 = arith.index_cast %parallel_loop3A_568 : i32 to index
        %parallel_loop3A_570 = arith.constant 16 : index
        %parallel_loop3A_571 = tpu.vector_load %arg11[%parallel_loop3A_569, %parallel_loop3A_570] {strides = array<i32>} : memref<128x64xf32, #tpu.memory_space<vmem>>, vector<1x16xf32>,
        %parallel_loop3A_572 = vector.shape_cast %parallel_loop3A_571 : vector<1x16xf32> to vector<16xf32>
        %parallel_loop3A_573 = arith.mulf %parallel_loop3A_572, %parallel_loop3A_552 : vector<16xf32>
        %parallel_loop3A_574 = arith.constant 6 : i32
        %parallel_loop3A_575 = arith.addi %parallel_loop3A_195, %parallel_loop3A_574 : i32
        %parallel_loop3A_576 = arith.index_cast %parallel_loop3A_575 : i32 to index
        %parallel_loop3A_577 = arith.constant 16 : index
        %parallel_loop3A_578 = tpu.vector_load %arg11[%parallel_loop3A_576, %parallel_loop3A_577] {strides = array<i32>} : memref<128x64xf32, #tpu.memory_space<vmem>>, vector<1x16xf32>,
        %parallel_loop3A_579 = vector.shape_cast %parallel_loop3A_578 : vector<1x16xf32> to vector<16xf32>
        %parallel_loop3A_580 = vector.shape_cast %parallel_loop3A_573 : vector<16xf32> to vector<1x16xf32>
        tpu.vector_store %arg11[%parallel_loop3A_576, %parallel_loop3A_577], %parallel_loop3A_580 {strides = array<i32>} : memref<128x64xf32, #tpu.memory_space<vmem>>, vector<1x16xf32>,
        %parallel_loop3A_581 = arith.constant 6 : i32
        %parallel_loop3A_582 = arith.addi %parallel_loop3A_195, %parallel_loop3A_581 : i32
        %parallel_loop3A_583 = arith.index_cast %parallel_loop3A_582 : i32 to index
        %parallel_loop3A_584 = arith.constant 32 : index
        %parallel_loop3A_585 = tpu.vector_load %arg11[%parallel_loop3A_583, %parallel_loop3A_584] {strides = array<i32>} : memref<128x64xf32, #tpu.memory_space<vmem>>, vector<1x16xf32>,
        %parallel_loop3A_586 = vector.shape_cast %parallel_loop3A_585 : vector<1x16xf32> to vector<16xf32>
        %parallel_loop3A_587 = arith.mulf %parallel_loop3A_586, %parallel_loop3A_552 : vector<16xf32>
        %parallel_loop3A_588 = arith.constant 6 : i32
        %parallel_loop3A_589 = arith.addi %parallel_loop3A_195, %parallel_loop3A_588 : i32
        %parallel_loop3A_590 = arith.index_cast %parallel_loop3A_589 : i32 to index
        %parallel_loop3A_591 = arith.constant 32 : index
        %parallel_loop3A_592 = tpu.vector_load %arg11[%parallel_loop3A_590, %parallel_loop3A_591] {strides = array<i32>} : memref<128x64xf32, #tpu.memory_space<vmem>>, vector<1x16xf32>,
        %parallel_loop3A_593 = vector.shape_cast %parallel_loop3A_592 : vector<1x16xf32> to vector<16xf32>
        %parallel_loop3A_594 = vector.shape_cast %parallel_loop3A_587 : vector<16xf32> to vector<1x16xf32>
        tpu.vector_store %arg11[%parallel_loop3A_590, %parallel_loop3A_591], %parallel_loop3A_594 {strides = array<i32>} : memref<128x64xf32, #tpu.memory_space<vmem>>, vector<1x16xf32>,
        %parallel_loop3A_595 = arith.constant 6 : i32
        %parallel_loop3A_596 = arith.addi %parallel_loop3A_195, %parallel_loop3A_595 : i32
        %parallel_loop3A_597 = arith.index_cast %parallel_loop3A_596 : i32 to index
        %parallel_loop3A_598 = arith.constant 48 : index
        %parallel_loop3A_599 = tpu.vector_load %arg11[%parallel_loop3A_597, %parallel_loop3A_598] {strides = array<i32>} : memref<128x64xf32, #tpu.memory_space<vmem>>, vector<1x16xf32>,
        %parallel_loop3A_600 = vector.shape_cast %parallel_loop3A_599 : vector<1x16xf32> to vector<16xf32>
        %parallel_loop3A_601 = arith.mulf %parallel_loop3A_600, %parallel_loop3A_552 : vector<16xf32>
        %parallel_loop3A_602 = arith.constant 6 : i32
        %parallel_loop3A_603 = arith.addi %parallel_loop3A_195, %parallel_loop3A_602 : i32
        %parallel_loop3A_604 = arith.index_cast %parallel_loop3A_603 : i32 to index
        %parallel_loop3A_605 = arith.constant 48 : index
        %parallel_loop3A_606 = tpu.vector_load %arg11[%parallel_loop3A_604, %parallel_loop3A_605] {strides = array<i32>} : memref<128x64xf32, #tpu.memory_space<vmem>>, vector<1x16xf32>,
        %parallel_loop3A_607 = vector.shape_cast %parallel_loop3A_606 : vector<1x16xf32> to vector<16xf32>
        %parallel_loop3A_608 = vector.shape_cast %parallel_loop3A_601 : vector<16xf32> to vector<1x16xf32>
        tpu.vector_store %arg11[%parallel_loop3A_604, %parallel_loop3A_605], %parallel_loop3A_608 {strides = array<i32>} : memref<128x64xf32, #tpu.memory_space<vmem>>, vector<1x16xf32>,
        %parallel_loop3A_609 = vector.extract_strided_slice %parallel_loop3A_193 {offsets = [7], sizes = [1], strides = [1]} : vector<16xf32> to vector<1xf32>
        %parallel_loop3A_610 = vector.extract %parallel_loop3A_609[0] : f32 from vector<1xf32>
        %parallel_loop3A_611 = vector.broadcast %parallel_loop3A_610 : f32 to vector<16xf32>
        %parallel_loop3A_612 = arith.constant 7 : i32
        %parallel_loop3A_613 = arith.addi %parallel_loop3A_195, %parallel_loop3A_612 : i32
        %parallel_loop3A_614 = arith.index_cast %parallel_loop3A_613 : i32 to index
        %parallel_loop3A_615 = arith.constant 0 : index
        %parallel_loop3A_616 = tpu.vector_load %arg11[%parallel_loop3A_614, %parallel_loop3A_615] {strides = array<i32>} : memref<128x64xf32, #tpu.memory_space<vmem>>, vector<1x16xf32>,
        %parallel_loop3A_617 = vector.shape_cast %parallel_loop3A_616 : vector<1x16xf32> to vector<16xf32>
        %parallel_loop3A_618 = arith.mulf %parallel_loop3A_617, %parallel_loop3A_611 : vector<16xf32>
        %parallel_loop3A_619 = arith.constant 7 : i32
        %parallel_loop3A_620 = arith.addi %parallel_loop3A_195, %parallel_loop3A_619 : i32
        %parallel_loop3A_621 = arith.index_cast %parallel_loop3A_620 : i32 to index
        %parallel_loop3A_622 = arith.constant 0 : index
        %parallel_loop3A_623 = tpu.vector_load %arg11[%parallel_loop3A_621, %parallel_loop3A_622] {strides = array<i32>} : memref<128x64xf32, #tpu.memory_space<vmem>>, vector<1x16xf32>,
        %parallel_loop3A_624 = vector.shape_cast %parallel_loop3A_623 : vector<1x16xf32> to vector<16xf32>
        %parallel_loop3A_625 = vector.shape_cast %parallel_loop3A_618 : vector<16xf32> to vector<1x16xf32>
        tpu.vector_store %arg11[%parallel_loop3A_621, %parallel_loop3A_622], %parallel_loop3A_625 {strides = array<i32>} : memref<128x64xf32, #tpu.memory_space<vmem>>, vector<1x16xf32>,
        %parallel_loop3A_626 = arith.constant 7 : i32
        %parallel_loop3A_627 = arith.addi %parallel_loop3A_195, %parallel_loop3A_626 : i32
        %parallel_loop3A_628 = arith.index_cast %parallel_loop3A_627 : i32 to index
        %parallel_loop3A_629 = arith.constant 16 : index
        %parallel_loop3A_630 = tpu.vector_load %arg11[%parallel_loop3A_628, %parallel_loop3A_629] {strides = array<i32>} : memref<128x64xf32, #tpu.memory_space<vmem>>, vector<1x16xf32>,
        %parallel_loop3A_631 = vector.shape_cast %parallel_loop3A_630 : vector<1x16xf32> to vector<16xf32>
        %parallel_loop3A_632 = arith.mulf %parallel_loop3A_631, %parallel_loop3A_611 : vector<16xf32>
        %parallel_loop3A_633 = arith.constant 7 : i32
        %parallel_loop3A_634 = arith.addi %parallel_loop3A_195, %parallel_loop3A_633 : i32
        %parallel_loop3A_635 = arith.index_cast %parallel_loop3A_634 : i32 to index
        %parallel_loop3A_636 = arith.constant 16 : index
        %parallel_loop3A_637 = tpu.vector_load %arg11[%parallel_loop3A_635, %parallel_loop3A_636] {strides = array<i32>} : memref<128x64xf32, #tpu.memory_space<vmem>>, vector<1x16xf32>,
        %parallel_loop3A_638 = vector.shape_cast %parallel_loop3A_637 : vector<1x16xf32> to vector<16xf32>
        %parallel_loop3A_639 = vector.shape_cast %parallel_loop3A_632 : vector<16xf32> to vector<1x16xf32>
        tpu.vector_store %arg11[%parallel_loop3A_635, %parallel_loop3A_636], %parallel_loop3A_639 {strides = array<i32>} : memref<128x64xf32, #tpu.memory_space<vmem>>, vector<1x16xf32>,
        %parallel_loop3A_640 = arith.constant 7 : i32
        %parallel_loop3A_641 = arith.addi %parallel_loop3A_195, %parallel_loop3A_640 : i32
        %parallel_loop3A_642 = arith.index_cast %parallel_loop3A_641 : i32 to index
        %parallel_loop3A_643 = arith.constant 32 : index
        %parallel_loop3A_644 = tpu.vector_load %arg11[%parallel_loop3A_642, %parallel_loop3A_643] {strides = array<i32>} : memref<128x64xf32, #tpu.memory_space<vmem>>, vector<1x16xf32>,
        %parallel_loop3A_645 = vector.shape_cast %parallel_loop3A_644 : vector<1x16xf32> to vector<16xf32>
        %parallel_loop3A_646 = arith.mulf %parallel_loop3A_645, %parallel_loop3A_611 : vector<16xf32>
        %parallel_loop3A_647 = arith.constant 7 : i32
        %parallel_loop3A_648 = arith.addi %parallel_loop3A_195, %parallel_loop3A_647 : i32
        %parallel_loop3A_649 = arith.index_cast %parallel_loop3A_648 : i32 to index
        %parallel_loop3A_650 = arith.constant 32 : index
        %parallel_loop3A_651 = tpu.vector_load %arg11[%parallel_loop3A_649, %parallel_loop3A_650] {strides = array<i32>} : memref<128x64xf32, #tpu.memory_space<vmem>>, vector<1x16xf32>,
        %parallel_loop3A_652 = vector.shape_cast %parallel_loop3A_651 : vector<1x16xf32> to vector<16xf32>
        %parallel_loop3A_653 = vector.shape_cast %parallel_loop3A_646 : vector<16xf32> to vector<1x16xf32>
        tpu.vector_store %arg11[%parallel_loop3A_649, %parallel_loop3A_650], %parallel_loop3A_653 {strides = array<i32>} : memref<128x64xf32, #tpu.memory_space<vmem>>, vector<1x16xf32>,
        %parallel_loop3A_654 = arith.constant 7 : i32
        %parallel_loop3A_655 = arith.addi %parallel_loop3A_195, %parallel_loop3A_654 : i32
        %parallel_loop3A_656 = arith.index_cast %parallel_loop3A_655 : i32 to index
        %parallel_loop3A_657 = arith.constant 48 : index
        %parallel_loop3A_658 = tpu.vector_load %arg11[%parallel_loop3A_656, %parallel_loop3A_657] {strides = array<i32>} : memref<128x64xf32, #tpu.memory_space<vmem>>, vector<1x16xf32>,
        %parallel_loop3A_659 = vector.shape_cast %parallel_loop3A_658 : vector<1x16xf32> to vector<16xf32>
        %parallel_loop3A_660 = arith.mulf %parallel_loop3A_659, %parallel_loop3A_611 : vector<16xf32>
        %parallel_loop3A_661 = arith.constant 7 : i32
        %parallel_loop3A_662 = arith.addi %parallel_loop3A_195, %parallel_loop3A_661 : i32
        %parallel_loop3A_663 = arith.index_cast %parallel_loop3A_662 : i32 to index
        %parallel_loop3A_664 = arith.constant 48 : index
        %parallel_loop3A_665 = tpu.vector_load %arg11[%parallel_loop3A_663, %parallel_loop3A_664] {strides = array<i32>} : memref<128x64xf32, #tpu.memory_space<vmem>>, vector<1x16xf32>,
        %parallel_loop3A_666 = vector.shape_cast %parallel_loop3A_665 : vector<1x16xf32> to vector<16xf32>
        %parallel_loop3A_667 = vector.shape_cast %parallel_loop3A_660 : vector<16xf32> to vector<1x16xf32>
        tpu.vector_store %arg11[%parallel_loop3A_663, %parallel_loop3A_664], %parallel_loop3A_667 {strides = array<i32>} : memref<128x64xf32, #tpu.memory_space<vmem>>, vector<1x16xf32>,
        %parallel_loop3A_668 = vector.extract_strided_slice %parallel_loop3A_193 {offsets = [8], sizes = [1], strides = [1]} : vector<16xf32> to vector<1xf32>
        %parallel_loop3A_669 = vector.extract %parallel_loop3A_668[0] : f32 from vector<1xf32>
        %parallel_loop3A_670 = vector.broadcast %parallel_loop3A_669 : f32 to vector<16xf32>
        %parallel_loop3A_671 = arith.constant 8 : i32
        %parallel_loop3A_672 = arith.addi %parallel_loop3A_195, %parallel_loop3A_671 : i32
        %parallel_loop3A_673 = arith.index_cast %parallel_loop3A_672 : i32 to index
        %parallel_loop3A_674 = arith.constant 0 : index
        %parallel_loop3A_675 = tpu.vector_load %arg11[%parallel_loop3A_673, %parallel_loop3A_674] {strides = array<i32>} : memref<128x64xf32, #tpu.memory_space<vmem>>, vector<1x16xf32>,
        %parallel_loop3A_676 = vector.shape_cast %parallel_loop3A_675 : vector<1x16xf32> to vector<16xf32>
        %parallel_loop3A_677 = arith.mulf %parallel_loop3A_676, %parallel_loop3A_670 : vector<16xf32>
        %parallel_loop3A_678 = arith.constant 8 : i32
        %parallel_loop3A_679 = arith.addi %parallel_loop3A_195, %parallel_loop3A_678 : i32
        %parallel_loop3A_680 = arith.index_cast %parallel_loop3A_679 : i32 to index
        %parallel_loop3A_681 = arith.constant 0 : index
        %parallel_loop3A_682 = tpu.vector_load %arg11[%parallel_loop3A_680, %parallel_loop3A_681] {strides = array<i32>} : memref<128x64xf32, #tpu.memory_space<vmem>>, vector<1x16xf32>,
        %parallel_loop3A_683 = vector.shape_cast %parallel_loop3A_682 : vector<1x16xf32> to vector<16xf32>
        %parallel_loop3A_684 = vector.shape_cast %parallel_loop3A_677 : vector<16xf32> to vector<1x16xf32>
        tpu.vector_store %arg11[%parallel_loop3A_680, %parallel_loop3A_681], %parallel_loop3A_684 {strides = array<i32>} : memref<128x64xf32, #tpu.memory_space<vmem>>, vector<1x16xf32>,
        %parallel_loop3A_685 = arith.constant 8 : i32
        %parallel_loop3A_686 = arith.addi %parallel_loop3A_195, %parallel_loop3A_685 : i32
        %parallel_loop3A_687 = arith.index_cast %parallel_loop3A_686 : i32 to index
        %parallel_loop3A_688 = arith.constant 16 : index
        %parallel_loop3A_689 = tpu.vector_load %arg11[%parallel_loop3A_687, %parallel_loop3A_688] {strides = array<i32>} : memref<128x64xf32, #tpu.memory_space<vmem>>, vector<1x16xf32>,
        %parallel_loop3A_690 = vector.shape_cast %parallel_loop3A_689 : vector<1x16xf32> to vector<16xf32>
        %parallel_loop3A_691 = arith.mulf %parallel_loop3A_690, %parallel_loop3A_670 : vector<16xf32>
        %parallel_loop3A_692 = arith.constant 8 : i32
        %parallel_loop3A_693 = arith.addi %parallel_loop3A_195, %parallel_loop3A_692 : i32
        %parallel_loop3A_694 = arith.index_cast %parallel_loop3A_693 : i32 to index
        %parallel_loop3A_695 = arith.constant 16 : index
        %parallel_loop3A_696 = tpu.vector_load %arg11[%parallel_loop3A_694, %parallel_loop3A_695] {strides = array<i32>} : memref<128x64xf32, #tpu.memory_space<vmem>>, vector<1x16xf32>,
        %parallel_loop3A_697 = vector.shape_cast %parallel_loop3A_696 : vector<1x16xf32> to vector<16xf32>
        %parallel_loop3A_698 = vector.shape_cast %parallel_loop3A_691 : vector<16xf32> to vector<1x16xf32>
        tpu.vector_store %arg11[%parallel_loop3A_694, %parallel_loop3A_695], %parallel_loop3A_698 {strides = array<i32>} : memref<128x64xf32, #tpu.memory_space<vmem>>, vector<1x16xf32>,
        %parallel_loop3A_699 = arith.constant 8 : i32
        %parallel_loop3A_700 = arith.addi %parallel_loop3A_195, %parallel_loop3A_699 : i32
        %parallel_loop3A_701 = arith.index_cast %parallel_loop3A_700 : i32 to index
        %parallel_loop3A_702 = arith.constant 32 : index
        %parallel_loop3A_703 = tpu.vector_load %arg11[%parallel_loop3A_701, %parallel_loop3A_702] {strides = array<i32>} : memref<128x64xf32, #tpu.memory_space<vmem>>, vector<1x16xf32>,
        %parallel_loop3A_704 = vector.shape_cast %parallel_loop3A_703 : vector<1x16xf32> to vector<16xf32>
        %parallel_loop3A_705 = arith.mulf %parallel_loop3A_704, %parallel_loop3A_670 : vector<16xf32>
        %parallel_loop3A_706 = arith.constant 8 : i32
        %parallel_loop3A_707 = arith.addi %parallel_loop3A_195, %parallel_loop3A_706 : i32
        %parallel_loop3A_708 = arith.index_cast %parallel_loop3A_707 : i32 to index
        %parallel_loop3A_709 = arith.constant 32 : index
        %parallel_loop3A_710 = tpu.vector_load %arg11[%parallel_loop3A_708, %parallel_loop3A_709] {strides = array<i32>} : memref<128x64xf32, #tpu.memory_space<vmem>>, vector<1x16xf32>,
        %parallel_loop3A_711 = vector.shape_cast %parallel_loop3A_710 : vector<1x16xf32> to vector<16xf32>
        %parallel_loop3A_712 = vector.shape_cast %parallel_loop3A_705 : vector<16xf32> to vector<1x16xf32>
        tpu.vector_store %arg11[%parallel_loop3A_708, %parallel_loop3A_709], %parallel_loop3A_712 {strides = array<i32>} : memref<128x64xf32, #tpu.memory_space<vmem>>, vector<1x16xf32>,
        %parallel_loop3A_713 = arith.constant 8 : i32
        %parallel_loop3A_714 = arith.addi %parallel_loop3A_195, %parallel_loop3A_713 : i32
        %parallel_loop3A_715 = arith.index_cast %parallel_loop3A_714 : i32 to index
        %parallel_loop3A_716 = arith.constant 48 : index
        %parallel_loop3A_717 = tpu.vector_load %arg11[%parallel_loop3A_715, %parallel_loop3A_716] {strides = array<i32>} : memref<128x64xf32, #tpu.memory_space<vmem>>, vector<1x16xf32>,
        %parallel_loop3A_718 = vector.shape_cast %parallel_loop3A_717 : vector<1x16xf32> to vector<16xf32>
        %parallel_loop3A_719 = arith.mulf %parallel_loop3A_718, %parallel_loop3A_670 : vector<16xf32>
        %parallel_loop3A_720 = arith.constant 8 : i32
        %parallel_loop3A_721 = arith.addi %parallel_loop3A_195, %parallel_loop3A_720 : i32
        %parallel_loop3A_722 = arith.index_cast %parallel_loop3A_721 : i32 to index
        %parallel_loop3A_723 = arith.constant 48 : index
        %parallel_loop3A_724 = tpu.vector_load %arg11[%parallel_loop3A_722, %parallel_loop3A_723] {strides = array<i32>} : memref<128x64xf32, #tpu.memory_space<vmem>>, vector<1x16xf32>,
        %parallel_loop3A_725 = vector.shape_cast %parallel_loop3A_724 : vector<1x16xf32> to vector<16xf32>
        %parallel_loop3A_726 = vector.shape_cast %parallel_loop3A_719 : vector<16xf32> to vector<1x16xf32>
        tpu.vector_store %arg11[%parallel_loop3A_722, %parallel_loop3A_723], %parallel_loop3A_726 {strides = array<i32>} : memref<128x64xf32, #tpu.memory_space<vmem>>, vector<1x16xf32>,
        %parallel_loop3A_727 = vector.extract_strided_slice %parallel_loop3A_193 {offsets = [9], sizes = [1], strides = [1]} : vector<16xf32> to vector<1xf32>
        %parallel_loop3A_728 = vector.extract %parallel_loop3A_727[0] : f32 from vector<1xf32>
        %parallel_loop3A_729 = vector.broadcast %parallel_loop3A_728 : f32 to vector<16xf32>
        %parallel_loop3A_730 = arith.constant 9 : i32
        %parallel_loop3A_731 = arith.addi %parallel_loop3A_195, %parallel_loop3A_730 : i32
        %parallel_loop3A_732 = arith.index_cast %parallel_loop3A_731 : i32 to index
        %parallel_loop3A_733 = arith.constant 0 : index
        %parallel_loop3A_734 = tpu.vector_load %arg11[%parallel_loop3A_732, %parallel_loop3A_733] {strides = array<i32>} : memref<128x64xf32, #tpu.memory_space<vmem>>, vector<1x16xf32>,
        %parallel_loop3A_735 = vector.shape_cast %parallel_loop3A_734 : vector<1x16xf32> to vector<16xf32>
        %parallel_loop3A_736 = arith.mulf %parallel_loop3A_735, %parallel_loop3A_729 : vector<16xf32>
        %parallel_loop3A_737 = arith.constant 9 : i32
        %parallel_loop3A_738 = arith.addi %parallel_loop3A_195, %parallel_loop3A_737 : i32
        %parallel_loop3A_739 = arith.index_cast %parallel_loop3A_738 : i32 to index
        %parallel_loop3A_740 = arith.constant 0 : index
        %parallel_loop3A_741 = tpu.vector_load %arg11[%parallel_loop3A_739, %parallel_loop3A_740] {strides = array<i32>} : memref<128x64xf32, #tpu.memory_space<vmem>>, vector<1x16xf32>,
        %parallel_loop3A_742 = vector.shape_cast %parallel_loop3A_741 : vector<1x16xf32> to vector<16xf32>
        %parallel_loop3A_743 = vector.shape_cast %parallel_loop3A_736 : vector<16xf32> to vector<1x16xf32>
        tpu.vector_store %arg11[%parallel_loop3A_739, %parallel_loop3A_740], %parallel_loop3A_743 {strides = array<i32>} : memref<128x64xf32, #tpu.memory_space<vmem>>, vector<1x16xf32>,
        %parallel_loop3A_744 = arith.constant 9 : i32
        %parallel_loop3A_745 = arith.addi %parallel_loop3A_195, %parallel_loop3A_744 : i32
        %parallel_loop3A_746 = arith.index_cast %parallel_loop3A_745 : i32 to index
        %parallel_loop3A_747 = arith.constant 16 : index
        %parallel_loop3A_748 = tpu.vector_load %arg11[%parallel_loop3A_746, %parallel_loop3A_747] {strides = array<i32>} : memref<128x64xf32, #tpu.memory_space<vmem>>, vector<1x16xf32>,
        %parallel_loop3A_749 = vector.shape_cast %parallel_loop3A_748 : vector<1x16xf32> to vector<16xf32>
        %parallel_loop3A_750 = arith.mulf %parallel_loop3A_749, %parallel_loop3A_729 : vector<16xf32>
        %parallel_loop3A_751 = arith.constant 9 : i32
        %parallel_loop3A_752 = arith.addi %parallel_loop3A_195, %parallel_loop3A_751 : i32
        %parallel_loop3A_753 = arith.index_cast %parallel_loop3A_752 : i32 to index
        %parallel_loop3A_754 = arith.constant 16 : index
        %parallel_loop3A_755 = tpu.vector_load %arg11[%parallel_loop3A_753, %parallel_loop3A_754] {strides = array<i32>} : memref<128x64xf32, #tpu.memory_space<vmem>>, vector<1x16xf32>,
        %parallel_loop3A_756 = vector.shape_cast %parallel_loop3A_755 : vector<1x16xf32> to vector<16xf32>
        %parallel_loop3A_757 = vector.shape_cast %parallel_loop3A_750 : vector<16xf32> to vector<1x16xf32>
        tpu.vector_store %arg11[%parallel_loop3A_753, %parallel_loop3A_754], %parallel_loop3A_757 {strides = array<i32>} : memref<128x64xf32, #tpu.memory_space<vmem>>, vector<1x16xf32>,
        %parallel_loop3A_758 = arith.constant 9 : i32
        %parallel_loop3A_759 = arith.addi %parallel_loop3A_195, %parallel_loop3A_758 : i32
        %parallel_loop3A_760 = arith.index_cast %parallel_loop3A_759 : i32 to index
        %parallel_loop3A_761 = arith.constant 32 : index
        %parallel_loop3A_762 = tpu.vector_load %arg11[%parallel_loop3A_760, %parallel_loop3A_761] {strides = array<i32>} : memref<128x64xf32, #tpu.memory_space<vmem>>, vector<1x16xf32>,
        %parallel_loop3A_763 = vector.shape_cast %parallel_loop3A_762 : vector<1x16xf32> to vector<16xf32>
        %parallel_loop3A_764 = arith.mulf %parallel_loop3A_763, %parallel_loop3A_729 : vector<16xf32>
        %parallel_loop3A_765 = arith.constant 9 : i32
        %parallel_loop3A_766 = arith.addi %parallel_loop3A_195, %parallel_loop3A_765 : i32
        %parallel_loop3A_767 = arith.index_cast %parallel_loop3A_766 : i32 to index
        %parallel_loop3A_768 = arith.constant 32 : index
        %parallel_loop3A_769 = tpu.vector_load %arg11[%parallel_loop3A_767, %parallel_loop3A_768] {strides = array<i32>} : memref<128x64xf32, #tpu.memory_space<vmem>>, vector<1x16xf32>,
        %parallel_loop3A_770 = vector.shape_cast %parallel_loop3A_769 : vector<1x16xf32> to vector<16xf32>
        %parallel_loop3A_771 = vector.shape_cast %parallel_loop3A_764 : vector<16xf32> to vector<1x16xf32>
        tpu.vector_store %arg11[%parallel_loop3A_767, %parallel_loop3A_768], %parallel_loop3A_771 {strides = array<i32>} : memref<128x64xf32, #tpu.memory_space<vmem>>, vector<1x16xf32>,
        %parallel_loop3A_772 = arith.constant 9 : i32
        %parallel_loop3A_773 = arith.addi %parallel_loop3A_195, %parallel_loop3A_772 : i32
        %parallel_loop3A_774 = arith.index_cast %parallel_loop3A_773 : i32 to index
        %parallel_loop3A_775 = arith.constant 48 : index
        %parallel_loop3A_776 = tpu.vector_load %arg11[%parallel_loop3A_774, %parallel_loop3A_775] {strides = array<i32>} : memref<128x64xf32, #tpu.memory_space<vmem>>, vector<1x16xf32>,
        %parallel_loop3A_777 = vector.shape_cast %parallel_loop3A_776 : vector<1x16xf32> to vector<16xf32>
        %parallel_loop3A_778 = arith.mulf %parallel_loop3A_777, %parallel_loop3A_729 : vector<16xf32>
        %parallel_loop3A_779 = arith.constant 9 : i32
        %parallel_loop3A_780 = arith.addi %parallel_loop3A_195, %parallel_loop3A_779 : i32
        %parallel_loop3A_781 = arith.index_cast %parallel_loop3A_780 : i32 to index
        %parallel_loop3A_782 = arith.constant 48 : index
        %parallel_loop3A_783 = tpu.vector_load %arg11[%parallel_loop3A_781, %parallel_loop3A_782] {strides = array<i32>} : memref<128x64xf32, #tpu.memory_space<vmem>>, vector<1x16xf32>,
        %parallel_loop3A_784 = vector.shape_cast %parallel_loop3A_783 : vector<1x16xf32> to vector<16xf32>
        %parallel_loop3A_785 = vector.shape_cast %parallel_loop3A_778 : vector<16xf32> to vector<1x16xf32>
        tpu.vector_store %arg11[%parallel_loop3A_781, %parallel_loop3A_782], %parallel_loop3A_785 {strides = array<i32>} : memref<128x64xf32, #tpu.memory_space<vmem>>, vector<1x16xf32>,
        %parallel_loop3A_786 = vector.extract_strided_slice %parallel_loop3A_193 {offsets = [10], sizes = [1], strides = [1]} : vector<16xf32> to vector<1xf32>
        %parallel_loop3A_787 = vector.extract %parallel_loop3A_786[0] : f32 from vector<1xf32>
        %parallel_loop3A_788 = vector.broadcast %parallel_loop3A_787 : f32 to vector<16xf32>
        %parallel_loop3A_789 = arith.constant 10 : i32
        %parallel_loop3A_790 = arith.addi %parallel_loop3A_195, %parallel_loop3A_789 : i32
        %parallel_loop3A_791 = arith.index_cast %parallel_loop3A_790 : i32 to index
        %parallel_loop3A_792 = arith.constant 0 : index
        %parallel_loop3A_793 = tpu.vector_load %arg11[%parallel_loop3A_791, %parallel_loop3A_792] {strides = array<i32>} : memref<128x64xf32, #tpu.memory_space<vmem>>, vector<1x16xf32>,
        %parallel_loop3A_794 = vector.shape_cast %parallel_loop3A_793 : vector<1x16xf32> to vector<16xf32>
        %parallel_loop3A_795 = arith.mulf %parallel_loop3A_794, %parallel_loop3A_788 : vector<16xf32>
        %parallel_loop3A_796 = arith.constant 10 : i32
        %parallel_loop3A_797 = arith.addi %parallel_loop3A_195, %parallel_loop3A_796 : i32
        %parallel_loop3A_798 = arith.index_cast %parallel_loop3A_797 : i32 to index
        %parallel_loop3A_799 = arith.constant 0 : index
        %parallel_loop3A_800 = tpu.vector_load %arg11[%parallel_loop3A_798, %parallel_loop3A_799] {strides = array<i32>} : memref<128x64xf32, #tpu.memory_space<vmem>>, vector<1x16xf32>,
        %parallel_loop3A_801 = vector.shape_cast %parallel_loop3A_800 : vector<1x16xf32> to vector<16xf32>
        %parallel_loop3A_802 = vector.shape_cast %parallel_loop3A_795 : vector<16xf32> to vector<1x16xf32>
        tpu.vector_store %arg11[%parallel_loop3A_798, %parallel_loop3A_799], %parallel_loop3A_802 {strides = array<i32>} : memref<128x64xf32, #tpu.memory_space<vmem>>, vector<1x16xf32>,
        %parallel_loop3A_803 = arith.constant 10 : i32
        %parallel_loop3A_804 = arith.addi %parallel_loop3A_195, %parallel_loop3A_803 : i32
        %parallel_loop3A_805 = arith.index_cast %parallel_loop3A_804 : i32 to index
        %parallel_loop3A_806 = arith.constant 16 : index
        %parallel_loop3A_807 = tpu.vector_load %arg11[%parallel_loop3A_805, %parallel_loop3A_806] {strides = array<i32>} : memref<128x64xf32, #tpu.memory_space<vmem>>, vector<1x16xf32>,
        %parallel_loop3A_808 = vector.shape_cast %parallel_loop3A_807 : vector<1x16xf32> to vector<16xf32>
        %parallel_loop3A_809 = arith.mulf %parallel_loop3A_808, %parallel_loop3A_788 : vector<16xf32>
        %parallel_loop3A_810 = arith.constant 10 : i32
        %parallel_loop3A_811 = arith.addi %parallel_loop3A_195, %parallel_loop3A_810 : i32
        %parallel_loop3A_812 = arith.index_cast %parallel_loop3A_811 : i32 to index
        %parallel_loop3A_813 = arith.constant 16 : index
        %parallel_loop3A_814 = tpu.vector_load %arg11[%parallel_loop3A_812, %parallel_loop3A_813] {strides = array<i32>} : memref<128x64xf32, #tpu.memory_space<vmem>>, vector<1x16xf32>,
        %parallel_loop3A_815 = vector.shape_cast %parallel_loop3A_814 : vector<1x16xf32> to vector<16xf32>
        %parallel_loop3A_816 = vector.shape_cast %parallel_loop3A_809 : vector<16xf32> to vector<1x16xf32>
        tpu.vector_store %arg11[%parallel_loop3A_812, %parallel_loop3A_813], %parallel_loop3A_816 {strides = array<i32>} : memref<128x64xf32, #tpu.memory_space<vmem>>, vector<1x16xf32>,
        %parallel_loop3A_817 = arith.constant 10 : i32
        %parallel_loop3A_818 = arith.addi %parallel_loop3A_195, %parallel_loop3A_817 : i32
        %parallel_loop3A_819 = arith.index_cast %parallel_loop3A_818 : i32 to index
        %parallel_loop3A_820 = arith.constant 32 : index
        %parallel_loop3A_821 = tpu.vector_load %arg11[%parallel_loop3A_819, %parallel_loop3A_820] {strides = array<i32>} : memref<128x64xf32, #tpu.memory_space<vmem>>, vector<1x16xf32>,
        %parallel_loop3A_822 = vector.shape_cast %parallel_loop3A_821 : vector<1x16xf32> to vector<16xf32>
        %parallel_loop3A_823 = arith.mulf %parallel_loop3A_822, %parallel_loop3A_788 : vector<16xf32>
        %parallel_loop3A_824 = arith.constant 10 : i32
        %parallel_loop3A_825 = arith.addi %parallel_loop3A_195, %parallel_loop3A_824 : i32
        %parallel_loop3A_826 = arith.index_cast %parallel_loop3A_825 : i32 to index
        %parallel_loop3A_827 = arith.constant 32 : index
        %parallel_loop3A_828 = tpu.vector_load %arg11[%parallel_loop3A_826, %parallel_loop3A_827] {strides = array<i32>} : memref<128x64xf32, #tpu.memory_space<vmem>>, vector<1x16xf32>,
        %parallel_loop3A_829 = vector.shape_cast %parallel_loop3A_828 : vector<1x16xf32> to vector<16xf32>
        %parallel_loop3A_830 = vector.shape_cast %parallel_loop3A_823 : vector<16xf32> to vector<1x16xf32>
        tpu.vector_store %arg11[%parallel_loop3A_826, %parallel_loop3A_827], %parallel_loop3A_830 {strides = array<i32>} : memref<128x64xf32, #tpu.memory_space<vmem>>, vector<1x16xf32>,
        %parallel_loop3A_831 = arith.constant 10 : i32
        %parallel_loop3A_832 = arith.addi %parallel_loop3A_195, %parallel_loop3A_831 : i32
        %parallel_loop3A_833 = arith.index_cast %parallel_loop3A_832 : i32 to index
        %parallel_loop3A_834 = arith.constant 48 : index
        %parallel_loop3A_835 = tpu.vector_load %arg11[%parallel_loop3A_833, %parallel_loop3A_834] {strides = array<i32>} : memref<128x64xf32, #tpu.memory_space<vmem>>, vector<1x16xf32>,
        %parallel_loop3A_836 = vector.shape_cast %parallel_loop3A_835 : vector<1x16xf32> to vector<16xf32>
        %parallel_loop3A_837 = arith.mulf %parallel_loop3A_836, %parallel_loop3A_788 : vector<16xf32>
        %parallel_loop3A_838 = arith.constant 10 : i32
        %parallel_loop3A_839 = arith.addi %parallel_loop3A_195, %parallel_loop3A_838 : i32
        %parallel_loop3A_840 = arith.index_cast %parallel_loop3A_839 : i32 to index
        %parallel_loop3A_841 = arith.constant 48 : index
        %parallel_loop3A_842 = tpu.vector_load %arg11[%parallel_loop3A_840, %parallel_loop3A_841] {strides = array<i32>} : memref<128x64xf32, #tpu.memory_space<vmem>>, vector<1x16xf32>,
        %parallel_loop3A_843 = vector.shape_cast %parallel_loop3A_842 : vector<1x16xf32> to vector<16xf32>
        %parallel_loop3A_844 = vector.shape_cast %parallel_loop3A_837 : vector<16xf32> to vector<1x16xf32>
        tpu.vector_store %arg11[%parallel_loop3A_840, %parallel_loop3A_841], %parallel_loop3A_844 {strides = array<i32>} : memref<128x64xf32, #tpu.memory_space<vmem>>, vector<1x16xf32>,
        %parallel_loop3A_845 = vector.extract_strided_slice %parallel_loop3A_193 {offsets = [11], sizes = [1], strides = [1]} : vector<16xf32> to vector<1xf32>
        %parallel_loop3A_846 = vector.extract %parallel_loop3A_845[0] : f32 from vector<1xf32>
        %parallel_loop3A_847 = vector.broadcast %parallel_loop3A_846 : f32 to vector<16xf32>
        %parallel_loop3A_848 = arith.constant 11 : i32
        %parallel_loop3A_849 = arith.addi %parallel_loop3A_195, %parallel_loop3A_848 : i32
        %parallel_loop3A_850 = arith.index_cast %parallel_loop3A_849 : i32 to index
        %parallel_loop3A_851 = arith.constant 0 : index
        %parallel_loop3A_852 = tpu.vector_load %arg11[%parallel_loop3A_850, %parallel_loop3A_851] {strides = array<i32>} : memref<128x64xf32, #tpu.memory_space<vmem>>, vector<1x16xf32>,
        %parallel_loop3A_853 = vector.shape_cast %parallel_loop3A_852 : vector<1x16xf32> to vector<16xf32>
        %parallel_loop3A_854 = arith.mulf %parallel_loop3A_853, %parallel_loop3A_847 : vector<16xf32>
        %parallel_loop3A_855 = arith.constant 11 : i32
        %parallel_loop3A_856 = arith.addi %parallel_loop3A_195, %parallel_loop3A_855 : i32
        %parallel_loop3A_857 = arith.index_cast %parallel_loop3A_856 : i32 to index
        %parallel_loop3A_858 = arith.constant 0 : index
        %parallel_loop3A_859 = tpu.vector_load %arg11[%parallel_loop3A_857, %parallel_loop3A_858] {strides = array<i32>} : memref<128x64xf32, #tpu.memory_space<vmem>>, vector<1x16xf32>,
        %parallel_loop3A_860 = vector.shape_cast %parallel_loop3A_859 : vector<1x16xf32> to vector<16xf32>
        %parallel_loop3A_861 = vector.shape_cast %parallel_loop3A_854 : vector<16xf32> to vector<1x16xf32>
        tpu.vector_store %arg11[%parallel_loop3A_857, %parallel_loop3A_858], %parallel_loop3A_861 {strides = array<i32>} : memref<128x64xf32, #tpu.memory_space<vmem>>, vector<1x16xf32>,
        %parallel_loop3A_862 = arith.constant 11 : i32
        %parallel_loop3A_863 = arith.addi %parallel_loop3A_195, %parallel_loop3A_862 : i32
        %parallel_loop3A_864 = arith.index_cast %parallel_loop3A_863 : i32 to index
        %parallel_loop3A_865 = arith.constant 16 : index
        %parallel_loop3A_866 = tpu.vector_load %arg11[%parallel_loop3A_864, %parallel_loop3A_865] {strides = array<i32>} : memref<128x64xf32, #tpu.memory_space<vmem>>, vector<1x16xf32>,
        %parallel_loop3A_867 = vector.shape_cast %parallel_loop3A_866 : vector<1x16xf32> to vector<16xf32>
        %parallel_loop3A_868 = arith.mulf %parallel_loop3A_867, %parallel_loop3A_847 : vector<16xf32>
        %parallel_loop3A_869 = arith.constant 11 : i32
        %parallel_loop3A_870 = arith.addi %parallel_loop3A_195, %parallel_loop3A_869 : i32
        %parallel_loop3A_871 = arith.index_cast %parallel_loop3A_870 : i32 to index
        %parallel_loop3A_872 = arith.constant 16 : index
        %parallel_loop3A_873 = tpu.vector_load %arg11[%parallel_loop3A_871, %parallel_loop3A_872] {strides = array<i32>} : memref<128x64xf32, #tpu.memory_space<vmem>>, vector<1x16xf32>,
        %parallel_loop3A_874 = vector.shape_cast %parallel_loop3A_873 : vector<1x16xf32> to vector<16xf32>
        %parallel_loop3A_875 = vector.shape_cast %parallel_loop3A_868 : vector<16xf32> to vector<1x16xf32>
        tpu.vector_store %arg11[%parallel_loop3A_871, %parallel_loop3A_872], %parallel_loop3A_875 {strides = array<i32>} : memref<128x64xf32, #tpu.memory_space<vmem>>, vector<1x16xf32>,
        %parallel_loop3A_876 = arith.constant 11 : i32
        %parallel_loop3A_877 = arith.addi %parallel_loop3A_195, %parallel_loop3A_876 : i32
        %parallel_loop3A_878 = arith.index_cast %parallel_loop3A_877 : i32 to index
        %parallel_loop3A_879 = arith.constant 32 : index
        %parallel_loop3A_880 = tpu.vector_load %arg11[%parallel_loop3A_878, %parallel_loop3A_879] {strides = array<i32>} : memref<128x64xf32, #tpu.memory_space<vmem>>, vector<1x16xf32>,
        %parallel_loop3A_881 = vector.shape_cast %parallel_loop3A_880 : vector<1x16xf32> to vector<16xf32>
        %parallel_loop3A_882 = arith.mulf %parallel_loop3A_881, %parallel_loop3A_847 : vector<16xf32>
        %parallel_loop3A_883 = arith.constant 11 : i32
        %parallel_loop3A_884 = arith.addi %parallel_loop3A_195, %parallel_loop3A_883 : i32
        %parallel_loop3A_885 = arith.index_cast %parallel_loop3A_884 : i32 to index
        %parallel_loop3A_886 = arith.constant 32 : index
        %parallel_loop3A_887 = tpu.vector_load %arg11[%parallel_loop3A_885, %parallel_loop3A_886] {strides = array<i32>} : memref<128x64xf32, #tpu.memory_space<vmem>>, vector<1x16xf32>,
        %parallel_loop3A_888 = vector.shape_cast %parallel_loop3A_887 : vector<1x16xf32> to vector<16xf32>
        %parallel_loop3A_889 = vector.shape_cast %parallel_loop3A_882 : vector<16xf32> to vector<1x16xf32>
        tpu.vector_store %arg11[%parallel_loop3A_885, %parallel_loop3A_886], %parallel_loop3A_889 {strides = array<i32>} : memref<128x64xf32, #tpu.memory_space<vmem>>, vector<1x16xf32>,
        %parallel_loop3A_890 = arith.constant 11 : i32
        %parallel_loop3A_891 = arith.addi %parallel_loop3A_195, %parallel_loop3A_890 : i32
        %parallel_loop3A_892 = arith.index_cast %parallel_loop3A_891 : i32 to index
        %parallel_loop3A_893 = arith.constant 48 : index
        %parallel_loop3A_894 = tpu.vector_load %arg11[%parallel_loop3A_892, %parallel_loop3A_893] {strides = array<i32>} : memref<128x64xf32, #tpu.memory_space<vmem>>, vector<1x16xf32>,
        %parallel_loop3A_895 = vector.shape_cast %parallel_loop3A_894 : vector<1x16xf32> to vector<16xf32>
        %parallel_loop3A_896 = arith.mulf %parallel_loop3A_895, %parallel_loop3A_847 : vector<16xf32>
        %parallel_loop3A_897 = arith.constant 11 : i32
        %parallel_loop3A_898 = arith.addi %parallel_loop3A_195, %parallel_loop3A_897 : i32
        %parallel_loop3A_899 = arith.index_cast %parallel_loop3A_898 : i32 to index
        %parallel_loop3A_900 = arith.constant 48 : index
        %parallel_loop3A_901 = tpu.vector_load %arg11[%parallel_loop3A_899, %parallel_loop3A_900] {strides = array<i32>} : memref<128x64xf32, #tpu.memory_space<vmem>>, vector<1x16xf32>,
        %parallel_loop3A_902 = vector.shape_cast %parallel_loop3A_901 : vector<1x16xf32> to vector<16xf32>
        %parallel_loop3A_903 = vector.shape_cast %parallel_loop3A_896 : vector<16xf32> to vector<1x16xf32>
        tpu.vector_store %arg11[%parallel_loop3A_899, %parallel_loop3A_900], %parallel_loop3A_903 {strides = array<i32>} : memref<128x64xf32, #tpu.memory_space<vmem>>, vector<1x16xf32>,
        %parallel_loop3A_904 = vector.extract_strided_slice %parallel_loop3A_193 {offsets = [12], sizes = [1], strides = [1]} : vector<16xf32> to vector<1xf32>
        %parallel_loop3A_905 = vector.extract %parallel_loop3A_904[0] : f32 from vector<1xf32>
        %parallel_loop3A_906 = vector.broadcast %parallel_loop3A_905 : f32 to vector<16xf32>
        %parallel_loop3A_907 = arith.constant 12 : i32
        %parallel_loop3A_908 = arith.addi %parallel_loop3A_195, %parallel_loop3A_907 : i32
        %parallel_loop3A_909 = arith.index_cast %parallel_loop3A_908 : i32 to index
        %parallel_loop3A_910 = arith.constant 0 : index
        %parallel_loop3A_911 = tpu.vector_load %arg11[%parallel_loop3A_909, %parallel_loop3A_910] {strides = array<i32>} : memref<128x64xf32, #tpu.memory_space<vmem>>, vector<1x16xf32>,
        %parallel_loop3A_912 = vector.shape_cast %parallel_loop3A_911 : vector<1x16xf32> to vector<16xf32>
        %parallel_loop3A_913 = arith.mulf %parallel_loop3A_912, %parallel_loop3A_906 : vector<16xf32>
        %parallel_loop3A_914 = arith.constant 12 : i32
        %parallel_loop3A_915 = arith.addi %parallel_loop3A_195, %parallel_loop3A_914 : i32
        %parallel_loop3A_916 = arith.index_cast %parallel_loop3A_915 : i32 to index
        %parallel_loop3A_917 = arith.constant 0 : index
        %parallel_loop3A_918 = tpu.vector_load %arg11[%parallel_loop3A_916, %parallel_loop3A_917] {strides = array<i32>} : memref<128x64xf32, #tpu.memory_space<vmem>>, vector<1x16xf32>,
        %parallel_loop3A_919 = vector.shape_cast %parallel_loop3A_918 : vector<1x16xf32> to vector<16xf32>
        %parallel_loop3A_920 = vector.shape_cast %parallel_loop3A_913 : vector<16xf32> to vector<1x16xf32>
        tpu.vector_store %arg11[%parallel_loop3A_916, %parallel_loop3A_917], %parallel_loop3A_920 {strides = array<i32>} : memref<128x64xf32, #tpu.memory_space<vmem>>, vector<1x16xf32>,
        %parallel_loop3A_921 = arith.constant 12 : i32
        %parallel_loop3A_922 = arith.addi %parallel_loop3A_195, %parallel_loop3A_921 : i32
        %parallel_loop3A_923 = arith.index_cast %parallel_loop3A_922 : i32 to index
        %parallel_loop3A_924 = arith.constant 16 : index
        %parallel_loop3A_925 = tpu.vector_load %arg11[%parallel_loop3A_923, %parallel_loop3A_924] {strides = array<i32>} : memref<128x64xf32, #tpu.memory_space<vmem>>, vector<1x16xf32>,
        %parallel_loop3A_926 = vector.shape_cast %parallel_loop3A_925 : vector<1x16xf32> to vector<16xf32>
        %parallel_loop3A_927 = arith.mulf %parallel_loop3A_926, %parallel_loop3A_906 : vector<16xf32>
        %parallel_loop3A_928 = arith.constant 12 : i32
        %parallel_loop3A_929 = arith.addi %parallel_loop3A_195, %parallel_loop3A_928 : i32
        %parallel_loop3A_930 = arith.index_cast %parallel_loop3A_929 : i32 to index
        %parallel_loop3A_931 = arith.constant 16 : index
        %parallel_loop3A_932 = tpu.vector_load %arg11[%parallel_loop3A_930, %parallel_loop3A_931] {strides = array<i32>} : memref<128x64xf32, #tpu.memory_space<vmem>>, vector<1x16xf32>,
        %parallel_loop3A_933 = vector.shape_cast %parallel_loop3A_932 : vector<1x16xf32> to vector<16xf32>
        %parallel_loop3A_934 = vector.shape_cast %parallel_loop3A_927 : vector<16xf32> to vector<1x16xf32>
        tpu.vector_store %arg11[%parallel_loop3A_930, %parallel_loop3A_931], %parallel_loop3A_934 {strides = array<i32>} : memref<128x64xf32, #tpu.memory_space<vmem>>, vector<1x16xf32>,
        %parallel_loop3A_935 = arith.constant 12 : i32
        %parallel_loop3A_936 = arith.addi %parallel_loop3A_195, %parallel_loop3A_935 : i32
        %parallel_loop3A_937 = arith.index_cast %parallel_loop3A_936 : i32 to index
        %parallel_loop3A_938 = arith.constant 32 : index
        %parallel_loop3A_939 = tpu.vector_load %arg11[%parallel_loop3A_937, %parallel_loop3A_938] {strides = array<i32>} : memref<128x64xf32, #tpu.memory_space<vmem>>, vector<1x16xf32>,
        %parallel_loop3A_940 = vector.shape_cast %parallel_loop3A_939 : vector<1x16xf32> to vector<16xf32>
        %parallel_loop3A_941 = arith.mulf %parallel_loop3A_940, %parallel_loop3A_906 : vector<16xf32>
        %parallel_loop3A_942 = arith.constant 12 : i32
        %parallel_loop3A_943 = arith.addi %parallel_loop3A_195, %parallel_loop3A_942 : i32
        %parallel_loop3A_944 = arith.index_cast %parallel_loop3A_943 : i32 to index
        %parallel_loop3A_945 = arith.constant 32 : index
        %parallel_loop3A_946 = tpu.vector_load %arg11[%parallel_loop3A_944, %parallel_loop3A_945] {strides = array<i32>} : memref<128x64xf32, #tpu.memory_space<vmem>>, vector<1x16xf32>,
        %parallel_loop3A_947 = vector.shape_cast %parallel_loop3A_946 : vector<1x16xf32> to vector<16xf32>
        %parallel_loop3A_948 = vector.shape_cast %parallel_loop3A_941 : vector<16xf32> to vector<1x16xf32>
        tpu.vector_store %arg11[%parallel_loop3A_944, %parallel_loop3A_945], %parallel_loop3A_948 {strides = array<i32>} : memref<128x64xf32, #tpu.memory_space<vmem>>, vector<1x16xf32>,
        %parallel_loop3A_949 = arith.constant 12 : i32
        %parallel_loop3A_950 = arith.addi %parallel_loop3A_195, %parallel_loop3A_949 : i32
        %parallel_loop3A_951 = arith.index_cast %parallel_loop3A_950 : i32 to index
        %parallel_loop3A_952 = arith.constant 48 : index
        %parallel_loop3A_953 = tpu.vector_load %arg11[%parallel_loop3A_951, %parallel_loop3A_952] {strides = array<i32>} : memref<128x64xf32, #tpu.memory_space<vmem>>, vector<1x16xf32>,
        %parallel_loop3A_954 = vector.shape_cast %parallel_loop3A_953 : vector<1x16xf32> to vector<16xf32>
        %parallel_loop3A_955 = arith.mulf %parallel_loop3A_954, %parallel_loop3A_906 : vector<16xf32>
        %parallel_loop3A_956 = arith.constant 12 : i32
        %parallel_loop3A_957 = arith.addi %parallel_loop3A_195, %parallel_loop3A_956 : i32
        %parallel_loop3A_958 = arith.index_cast %parallel_loop3A_957 : i32 to index
        %parallel_loop3A_959 = arith.constant 48 : index
        %parallel_loop3A_960 = tpu.vector_load %arg11[%parallel_loop3A_958, %parallel_loop3A_959] {strides = array<i32>} : memref<128x64xf32, #tpu.memory_space<vmem>>, vector<1x16xf32>,
        %parallel_loop3A_961 = vector.shape_cast %parallel_loop3A_960 : vector<1x16xf32> to vector<16xf32>
        %parallel_loop3A_962 = vector.shape_cast %parallel_loop3A_955 : vector<16xf32> to vector<1x16xf32>
        tpu.vector_store %arg11[%parallel_loop3A_958, %parallel_loop3A_959], %parallel_loop3A_962 {strides = array<i32>} : memref<128x64xf32, #tpu.memory_space<vmem>>, vector<1x16xf32>,
        %parallel_loop3A_963 = vector.extract_strided_slice %parallel_loop3A_193 {offsets = [13], sizes = [1], strides = [1]} : vector<16xf32> to vector<1xf32>
        %parallel_loop3A_964 = vector.extract %parallel_loop3A_963[0] : f32 from vector<1xf32>
        %parallel_loop3A_965 = vector.broadcast %parallel_loop3A_964 : f32 to vector<16xf32>
        %parallel_loop3A_966 = arith.constant 13 : i32
        %parallel_loop3A_967 = arith.addi %parallel_loop3A_195, %parallel_loop3A_966 : i32
        %parallel_loop3A_968 = arith.index_cast %parallel_loop3A_967 : i32 to index
        %parallel_loop3A_969 = arith.constant 0 : index
        %parallel_loop3A_970 = tpu.vector_load %arg11[%parallel_loop3A_968, %parallel_loop3A_969] {strides = array<i32>} : memref<128x64xf32, #tpu.memory_space<vmem>>, vector<1x16xf32>,
        %parallel_loop3A_971 = vector.shape_cast %parallel_loop3A_970 : vector<1x16xf32> to vector<16xf32>
        %parallel_loop3A_972 = arith.mulf %parallel_loop3A_971, %parallel_loop3A_965 : vector<16xf32>
        %parallel_loop3A_973 = arith.constant 13 : i32
        %parallel_loop3A_974 = arith.addi %parallel_loop3A_195, %parallel_loop3A_973 : i32
        %parallel_loop3A_975 = arith.index_cast %parallel_loop3A_974 : i32 to index
        %parallel_loop3A_976 = arith.constant 0 : index
        %parallel_loop3A_977 = tpu.vector_load %arg11[%parallel_loop3A_975, %parallel_loop3A_976] {strides = array<i32>} : memref<128x64xf32, #tpu.memory_space<vmem>>, vector<1x16xf32>,
        %parallel_loop3A_978 = vector.shape_cast %parallel_loop3A_977 : vector<1x16xf32> to vector<16xf32>
        %parallel_loop3A_979 = vector.shape_cast %parallel_loop3A_972 : vector<16xf32> to vector<1x16xf32>
        tpu.vector_store %arg11[%parallel_loop3A_975, %parallel_loop3A_976], %parallel_loop3A_979 {strides = array<i32>} : memref<128x64xf32, #tpu.memory_space<vmem>>, vector<1x16xf32>,
        %parallel_loop3A_980 = arith.constant 13 : i32
        %parallel_loop3A_981 = arith.addi %parallel_loop3A_195, %parallel_loop3A_980 : i32
        %parallel_loop3A_982 = arith.index_cast %parallel_loop3A_981 : i32 to index
        %parallel_loop3A_983 = arith.constant 16 : index
        %parallel_loop3A_984 = tpu.vector_load %arg11[%parallel_loop3A_982, %parallel_loop3A_983] {strides = array<i32>} : memref<128x64xf32, #tpu.memory_space<vmem>>, vector<1x16xf32>,
        %parallel_loop3A_985 = vector.shape_cast %parallel_loop3A_984 : vector<1x16xf32> to vector<16xf32>
        %parallel_loop3A_986 = arith.mulf %parallel_loop3A_985, %parallel_loop3A_965 : vector<16xf32>
        %parallel_loop3A_987 = arith.constant 13 : i32
        %parallel_loop3A_988 = arith.addi %parallel_loop3A_195, %parallel_loop3A_987 : i32
        %parallel_loop3A_989 = arith.index_cast %parallel_loop3A_988 : i32 to index
        %parallel_loop3A_990 = arith.constant 16 : index
        %parallel_loop3A_991 = tpu.vector_load %arg11[%parallel_loop3A_989, %parallel_loop3A_990] {strides = array<i32>} : memref<128x64xf32, #tpu.memory_space<vmem>>, vector<1x16xf32>,
        %parallel_loop3A_992 = vector.shape_cast %parallel_loop3A_991 : vector<1x16xf32> to vector<16xf32>
        %parallel_loop3A_993 = vector.shape_cast %parallel_loop3A_986 : vector<16xf32> to vector<1x16xf32>
        tpu.vector_store %arg11[%parallel_loop3A_989, %parallel_loop3A_990], %parallel_loop3A_993 {strides = array<i32>} : memref<128x64xf32, #tpu.memory_space<vmem>>, vector<1x16xf32>,
        %parallel_loop3A_994 = arith.constant 13 : i32
        %parallel_loop3A_995 = arith.addi %parallel_loop3A_195, %parallel_loop3A_994 : i32
        %parallel_loop3A_996 = arith.index_cast %parallel_loop3A_995 : i32 to index
        %parallel_loop3A_997 = arith.constant 32 : index
        %parallel_loop3A_998 = tpu.vector_load %arg11[%parallel_loop3A_996, %parallel_loop3A_997] {strides = array<i32>} : memref<128x64xf32, #tpu.memory_space<vmem>>, vector<1x16xf32>,
        %parallel_loop3A_999 = vector.shape_cast %parallel_loop3A_998 : vector<1x16xf32> to vector<16xf32>
        %parallel_loop3A_1000 = arith.mulf %parallel_loop3A_999, %parallel_loop3A_965 : vector<16xf32>
        %parallel_loop3A_1001 = arith.constant 13 : i32
        %parallel_loop3A_1002 = arith.addi %parallel_loop3A_195, %parallel_loop3A_1001 : i32
        %parallel_loop3A_1003 = arith.index_cast %parallel_loop3A_1002 : i32 to index
        %parallel_loop3A_1004 = arith.constant 32 : index
        %parallel_loop3A_1005 = tpu.vector_load %arg11[%parallel_loop3A_1003, %parallel_loop3A_1004] {strides = array<i32>} : memref<128x64xf32, #tpu.memory_space<vmem>>, vector<1x16xf32>,
        %parallel_loop3A_1006 = vector.shape_cast %parallel_loop3A_1005 : vector<1x16xf32> to vector<16xf32>
        %parallel_loop3A_1007 = vector.shape_cast %parallel_loop3A_1000 : vector<16xf32> to vector<1x16xf32>
        tpu.vector_store %arg11[%parallel_loop3A_1003, %parallel_loop3A_1004], %parallel_loop3A_1007 {strides = array<i32>} : memref<128x64xf32, #tpu.memory_space<vmem>>, vector<1x16xf32>,
        %parallel_loop3A_1008 = arith.constant 13 : i32
        %parallel_loop3A_1009 = arith.addi %parallel_loop3A_195, %parallel_loop3A_1008 : i32
        %parallel_loop3A_1010 = arith.index_cast %parallel_loop3A_1009 : i32 to index
        %parallel_loop3A_1011 = arith.constant 48 : index
        %parallel_loop3A_1012 = tpu.vector_load %arg11[%parallel_loop3A_1010, %parallel_loop3A_1011] {strides = array<i32>} : memref<128x64xf32, #tpu.memory_space<vmem>>, vector<1x16xf32>,
        %parallel_loop3A_1013 = vector.shape_cast %parallel_loop3A_1012 : vector<1x16xf32> to vector<16xf32>
        %parallel_loop3A_1014 = arith.mulf %parallel_loop3A_1013, %parallel_loop3A_965 : vector<16xf32>
        %parallel_loop3A_1015 = arith.constant 13 : i32
        %parallel_loop3A_1016 = arith.addi %parallel_loop3A_195, %parallel_loop3A_1015 : i32
        %parallel_loop3A_1017 = arith.index_cast %parallel_loop3A_1016 : i32 to index
        %parallel_loop3A_1018 = arith.constant 48 : index
        %parallel_loop3A_1019 = tpu.vector_load %arg11[%parallel_loop3A_1017, %parallel_loop3A_1018] {strides = array<i32>} : memref<128x64xf32, #tpu.memory_space<vmem>>, vector<1x16xf32>,
        %parallel_loop3A_1020 = vector.shape_cast %parallel_loop3A_1019 : vector<1x16xf32> to vector<16xf32>
        %parallel_loop3A_1021 = vector.shape_cast %parallel_loop3A_1014 : vector<16xf32> to vector<1x16xf32>
        tpu.vector_store %arg11[%parallel_loop3A_1017, %parallel_loop3A_1018], %parallel_loop3A_1021 {strides = array<i32>} : memref<128x64xf32, #tpu.memory_space<vmem>>, vector<1x16xf32>,
        %parallel_loop3A_1022 = vector.extract_strided_slice %parallel_loop3A_193 {offsets = [14], sizes = [1], strides = [1]} : vector<16xf32> to vector<1xf32>
        %parallel_loop3A_1023 = vector.extract %parallel_loop3A_1022[0] : f32 from vector<1xf32>
        %parallel_loop3A_1024 = vector.broadcast %parallel_loop3A_1023 : f32 to vector<16xf32>
        %parallel_loop3A_1025 = arith.constant 14 : i32
        %parallel_loop3A_1026 = arith.addi %parallel_loop3A_195, %parallel_loop3A_1025 : i32
        %parallel_loop3A_1027 = arith.index_cast %parallel_loop3A_1026 : i32 to index
        %parallel_loop3A_1028 = arith.constant 0 : index
        %parallel_loop3A_1029 = tpu.vector_load %arg11[%parallel_loop3A_1027, %parallel_loop3A_1028] {strides = array<i32>} : memref<128x64xf32, #tpu.memory_space<vmem>>, vector<1x16xf32>,
        %parallel_loop3A_1030 = vector.shape_cast %parallel_loop3A_1029 : vector<1x16xf32> to vector<16xf32>
        %parallel_loop3A_1031 = arith.mulf %parallel_loop3A_1030, %parallel_loop3A_1024 : vector<16xf32>
        %parallel_loop3A_1032 = arith.constant 14 : i32
        %parallel_loop3A_1033 = arith.addi %parallel_loop3A_195, %parallel_loop3A_1032 : i32
        %parallel_loop3A_1034 = arith.index_cast %parallel_loop3A_1033 : i32 to index
        %parallel_loop3A_1035 = arith.constant 0 : index
        %parallel_loop3A_1036 = tpu.vector_load %arg11[%parallel_loop3A_1034, %parallel_loop3A_1035] {strides = array<i32>} : memref<128x64xf32, #tpu.memory_space<vmem>>, vector<1x16xf32>,
        %parallel_loop3A_1037 = vector.shape_cast %parallel_loop3A_1036 : vector<1x16xf32> to vector<16xf32>
        %parallel_loop3A_1038 = vector.shape_cast %parallel_loop3A_1031 : vector<16xf32> to vector<1x16xf32>
        tpu.vector_store %arg11[%parallel_loop3A_1034, %parallel_loop3A_1035], %parallel_loop3A_1038 {strides = array<i32>} : memref<128x64xf32, #tpu.memory_space<vmem>>, vector<1x16xf32>,
        %parallel_loop3A_1039 = arith.constant 14 : i32
        %parallel_loop3A_1040 = arith.addi %parallel_loop3A_195, %parallel_loop3A_1039 : i32
        %parallel_loop3A_1041 = arith.index_cast %parallel_loop3A_1040 : i32 to index
        %parallel_loop3A_1042 = arith.constant 16 : index
        %parallel_loop3A_1043 = tpu.vector_load %arg11[%parallel_loop3A_1041, %parallel_loop3A_1042] {strides = array<i32>} : memref<128x64xf32, #tpu.memory_space<vmem>>, vector<1x16xf32>,
        %parallel_loop3A_1044 = vector.shape_cast %parallel_loop3A_1043 : vector<1x16xf32> to vector<16xf32>
        %parallel_loop3A_1045 = arith.mulf %parallel_loop3A_1044, %parallel_loop3A_1024 : vector<16xf32>
        %parallel_loop3A_1046 = arith.constant 14 : i32
        %parallel_loop3A_1047 = arith.addi %parallel_loop3A_195, %parallel_loop3A_1046 : i32
        %parallel_loop3A_1048 = arith.index_cast %parallel_loop3A_1047 : i32 to index
        %parallel_loop3A_1049 = arith.constant 16 : index
        %parallel_loop3A_1050 = tpu.vector_load %arg11[%parallel_loop3A_1048, %parallel_loop3A_1049] {strides = array<i32>} : memref<128x64xf32, #tpu.memory_space<vmem>>, vector<1x16xf32>,
        %parallel_loop3A_1051 = vector.shape_cast %parallel_loop3A_1050 : vector<1x16xf32> to vector<16xf32>
        %parallel_loop3A_1052 = vector.shape_cast %parallel_loop3A_1045 : vector<16xf32> to vector<1x16xf32>
        tpu.vector_store %arg11[%parallel_loop3A_1048, %parallel_loop3A_1049], %parallel_loop3A_1052 {strides = array<i32>} : memref<128x64xf32, #tpu.memory_space<vmem>>, vector<1x16xf32>,
        %parallel_loop3A_1053 = arith.constant 14 : i32
        %parallel_loop3A_1054 = arith.addi %parallel_loop3A_195, %parallel_loop3A_1053 : i32
        %parallel_loop3A_1055 = arith.index_cast %parallel_loop3A_1054 : i32 to index
        %parallel_loop3A_1056 = arith.constant 32 : index
        %parallel_loop3A_1057 = tpu.vector_load %arg11[%parallel_loop3A_1055, %parallel_loop3A_1056] {strides = array<i32>} : memref<128x64xf32, #tpu.memory_space<vmem>>, vector<1x16xf32>,
        %parallel_loop3A_1058 = vector.shape_cast %parallel_loop3A_1057 : vector<1x16xf32> to vector<16xf32>
        %parallel_loop3A_1059 = arith.mulf %parallel_loop3A_1058, %parallel_loop3A_1024 : vector<16xf32>
        %parallel_loop3A_1060 = arith.constant 14 : i32
        %parallel_loop3A_1061 = arith.addi %parallel_loop3A_195, %parallel_loop3A_1060 : i32
        %parallel_loop3A_1062 = arith.index_cast %parallel_loop3A_1061 : i32 to index
        %parallel_loop3A_1063 = arith.constant 32 : index
        %parallel_loop3A_1064 = tpu.vector_load %arg11[%parallel_loop3A_1062, %parallel_loop3A_1063] {strides = array<i32>} : memref<128x64xf32, #tpu.memory_space<vmem>>, vector<1x16xf32>,
        %parallel_loop3A_1065 = vector.shape_cast %parallel_loop3A_1064 : vector<1x16xf32> to vector<16xf32>
        %parallel_loop3A_1066 = vector.shape_cast %parallel_loop3A_1059 : vector<16xf32> to vector<1x16xf32>
        tpu.vector_store %arg11[%parallel_loop3A_1062, %parallel_loop3A_1063], %parallel_loop3A_1066 {strides = array<i32>} : memref<128x64xf32, #tpu.memory_space<vmem>>, vector<1x16xf32>,
        %parallel_loop3A_1067 = arith.constant 14 : i32
        %parallel_loop3A_1068 = arith.addi %parallel_loop3A_195, %parallel_loop3A_1067 : i32
        %parallel_loop3A_1069 = arith.index_cast %parallel_loop3A_1068 : i32 to index
        %parallel_loop3A_1070 = arith.constant 48 : index
        %parallel_loop3A_1071 = tpu.vector_load %arg11[%parallel_loop3A_1069, %parallel_loop3A_1070] {strides = array<i32>} : memref<128x64xf32, #tpu.memory_space<vmem>>, vector<1x16xf32>,
        %parallel_loop3A_1072 = vector.shape_cast %parallel_loop3A_1071 : vector<1x16xf32> to vector<16xf32>
        %parallel_loop3A_1073 = arith.mulf %parallel_loop3A_1072, %parallel_loop3A_1024 : vector<16xf32>
        %parallel_loop3A_1074 = arith.constant 14 : i32
        %parallel_loop3A_1075 = arith.addi %parallel_loop3A_195, %parallel_loop3A_1074 : i32
        %parallel_loop3A_1076 = arith.index_cast %parallel_loop3A_1075 : i32 to index
        %parallel_loop3A_1077 = arith.constant 48 : index
        %parallel_loop3A_1078 = tpu.vector_load %arg11[%parallel_loop3A_1076, %parallel_loop3A_1077] {strides = array<i32>} : memref<128x64xf32, #tpu.memory_space<vmem>>, vector<1x16xf32>,
        %parallel_loop3A_1079 = vector.shape_cast %parallel_loop3A_1078 : vector<1x16xf32> to vector<16xf32>
        %parallel_loop3A_1080 = vector.shape_cast %parallel_loop3A_1073 : vector<16xf32> to vector<1x16xf32>
        tpu.vector_store %arg11[%parallel_loop3A_1076, %parallel_loop3A_1077], %parallel_loop3A_1080 {strides = array<i32>} : memref<128x64xf32, #tpu.memory_space<vmem>>, vector<1x16xf32>,
        %parallel_loop3A_1081 = vector.extract_strided_slice %parallel_loop3A_193 {offsets = [15], sizes = [1], strides = [1]} : vector<16xf32> to vector<1xf32>
        %parallel_loop3A_1082 = vector.extract %parallel_loop3A_1081[0] : f32 from vector<1xf32>
        %parallel_loop3A_1083 = vector.broadcast %parallel_loop3A_1082 : f32 to vector<16xf32>
        %parallel_loop3A_1084 = arith.constant 15 : i32
        %parallel_loop3A_1085 = arith.addi %parallel_loop3A_195, %parallel_loop3A_1084 : i32
        %parallel_loop3A_1086 = arith.index_cast %parallel_loop3A_1085 : i32 to index
        %parallel_loop3A_1087 = arith.constant 0 : index
        %parallel_loop3A_1088 = tpu.vector_load %arg11[%parallel_loop3A_1086, %parallel_loop3A_1087] {strides = array<i32>} : memref<128x64xf32, #tpu.memory_space<vmem>>, vector<1x16xf32>,
        %parallel_loop3A_1089 = vector.shape_cast %parallel_loop3A_1088 : vector<1x16xf32> to vector<16xf32>
        %parallel_loop3A_1090 = arith.mulf %parallel_loop3A_1089, %parallel_loop3A_1083 : vector<16xf32>
        %parallel_loop3A_1091 = arith.constant 15 : i32
        %parallel_loop3A_1092 = arith.addi %parallel_loop3A_195, %parallel_loop3A_1091 : i32
        %parallel_loop3A_1093 = arith.index_cast %parallel_loop3A_1092 : i32 to index
        %parallel_loop3A_1094 = arith.constant 0 : index
        %parallel_loop3A_1095 = tpu.vector_load %arg11[%parallel_loop3A_1093, %parallel_loop3A_1094] {strides = array<i32>} : memref<128x64xf32, #tpu.memory_space<vmem>>, vector<1x16xf32>,
        %parallel_loop3A_1096 = vector.shape_cast %parallel_loop3A_1095 : vector<1x16xf32> to vector<16xf32>
        %parallel_loop3A_1097 = vector.shape_cast %parallel_loop3A_1090 : vector<16xf32> to vector<1x16xf32>
        tpu.vector_store %arg11[%parallel_loop3A_1093, %parallel_loop3A_1094], %parallel_loop3A_1097 {strides = array<i32>} : memref<128x64xf32, #tpu.memory_space<vmem>>, vector<1x16xf32>,
        %parallel_loop3A_1098 = arith.constant 15 : i32
        %parallel_loop3A_1099 = arith.addi %parallel_loop3A_195, %parallel_loop3A_1098 : i32
        %parallel_loop3A_1100 = arith.index_cast %parallel_loop3A_1099 : i32 to index
        %parallel_loop3A_1101 = arith.constant 16 : index
        %parallel_loop3A_1102 = tpu.vector_load %arg11[%parallel_loop3A_1100, %parallel_loop3A_1101] {strides = array<i32>} : memref<128x64xf32, #tpu.memory_space<vmem>>, vector<1x16xf32>,
        %parallel_loop3A_1103 = vector.shape_cast %parallel_loop3A_1102 : vector<1x16xf32> to vector<16xf32>
        %parallel_loop3A_1104 = arith.mulf %parallel_loop3A_1103, %parallel_loop3A_1083 : vector<16xf32>
        %parallel_loop3A_1105 = arith.constant 15 : i32
        %parallel_loop3A_1106 = arith.addi %parallel_loop3A_195, %parallel_loop3A_1105 : i32
        %parallel_loop3A_1107 = arith.index_cast %parallel_loop3A_1106 : i32 to index
        %parallel_loop3A_1108 = arith.constant 16 : index
        %parallel_loop3A_1109 = tpu.vector_load %arg11[%parallel_loop3A_1107, %parallel_loop3A_1108] {strides = array<i32>} : memref<128x64xf32, #tpu.memory_space<vmem>>, vector<1x16xf32>,
        %parallel_loop3A_1110 = vector.shape_cast %parallel_loop3A_1109 : vector<1x16xf32> to vector<16xf32>
        %parallel_loop3A_1111 = vector.shape_cast %parallel_loop3A_1104 : vector<16xf32> to vector<1x16xf32>
        tpu.vector_store %arg11[%parallel_loop3A_1107, %parallel_loop3A_1108], %parallel_loop3A_1111 {strides = array<i32>} : memref<128x64xf32, #tpu.memory_space<vmem>>, vector<1x16xf32>,
        %parallel_loop3A_1112 = arith.constant 15 : i32
        %parallel_loop3A_1113 = arith.addi %parallel_loop3A_195, %parallel_loop3A_1112 : i32
        %parallel_loop3A_1114 = arith.index_cast %parallel_loop3A_1113 : i32 to index
        %parallel_loop3A_1115 = arith.constant 32 : index
        %parallel_loop3A_1116 = tpu.vector_load %arg11[%parallel_loop3A_1114, %parallel_loop3A_1115] {strides = array<i32>} : memref<128x64xf32, #tpu.memory_space<vmem>>, vector<1x16xf32>,
        %parallel_loop3A_1117 = vector.shape_cast %parallel_loop3A_1116 : vector<1x16xf32> to vector<16xf32>
        %parallel_loop3A_1118 = arith.mulf %parallel_loop3A_1117, %parallel_loop3A_1083 : vector<16xf32>
        %parallel_loop3A_1119 = arith.constant 15 : i32
        %parallel_loop3A_1120 = arith.addi %parallel_loop3A_195, %parallel_loop3A_1119 : i32
        %parallel_loop3A_1121 = arith.index_cast %parallel_loop3A_1120 : i32 to index
        %parallel_loop3A_1122 = arith.constant 32 : index
        %parallel_loop3A_1123 = tpu.vector_load %arg11[%parallel_loop3A_1121, %parallel_loop3A_1122] {strides = array<i32>} : memref<128x64xf32, #tpu.memory_space<vmem>>, vector<1x16xf32>,
        %parallel_loop3A_1124 = vector.shape_cast %parallel_loop3A_1123 : vector<1x16xf32> to vector<16xf32>
        %parallel_loop3A_1125 = vector.shape_cast %parallel_loop3A_1118 : vector<16xf32> to vector<1x16xf32>
        tpu.vector_store %arg11[%parallel_loop3A_1121, %parallel_loop3A_1122], %parallel_loop3A_1125 {strides = array<i32>} : memref<128x64xf32, #tpu.memory_space<vmem>>, vector<1x16xf32>,
        %parallel_loop3A_1126 = arith.constant 15 : i32
        %parallel_loop3A_1127 = arith.addi %parallel_loop3A_195, %parallel_loop3A_1126 : i32
        %parallel_loop3A_1128 = arith.index_cast %parallel_loop3A_1127 : i32 to index
        %parallel_loop3A_1129 = arith.constant 48 : index
        %parallel_loop3A_1130 = tpu.vector_load %arg11[%parallel_loop3A_1128, %parallel_loop3A_1129] {strides = array<i32>} : memref<128x64xf32, #tpu.memory_space<vmem>>, vector<1x16xf32>,
        %parallel_loop3A_1131 = vector.shape_cast %parallel_loop3A_1130 : vector<1x16xf32> to vector<16xf32>
        %parallel_loop3A_1132 = arith.mulf %parallel_loop3A_1131, %parallel_loop3A_1083 : vector<16xf32>
        %parallel_loop3A_1133 = arith.constant 15 : i32
        %parallel_loop3A_1134 = arith.addi %parallel_loop3A_195, %parallel_loop3A_1133 : i32
        %parallel_loop3A_1135 = arith.index_cast %parallel_loop3A_1134 : i32 to index
        %parallel_loop3A_1136 = arith.constant 48 : index
        %parallel_loop3A_1137 = tpu.vector_load %arg11[%parallel_loop3A_1135, %parallel_loop3A_1136] {strides = array<i32>} : memref<128x64xf32, #tpu.memory_space<vmem>>, vector<1x16xf32>,
        %parallel_loop3A_1138 = vector.shape_cast %parallel_loop3A_1137 : vector<1x16xf32> to vector<16xf32>
        %parallel_loop3A_1139 = vector.shape_cast %parallel_loop3A_1132 : vector<16xf32> to vector<1x16xf32>
        tpu.vector_store %arg11[%parallel_loop3A_1135, %parallel_loop3A_1136], %parallel_loop3A_1139 {strides = array<i32>} : memref<128x64xf32, #tpu.memory_space<vmem>>, vector<1x16xf32>,
      } {sc.loop_unroll_factor = 2 : i64, sc.parallel_access}
      %dma_start3A_143 = arith.constant 0 : i32
      %dma_start3A_144 = tpu.memref_slice %arg9[%add3A_117, %dma_start3A_143] : memref<162x128xi32, #tpu.memory_space<vmem>> -> memref<1x128xi32, #tpu.memory_space<vmem>>
      %dma_start3A_145 = tpu.memref_squeeze %dma_start3A_144 : memref<1x128xi32, #tpu.memory_space<vmem>> -> memref<128xi32, #tpu.memory_space<vmem>>
      %dma_start3A_146 = arith.constant 0 : i32
      %dma_start3A_147 = arith.constant 0 : i32
      %dma_start3A_148 = tpu.memref_slice %arg19[%dma_start3A_146, %dma_start3A_147] : memref<10000x64xf32, #tpu.memory_space<vmem_shared>> -> memref<10000x64xf32, #tpu.memory_space<vmem_shared>>
      tpu.enqueue_indirect_dma source(%arg11 : memref<128x64xf32, #tpu.memory_space<vmem>>) target(%dma_start3A_148 : memref<10000x64xf32, #tpu.memory_space<vmem_shared>>) offsets(%dma_start3A_145 : memref<128xi32, #tpu.memory_space<vmem>>) semaphore(%arg17 : memref<!tpu.dma_semaphore, #tpu.memory_space<semaphore_mem>>) {add = true}
      %mul3A_149 = arith.constant 3 : i32
      %mul3A_150 = arith.muli %scan3A_80, %mul3A_149 : i32
      %add3A_151 = arith.constant 2 : i32
      %add3A_152 = arith.addi %mul3A_150, %add3A_151 : i32
      %ge3A_153 = arith.constant 1 : i32
      %ge3A_154 = arith.cmpi sge, %add3A_152, %ge3A_153 : i32
      %convert_element_type3A_155 = arith.extui %ge3A_154 : i1 to i32
      %cond3A_156 = arith.constant 0 : i32
      %cond3A_157 = arith.cmpi ne, %convert_element_type3A_155, %cond3A_156 : i32
      scf.if %cond3A_157 {
        %sub3A = arith.constant 1 : i32
        %sub3A_185 = arith.subi %add3A_152, %sub3A : i32
        %dma_wait3A_186 = arith.constant 0 : i32
        %dma_wait3A_187 = tpu.memref_slice %arg9[%sub3A_185, %dma_wait3A_186] : memref<162x128xi32, #tpu.memory_space<vmem>> -> memref<1x128xi32, #tpu.memory_space<vmem>>
        %dma_wait3A_188 = tpu.memref_squeeze %dma_wait3A_187 : memref<1x128xi32, #tpu.memory_space<vmem>> -> memref<128xi32, #tpu.memory_space<vmem>>
        %dma_wait3A_189 = arith.constant 0 : i32
        %dma_wait3A_190 = arith.constant 0 : i32
        %dma_wait3A_191 = tpu.memref_slice %arg19[%dma_wait3A_189, %dma_wait3A_190] : memref<10000x64xf32, #tpu.memory_space<vmem_shared>> -> memref<10000x64xf32, #tpu.memory_space<vmem_shared>>
        tpu.wait_indirect_dma semaphore(%arg17 : memref<!tpu.dma_semaphore, #tpu.memory_space<semaphore_mem>>) src(%arg11 : memref<128x64xf32, #tpu.memory_space<vmem>>) dst(%dma_wait3A_191 : memref<10000x64xf32, #tpu.memory_space<vmem_shared>>)
      } else {
      }
      %add3A_158 = arith.constant 2 : i32
      %add3A_159 = arith.addi %add3A_152, %add3A_158 : i32
      %lt3A_160 = arith.constant 162 : i32
      %lt3A_161 = arith.cmpi slt, %add3A_159, %lt3A_160 : i32
      %convert_element_type3A_162 = arith.extui %lt3A_161 : i1 to i32
      %cond3A_163 = arith.constant 0 : i32
      %cond3A_164 = arith.cmpi ne, %convert_element_type3A_162, %cond3A_163 : i32
      scf.if %cond3A_164 {
        %add3A_185 = arith.constant 2 : i32
        %add3A_186 = arith.addi %add3A_152, %add3A_185 : i32
        %dma_start3A_187 = arith.constant 0 : i32
        %dma_start3A_188 = tpu.memref_slice %arg7[%add3A_186, %dma_start3A_187] : memref<162x128xi32, #tpu.memory_space<vmem>> -> memref<1x128xi32, #tpu.memory_space<vmem>>
        %dma_start3A_189 = tpu.memref_squeeze %dma_start3A_188 : memref<1x128xi32, #tpu.memory_space<vmem>> -> memref<128xi32, #tpu.memory_space<vmem>>
        %dma_start3A_190 = arith.constant 0 : i32
        %dma_start3A_191 = arith.constant 0 : i32
        %dma_start3A_192 = tpu.memref_slice %arg2[%arg0, %dma_start3A_190, %dma_start3A_191] : memref<2x10000x64xf32, #tpu.memory_space<hbm>> -> memref<1x10000x64xf32, #tpu.memory_space<hbm>>
        %dma_start3A_193 = tpu.memref_squeeze %dma_start3A_192 : memref<1x10000x64xf32, #tpu.memory_space<hbm>> -> memref<10000x64xf32, #tpu.memory_space<hbm>>
        %dma_start3A_194 = arith.constant 0 : i32
        %dma_start3A_195 = arith.constant 0 : i32
        %dma_start3A_196 = tpu.memref_slice %dma_start3A_193[%dma_start3A_194, %dma_start3A_195] : memref<10000x64xf32, #tpu.memory_space<hbm>> -> memref<10000x64xf32, #tpu.memory_space<hbm>>
        tpu.enqueue_indirect_dma source(%dma_start3A_196 : memref<10000x64xf32, #tpu.memory_space<hbm>>) target(%arg11 : memref<128x64xf32, #tpu.memory_space<vmem>>) offsets(%dma_start3A_189 : memref<128xi32, #tpu.memory_space<vmem>>) semaphore(%arg14 : memref<!tpu.dma_semaphore, #tpu.memory_space<semaphore_mem>>)
      } else {
      }
      %dma_wait3A_165 = arith.constant 0 : i32
      %dma_wait3A_166 = tpu.memref_slice %arg7[%add3A_152, %dma_wait3A_165] : memref<162x128xi32, #tpu.memory_space<vmem>> -> memref<1x128xi32, #tpu.memory_space<vmem>>
      %dma_wait3A_167 = tpu.memref_squeeze %dma_wait3A_166 : memref<1x128xi32, #tpu.memory_space<vmem>> -> memref<128xi32, #tpu.memory_space<vmem>>
      %dma_wait3A_168 = arith.constant 0 : i32
      %dma_wait3A_169 = arith.constant 0 : i32
      %dma_wait3A_170 = tpu.memref_slice %arg2[%arg0, %dma_wait3A_168, %dma_wait3A_169] : memref<2x10000x64xf32, #tpu.memory_space<hbm>> -> memref<1x10000x64xf32, #tpu.memory_space<hbm>>
      %dma_wait3A_171 = tpu.memref_squeeze %dma_wait3A_170 : memref<1x10000x64xf32, #tpu.memory_space<hbm>> -> memref<10000x64xf32, #tpu.memory_space<hbm>>
      %dma_wait3A_172 = arith.constant 0 : i32
      %dma_wait3A_173 = arith.constant 0 : i32
      %dma_wait3A_174 = tpu.memref_slice %dma_wait3A_171[%dma_wait3A_172, %dma_wait3A_173] : memref<10000x64xf32, #tpu.memory_space<hbm>> -> memref<10000x64xf32, #tpu.memory_space<hbm>>
      tpu.wait_indirect_dma semaphore(%arg15 : memref<!tpu.dma_semaphore, #tpu.memory_space<semaphore_mem>>) src(%dma_wait3A_174 : memref<10000x64xf32, #tpu.memory_space<hbm>>) dst(%arg12 : memref<128x64xf32, #tpu.memory_space<vmem>>)
      %parallel_loop3A_175 = arith.constant 0 : i32
      %parallel_loop3A_176 = arith.constant 8 : i32
      %parallel_loop3A_177 = arith.constant 1 : i32
      scf.for %parallel_loop3A_185 = %parallel_loop3A_175 to %parallel_loop3A_176 step %parallel_loop3A_177  : i32 {
        %parallel_loop3A_186 = arith.constant 128 : i32
        %parallel_loop3A_187 = arith.muli %add3A_152, %parallel_loop3A_186 : i32
        %parallel_loop3A_188 = arith.constant 16 : i32
        %parallel_loop3A_189 = arith.muli %parallel_loop3A_185, %parallel_loop3A_188 : i32
        %parallel_loop3A_190 = arith.addi %parallel_loop3A_187, %parallel_loop3A_189 : i32
        %parallel_loop3A_191 = arith.index_cast %parallel_loop3A_190 : i32 to index
        %parallel_loop3A_192 = tpu.vector_load %arg8[%parallel_loop3A_191] {strides = array<i32>} : memref<20736xf32, #tpu.memory_space<vmem>>, vector<16xf32>,
        %parallel_loop3A_193 = vector.shape_cast %parallel_loop3A_192 : vector<16xf32> to vector<16xf32>
        %parallel_loop3A_194 = arith.constant 16 : i32
        %parallel_loop3A_195 = arith.muli %parallel_loop3A_185, %parallel_loop3A_194 : i32
        %parallel_loop3A_196 = vector.extract_strided_slice %parallel_loop3A_193 {offsets = [0], sizes = [1], strides = [1]} : vector<16xf32> to vector<1xf32>
        %parallel_loop3A_197 = vector.extract %parallel_loop3A_196[0] : f32 from vector<1xf32>
        %parallel_loop3A_198 = vector.broadcast %parallel_loop3A_197 : f32 to vector<16xf32>
        %parallel_loop3A_199 = arith.constant 0 : i32
        %parallel_loop3A_200 = arith.addi %parallel_loop3A_195, %parallel_loop3A_199 : i32
        %parallel_loop3A_201 = arith.index_cast %parallel_loop3A_200 : i32 to index
        %parallel_loop3A_202 = arith.constant 0 : index
        %parallel_loop3A_203 = tpu.vector_load %arg12[%parallel_loop3A_201, %parallel_loop3A_202] {strides = array<i32>} : memref<128x64xf32, #tpu.memory_space<vmem>>, vector<1x16xf32>,
        %parallel_loop3A_204 = vector.shape_cast %parallel_loop3A_203 : vector<1x16xf32> to vector<16xf32>
        %parallel_loop3A_205 = arith.mulf %parallel_loop3A_204, %parallel_loop3A_198 : vector<16xf32>
        %parallel_loop3A_206 = arith.constant 0 : i32
        %parallel_loop3A_207 = arith.addi %parallel_loop3A_195, %parallel_loop3A_206 : i32
        %parallel_loop3A_208 = arith.index_cast %parallel_loop3A_207 : i32 to index
        %parallel_loop3A_209 = arith.constant 0 : index
        %parallel_loop3A_210 = tpu.vector_load %arg12[%parallel_loop3A_208, %parallel_loop3A_209] {strides = array<i32>} : memref<128x64xf32, #tpu.memory_space<vmem>>, vector<1x16xf32>,
        %parallel_loop3A_211 = vector.shape_cast %parallel_loop3A_210 : vector<1x16xf32> to vector<16xf32>
        %parallel_loop3A_212 = vector.shape_cast %parallel_loop3A_205 : vector<16xf32> to vector<1x16xf32>
        tpu.vector_store %arg12[%parallel_loop3A_208, %parallel_loop3A_209], %parallel_loop3A_212 {strides = array<i32>} : memref<128x64xf32, #tpu.memory_space<vmem>>, vector<1x16xf32>,
        %parallel_loop3A_213 = arith.constant 0 : i32
        %parallel_loop3A_214 = arith.addi %parallel_loop3A_195, %parallel_loop3A_213 : i32
        %parallel_loop3A_215 = arith.index_cast %parallel_loop3A_214 : i32 to index
        %parallel_loop3A_216 = arith.constant 16 : index
        %parallel_loop3A_217 = tpu.vector_load %arg12[%parallel_loop3A_215, %parallel_loop3A_216] {strides = array<i32>} : memref<128x64xf32, #tpu.memory_space<vmem>>, vector<1x16xf32>,
        %parallel_loop3A_218 = vector.shape_cast %parallel_loop3A_217 : vector<1x16xf32> to vector<16xf32>
        %parallel_loop3A_219 = arith.mulf %parallel_loop3A_218, %parallel_loop3A_198 : vector<16xf32>
        %parallel_loop3A_220 = arith.constant 0 : i32
        %parallel_loop3A_221 = arith.addi %parallel_loop3A_195, %parallel_loop3A_220 : i32
        %parallel_loop3A_222 = arith.index_cast %parallel_loop3A_221 : i32 to index
        %parallel_loop3A_223 = arith.constant 16 : index
        %parallel_loop3A_224 = tpu.vector_load %arg12[%parallel_loop3A_222, %parallel_loop3A_223] {strides = array<i32>} : memref<128x64xf32, #tpu.memory_space<vmem>>, vector<1x16xf32>,
        %parallel_loop3A_225 = vector.shape_cast %parallel_loop3A_224 : vector<1x16xf32> to vector<16xf32>
        %parallel_loop3A_226 = vector.shape_cast %parallel_loop3A_219 : vector<16xf32> to vector<1x16xf32>
        tpu.vector_store %arg12[%parallel_loop3A_222, %parallel_loop3A_223], %parallel_loop3A_226 {strides = array<i32>} : memref<128x64xf32, #tpu.memory_space<vmem>>, vector<1x16xf32>,
        %parallel_loop3A_227 = arith.constant 0 : i32
        %parallel_loop3A_228 = arith.addi %parallel_loop3A_195, %parallel_loop3A_227 : i32
        %parallel_loop3A_229 = arith.index_cast %parallel_loop3A_228 : i32 to index
        %parallel_loop3A_230 = arith.constant 32 : index
        %parallel_loop3A_231 = tpu.vector_load %arg12[%parallel_loop3A_229, %parallel_loop3A_230] {strides = array<i32>} : memref<128x64xf32, #tpu.memory_space<vmem>>, vector<1x16xf32>,
        %parallel_loop3A_232 = vector.shape_cast %parallel_loop3A_231 : vector<1x16xf32> to vector<16xf32>
        %parallel_loop3A_233 = arith.mulf %parallel_loop3A_232, %parallel_loop3A_198 : vector<16xf32>
        %parallel_loop3A_234 = arith.constant 0 : i32
        %parallel_loop3A_235 = arith.addi %parallel_loop3A_195, %parallel_loop3A_234 : i32
        %parallel_loop3A_236 = arith.index_cast %parallel_loop3A_235 : i32 to index
        %parallel_loop3A_237 = arith.constant 32 : index
        %parallel_loop3A_238 = tpu.vector_load %arg12[%parallel_loop3A_236, %parallel_loop3A_237] {strides = array<i32>} : memref<128x64xf32, #tpu.memory_space<vmem>>, vector<1x16xf32>,
        %parallel_loop3A_239 = vector.shape_cast %parallel_loop3A_238 : vector<1x16xf32> to vector<16xf32>
        %parallel_loop3A_240 = vector.shape_cast %parallel_loop3A_233 : vector<16xf32> to vector<1x16xf32>
        tpu.vector_store %arg12[%parallel_loop3A_236, %parallel_loop3A_237], %parallel_loop3A_240 {strides = array<i32>} : memref<128x64xf32, #tpu.memory_space<vmem>>, vector<1x16xf32>,
        %parallel_loop3A_241 = arith.constant 0 : i32
        %parallel_loop3A_242 = arith.addi %parallel_loop3A_195, %parallel_loop3A_241 : i32
        %parallel_loop3A_243 = arith.index_cast %parallel_loop3A_242 : i32 to index
        %parallel_loop3A_244 = arith.constant 48 : index
        %parallel_loop3A_245 = tpu.vector_load %arg12[%parallel_loop3A_243, %parallel_loop3A_244] {strides = array<i32>} : memref<128x64xf32, #tpu.memory_space<vmem>>, vector<1x16xf32>,
        %parallel_loop3A_246 = vector.shape_cast %parallel_loop3A_245 : vector<1x16xf32> to vector<16xf32>
        %parallel_loop3A_247 = arith.mulf %parallel_loop3A_246, %parallel_loop3A_198 : vector<16xf32>
        %parallel_loop3A_248 = arith.constant 0 : i32
        %parallel_loop3A_249 = arith.addi %parallel_loop3A_195, %parallel_loop3A_248 : i32
        %parallel_loop3A_250 = arith.index_cast %parallel_loop3A_249 : i32 to index
        %parallel_loop3A_251 = arith.constant 48 : index
        %parallel_loop3A_252 = tpu.vector_load %arg12[%parallel_loop3A_250, %parallel_loop3A_251] {strides = array<i32>} : memref<128x64xf32, #tpu.memory_space<vmem>>, vector<1x16xf32>,
        %parallel_loop3A_253 = vector.shape_cast %parallel_loop3A_252 : vector<1x16xf32> to vector<16xf32>
        %parallel_loop3A_254 = vector.shape_cast %parallel_loop3A_247 : vector<16xf32> to vector<1x16xf32>
        tpu.vector_store %arg12[%parallel_loop3A_250, %parallel_loop3A_251], %parallel_loop3A_254 {strides = array<i32>} : memref<128x64xf32, #tpu.memory_space<vmem>>, vector<1x16xf32>,
        %parallel_loop3A_255 = vector.extract_strided_slice %parallel_loop3A_193 {offsets = [1], sizes = [1], strides = [1]} : vector<16xf32> to vector<1xf32>
        %parallel_loop3A_256 = vector.extract %parallel_loop3A_255[0] : f32 from vector<1xf32>
        %parallel_loop3A_257 = vector.broadcast %parallel_loop3A_256 : f32 to vector<16xf32>
        %parallel_loop3A_258 = arith.constant 1 : i32
        %parallel_loop3A_259 = arith.addi %parallel_loop3A_195, %parallel_loop3A_258 : i32
        %parallel_loop3A_260 = arith.index_cast %parallel_loop3A_259 : i32 to index
        %parallel_loop3A_261 = arith.constant 0 : index
        %parallel_loop3A_262 = tpu.vector_load %arg12[%parallel_loop3A_260, %parallel_loop3A_261] {strides = array<i32>} : memref<128x64xf32, #tpu.memory_space<vmem>>, vector<1x16xf32>,
        %parallel_loop3A_263 = vector.shape_cast %parallel_loop3A_262 : vector<1x16xf32> to vector<16xf32>
        %parallel_loop3A_264 = arith.mulf %parallel_loop3A_263, %parallel_loop3A_257 : vector<16xf32>
        %parallel_loop3A_265 = arith.constant 1 : i32
        %parallel_loop3A_266 = arith.addi %parallel_loop3A_195, %parallel_loop3A_265 : i32
        %parallel_loop3A_267 = arith.index_cast %parallel_loop3A_266 : i32 to index
        %parallel_loop3A_268 = arith.constant 0 : index
        %parallel_loop3A_269 = tpu.vector_load %arg12[%parallel_loop3A_267, %parallel_loop3A_268] {strides = array<i32>} : memref<128x64xf32, #tpu.memory_space<vmem>>, vector<1x16xf32>,
        %parallel_loop3A_270 = vector.shape_cast %parallel_loop3A_269 : vector<1x16xf32> to vector<16xf32>
        %parallel_loop3A_271 = vector.shape_cast %parallel_loop3A_264 : vector<16xf32> to vector<1x16xf32>
        tpu.vector_store %arg12[%parallel_loop3A_267, %parallel_loop3A_268], %parallel_loop3A_271 {strides = array<i32>} : memref<128x64xf32, #tpu.memory_space<vmem>>, vector<1x16xf32>,
        %parallel_loop3A_272 = arith.constant 1 : i32
        %parallel_loop3A_273 = arith.addi %parallel_loop3A_195, %parallel_loop3A_272 : i32
        %parallel_loop3A_274 = arith.index_cast %parallel_loop3A_273 : i32 to index
        %parallel_loop3A_275 = arith.constant 16 : index
        %parallel_loop3A_276 = tpu.vector_load %arg12[%parallel_loop3A_274, %parallel_loop3A_275] {strides = array<i32>} : memref<128x64xf32, #tpu.memory_space<vmem>>, vector<1x16xf32>,
        %parallel_loop3A_277 = vector.shape_cast %parallel_loop3A_276 : vector<1x16xf32> to vector<16xf32>
        %parallel_loop3A_278 = arith.mulf %parallel_loop3A_277, %parallel_loop3A_257 : vector<16xf32>
        %parallel_loop3A_279 = arith.constant 1 : i32
        %parallel_loop3A_280 = arith.addi %parallel_loop3A_195, %parallel_loop3A_279 : i32
        %parallel_loop3A_281 = arith.index_cast %parallel_loop3A_280 : i32 to index
        %parallel_loop3A_282 = arith.constant 16 : index
        %parallel_loop3A_283 = tpu.vector_load %arg12[%parallel_loop3A_281, %parallel_loop3A_282] {strides = array<i32>} : memref<128x64xf32, #tpu.memory_space<vmem>>, vector<1x16xf32>,
        %parallel_loop3A_284 = vector.shape_cast %parallel_loop3A_283 : vector<1x16xf32> to vector<16xf32>
        %parallel_loop3A_285 = vector.shape_cast %parallel_loop3A_278 : vector<16xf32> to vector<1x16xf32>
        tpu.vector_store %arg12[%parallel_loop3A_281, %parallel_loop3A_282], %parallel_loop3A_285 {strides = array<i32>} : memref<128x64xf32, #tpu.memory_space<vmem>>, vector<1x16xf32>,
        %parallel_loop3A_286 = arith.constant 1 : i32
        %parallel_loop3A_287 = arith.addi %parallel_loop3A_195, %parallel_loop3A_286 : i32
        %parallel_loop3A_288 = arith.index_cast %parallel_loop3A_287 : i32 to index
        %parallel_loop3A_289 = arith.constant 32 : index
        %parallel_loop3A_290 = tpu.vector_load %arg12[%parallel_loop3A_288, %parallel_loop3A_289] {strides = array<i32>} : memref<128x64xf32, #tpu.memory_space<vmem>>, vector<1x16xf32>,
        %parallel_loop3A_291 = vector.shape_cast %parallel_loop3A_290 : vector<1x16xf32> to vector<16xf32>
        %parallel_loop3A_292 = arith.mulf %parallel_loop3A_291, %parallel_loop3A_257 : vector<16xf32>
        %parallel_loop3A_293 = arith.constant 1 : i32
        %parallel_loop3A_294 = arith.addi %parallel_loop3A_195, %parallel_loop3A_293 : i32
        %parallel_loop3A_295 = arith.index_cast %parallel_loop3A_294 : i32 to index
        %parallel_loop3A_296 = arith.constant 32 : index
        %parallel_loop3A_297 = tpu.vector_load %arg12[%parallel_loop3A_295, %parallel_loop3A_296] {strides = array<i32>} : memref<128x64xf32, #tpu.memory_space<vmem>>, vector<1x16xf32>,
        %parallel_loop3A_298 = vector.shape_cast %parallel_loop3A_297 : vector<1x16xf32> to vector<16xf32>
        %parallel_loop3A_299 = vector.shape_cast %parallel_loop3A_292 : vector<16xf32> to vector<1x16xf32>
        tpu.vector_store %arg12[%parallel_loop3A_295, %parallel_loop3A_296], %parallel_loop3A_299 {strides = array<i32>} : memref<128x64xf32, #tpu.memory_space<vmem>>, vector<1x16xf32>,
        %parallel_loop3A_300 = arith.constant 1 : i32
        %parallel_loop3A_301 = arith.addi %parallel_loop3A_195, %parallel_loop3A_300 : i32
        %parallel_loop3A_302 = arith.index_cast %parallel_loop3A_301 : i32 to index
        %parallel_loop3A_303 = arith.constant 48 : index
        %parallel_loop3A_304 = tpu.vector_load %arg12[%parallel_loop3A_302, %parallel_loop3A_303] {strides = array<i32>} : memref<128x64xf32, #tpu.memory_space<vmem>>, vector<1x16xf32>,
        %parallel_loop3A_305 = vector.shape_cast %parallel_loop3A_304 : vector<1x16xf32> to vector<16xf32>
        %parallel_loop3A_306 = arith.mulf %parallel_loop3A_305, %parallel_loop3A_257 : vector<16xf32>
        %parallel_loop3A_307 = arith.constant 1 : i32
        %parallel_loop3A_308 = arith.addi %parallel_loop3A_195, %parallel_loop3A_307 : i32
        %parallel_loop3A_309 = arith.index_cast %parallel_loop3A_308 : i32 to index
        %parallel_loop3A_310 = arith.constant 48 : index
        %parallel_loop3A_311 = tpu.vector_load %arg12[%parallel_loop3A_309, %parallel_loop3A_310] {strides = array<i32>} : memref<128x64xf32, #tpu.memory_space<vmem>>, vector<1x16xf32>,
        %parallel_loop3A_312 = vector.shape_cast %parallel_loop3A_311 : vector<1x16xf32> to vector<16xf32>
        %parallel_loop3A_313 = vector.shape_cast %parallel_loop3A_306 : vector<16xf32> to vector<1x16xf32>
        tpu.vector_store %arg12[%parallel_loop3A_309, %parallel_loop3A_310], %parallel_loop3A_313 {strides = array<i32>} : memref<128x64xf32, #tpu.memory_space<vmem>>, vector<1x16xf32>,
        %parallel_loop3A_314 = vector.extract_strided_slice %parallel_loop3A_193 {offsets = [2], sizes = [1], strides = [1]} : vector<16xf32> to vector<1xf32>
        %parallel_loop3A_315 = vector.extract %parallel_loop3A_314[0] : f32 from vector<1xf32>
        %parallel_loop3A_316 = vector.broadcast %parallel_loop3A_315 : f32 to vector<16xf32>
        %parallel_loop3A_317 = arith.constant 2 : i32
        %parallel_loop3A_318 = arith.addi %parallel_loop3A_195, %parallel_loop3A_317 : i32
        %parallel_loop3A_319 = arith.index_cast %parallel_loop3A_318 : i32 to index
        %parallel_loop3A_320 = arith.constant 0 : index
        %parallel_loop3A_321 = tpu.vector_load %arg12[%parallel_loop3A_319, %parallel_loop3A_320] {strides = array<i32>} : memref<128x64xf32, #tpu.memory_space<vmem>>, vector<1x16xf32>,
        %parallel_loop3A_322 = vector.shape_cast %parallel_loop3A_321 : vector<1x16xf32> to vector<16xf32>
        %parallel_loop3A_323 = arith.mulf %parallel_loop3A_322, %parallel_loop3A_316 : vector<16xf32>
        %parallel_loop3A_324 = arith.constant 2 : i32
        %parallel_loop3A_325 = arith.addi %parallel_loop3A_195, %parallel_loop3A_324 : i32
        %parallel_loop3A_326 = arith.index_cast %parallel_loop3A_325 : i32 to index
        %parallel_loop3A_327 = arith.constant 0 : index
        %parallel_loop3A_328 = tpu.vector_load %arg12[%parallel_loop3A_326, %parallel_loop3A_327] {strides = array<i32>} : memref<128x64xf32, #tpu.memory_space<vmem>>, vector<1x16xf32>,
        %parallel_loop3A_329 = vector.shape_cast %parallel_loop3A_328 : vector<1x16xf32> to vector<16xf32>
        %parallel_loop3A_330 = vector.shape_cast %parallel_loop3A_323 : vector<16xf32> to vector<1x16xf32>
        tpu.vector_store %arg12[%parallel_loop3A_326, %parallel_loop3A_327], %parallel_loop3A_330 {strides = array<i32>} : memref<128x64xf32, #tpu.memory_space<vmem>>, vector<1x16xf32>,
        %parallel_loop3A_331 = arith.constant 2 : i32
        %parallel_loop3A_332 = arith.addi %parallel_loop3A_195, %parallel_loop3A_331 : i32
        %parallel_loop3A_333 = arith.index_cast %parallel_loop3A_332 : i32 to index
        %parallel_loop3A_334 = arith.constant 16 : index
        %parallel_loop3A_335 = tpu.vector_load %arg12[%parallel_loop3A_333, %parallel_loop3A_334] {strides = array<i32>} : memref<128x64xf32, #tpu.memory_space<vmem>>, vector<1x16xf32>,
        %parallel_loop3A_336 = vector.shape_cast %parallel_loop3A_335 : vector<1x16xf32> to vector<16xf32>
        %parallel_loop3A_337 = arith.mulf %parallel_loop3A_336, %parallel_loop3A_316 : vector<16xf32>
        %parallel_loop3A_338 = arith.constant 2 : i32
        %parallel_loop3A_339 = arith.addi %parallel_loop3A_195, %parallel_loop3A_338 : i32
        %parallel_loop3A_340 = arith.index_cast %parallel_loop3A_339 : i32 to index
        %parallel_loop3A_341 = arith.constant 16 : index
        %parallel_loop3A_342 = tpu.vector_load %arg12[%parallel_loop3A_340, %parallel_loop3A_341] {strides = array<i32>} : memref<128x64xf32, #tpu.memory_space<vmem>>, vector<1x16xf32>,
        %parallel_loop3A_343 = vector.shape_cast %parallel_loop3A_342 : vector<1x16xf32> to vector<16xf32>
        %parallel_loop3A_344 = vector.shape_cast %parallel_loop3A_337 : vector<16xf32> to vector<1x16xf32>
        tpu.vector_store %arg12[%parallel_loop3A_340, %parallel_loop3A_341], %parallel_loop3A_344 {strides = array<i32>} : memref<128x64xf32, #tpu.memory_space<vmem>>, vector<1x16xf32>,
        %parallel_loop3A_345 = arith.constant 2 : i32
        %parallel_loop3A_346 = arith.addi %parallel_loop3A_195, %parallel_loop3A_345 : i32
        %parallel_loop3A_347 = arith.index_cast %parallel_loop3A_346 : i32 to index
        %parallel_loop3A_348 = arith.constant 32 : index
        %parallel_loop3A_349 = tpu.vector_load %arg12[%parallel_loop3A_347, %parallel_loop3A_348] {strides = array<i32>} : memref<128x64xf32, #tpu.memory_space<vmem>>, vector<1x16xf32>,
        %parallel_loop3A_350 = vector.shape_cast %parallel_loop3A_349 : vector<1x16xf32> to vector<16xf32>
        %parallel_loop3A_351 = arith.mulf %parallel_loop3A_350, %parallel_loop3A_316 : vector<16xf32>
        %parallel_loop3A_352 = arith.constant 2 : i32
        %parallel_loop3A_353 = arith.addi %parallel_loop3A_195, %parallel_loop3A_352 : i32
        %parallel_loop3A_354 = arith.index_cast %parallel_loop3A_353 : i32 to index
        %parallel_loop3A_355 = arith.constant 32 : index
        %parallel_loop3A_356 = tpu.vector_load %arg12[%parallel_loop3A_354, %parallel_loop3A_355] {strides = array<i32>} : memref<128x64xf32, #tpu.memory_space<vmem>>, vector<1x16xf32>,
        %parallel_loop3A_357 = vector.shape_cast %parallel_loop3A_356 : vector<1x16xf32> to vector<16xf32>
        %parallel_loop3A_358 = vector.shape_cast %parallel_loop3A_351 : vector<16xf32> to vector<1x16xf32>
        tpu.vector_store %arg12[%parallel_loop3A_354, %parallel_loop3A_355], %parallel_loop3A_358 {strides = array<i32>} : memref<128x64xf32, #tpu.memory_space<vmem>>, vector<1x16xf32>,
        %parallel_loop3A_359 = arith.constant 2 : i32
        %parallel_loop3A_360 = arith.addi %parallel_loop3A_195, %parallel_loop3A_359 : i32
        %parallel_loop3A_361 = arith.index_cast %parallel_loop3A_360 : i32 to index
        %parallel_loop3A_362 = arith.constant 48 : index
        %parallel_loop3A_363 = tpu.vector_load %arg12[%parallel_loop3A_361, %parallel_loop3A_362] {strides = array<i32>} : memref<128x64xf32, #tpu.memory_space<vmem>>, vector<1x16xf32>,
        %parallel_loop3A_364 = vector.shape_cast %parallel_loop3A_363 : vector<1x16xf32> to vector<16xf32>
        %parallel_loop3A_365 = arith.mulf %parallel_loop3A_364, %parallel_loop3A_316 : vector<16xf32>
        %parallel_loop3A_366 = arith.constant 2 : i32
        %parallel_loop3A_367 = arith.addi %parallel_loop3A_195, %parallel_loop3A_366 : i32
        %parallel_loop3A_368 = arith.index_cast %parallel_loop3A_367 : i32 to index
        %parallel_loop3A_369 = arith.constant 48 : index
        %parallel_loop3A_370 = tpu.vector_load %arg12[%parallel_loop3A_368, %parallel_loop3A_369] {strides = array<i32>} : memref<128x64xf32, #tpu.memory_space<vmem>>, vector<1x16xf32>,
        %parallel_loop3A_371 = vector.shape_cast %parallel_loop3A_370 : vector<1x16xf32> to vector<16xf32>
        %parallel_loop3A_372 = vector.shape_cast %parallel_loop3A_365 : vector<16xf32> to vector<1x16xf32>
        tpu.vector_store %arg12[%parallel_loop3A_368, %parallel_loop3A_369], %parallel_loop3A_372 {strides = array<i32>} : memref<128x64xf32, #tpu.memory_space<vmem>>, vector<1x16xf32>,
        %parallel_loop3A_373 = vector.extract_strided_slice %parallel_loop3A_193 {offsets = [3], sizes = [1], strides = [1]} : vector<16xf32> to vector<1xf32>
        %parallel_loop3A_374 = vector.extract %parallel_loop3A_373[0] : f32 from vector<1xf32>
        %parallel_loop3A_375 = vector.broadcast %parallel_loop3A_374 : f32 to vector<16xf32>
        %parallel_loop3A_376 = arith.constant 3 : i32
        %parallel_loop3A_377 = arith.addi %parallel_loop3A_195, %parallel_loop3A_376 : i32
        %parallel_loop3A_378 = arith.index_cast %parallel_loop3A_377 : i32 to index
        %parallel_loop3A_379 = arith.constant 0 : index
        %parallel_loop3A_380 = tpu.vector_load %arg12[%parallel_loop3A_378, %parallel_loop3A_379] {strides = array<i32>} : memref<128x64xf32, #tpu.memory_space<vmem>>, vector<1x16xf32>,
        %parallel_loop3A_381 = vector.shape_cast %parallel_loop3A_380 : vector<1x16xf32> to vector<16xf32>
        %parallel_loop3A_382 = arith.mulf %parallel_loop3A_381, %parallel_loop3A_375 : vector<16xf32>
        %parallel_loop3A_383 = arith.constant 3 : i32
        %parallel_loop3A_384 = arith.addi %parallel_loop3A_195, %parallel_loop3A_383 : i32
        %parallel_loop3A_385 = arith.index_cast %parallel_loop3A_384 : i32 to index
        %parallel_loop3A_386 = arith.constant 0 : index
        %parallel_loop3A_387 = tpu.vector_load %arg12[%parallel_loop3A_385, %parallel_loop3A_386] {strides = array<i32>} : memref<128x64xf32, #tpu.memory_space<vmem>>, vector<1x16xf32>,
        %parallel_loop3A_388 = vector.shape_cast %parallel_loop3A_387 : vector<1x16xf32> to vector<16xf32>
        %parallel_loop3A_389 = vector.shape_cast %parallel_loop3A_382 : vector<16xf32> to vector<1x16xf32>
        tpu.vector_store %arg12[%parallel_loop3A_385, %parallel_loop3A_386], %parallel_loop3A_389 {strides = array<i32>} : memref<128x64xf32, #tpu.memory_space<vmem>>, vector<1x16xf32>,
        %parallel_loop3A_390 = arith.constant 3 : i32
        %parallel_loop3A_391 = arith.addi %parallel_loop3A_195, %parallel_loop3A_390 : i32
        %parallel_loop3A_392 = arith.index_cast %parallel_loop3A_391 : i32 to index
        %parallel_loop3A_393 = arith.constant 16 : index
        %parallel_loop3A_394 = tpu.vector_load %arg12[%parallel_loop3A_392, %parallel_loop3A_393] {strides = array<i32>} : memref<128x64xf32, #tpu.memory_space<vmem>>, vector<1x16xf32>,
        %parallel_loop3A_395 = vector.shape_cast %parallel_loop3A_394 : vector<1x16xf32> to vector<16xf32>
        %parallel_loop3A_396 = arith.mulf %parallel_loop3A_395, %parallel_loop3A_375 : vector<16xf32>
        %parallel_loop3A_397 = arith.constant 3 : i32
        %parallel_loop3A_398 = arith.addi %parallel_loop3A_195, %parallel_loop3A_397 : i32
        %parallel_loop3A_399 = arith.index_cast %parallel_loop3A_398 : i32 to index
        %parallel_loop3A_400 = arith.constant 16 : index
        %parallel_loop3A_401 = tpu.vector_load %arg12[%parallel_loop3A_399, %parallel_loop3A_400] {strides = array<i32>} : memref<128x64xf32, #tpu.memory_space<vmem>>, vector<1x16xf32>,
        %parallel_loop3A_402 = vector.shape_cast %parallel_loop3A_401 : vector<1x16xf32> to vector<16xf32>
        %parallel_loop3A_403 = vector.shape_cast %parallel_loop3A_396 : vector<16xf32> to vector<1x16xf32>
        tpu.vector_store %arg12[%parallel_loop3A_399, %parallel_loop3A_400], %parallel_loop3A_403 {strides = array<i32>} : memref<128x64xf32, #tpu.memory_space<vmem>>, vector<1x16xf32>,
        %parallel_loop3A_404 = arith.constant 3 : i32
        %parallel_loop3A_405 = arith.addi %parallel_loop3A_195, %parallel_loop3A_404 : i32
        %parallel_loop3A_406 = arith.index_cast %parallel_loop3A_405 : i32 to index
        %parallel_loop3A_407 = arith.constant 32 : index
        %parallel_loop3A_408 = tpu.vector_load %arg12[%parallel_loop3A_406, %parallel_loop3A_407] {strides = array<i32>} : memref<128x64xf32, #tpu.memory_space<vmem>>, vector<1x16xf32>,
        %parallel_loop3A_409 = vector.shape_cast %parallel_loop3A_408 : vector<1x16xf32> to vector<16xf32>
        %parallel_loop3A_410 = arith.mulf %parallel_loop3A_409, %parallel_loop3A_375 : vector<16xf32>
        %parallel_loop3A_411 = arith.constant 3 : i32
        %parallel_loop3A_412 = arith.addi %parallel_loop3A_195, %parallel_loop3A_411 : i32
        %parallel_loop3A_413 = arith.index_cast %parallel_loop3A_412 : i32 to index
        %parallel_loop3A_414 = arith.constant 32 : index
        %parallel_loop3A_415 = tpu.vector_load %arg12[%parallel_loop3A_413, %parallel_loop3A_414] {strides = array<i32>} : memref<128x64xf32, #tpu.memory_space<vmem>>, vector<1x16xf32>,
        %parallel_loop3A_416 = vector.shape_cast %parallel_loop3A_415 : vector<1x16xf32> to vector<16xf32>
        %parallel_loop3A_417 = vector.shape_cast %parallel_loop3A_410 : vector<16xf32> to vector<1x16xf32>
        tpu.vector_store %arg12[%parallel_loop3A_413, %parallel_loop3A_414], %parallel_loop3A_417 {strides = array<i32>} : memref<128x64xf32, #tpu.memory_space<vmem>>, vector<1x16xf32>,
        %parallel_loop3A_418 = arith.constant 3 : i32
        %parallel_loop3A_419 = arith.addi %parallel_loop3A_195, %parallel_loop3A_418 : i32
        %parallel_loop3A_420 = arith.index_cast %parallel_loop3A_419 : i32 to index
        %parallel_loop3A_421 = arith.constant 48 : index
        %parallel_loop3A_422 = tpu.vector_load %arg12[%parallel_loop3A_420, %parallel_loop3A_421] {strides = array<i32>} : memref<128x64xf32, #tpu.memory_space<vmem>>, vector<1x16xf32>,
        %parallel_loop3A_423 = vector.shape_cast %parallel_loop3A_422 : vector<1x16xf32> to vector<16xf32>
        %parallel_loop3A_424 = arith.mulf %parallel_loop3A_423, %parallel_loop3A_375 : vector<16xf32>
        %parallel_loop3A_425 = arith.constant 3 : i32
        %parallel_loop3A_426 = arith.addi %parallel_loop3A_195, %parallel_loop3A_425 : i32
        %parallel_loop3A_427 = arith.index_cast %parallel_loop3A_426 : i32 to index
        %parallel_loop3A_428 = arith.constant 48 : index
        %parallel_loop3A_429 = tpu.vector_load %arg12[%parallel_loop3A_427, %parallel_loop3A_428] {strides = array<i32>} : memref<128x64xf32, #tpu.memory_space<vmem>>, vector<1x16xf32>,
        %parallel_loop3A_430 = vector.shape_cast %parallel_loop3A_429 : vector<1x16xf32> to vector<16xf32>
        %parallel_loop3A_431 = vector.shape_cast %parallel_loop3A_424 : vector<16xf32> to vector<1x16xf32>
        tpu.vector_store %arg12[%parallel_loop3A_427, %parallel_loop3A_428], %parallel_loop3A_431 {strides = array<i32>} : memref<128x64xf32, #tpu.memory_space<vmem>>, vector<1x16xf32>,
        %parallel_loop3A_432 = vector.extract_strided_slice %parallel_loop3A_193 {offsets = [4], sizes = [1], strides = [1]} : vector<16xf32> to vector<1xf32>
        %parallel_loop3A_433 = vector.extract %parallel_loop3A_432[0] : f32 from vector<1xf32>
        %parallel_loop3A_434 = vector.broadcast %parallel_loop3A_433 : f32 to vector<16xf32>
        %parallel_loop3A_435 = arith.constant 4 : i32
        %parallel_loop3A_436 = arith.addi %parallel_loop3A_195, %parallel_loop3A_435 : i32
        %parallel_loop3A_437 = arith.index_cast %parallel_loop3A_436 : i32 to index
        %parallel_loop3A_438 = arith.constant 0 : index
        %parallel_loop3A_439 = tpu.vector_load %arg12[%parallel_loop3A_437, %parallel_loop3A_438] {strides = array<i32>} : memref<128x64xf32, #tpu.memory_space<vmem>>, vector<1x16xf32>,
        %parallel_loop3A_440 = vector.shape_cast %parallel_loop3A_439 : vector<1x16xf32> to vector<16xf32>
        %parallel_loop3A_441 = arith.mulf %parallel_loop3A_440, %parallel_loop3A_434 : vector<16xf32>
        %parallel_loop3A_442 = arith.constant 4 : i32
        %parallel_loop3A_443 = arith.addi %parallel_loop3A_195, %parallel_loop3A_442 : i32
        %parallel_loop3A_444 = arith.index_cast %parallel_loop3A_443 : i32 to index
        %parallel_loop3A_445 = arith.constant 0 : index
        %parallel_loop3A_446 = tpu.vector_load %arg12[%parallel_loop3A_444, %parallel_loop3A_445] {strides = array<i32>} : memref<128x64xf32, #tpu.memory_space<vmem>>, vector<1x16xf32>,
        %parallel_loop3A_447 = vector.shape_cast %parallel_loop3A_446 : vector<1x16xf32> to vector<16xf32>
        %parallel_loop3A_448 = vector.shape_cast %parallel_loop3A_441 : vector<16xf32> to vector<1x16xf32>
        tpu.vector_store %arg12[%parallel_loop3A_444, %parallel_loop3A_445], %parallel_loop3A_448 {strides = array<i32>} : memref<128x64xf32, #tpu.memory_space<vmem>>, vector<1x16xf32>,
        %parallel_loop3A_449 = arith.constant 4 : i32
        %parallel_loop3A_450 = arith.addi %parallel_loop3A_195, %parallel_loop3A_449 : i32
        %parallel_loop3A_451 = arith.index_cast %parallel_loop3A_450 : i32 to index
        %parallel_loop3A_452 = arith.constant 16 : index
        %parallel_loop3A_453 = tpu.vector_load %arg12[%parallel_loop3A_451, %parallel_loop3A_452] {strides = array<i32>} : memref<128x64xf32, #tpu.memory_space<vmem>>, vector<1x16xf32>,
        %parallel_loop3A_454 = vector.shape_cast %parallel_loop3A_453 : vector<1x16xf32> to vector<16xf32>
        %parallel_loop3A_455 = arith.mulf %parallel_loop3A_454, %parallel_loop3A_434 : vector<16xf32>
        %parallel_loop3A_456 = arith.constant 4 : i32
        %parallel_loop3A_457 = arith.addi %parallel_loop3A_195, %parallel_loop3A_456 : i32
        %parallel_loop3A_458 = arith.index_cast %parallel_loop3A_457 : i32 to index
        %parallel_loop3A_459 = arith.constant 16 : index
        %parallel_loop3A_460 = tpu.vector_load %arg12[%parallel_loop3A_458, %parallel_loop3A_459] {strides = array<i32>} : memref<128x64xf32, #tpu.memory_space<vmem>>, vector<1x16xf32>,
        %parallel_loop3A_461 = vector.shape_cast %parallel_loop3A_460 : vector<1x16xf32> to vector<16xf32>
        %parallel_loop3A_462 = vector.shape_cast %parallel_loop3A_455 : vector<16xf32> to vector<1x16xf32>
        tpu.vector_store %arg12[%parallel_loop3A_458, %parallel_loop3A_459], %parallel_loop3A_462 {strides = array<i32>} : memref<128x64xf32, #tpu.memory_space<vmem>>, vector<1x16xf32>,
        %parallel_loop3A_463 = arith.constant 4 : i32
        %parallel_loop3A_464 = arith.addi %parallel_loop3A_195, %parallel_loop3A_463 : i32
        %parallel_loop3A_465 = arith.index_cast %parallel_loop3A_464 : i32 to index
        %parallel_loop3A_466 = arith.constant 32 : index
        %parallel_loop3A_467 = tpu.vector_load %arg12[%parallel_loop3A_465, %parallel_loop3A_466] {strides = array<i32>} : memref<128x64xf32, #tpu.memory_space<vmem>>, vector<1x16xf32>,
        %parallel_loop3A_468 = vector.shape_cast %parallel_loop3A_467 : vector<1x16xf32> to vector<16xf32>
        %parallel_loop3A_469 = arith.mulf %parallel_loop3A_468, %parallel_loop3A_434 : vector<16xf32>
        %parallel_loop3A_470 = arith.constant 4 : i32
        %parallel_loop3A_471 = arith.addi %parallel_loop3A_195, %parallel_loop3A_470 : i32
        %parallel_loop3A_472 = arith.index_cast %parallel_loop3A_471 : i32 to index
        %parallel_loop3A_473 = arith.constant 32 : index
        %parallel_loop3A_474 = tpu.vector_load %arg12[%parallel_loop3A_472, %parallel_loop3A_473] {strides = array<i32>} : memref<128x64xf32, #tpu.memory_space<vmem>>, vector<1x16xf32>,
        %parallel_loop3A_475 = vector.shape_cast %parallel_loop3A_474 : vector<1x16xf32> to vector<16xf32>
        %parallel_loop3A_476 = vector.shape_cast %parallel_loop3A_469 : vector<16xf32> to vector<1x16xf32>
        tpu.vector_store %arg12[%parallel_loop3A_472, %parallel_loop3A_473], %parallel_loop3A_476 {strides = array<i32>} : memref<128x64xf32, #tpu.memory_space<vmem>>, vector<1x16xf32>,
        %parallel_loop3A_477 = arith.constant 4 : i32
        %parallel_loop3A_478 = arith.addi %parallel_loop3A_195, %parallel_loop3A_477 : i32
        %parallel_loop3A_479 = arith.index_cast %parallel_loop3A_478 : i32 to index
        %parallel_loop3A_480 = arith.constant 48 : index
        %parallel_loop3A_481 = tpu.vector_load %arg12[%parallel_loop3A_479, %parallel_loop3A_480] {strides = array<i32>} : memref<128x64xf32, #tpu.memory_space<vmem>>, vector<1x16xf32>,
        %parallel_loop3A_482 = vector.shape_cast %parallel_loop3A_481 : vector<1x16xf32> to vector<16xf32>
        %parallel_loop3A_483 = arith.mulf %parallel_loop3A_482, %parallel_loop3A_434 : vector<16xf32>
        %parallel_loop3A_484 = arith.constant 4 : i32
        %parallel_loop3A_485 = arith.addi %parallel_loop3A_195, %parallel_loop3A_484 : i32
        %parallel_loop3A_486 = arith.index_cast %parallel_loop3A_485 : i32 to index
        %parallel_loop3A_487 = arith.constant 48 : index
        %parallel_loop3A_488 = tpu.vector_load %arg12[%parallel_loop3A_486, %parallel_loop3A_487] {strides = array<i32>} : memref<128x64xf32, #tpu.memory_space<vmem>>, vector<1x16xf32>,
        %parallel_loop3A_489 = vector.shape_cast %parallel_loop3A_488 : vector<1x16xf32> to vector<16xf32>
        %parallel_loop3A_490 = vector.shape_cast %parallel_loop3A_483 : vector<16xf32> to vector<1x16xf32>
        tpu.vector_store %arg12[%parallel_loop3A_486, %parallel_loop3A_487], %parallel_loop3A_490 {strides = array<i32>} : memref<128x64xf32, #tpu.memory_space<vmem>>, vector<1x16xf32>,
        %parallel_loop3A_491 = vector.extract_strided_slice %parallel_loop3A_193 {offsets = [5], sizes = [1], strides = [1]} : vector<16xf32> to vector<1xf32>
        %parallel_loop3A_492 = vector.extract %parallel_loop3A_491[0] : f32 from vector<1xf32>
        %parallel_loop3A_493 = vector.broadcast %parallel_loop3A_492 : f32 to vector<16xf32>
        %parallel_loop3A_494 = arith.constant 5 : i32
        %parallel_loop3A_495 = arith.addi %parallel_loop3A_195, %parallel_loop3A_494 : i32
        %parallel_loop3A_496 = arith.index_cast %parallel_loop3A_495 : i32 to index
        %parallel_loop3A_497 = arith.constant 0 : index
        %parallel_loop3A_498 = tpu.vector_load %arg12[%parallel_loop3A_496, %parallel_loop3A_497] {strides = array<i32>} : memref<128x64xf32, #tpu.memory_space<vmem>>, vector<1x16xf32>,
        %parallel_loop3A_499 = vector.shape_cast %parallel_loop3A_498 : vector<1x16xf32> to vector<16xf32>
        %parallel_loop3A_500 = arith.mulf %parallel_loop3A_499, %parallel_loop3A_493 : vector<16xf32>
        %parallel_loop3A_501 = arith.constant 5 : i32
        %parallel_loop3A_502 = arith.addi %parallel_loop3A_195, %parallel_loop3A_501 : i32
        %parallel_loop3A_503 = arith.index_cast %parallel_loop3A_502 : i32 to index
        %parallel_loop3A_504 = arith.constant 0 : index
        %parallel_loop3A_505 = tpu.vector_load %arg12[%parallel_loop3A_503, %parallel_loop3A_504] {strides = array<i32>} : memref<128x64xf32, #tpu.memory_space<vmem>>, vector<1x16xf32>,
        %parallel_loop3A_506 = vector.shape_cast %parallel_loop3A_505 : vector<1x16xf32> to vector<16xf32>
        %parallel_loop3A_507 = vector.shape_cast %parallel_loop3A_500 : vector<16xf32> to vector<1x16xf32>
        tpu.vector_store %arg12[%parallel_loop3A_503, %parallel_loop3A_504], %parallel_loop3A_507 {strides = array<i32>} : memref<128x64xf32, #tpu.memory_space<vmem>>, vector<1x16xf32>,
        %parallel_loop3A_508 = arith.constant 5 : i32
        %parallel_loop3A_509 = arith.addi %parallel_loop3A_195, %parallel_loop3A_508 : i32
        %parallel_loop3A_510 = arith.index_cast %parallel_loop3A_509 : i32 to index
        %parallel_loop3A_511 = arith.constant 16 : index
        %parallel_loop3A_512 = tpu.vector_load %arg12[%parallel_loop3A_510, %parallel_loop3A_511] {strides = array<i32>} : memref<128x64xf32, #tpu.memory_space<vmem>>, vector<1x16xf32>,
        %parallel_loop3A_513 = vector.shape_cast %parallel_loop3A_512 : vector<1x16xf32> to vector<16xf32>
        %parallel_loop3A_514 = arith.mulf %parallel_loop3A_513, %parallel_loop3A_493 : vector<16xf32>
        %parallel_loop3A_515 = arith.constant 5 : i32
        %parallel_loop3A_516 = arith.addi %parallel_loop3A_195, %parallel_loop3A_515 : i32
        %parallel_loop3A_517 = arith.index_cast %parallel_loop3A_516 : i32 to index
        %parallel_loop3A_518 = arith.constant 16 : index
        %parallel_loop3A_519 = tpu.vector_load %arg12[%parallel_loop3A_517, %parallel_loop3A_518] {strides = array<i32>} : memref<128x64xf32, #tpu.memory_space<vmem>>, vector<1x16xf32>,
        %parallel_loop3A_520 = vector.shape_cast %parallel_loop3A_519 : vector<1x16xf32> to vector<16xf32>
        %parallel_loop3A_521 = vector.shape_cast %parallel_loop3A_514 : vector<16xf32> to vector<1x16xf32>
        tpu.vector_store %arg12[%parallel_loop3A_517, %parallel_loop3A_518], %parallel_loop3A_521 {strides = array<i32>} : memref<128x64xf32, #tpu.memory_space<vmem>>, vector<1x16xf32>,
        %parallel_loop3A_522 = arith.constant 5 : i32
        %parallel_loop3A_523 = arith.addi %parallel_loop3A_195, %parallel_loop3A_522 : i32
        %parallel_loop3A_524 = arith.index_cast %parallel_loop3A_523 : i32 to index
        %parallel_loop3A_525 = arith.constant 32 : index
        %parallel_loop3A_526 = tpu.vector_load %arg12[%parallel_loop3A_524, %parallel_loop3A_525] {strides = array<i32>} : memref<128x64xf32, #tpu.memory_space<vmem>>, vector<1x16xf32>,
        %parallel_loop3A_527 = vector.shape_cast %parallel_loop3A_526 : vector<1x16xf32> to vector<16xf32>
        %parallel_loop3A_528 = arith.mulf %parallel_loop3A_527, %parallel_loop3A_493 : vector<16xf32>
        %parallel_loop3A_529 = arith.constant 5 : i32
        %parallel_loop3A_530 = arith.addi %parallel_loop3A_195, %parallel_loop3A_529 : i32
        %parallel_loop3A_531 = arith.index_cast %parallel_loop3A_530 : i32 to index
        %parallel_loop3A_532 = arith.constant 32 : index
        %parallel_loop3A_533 = tpu.vector_load %arg12[%parallel_loop3A_531, %parallel_loop3A_532] {strides = array<i32>} : memref<128x64xf32, #tpu.memory_space<vmem>>, vector<1x16xf32>,
        %parallel_loop3A_534 = vector.shape_cast %parallel_loop3A_533 : vector<1x16xf32> to vector<16xf32>
        %parallel_loop3A_535 = vector.shape_cast %parallel_loop3A_528 : vector<16xf32> to vector<1x16xf32>
        tpu.vector_store %arg12[%parallel_loop3A_531, %parallel_loop3A_532], %parallel_loop3A_535 {strides = array<i32>} : memref<128x64xf32, #tpu.memory_space<vmem>>, vector<1x16xf32>,
        %parallel_loop3A_536 = arith.constant 5 : i32
        %parallel_loop3A_537 = arith.addi %parallel_loop3A_195, %parallel_loop3A_536 : i32
        %parallel_loop3A_538 = arith.index_cast %parallel_loop3A_537 : i32 to index
        %parallel_loop3A_539 = arith.constant 48 : index
        %parallel_loop3A_540 = tpu.vector_load %arg12[%parallel_loop3A_538, %parallel_loop3A_539] {strides = array<i32>} : memref<128x64xf32, #tpu.memory_space<vmem>>, vector<1x16xf32>,
        %parallel_loop3A_541 = vector.shape_cast %parallel_loop3A_540 : vector<1x16xf32> to vector<16xf32>
        %parallel_loop3A_542 = arith.mulf %parallel_loop3A_541, %parallel_loop3A_493 : vector<16xf32>
        %parallel_loop3A_543 = arith.constant 5 : i32
        %parallel_loop3A_544 = arith.addi %parallel_loop3A_195, %parallel_loop3A_543 : i32
        %parallel_loop3A_545 = arith.index_cast %parallel_loop3A_544 : i32 to index
        %parallel_loop3A_546 = arith.constant 48 : index
        %parallel_loop3A_547 = tpu.vector_load %arg12[%parallel_loop3A_545, %parallel_loop3A_546] {strides = array<i32>} : memref<128x64xf32, #tpu.memory_space<vmem>>, vector<1x16xf32>,
        %parallel_loop3A_548 = vector.shape_cast %parallel_loop3A_547 : vector<1x16xf32> to vector<16xf32>
        %parallel_loop3A_549 = vector.shape_cast %parallel_loop3A_542 : vector<16xf32> to vector<1x16xf32>
        tpu.vector_store %arg12[%parallel_loop3A_545, %parallel_loop3A_546], %parallel_loop3A_549 {strides = array<i32>} : memref<128x64xf32, #tpu.memory_space<vmem>>, vector<1x16xf32>,
        %parallel_loop3A_550 = vector.extract_strided_slice %parallel_loop3A_193 {offsets = [6], sizes = [1], strides = [1]} : vector<16xf32> to vector<1xf32>
        %parallel_loop3A_551 = vector.extract %parallel_loop3A_550[0] : f32 from vector<1xf32>
        %parallel_loop3A_552 = vector.broadcast %parallel_loop3A_551 : f32 to vector<16xf32>
        %parallel_loop3A_553 = arith.constant 6 : i32
        %parallel_loop3A_554 = arith.addi %parallel_loop3A_195, %parallel_loop3A_553 : i32
        %parallel_loop3A_555 = arith.index_cast %parallel_loop3A_554 : i32 to index
        %parallel_loop3A_556 = arith.constant 0 : index
        %parallel_loop3A_557 = tpu.vector_load %arg12[%parallel_loop3A_555, %parallel_loop3A_556] {strides = array<i32>} : memref<128x64xf32, #tpu.memory_space<vmem>>, vector<1x16xf32>,
        %parallel_loop3A_558 = vector.shape_cast %parallel_loop3A_557 : vector<1x16xf32> to vector<16xf32>
        %parallel_loop3A_559 = arith.mulf %parallel_loop3A_558, %parallel_loop3A_552 : vector<16xf32>
        %parallel_loop3A_560 = arith.constant 6 : i32
        %parallel_loop3A_561 = arith.addi %parallel_loop3A_195, %parallel_loop3A_560 : i32
        %parallel_loop3A_562 = arith.index_cast %parallel_loop3A_561 : i32 to index
        %parallel_loop3A_563 = arith.constant 0 : index
        %parallel_loop3A_564 = tpu.vector_load %arg12[%parallel_loop3A_562, %parallel_loop3A_563] {strides = array<i32>} : memref<128x64xf32, #tpu.memory_space<vmem>>, vector<1x16xf32>,
        %parallel_loop3A_565 = vector.shape_cast %parallel_loop3A_564 : vector<1x16xf32> to vector<16xf32>
        %parallel_loop3A_566 = vector.shape_cast %parallel_loop3A_559 : vector<16xf32> to vector<1x16xf32>
        tpu.vector_store %arg12[%parallel_loop3A_562, %parallel_loop3A_563], %parallel_loop3A_566 {strides = array<i32>} : memref<128x64xf32, #tpu.memory_space<vmem>>, vector<1x16xf32>,
        %parallel_loop3A_567 = arith.constant 6 : i32
        %parallel_loop3A_568 = arith.addi %parallel_loop3A_195, %parallel_loop3A_567 : i32
        %parallel_loop3A_569 = arith.index_cast %parallel_loop3A_568 : i32 to index
        %parallel_loop3A_570 = arith.constant 16 : index
        %parallel_loop3A_571 = tpu.vector_load %arg12[%parallel_loop3A_569, %parallel_loop3A_570] {strides = array<i32>} : memref<128x64xf32, #tpu.memory_space<vmem>>, vector<1x16xf32>,
        %parallel_loop3A_572 = vector.shape_cast %parallel_loop3A_571 : vector<1x16xf32> to vector<16xf32>
        %parallel_loop3A_573 = arith.mulf %parallel_loop3A_572, %parallel_loop3A_552 : vector<16xf32>
        %parallel_loop3A_574 = arith.constant 6 : i32
        %parallel_loop3A_575 = arith.addi %parallel_loop3A_195, %parallel_loop3A_574 : i32
        %parallel_loop3A_576 = arith.index_cast %parallel_loop3A_575 : i32 to index
        %parallel_loop3A_577 = arith.constant 16 : index
        %parallel_loop3A_578 = tpu.vector_load %arg12[%parallel_loop3A_576, %parallel_loop3A_577] {strides = array<i32>} : memref<128x64xf32, #tpu.memory_space<vmem>>, vector<1x16xf32>,
        %parallel_loop3A_579 = vector.shape_cast %parallel_loop3A_578 : vector<1x16xf32> to vector<16xf32>
        %parallel_loop3A_580 = vector.shape_cast %parallel_loop3A_573 : vector<16xf32> to vector<1x16xf32>
        tpu.vector_store %arg12[%parallel_loop3A_576, %parallel_loop3A_577], %parallel_loop3A_580 {strides = array<i32>} : memref<128x64xf32, #tpu.memory_space<vmem>>, vector<1x16xf32>,
        %parallel_loop3A_581 = arith.constant 6 : i32
        %parallel_loop3A_582 = arith.addi %parallel_loop3A_195, %parallel_loop3A_581 : i32
        %parallel_loop3A_583 = arith.index_cast %parallel_loop3A_582 : i32 to index
        %parallel_loop3A_584 = arith.constant 32 : index
        %parallel_loop3A_585 = tpu.vector_load %arg12[%parallel_loop3A_583, %parallel_loop3A_584] {strides = array<i32>} : memref<128x64xf32, #tpu.memory_space<vmem>>, vector<1x16xf32>,
        %parallel_loop3A_586 = vector.shape_cast %parallel_loop3A_585 : vector<1x16xf32> to vector<16xf32>
        %parallel_loop3A_587 = arith.mulf %parallel_loop3A_586, %parallel_loop3A_552 : vector<16xf32>
        %parallel_loop3A_588 = arith.constant 6 : i32
        %parallel_loop3A_589 = arith.addi %parallel_loop3A_195, %parallel_loop3A_588 : i32
        %parallel_loop3A_590 = arith.index_cast %parallel_loop3A_589 : i32 to index
        %parallel_loop3A_591 = arith.constant 32 : index
        %parallel_loop3A_592 = tpu.vector_load %arg12[%parallel_loop3A_590, %parallel_loop3A_591] {strides = array<i32>} : memref<128x64xf32, #tpu.memory_space<vmem>>, vector<1x16xf32>,
        %parallel_loop3A_593 = vector.shape_cast %parallel_loop3A_592 : vector<1x16xf32> to vector<16xf32>
        %parallel_loop3A_594 = vector.shape_cast %parallel_loop3A_587 : vector<16xf32> to vector<1x16xf32>
        tpu.vector_store %arg12[%parallel_loop3A_590, %parallel_loop3A_591], %parallel_loop3A_594 {strides = array<i32>} : memref<128x64xf32, #tpu.memory_space<vmem>>, vector<1x16xf32>,
        %parallel_loop3A_595 = arith.constant 6 : i32
        %parallel_loop3A_596 = arith.addi %parallel_loop3A_195, %parallel_loop3A_595 : i32
        %parallel_loop3A_597 = arith.index_cast %parallel_loop3A_596 : i32 to index
        %parallel_loop3A_598 = arith.constant 48 : index
        %parallel_loop3A_599 = tpu.vector_load %arg12[%parallel_loop3A_597, %parallel_loop3A_598] {strides = array<i32>} : memref<128x64xf32, #tpu.memory_space<vmem>>, vector<1x16xf32>,
        %parallel_loop3A_600 = vector.shape_cast %parallel_loop3A_599 : vector<1x16xf32> to vector<16xf32>
        %parallel_loop3A_601 = arith.mulf %parallel_loop3A_600, %parallel_loop3A_552 : vector<16xf32>
        %parallel_loop3A_602 = arith.constant 6 : i32
        %parallel_loop3A_603 = arith.addi %parallel_loop3A_195, %parallel_loop3A_602 : i32
        %parallel_loop3A_604 = arith.index_cast %parallel_loop3A_603 : i32 to index
        %parallel_loop3A_605 = arith.constant 48 : index
        %parallel_loop3A_606 = tpu.vector_load %arg12[%parallel_loop3A_604, %parallel_loop3A_605] {strides = array<i32>} : memref<128x64xf32, #tpu.memory_space<vmem>>, vector<1x16xf32>,
        %parallel_loop3A_607 = vector.shape_cast %parallel_loop3A_606 : vector<1x16xf32> to vector<16xf32>
        %parallel_loop3A_608 = vector.shape_cast %parallel_loop3A_601 : vector<16xf32> to vector<1x16xf32>
        tpu.vector_store %arg12[%parallel_loop3A_604, %parallel_loop3A_605], %parallel_loop3A_608 {strides = array<i32>} : memref<128x64xf32, #tpu.memory_space<vmem>>, vector<1x16xf32>,
        %parallel_loop3A_609 = vector.extract_strided_slice %parallel_loop3A_193 {offsets = [7], sizes = [1], strides = [1]} : vector<16xf32> to vector<1xf32>
        %parallel_loop3A_610 = vector.extract %parallel_loop3A_609[0] : f32 from vector<1xf32>
        %parallel_loop3A_611 = vector.broadcast %parallel_loop3A_610 : f32 to vector<16xf32>
        %parallel_loop3A_612 = arith.constant 7 : i32
        %parallel_loop3A_613 = arith.addi %parallel_loop3A_195, %parallel_loop3A_612 : i32
        %parallel_loop3A_614 = arith.index_cast %parallel_loop3A_613 : i32 to index
        %parallel_loop3A_615 = arith.constant 0 : index
        %parallel_loop3A_616 = tpu.vector_load %arg12[%parallel_loop3A_614, %parallel_loop3A_615] {strides = array<i32>} : memref<128x64xf32, #tpu.memory_space<vmem>>, vector<1x16xf32>,
        %parallel_loop3A_617 = vector.shape_cast %parallel_loop3A_616 : vector<1x16xf32> to vector<16xf32>
        %parallel_loop3A_618 = arith.mulf %parallel_loop3A_617, %parallel_loop3A_611 : vector<16xf32>
        %parallel_loop3A_619 = arith.constant 7 : i32
        %parallel_loop3A_620 = arith.addi %parallel_loop3A_195, %parallel_loop3A_619 : i32
        %parallel_loop3A_621 = arith.index_cast %parallel_loop3A_620 : i32 to index
        %parallel_loop3A_622 = arith.constant 0 : index
        %parallel_loop3A_623 = tpu.vector_load %arg12[%parallel_loop3A_621, %parallel_loop3A_622] {strides = array<i32>} : memref<128x64xf32, #tpu.memory_space<vmem>>, vector<1x16xf32>,
        %parallel_loop3A_624 = vector.shape_cast %parallel_loop3A_623 : vector<1x16xf32> to vector<16xf32>
        %parallel_loop3A_625 = vector.shape_cast %parallel_loop3A_618 : vector<16xf32> to vector<1x16xf32>
        tpu.vector_store %arg12[%parallel_loop3A_621, %parallel_loop3A_622], %parallel_loop3A_625 {strides = array<i32>} : memref<128x64xf32, #tpu.memory_space<vmem>>, vector<1x16xf32>,
        %parallel_loop3A_626 = arith.constant 7 : i32
        %parallel_loop3A_627 = arith.addi %parallel_loop3A_195, %parallel_loop3A_626 : i32
        %parallel_loop3A_628 = arith.index_cast %parallel_loop3A_627 : i32 to index
        %parallel_loop3A_629 = arith.constant 16 : index
        %parallel_loop3A_630 = tpu.vector_load %arg12[%parallel_loop3A_628, %parallel_loop3A_629] {strides = array<i32>} : memref<128x64xf32, #tpu.memory_space<vmem>>, vector<1x16xf32>,
        %parallel_loop3A_631 = vector.shape_cast %parallel_loop3A_630 : vector<1x16xf32> to vector<16xf32>
        %parallel_loop3A_632 = arith.mulf %parallel_loop3A_631, %parallel_loop3A_611 : vector<16xf32>
        %parallel_loop3A_633 = arith.constant 7 : i32
        %parallel_loop3A_634 = arith.addi %parallel_loop3A_195, %parallel_loop3A_633 : i32
        %parallel_loop3A_635 = arith.index_cast %parallel_loop3A_634 : i32 to index
        %parallel_loop3A_636 = arith.constant 16 : index
        %parallel_loop3A_637 = tpu.vector_load %arg12[%parallel_loop3A_635, %parallel_loop3A_636] {strides = array<i32>} : memref<128x64xf32, #tpu.memory_space<vmem>>, vector<1x16xf32>,
        %parallel_loop3A_638 = vector.shape_cast %parallel_loop3A_637 : vector<1x16xf32> to vector<16xf32>
        %parallel_loop3A_639 = vector.shape_cast %parallel_loop3A_632 : vector<16xf32> to vector<1x16xf32>
        tpu.vector_store %arg12[%parallel_loop3A_635, %parallel_loop3A_636], %parallel_loop3A_639 {strides = array<i32>} : memref<128x64xf32, #tpu.memory_space<vmem>>, vector<1x16xf32>,
        %parallel_loop3A_640 = arith.constant 7 : i32
        %parallel_loop3A_641 = arith.addi %parallel_loop3A_195, %parallel_loop3A_640 : i32
        %parallel_loop3A_642 = arith.index_cast %parallel_loop3A_641 : i32 to index
        %parallel_loop3A_643 = arith.constant 32 : index
        %parallel_loop3A_644 = tpu.vector_load %arg12[%parallel_loop3A_642, %parallel_loop3A_643] {strides = array<i32>} : memref<128x64xf32, #tpu.memory_space<vmem>>, vector<1x16xf32>,
        %parallel_loop3A_645 = vector.shape_cast %parallel_loop3A_644 : vector<1x16xf32> to vector<16xf32>
        %parallel_loop3A_646 = arith.mulf %parallel_loop3A_645, %parallel_loop3A_611 : vector<16xf32>
        %parallel_loop3A_647 = arith.constant 7 : i32
        %parallel_loop3A_648 = arith.addi %parallel_loop3A_195, %parallel_loop3A_647 : i32
        %parallel_loop3A_649 = arith.index_cast %parallel_loop3A_648 : i32 to index
        %parallel_loop3A_650 = arith.constant 32 : index
        %parallel_loop3A_651 = tpu.vector_load %arg12[%parallel_loop3A_649, %parallel_loop3A_650] {strides = array<i32>} : memref<128x64xf32, #tpu.memory_space<vmem>>, vector<1x16xf32>,
        %parallel_loop3A_652 = vector.shape_cast %parallel_loop3A_651 : vector<1x16xf32> to vector<16xf32>
        %parallel_loop3A_653 = vector.shape_cast %parallel_loop3A_646 : vector<16xf32> to vector<1x16xf32>
        tpu.vector_store %arg12[%parallel_loop3A_649, %parallel_loop3A_650], %parallel_loop3A_653 {strides = array<i32>} : memref<128x64xf32, #tpu.memory_space<vmem>>, vector<1x16xf32>,
        %parallel_loop3A_654 = arith.constant 7 : i32
        %parallel_loop3A_655 = arith.addi %parallel_loop3A_195, %parallel_loop3A_654 : i32
        %parallel_loop3A_656 = arith.index_cast %parallel_loop3A_655 : i32 to index
        %parallel_loop3A_657 = arith.constant 48 : index
        %parallel_loop3A_658 = tpu.vector_load %arg12[%parallel_loop3A_656, %parallel_loop3A_657] {strides = array<i32>} : memref<128x64xf32, #tpu.memory_space<vmem>>, vector<1x16xf32>,
        %parallel_loop3A_659 = vector.shape_cast %parallel_loop3A_658 : vector<1x16xf32> to vector<16xf32>
        %parallel_loop3A_660 = arith.mulf %parallel_loop3A_659, %parallel_loop3A_611 : vector<16xf32>
        %parallel_loop3A_661 = arith.constant 7 : i32
        %parallel_loop3A_662 = arith.addi %parallel_loop3A_195, %parallel_loop3A_661 : i32
        %parallel_loop3A_663 = arith.index_cast %parallel_loop3A_662 : i32 to index
        %parallel_loop3A_664 = arith.constant 48 : index
        %parallel_loop3A_665 = tpu.vector_load %arg12[%parallel_loop3A_663, %parallel_loop3A_664] {strides = array<i32>} : memref<128x64xf32, #tpu.memory_space<vmem>>, vector<1x16xf32>,
        %parallel_loop3A_666 = vector.shape_cast %parallel_loop3A_665 : vector<1x16xf32> to vector<16xf32>
        %parallel_loop3A_667 = vector.shape_cast %parallel_loop3A_660 : vector<16xf32> to vector<1x16xf32>
        tpu.vector_store %arg12[%parallel_loop3A_663, %parallel_loop3A_664], %parallel_loop3A_667 {strides = array<i32>} : memref<128x64xf32, #tpu.memory_space<vmem>>, vector<1x16xf32>,
        %parallel_loop3A_668 = vector.extract_strided_slice %parallel_loop3A_193 {offsets = [8], sizes = [1], strides = [1]} : vector<16xf32> to vector<1xf32>
        %parallel_loop3A_669 = vector.extract %parallel_loop3A_668[0] : f32 from vector<1xf32>
        %parallel_loop3A_670 = vector.broadcast %parallel_loop3A_669 : f32 to vector<16xf32>
        %parallel_loop3A_671 = arith.constant 8 : i32
        %parallel_loop3A_672 = arith.addi %parallel_loop3A_195, %parallel_loop3A_671 : i32
        %parallel_loop3A_673 = arith.index_cast %parallel_loop3A_672 : i32 to index
        %parallel_loop3A_674 = arith.constant 0 : index
        %parallel_loop3A_675 = tpu.vector_load %arg12[%parallel_loop3A_673, %parallel_loop3A_674] {strides = array<i32>} : memref<128x64xf32, #tpu.memory_space<vmem>>, vector<1x16xf32>,
        %parallel_loop3A_676 = vector.shape_cast %parallel_loop3A_675 : vector<1x16xf32> to vector<16xf32>
        %parallel_loop3A_677 = arith.mulf %parallel_loop3A_676, %parallel_loop3A_670 : vector<16xf32>
        %parallel_loop3A_678 = arith.constant 8 : i32
        %parallel_loop3A_679 = arith.addi %parallel_loop3A_195, %parallel_loop3A_678 : i32
        %parallel_loop3A_680 = arith.index_cast %parallel_loop3A_679 : i32 to index
        %parallel_loop3A_681 = arith.constant 0 : index
        %parallel_loop3A_682 = tpu.vector_load %arg12[%parallel_loop3A_680, %parallel_loop3A_681] {strides = array<i32>} : memref<128x64xf32, #tpu.memory_space<vmem>>, vector<1x16xf32>,
        %parallel_loop3A_683 = vector.shape_cast %parallel_loop3A_682 : vector<1x16xf32> to vector<16xf32>
        %parallel_loop3A_684 = vector.shape_cast %parallel_loop3A_677 : vector<16xf32> to vector<1x16xf32>
        tpu.vector_store %arg12[%parallel_loop3A_680, %parallel_loop3A_681], %parallel_loop3A_684 {strides = array<i32>} : memref<128x64xf32, #tpu.memory_space<vmem>>, vector<1x16xf32>,
        %parallel_loop3A_685 = arith.constant 8 : i32
        %parallel_loop3A_686 = arith.addi %parallel_loop3A_195, %parallel_loop3A_685 : i32
        %parallel_loop3A_687 = arith.index_cast %parallel_loop3A_686 : i32 to index
        %parallel_loop3A_688 = arith.constant 16 : index
        %parallel_loop3A_689 = tpu.vector_load %arg12[%parallel_loop3A_687, %parallel_loop3A_688] {strides = array<i32>} : memref<128x64xf32, #tpu.memory_space<vmem>>, vector<1x16xf32>,
        %parallel_loop3A_690 = vector.shape_cast %parallel_loop3A_689 : vector<1x16xf32> to vector<16xf32>
        %parallel_loop3A_691 = arith.mulf %parallel_loop3A_690, %parallel_loop3A_670 : vector<16xf32>
        %parallel_loop3A_692 = arith.constant 8 : i32
        %parallel_loop3A_693 = arith.addi %parallel_loop3A_195, %parallel_loop3A_692 : i32
        %parallel_loop3A_694 = arith.index_cast %parallel_loop3A_693 : i32 to index
        %parallel_loop3A_695 = arith.constant 16 : index
        %parallel_loop3A_696 = tpu.vector_load %arg12[%parallel_loop3A_694, %parallel_loop3A_695] {strides = array<i32>} : memref<128x64xf32, #tpu.memory_space<vmem>>, vector<1x16xf32>,
        %parallel_loop3A_697 = vector.shape_cast %parallel_loop3A_696 : vector<1x16xf32> to vector<16xf32>
        %parallel_loop3A_698 = vector.shape_cast %parallel_loop3A_691 : vector<16xf32> to vector<1x16xf32>
        tpu.vector_store %arg12[%parallel_loop3A_694, %parallel_loop3A_695], %parallel_loop3A_698 {strides = array<i32>} : memref<128x64xf32, #tpu.memory_space<vmem>>, vector<1x16xf32>,
        %parallel_loop3A_699 = arith.constant 8 : i32
        %parallel_loop3A_700 = arith.addi %parallel_loop3A_195, %parallel_loop3A_699 : i32
        %parallel_loop3A_701 = arith.index_cast %parallel_loop3A_700 : i32 to index
        %parallel_loop3A_702 = arith.constant 32 : index
        %parallel_loop3A_703 = tpu.vector_load %arg12[%parallel_loop3A_701, %parallel_loop3A_702] {strides = array<i32>} : memref<128x64xf32, #tpu.memory_space<vmem>>, vector<1x16xf32>,
        %parallel_loop3A_704 = vector.shape_cast %parallel_loop3A_703 : vector<1x16xf32> to vector<16xf32>
        %parallel_loop3A_705 = arith.mulf %parallel_loop3A_704, %parallel_loop3A_670 : vector<16xf32>
        %parallel_loop3A_706 = arith.constant 8 : i32
        %parallel_loop3A_707 = arith.addi %parallel_loop3A_195, %parallel_loop3A_706 : i32
        %parallel_loop3A_708 = arith.index_cast %parallel_loop3A_707 : i32 to index
        %parallel_loop3A_709 = arith.constant 32 : index
        %parallel_loop3A_710 = tpu.vector_load %arg12[%parallel_loop3A_708, %parallel_loop3A_709] {strides = array<i32>} : memref<128x64xf32, #tpu.memory_space<vmem>>, vector<1x16xf32>,
        %parallel_loop3A_711 = vector.shape_cast %parallel_loop3A_710 : vector<1x16xf32> to vector<16xf32>
        %parallel_loop3A_712 = vector.shape_cast %parallel_loop3A_705 : vector<16xf32> to vector<1x16xf32>
        tpu.vector_store %arg12[%parallel_loop3A_708, %parallel_loop3A_709], %parallel_loop3A_712 {strides = array<i32>} : memref<128x64xf32, #tpu.memory_space<vmem>>, vector<1x16xf32>,
        %parallel_loop3A_713 = arith.constant 8 : i32
        %parallel_loop3A_714 = arith.addi %parallel_loop3A_195, %parallel_loop3A_713 : i32
        %parallel_loop3A_715 = arith.index_cast %parallel_loop3A_714 : i32 to index
        %parallel_loop3A_716 = arith.constant 48 : index
        %parallel_loop3A_717 = tpu.vector_load %arg12[%parallel_loop3A_715, %parallel_loop3A_716] {strides = array<i32>} : memref<128x64xf32, #tpu.memory_space<vmem>>, vector<1x16xf32>,
        %parallel_loop3A_718 = vector.shape_cast %parallel_loop3A_717 : vector<1x16xf32> to vector<16xf32>
        %parallel_loop3A_719 = arith.mulf %parallel_loop3A_718, %parallel_loop3A_670 : vector<16xf32>
        %parallel_loop3A_720 = arith.constant 8 : i32
        %parallel_loop3A_721 = arith.addi %parallel_loop3A_195, %parallel_loop3A_720 : i32
        %parallel_loop3A_722 = arith.index_cast %parallel_loop3A_721 : i32 to index
        %parallel_loop3A_723 = arith.constant 48 : index
        %parallel_loop3A_724 = tpu.vector_load %arg12[%parallel_loop3A_722, %parallel_loop3A_723] {strides = array<i32>} : memref<128x64xf32, #tpu.memory_space<vmem>>, vector<1x16xf32>,
        %parallel_loop3A_725 = vector.shape_cast %parallel_loop3A_724 : vector<1x16xf32> to vector<16xf32>
        %parallel_loop3A_726 = vector.shape_cast %parallel_loop3A_719 : vector<16xf32> to vector<1x16xf32>
        tpu.vector_store %arg12[%parallel_loop3A_722, %parallel_loop3A_723], %parallel_loop3A_726 {strides = array<i32>} : memref<128x64xf32, #tpu.memory_space<vmem>>, vector<1x16xf32>,
        %parallel_loop3A_727 = vector.extract_strided_slice %parallel_loop3A_193 {offsets = [9], sizes = [1], strides = [1]} : vector<16xf32> to vector<1xf32>
        %parallel_loop3A_728 = vector.extract %parallel_loop3A_727[0] : f32 from vector<1xf32>
        %parallel_loop3A_729 = vector.broadcast %parallel_loop3A_728 : f32 to vector<16xf32>
        %parallel_loop3A_730 = arith.constant 9 : i32
        %parallel_loop3A_731 = arith.addi %parallel_loop3A_195, %parallel_loop3A_730 : i32
        %parallel_loop3A_732 = arith.index_cast %parallel_loop3A_731 : i32 to index
        %parallel_loop3A_733 = arith.constant 0 : index
        %parallel_loop3A_734 = tpu.vector_load %arg12[%parallel_loop3A_732, %parallel_loop3A_733] {strides = array<i32>} : memref<128x64xf32, #tpu.memory_space<vmem>>, vector<1x16xf32>,
        %parallel_loop3A_735 = vector.shape_cast %parallel_loop3A_734 : vector<1x16xf32> to vector<16xf32>
        %parallel_loop3A_736 = arith.mulf %parallel_loop3A_735, %parallel_loop3A_729 : vector<16xf32>
        %parallel_loop3A_737 = arith.constant 9 : i32
        %parallel_loop3A_738 = arith.addi %parallel_loop3A_195, %parallel_loop3A_737 : i32
        %parallel_loop3A_739 = arith.index_cast %parallel_loop3A_738 : i32 to index
        %parallel_loop3A_740 = arith.constant 0 : index
        %parallel_loop3A_741 = tpu.vector_load %arg12[%parallel_loop3A_739, %parallel_loop3A_740] {strides = array<i32>} : memref<128x64xf32, #tpu.memory_space<vmem>>, vector<1x16xf32>,
        %parallel_loop3A_742 = vector.shape_cast %parallel_loop3A_741 : vector<1x16xf32> to vector<16xf32>
        %parallel_loop3A_743 = vector.shape_cast %parallel_loop3A_736 : vector<16xf32> to vector<1x16xf32>
        tpu.vector_store %arg12[%parallel_loop3A_739, %parallel_loop3A_740], %parallel_loop3A_743 {strides = array<i32>} : memref<128x64xf32, #tpu.memory_space<vmem>>, vector<1x16xf32>,
        %parallel_loop3A_744 = arith.constant 9 : i32
        %parallel_loop3A_745 = arith.addi %parallel_loop3A_195, %parallel_loop3A_744 : i32
        %parallel_loop3A_746 = arith.index_cast %parallel_loop3A_745 : i32 to index
        %parallel_loop3A_747 = arith.constant 16 : index
        %parallel_loop3A_748 = tpu.vector_load %arg12[%parallel_loop3A_746, %parallel_loop3A_747] {strides = array<i32>} : memref<128x64xf32, #tpu.memory_space<vmem>>, vector<1x16xf32>,
        %parallel_loop3A_749 = vector.shape_cast %parallel_loop3A_748 : vector<1x16xf32> to vector<16xf32>
        %parallel_loop3A_750 = arith.mulf %parallel_loop3A_749, %parallel_loop3A_729 : vector<16xf32>
        %parallel_loop3A_751 = arith.constant 9 : i32
        %parallel_loop3A_752 = arith.addi %parallel_loop3A_195, %parallel_loop3A_751 : i32
        %parallel_loop3A_753 = arith.index_cast %parallel_loop3A_752 : i32 to index
        %parallel_loop3A_754 = arith.constant 16 : index
        %parallel_loop3A_755 = tpu.vector_load %arg12[%parallel_loop3A_753, %parallel_loop3A_754] {strides = array<i32>} : memref<128x64xf32, #tpu.memory_space<vmem>>, vector<1x16xf32>,
        %parallel_loop3A_756 = vector.shape_cast %parallel_loop3A_755 : vector<1x16xf32> to vector<16xf32>
        %parallel_loop3A_757 = vector.shape_cast %parallel_loop3A_750 : vector<16xf32> to vector<1x16xf32>
        tpu.vector_store %arg12[%parallel_loop3A_753, %parallel_loop3A_754], %parallel_loop3A_757 {strides = array<i32>} : memref<128x64xf32, #tpu.memory_space<vmem>>, vector<1x16xf32>,
        %parallel_loop3A_758 = arith.constant 9 : i32
        %parallel_loop3A_759 = arith.addi %parallel_loop3A_195, %parallel_loop3A_758 : i32
        %parallel_loop3A_760 = arith.index_cast %parallel_loop3A_759 : i32 to index
        %parallel_loop3A_761 = arith.constant 32 : index
        %parallel_loop3A_762 = tpu.vector_load %arg12[%parallel_loop3A_760, %parallel_loop3A_761] {strides = array<i32>} : memref<128x64xf32, #tpu.memory_space<vmem>>, vector<1x16xf32>,
        %parallel_loop3A_763 = vector.shape_cast %parallel_loop3A_762 : vector<1x16xf32> to vector<16xf32>
        %parallel_loop3A_764 = arith.mulf %parallel_loop3A_763, %parallel_loop3A_729 : vector<16xf32>
        %parallel_loop3A_765 = arith.constant 9 : i32
        %parallel_loop3A_766 = arith.addi %parallel_loop3A_195, %parallel_loop3A_765 : i32
        %parallel_loop3A_767 = arith.index_cast %parallel_loop3A_766 : i32 to index
        %parallel_loop3A_768 = arith.constant 32 : index
        %parallel_loop3A_769 = tpu.vector_load %arg12[%parallel_loop3A_767, %parallel_loop3A_768] {strides = array<i32>} : memref<128x64xf32, #tpu.memory_space<vmem>>, vector<1x16xf32>,
        %parallel_loop3A_770 = vector.shape_cast %parallel_loop3A_769 : vector<1x16xf32> to vector<16xf32>
        %parallel_loop3A_771 = vector.shape_cast %parallel_loop3A_764 : vector<16xf32> to vector<1x16xf32>
        tpu.vector_store %arg12[%parallel_loop3A_767, %parallel_loop3A_768], %parallel_loop3A_771 {strides = array<i32>} : memref<128x64xf32, #tpu.memory_space<vmem>>, vector<1x16xf32>,
        %parallel_loop3A_772 = arith.constant 9 : i32
        %parallel_loop3A_773 = arith.addi %parallel_loop3A_195, %parallel_loop3A_772 : i32
        %parallel_loop3A_774 = arith.index_cast %parallel_loop3A_773 : i32 to index
        %parallel_loop3A_775 = arith.constant 48 : index
        %parallel_loop3A_776 = tpu.vector_load %arg12[%parallel_loop3A_774, %parallel_loop3A_775] {strides = array<i32>} : memref<128x64xf32, #tpu.memory_space<vmem>>, vector<1x16xf32>,
        %parallel_loop3A_777 = vector.shape_cast %parallel_loop3A_776 : vector<1x16xf32> to vector<16xf32>
        %parallel_loop3A_778 = arith.mulf %parallel_loop3A_777, %parallel_loop3A_729 : vector<16xf32>
        %parallel_loop3A_779 = arith.constant 9 : i32
        %parallel_loop3A_780 = arith.addi %parallel_loop3A_195, %parallel_loop3A_779 : i32
        %parallel_loop3A_781 = arith.index_cast %parallel_loop3A_780 : i32 to index
        %parallel_loop3A_782 = arith.constant 48 : index
        %parallel_loop3A_783 = tpu.vector_load %arg12[%parallel_loop3A_781, %parallel_loop3A_782] {strides = array<i32>} : memref<128x64xf32, #tpu.memory_space<vmem>>, vector<1x16xf32>,
        %parallel_loop3A_784 = vector.shape_cast %parallel_loop3A_783 : vector<1x16xf32> to vector<16xf32>
        %parallel_loop3A_785 = vector.shape_cast %parallel_loop3A_778 : vector<16xf32> to vector<1x16xf32>
        tpu.vector_store %arg12[%parallel_loop3A_781, %parallel_loop3A_782], %parallel_loop3A_785 {strides = array<i32>} : memref<128x64xf32, #tpu.memory_space<vmem>>, vector<1x16xf32>,
        %parallel_loop3A_786 = vector.extract_strided_slice %parallel_loop3A_193 {offsets = [10], sizes = [1], strides = [1]} : vector<16xf32> to vector<1xf32>
        %parallel_loop3A_787 = vector.extract %parallel_loop3A_786[0] : f32 from vector<1xf32>
        %parallel_loop3A_788 = vector.broadcast %parallel_loop3A_787 : f32 to vector<16xf32>
        %parallel_loop3A_789 = arith.constant 10 : i32
        %parallel_loop3A_790 = arith.addi %parallel_loop3A_195, %parallel_loop3A_789 : i32
        %parallel_loop3A_791 = arith.index_cast %parallel_loop3A_790 : i32 to index
        %parallel_loop3A_792 = arith.constant 0 : index
        %parallel_loop3A_793 = tpu.vector_load %arg12[%parallel_loop3A_791, %parallel_loop3A_792] {strides = array<i32>} : memref<128x64xf32, #tpu.memory_space<vmem>>, vector<1x16xf32>,
        %parallel_loop3A_794 = vector.shape_cast %parallel_loop3A_793 : vector<1x16xf32> to vector<16xf32>
        %parallel_loop3A_795 = arith.mulf %parallel_loop3A_794, %parallel_loop3A_788 : vector<16xf32>
        %parallel_loop3A_796 = arith.constant 10 : i32
        %parallel_loop3A_797 = arith.addi %parallel_loop3A_195, %parallel_loop3A_796 : i32
        %parallel_loop3A_798 = arith.index_cast %parallel_loop3A_797 : i32 to index
        %parallel_loop3A_799 = arith.constant 0 : index
        %parallel_loop3A_800 = tpu.vector_load %arg12[%parallel_loop3A_798, %parallel_loop3A_799] {strides = array<i32>} : memref<128x64xf32, #tpu.memory_space<vmem>>, vector<1x16xf32>,
        %parallel_loop3A_801 = vector.shape_cast %parallel_loop3A_800 : vector<1x16xf32> to vector<16xf32>
        %parallel_loop3A_802 = vector.shape_cast %parallel_loop3A_795 : vector<16xf32> to vector<1x16xf32>
        tpu.vector_store %arg12[%parallel_loop3A_798, %parallel_loop3A_799], %parallel_loop3A_802 {strides = array<i32>} : memref<128x64xf32, #tpu.memory_space<vmem>>, vector<1x16xf32>,
        %parallel_loop3A_803 = arith.constant 10 : i32
        %parallel_loop3A_804 = arith.addi %parallel_loop3A_195, %parallel_loop3A_803 : i32
        %parallel_loop3A_805 = arith.index_cast %parallel_loop3A_804 : i32 to index
        %parallel_loop3A_806 = arith.constant 16 : index
        %parallel_loop3A_807 = tpu.vector_load %arg12[%parallel_loop3A_805, %parallel_loop3A_806] {strides = array<i32>} : memref<128x64xf32, #tpu.memory_space<vmem>>, vector<1x16xf32>,
        %parallel_loop3A_808 = vector.shape_cast %parallel_loop3A_807 : vector<1x16xf32> to vector<16xf32>
        %parallel_loop3A_809 = arith.mulf %parallel_loop3A_808, %parallel_loop3A_788 : vector<16xf32>
        %parallel_loop3A_810 = arith.constant 10 : i32
        %parallel_loop3A_811 = arith.addi %parallel_loop3A_195, %parallel_loop3A_810 : i32
        %parallel_loop3A_812 = arith.index_cast %parallel_loop3A_811 : i32 to index
        %parallel_loop3A_813 = arith.constant 16 : index
        %parallel_loop3A_814 = tpu.vector_load %arg12[%parallel_loop3A_812, %parallel_loop3A_813] {strides = array<i32>} : memref<128x64xf32, #tpu.memory_space<vmem>>, vector<1x16xf32>,
        %parallel_loop3A_815 = vector.shape_cast %parallel_loop3A_814 : vector<1x16xf32> to vector<16xf32>
        %parallel_loop3A_816 = vector.shape_cast %parallel_loop3A_809 : vector<16xf32> to vector<1x16xf32>
        tpu.vector_store %arg12[%parallel_loop3A_812, %parallel_loop3A_813], %parallel_loop3A_816 {strides = array<i32>} : memref<128x64xf32, #tpu.memory_space<vmem>>, vector<1x16xf32>,
        %parallel_loop3A_817 = arith.constant 10 : i32
        %parallel_loop3A_818 = arith.addi %parallel_loop3A_195, %parallel_loop3A_817 : i32
        %parallel_loop3A_819 = arith.index_cast %parallel_loop3A_818 : i32 to index
        %parallel_loop3A_820 = arith.constant 32 : index
        %parallel_loop3A_821 = tpu.vector_load %arg12[%parallel_loop3A_819, %parallel_loop3A_820] {strides = array<i32>} : memref<128x64xf32, #tpu.memory_space<vmem>>, vector<1x16xf32>,
        %parallel_loop3A_822 = vector.shape_cast %parallel_loop3A_821 : vector<1x16xf32> to vector<16xf32>
        %parallel_loop3A_823 = arith.mulf %parallel_loop3A_822, %parallel_loop3A_788 : vector<16xf32>
        %parallel_loop3A_824 = arith.constant 10 : i32
        %parallel_loop3A_825 = arith.addi %parallel_loop3A_195, %parallel_loop3A_824 : i32
        %parallel_loop3A_826 = arith.index_cast %parallel_loop3A_825 : i32 to index
        %parallel_loop3A_827 = arith.constant 32 : index
        %parallel_loop3A_828 = tpu.vector_load %arg12[%parallel_loop3A_826, %parallel_loop3A_827] {strides = array<i32>} : memref<128x64xf32, #tpu.memory_space<vmem>>, vector<1x16xf32>,
        %parallel_loop3A_829 = vector.shape_cast %parallel_loop3A_828 : vector<1x16xf32> to vector<16xf32>
        %parallel_loop3A_830 = vector.shape_cast %parallel_loop3A_823 : vector<16xf32> to vector<1x16xf32>
        tpu.vector_store %arg12[%parallel_loop3A_826, %parallel_loop3A_827], %parallel_loop3A_830 {strides = array<i32>} : memref<128x64xf32, #tpu.memory_space<vmem>>, vector<1x16xf32>,
        %parallel_loop3A_831 = arith.constant 10 : i32
        %parallel_loop3A_832 = arith.addi %parallel_loop3A_195, %parallel_loop3A_831 : i32
        %parallel_loop3A_833 = arith.index_cast %parallel_loop3A_832 : i32 to index
        %parallel_loop3A_834 = arith.constant 48 : index
        %parallel_loop3A_835 = tpu.vector_load %arg12[%parallel_loop3A_833, %parallel_loop3A_834] {strides = array<i32>} : memref<128x64xf32, #tpu.memory_space<vmem>>, vector<1x16xf32>,
        %parallel_loop3A_836 = vector.shape_cast %parallel_loop3A_835 : vector<1x16xf32> to vector<16xf32>
        %parallel_loop3A_837 = arith.mulf %parallel_loop3A_836, %parallel_loop3A_788 : vector<16xf32>
        %parallel_loop3A_838 = arith.constant 10 : i32
        %parallel_loop3A_839 = arith.addi %parallel_loop3A_195, %parallel_loop3A_838 : i32
        %parallel_loop3A_840 = arith.index_cast %parallel_loop3A_839 : i32 to index
        %parallel_loop3A_841 = arith.constant 48 : index
        %parallel_loop3A_842 = tpu.vector_load %arg12[%parallel_loop3A_840, %parallel_loop3A_841] {strides = array<i32>} : memref<128x64xf32, #tpu.memory_space<vmem>>, vector<1x16xf32>,
        %parallel_loop3A_843 = vector.shape_cast %parallel_loop3A_842 : vector<1x16xf32> to vector<16xf32>
        %parallel_loop3A_844 = vector.shape_cast %parallel_loop3A_837 : vector<16xf32> to vector<1x16xf32>
        tpu.vector_store %arg12[%parallel_loop3A_840, %parallel_loop3A_841], %parallel_loop3A_844 {strides = array<i32>} : memref<128x64xf32, #tpu.memory_space<vmem>>, vector<1x16xf32>,
        %parallel_loop3A_845 = vector.extract_strided_slice %parallel_loop3A_193 {offsets = [11], sizes = [1], strides = [1]} : vector<16xf32> to vector<1xf32>
        %parallel_loop3A_846 = vector.extract %parallel_loop3A_845[0] : f32 from vector<1xf32>
        %parallel_loop3A_847 = vector.broadcast %parallel_loop3A_846 : f32 to vector<16xf32>
        %parallel_loop3A_848 = arith.constant 11 : i32
        %parallel_loop3A_849 = arith.addi %parallel_loop3A_195, %parallel_loop3A_848 : i32
        %parallel_loop3A_850 = arith.index_cast %parallel_loop3A_849 : i32 to index
        %parallel_loop3A_851 = arith.constant 0 : index
        %parallel_loop3A_852 = tpu.vector_load %arg12[%parallel_loop3A_850, %parallel_loop3A_851] {strides = array<i32>} : memref<128x64xf32, #tpu.memory_space<vmem>>, vector<1x16xf32>,
        %parallel_loop3A_853 = vector.shape_cast %parallel_loop3A_852 : vector<1x16xf32> to vector<16xf32>
        %parallel_loop3A_854 = arith.mulf %parallel_loop3A_853, %parallel_loop3A_847 : vector<16xf32>
        %parallel_loop3A_855 = arith.constant 11 : i32
        %parallel_loop3A_856 = arith.addi %parallel_loop3A_195, %parallel_loop3A_855 : i32
        %parallel_loop3A_857 = arith.index_cast %parallel_loop3A_856 : i32 to index
        %parallel_loop3A_858 = arith.constant 0 : index
        %parallel_loop3A_859 = tpu.vector_load %arg12[%parallel_loop3A_857, %parallel_loop3A_858] {strides = array<i32>} : memref<128x64xf32, #tpu.memory_space<vmem>>, vector<1x16xf32>,
        %parallel_loop3A_860 = vector.shape_cast %parallel_loop3A_859 : vector<1x16xf32> to vector<16xf32>
        %parallel_loop3A_861 = vector.shape_cast %parallel_loop3A_854 : vector<16xf32> to vector<1x16xf32>
        tpu.vector_store %arg12[%parallel_loop3A_857, %parallel_loop3A_858], %parallel_loop3A_861 {strides = array<i32>} : memref<128x64xf32, #tpu.memory_space<vmem>>, vector<1x16xf32>,
        %parallel_loop3A_862 = arith.constant 11 : i32
        %parallel_loop3A_863 = arith.addi %parallel_loop3A_195, %parallel_loop3A_862 : i32
        %parallel_loop3A_864 = arith.index_cast %parallel_loop3A_863 : i32 to index
        %parallel_loop3A_865 = arith.constant 16 : index
        %parallel_loop3A_866 = tpu.vector_load %arg12[%parallel_loop3A_864, %parallel_loop3A_865] {strides = array<i32>} : memref<128x64xf32, #tpu.memory_space<vmem>>, vector<1x16xf32>,
        %parallel_loop3A_867 = vector.shape_cast %parallel_loop3A_866 : vector<1x16xf32> to vector<16xf32>
        %parallel_loop3A_868 = arith.mulf %parallel_loop3A_867, %parallel_loop3A_847 : vector<16xf32>
        %parallel_loop3A_869 = arith.constant 11 : i32
        %parallel_loop3A_870 = arith.addi %parallel_loop3A_195, %parallel_loop3A_869 : i32
        %parallel_loop3A_871 = arith.index_cast %parallel_loop3A_870 : i32 to index
        %parallel_loop3A_872 = arith.constant 16 : index
        %parallel_loop3A_873 = tpu.vector_load %arg12[%parallel_loop3A_871, %parallel_loop3A_872] {strides = array<i32>} : memref<128x64xf32, #tpu.memory_space<vmem>>, vector<1x16xf32>,
        %parallel_loop3A_874 = vector.shape_cast %parallel_loop3A_873 : vector<1x16xf32> to vector<16xf32>
        %parallel_loop3A_875 = vector.shape_cast %parallel_loop3A_868 : vector<16xf32> to vector<1x16xf32>
        tpu.vector_store %arg12[%parallel_loop3A_871, %parallel_loop3A_872], %parallel_loop3A_875 {strides = array<i32>} : memref<128x64xf32, #tpu.memory_space<vmem>>, vector<1x16xf32>,
        %parallel_loop3A_876 = arith.constant 11 : i32
        %parallel_loop3A_877 = arith.addi %parallel_loop3A_195, %parallel_loop3A_876 : i32
        %parallel_loop3A_878 = arith.index_cast %parallel_loop3A_877 : i32 to index
        %parallel_loop3A_879 = arith.constant 32 : index
        %parallel_loop3A_880 = tpu.vector_load %arg12[%parallel_loop3A_878, %parallel_loop3A_879] {strides = array<i32>} : memref<128x64xf32, #tpu.memory_space<vmem>>, vector<1x16xf32>,
        %parallel_loop3A_881 = vector.shape_cast %parallel_loop3A_880 : vector<1x16xf32> to vector<16xf32>
        %parallel_loop3A_882 = arith.mulf %parallel_loop3A_881, %parallel_loop3A_847 : vector<16xf32>
        %parallel_loop3A_883 = arith.constant 11 : i32
        %parallel_loop3A_884 = arith.addi %parallel_loop3A_195, %parallel_loop3A_883 : i32
        %parallel_loop3A_885 = arith.index_cast %parallel_loop3A_884 : i32 to index
        %parallel_loop3A_886 = arith.constant 32 : index
        %parallel_loop3A_887 = tpu.vector_load %arg12[%parallel_loop3A_885, %parallel_loop3A_886] {strides = array<i32>} : memref<128x64xf32, #tpu.memory_space<vmem>>, vector<1x16xf32>,
        %parallel_loop3A_888 = vector.shape_cast %parallel_loop3A_887 : vector<1x16xf32> to vector<16xf32>
        %parallel_loop3A_889 = vector.shape_cast %parallel_loop3A_882 : vector<16xf32> to vector<1x16xf32>
        tpu.vector_store %arg12[%parallel_loop3A_885, %parallel_loop3A_886], %parallel_loop3A_889 {strides = array<i32>} : memref<128x64xf32, #tpu.memory_space<vmem>>, vector<1x16xf32>,
        %parallel_loop3A_890 = arith.constant 11 : i32
        %parallel_loop3A_891 = arith.addi %parallel_loop3A_195, %parallel_loop3A_890 : i32
        %parallel_loop3A_892 = arith.index_cast %parallel_loop3A_891 : i32 to index
        %parallel_loop3A_893 = arith.constant 48 : index
        %parallel_loop3A_894 = tpu.vector_load %arg12[%parallel_loop3A_892, %parallel_loop3A_893] {strides = array<i32>} : memref<128x64xf32, #tpu.memory_space<vmem>>, vector<1x16xf32>,
        %parallel_loop3A_895 = vector.shape_cast %parallel_loop3A_894 : vector<1x16xf32> to vector<16xf32>
        %parallel_loop3A_896 = arith.mulf %parallel_loop3A_895, %parallel_loop3A_847 : vector<16xf32>
        %parallel_loop3A_897 = arith.constant 11 : i32
        %parallel_loop3A_898 = arith.addi %parallel_loop3A_195, %parallel_loop3A_897 : i32
        %parallel_loop3A_899 = arith.index_cast %parallel_loop3A_898 : i32 to index
        %parallel_loop3A_900 = arith.constant 48 : index
        %parallel_loop3A_901 = tpu.vector_load %arg12[%parallel_loop3A_899, %parallel_loop3A_900] {strides = array<i32>} : memref<128x64xf32, #tpu.memory_space<vmem>>, vector<1x16xf32>,
        %parallel_loop3A_902 = vector.shape_cast %parallel_loop3A_901 : vector<1x16xf32> to vector<16xf32>
        %parallel_loop3A_903 = vector.shape_cast %parallel_loop3A_896 : vector<16xf32> to vector<1x16xf32>
        tpu.vector_store %arg12[%parallel_loop3A_899, %parallel_loop3A_900], %parallel_loop3A_903 {strides = array<i32>} : memref<128x64xf32, #tpu.memory_space<vmem>>, vector<1x16xf32>,
        %parallel_loop3A_904 = vector.extract_strided_slice %parallel_loop3A_193 {offsets = [12], sizes = [1], strides = [1]} : vector<16xf32> to vector<1xf32>
        %parallel_loop3A_905 = vector.extract %parallel_loop3A_904[0] : f32 from vector<1xf32>
        %parallel_loop3A_906 = vector.broadcast %parallel_loop3A_905 : f32 to vector<16xf32>
        %parallel_loop3A_907 = arith.constant 12 : i32
        %parallel_loop3A_908 = arith.addi %parallel_loop3A_195, %parallel_loop3A_907 : i32
        %parallel_loop3A_909 = arith.index_cast %parallel_loop3A_908 : i32 to index
        %parallel_loop3A_910 = arith.constant 0 : index
        %parallel_loop3A_911 = tpu.vector_load %arg12[%parallel_loop3A_909, %parallel_loop3A_910] {strides = array<i32>} : memref<128x64xf32, #tpu.memory_space<vmem>>, vector<1x16xf32>,
        %parallel_loop3A_912 = vector.shape_cast %parallel_loop3A_911 : vector<1x16xf32> to vector<16xf32>
        %parallel_loop3A_913 = arith.mulf %parallel_loop3A_912, %parallel_loop3A_906 : vector<16xf32>
        %parallel_loop3A_914 = arith.constant 12 : i32
        %parallel_loop3A_915 = arith.addi %parallel_loop3A_195, %parallel_loop3A_914 : i32
        %parallel_loop3A_916 = arith.index_cast %parallel_loop3A_915 : i32 to index
        %parallel_loop3A_917 = arith.constant 0 : index
        %parallel_loop3A_918 = tpu.vector_load %arg12[%parallel_loop3A_916, %parallel_loop3A_917] {strides = array<i32>} : memref<128x64xf32, #tpu.memory_space<vmem>>, vector<1x16xf32>,
        %parallel_loop3A_919 = vector.shape_cast %parallel_loop3A_918 : vector<1x16xf32> to vector<16xf32>
        %parallel_loop3A_920 = vector.shape_cast %parallel_loop3A_913 : vector<16xf32> to vector<1x16xf32>
        tpu.vector_store %arg12[%parallel_loop3A_916, %parallel_loop3A_917], %parallel_loop3A_920 {strides = array<i32>} : memref<128x64xf32, #tpu.memory_space<vmem>>, vector<1x16xf32>,
        %parallel_loop3A_921 = arith.constant 12 : i32
        %parallel_loop3A_922 = arith.addi %parallel_loop3A_195, %parallel_loop3A_921 : i32
        %parallel_loop3A_923 = arith.index_cast %parallel_loop3A_922 : i32 to index
        %parallel_loop3A_924 = arith.constant 16 : index
        %parallel_loop3A_925 = tpu.vector_load %arg12[%parallel_loop3A_923, %parallel_loop3A_924] {strides = array<i32>} : memref<128x64xf32, #tpu.memory_space<vmem>>, vector<1x16xf32>,
        %parallel_loop3A_926 = vector.shape_cast %parallel_loop3A_925 : vector<1x16xf32> to vector<16xf32>
        %parallel_loop3A_927 = arith.mulf %parallel_loop3A_926, %parallel_loop3A_906 : vector<16xf32>
        %parallel_loop3A_928 = arith.constant 12 : i32
        %parallel_loop3A_929 = arith.addi %parallel_loop3A_195, %parallel_loop3A_928 : i32
        %parallel_loop3A_930 = arith.index_cast %parallel_loop3A_929 : i32 to index
        %parallel_loop3A_931 = arith.constant 16 : index
        %parallel_loop3A_932 = tpu.vector_load %arg12[%parallel_loop3A_930, %parallel_loop3A_931] {strides = array<i32>} : memref<128x64xf32, #tpu.memory_space<vmem>>, vector<1x16xf32>,
        %parallel_loop3A_933 = vector.shape_cast %parallel_loop3A_932 : vector<1x16xf32> to vector<16xf32>
        %parallel_loop3A_934 = vector.shape_cast %parallel_loop3A_927 : vector<16xf32> to vector<1x16xf32>
        tpu.vector_store %arg12[%parallel_loop3A_930, %parallel_loop3A_931], %parallel_loop3A_934 {strides = array<i32>} : memref<128x64xf32, #tpu.memory_space<vmem>>, vector<1x16xf32>,
        %parallel_loop3A_935 = arith.constant 12 : i32
        %parallel_loop3A_936 = arith.addi %parallel_loop3A_195, %parallel_loop3A_935 : i32
        %parallel_loop3A_937 = arith.index_cast %parallel_loop3A_936 : i32 to index
        %parallel_loop3A_938 = arith.constant 32 : index
        %parallel_loop3A_939 = tpu.vector_load %arg12[%parallel_loop3A_937, %parallel_loop3A_938] {strides = array<i32>} : memref<128x64xf32, #tpu.memory_space<vmem>>, vector<1x16xf32>,
        %parallel_loop3A_940 = vector.shape_cast %parallel_loop3A_939 : vector<1x16xf32> to vector<16xf32>
        %parallel_loop3A_941 = arith.mulf %parallel_loop3A_940, %parallel_loop3A_906 : vector<16xf32>
        %parallel_loop3A_942 = arith.constant 12 : i32
        %parallel_loop3A_943 = arith.addi %parallel_loop3A_195, %parallel_loop3A_942 : i32
        %parallel_loop3A_944 = arith.index_cast %parallel_loop3A_943 : i32 to index
        %parallel_loop3A_945 = arith.constant 32 : index
        %parallel_loop3A_946 = tpu.vector_load %arg12[%parallel_loop3A_944, %parallel_loop3A_945] {strides = array<i32>} : memref<128x64xf32, #tpu.memory_space<vmem>>, vector<1x16xf32>,
        %parallel_loop3A_947 = vector.shape_cast %parallel_loop3A_946 : vector<1x16xf32> to vector<16xf32>
        %parallel_loop3A_948 = vector.shape_cast %parallel_loop3A_941 : vector<16xf32> to vector<1x16xf32>
        tpu.vector_store %arg12[%parallel_loop3A_944, %parallel_loop3A_945], %parallel_loop3A_948 {strides = array<i32>} : memref<128x64xf32, #tpu.memory_space<vmem>>, vector<1x16xf32>,
        %parallel_loop3A_949 = arith.constant 12 : i32
        %parallel_loop3A_950 = arith.addi %parallel_loop3A_195, %parallel_loop3A_949 : i32
        %parallel_loop3A_951 = arith.index_cast %parallel_loop3A_950 : i32 to index
        %parallel_loop3A_952 = arith.constant 48 : index
        %parallel_loop3A_953 = tpu.vector_load %arg12[%parallel_loop3A_951, %parallel_loop3A_952] {strides = array<i32>} : memref<128x64xf32, #tpu.memory_space<vmem>>, vector<1x16xf32>,
        %parallel_loop3A_954 = vector.shape_cast %parallel_loop3A_953 : vector<1x16xf32> to vector<16xf32>
        %parallel_loop3A_955 = arith.mulf %parallel_loop3A_954, %parallel_loop3A_906 : vector<16xf32>
        %parallel_loop3A_956 = arith.constant 12 : i32
        %parallel_loop3A_957 = arith.addi %parallel_loop3A_195, %parallel_loop3A_956 : i32
        %parallel_loop3A_958 = arith.index_cast %parallel_loop3A_957 : i32 to index
        %parallel_loop3A_959 = arith.constant 48 : index
        %parallel_loop3A_960 = tpu.vector_load %arg12[%parallel_loop3A_958, %parallel_loop3A_959] {strides = array<i32>} : memref<128x64xf32, #tpu.memory_space<vmem>>, vector<1x16xf32>,
        %parallel_loop3A_961 = vector.shape_cast %parallel_loop3A_960 : vector<1x16xf32> to vector<16xf32>
        %parallel_loop3A_962 = vector.shape_cast %parallel_loop3A_955 : vector<16xf32> to vector<1x16xf32>
        tpu.vector_store %arg12[%parallel_loop3A_958, %parallel_loop3A_959], %parallel_loop3A_962 {strides = array<i32>} : memref<128x64xf32, #tpu.memory_space<vmem>>, vector<1x16xf32>,
        %parallel_loop3A_963 = vector.extract_strided_slice %parallel_loop3A_193 {offsets = [13], sizes = [1], strides = [1]} : vector<16xf32> to vector<1xf32>
        %parallel_loop3A_964 = vector.extract %parallel_loop3A_963[0] : f32 from vector<1xf32>
        %parallel_loop3A_965 = vector.broadcast %parallel_loop3A_964 : f32 to vector<16xf32>
        %parallel_loop3A_966 = arith.constant 13 : i32
        %parallel_loop3A_967 = arith.addi %parallel_loop3A_195, %parallel_loop3A_966 : i32
        %parallel_loop3A_968 = arith.index_cast %parallel_loop3A_967 : i32 to index
        %parallel_loop3A_969 = arith.constant 0 : index
        %parallel_loop3A_970 = tpu.vector_load %arg12[%parallel_loop3A_968, %parallel_loop3A_969] {strides = array<i32>} : memref<128x64xf32, #tpu.memory_space<vmem>>, vector<1x16xf32>,
        %parallel_loop3A_971 = vector.shape_cast %parallel_loop3A_970 : vector<1x16xf32> to vector<16xf32>
        %parallel_loop3A_972 = arith.mulf %parallel_loop3A_971, %parallel_loop3A_965 : vector<16xf32>
        %parallel_loop3A_973 = arith.constant 13 : i32
        %parallel_loop3A_974 = arith.addi %parallel_loop3A_195, %parallel_loop3A_973 : i32
        %parallel_loop3A_975 = arith.index_cast %parallel_loop3A_974 : i32 to index
        %parallel_loop3A_976 = arith.constant 0 : index
        %parallel_loop3A_977 = tpu.vector_load %arg12[%parallel_loop3A_975, %parallel_loop3A_976] {strides = array<i32>} : memref<128x64xf32, #tpu.memory_space<vmem>>, vector<1x16xf32>,
        %parallel_loop3A_978 = vector.shape_cast %parallel_loop3A_977 : vector<1x16xf32> to vector<16xf32>
        %parallel_loop3A_979 = vector.shape_cast %parallel_loop3A_972 : vector<16xf32> to vector<1x16xf32>
        tpu.vector_store %arg12[%parallel_loop3A_975, %parallel_loop3A_976], %parallel_loop3A_979 {strides = array<i32>} : memref<128x64xf32, #tpu.memory_space<vmem>>, vector<1x16xf32>,
        %parallel_loop3A_980 = arith.constant 13 : i32
        %parallel_loop3A_981 = arith.addi %parallel_loop3A_195, %parallel_loop3A_980 : i32
        %parallel_loop3A_982 = arith.index_cast %parallel_loop3A_981 : i32 to index
        %parallel_loop3A_983 = arith.constant 16 : index
        %parallel_loop3A_984 = tpu.vector_load %arg12[%parallel_loop3A_982, %parallel_loop3A_983] {strides = array<i32>} : memref<128x64xf32, #tpu.memory_space<vmem>>, vector<1x16xf32>,
        %parallel_loop3A_985 = vector.shape_cast %parallel_loop3A_984 : vector<1x16xf32> to vector<16xf32>
        %parallel_loop3A_986 = arith.mulf %parallel_loop3A_985, %parallel_loop3A_965 : vector<16xf32>
        %parallel_loop3A_987 = arith.constant 13 : i32
        %parallel_loop3A_988 = arith.addi %parallel_loop3A_195, %parallel_loop3A_987 : i32
        %parallel_loop3A_989 = arith.index_cast %parallel_loop3A_988 : i32 to index
        %parallel_loop3A_990 = arith.constant 16 : index
        %parallel_loop3A_991 = tpu.vector_load %arg12[%parallel_loop3A_989, %parallel_loop3A_990] {strides = array<i32>} : memref<128x64xf32, #tpu.memory_space<vmem>>, vector<1x16xf32>,
        %parallel_loop3A_992 = vector.shape_cast %parallel_loop3A_991 : vector<1x16xf32> to vector<16xf32>
        %parallel_loop3A_993 = vector.shape_cast %parallel_loop3A_986 : vector<16xf32> to vector<1x16xf32>
        tpu.vector_store %arg12[%parallel_loop3A_989, %parallel_loop3A_990], %parallel_loop3A_993 {strides = array<i32>} : memref<128x64xf32, #tpu.memory_space<vmem>>, vector<1x16xf32>,
        %parallel_loop3A_994 = arith.constant 13 : i32
        %parallel_loop3A_995 = arith.addi %parallel_loop3A_195, %parallel_loop3A_994 : i32
        %parallel_loop3A_996 = arith.index_cast %parallel_loop3A_995 : i32 to index
        %parallel_loop3A_997 = arith.constant 32 : index
        %parallel_loop3A_998 = tpu.vector_load %arg12[%parallel_loop3A_996, %parallel_loop3A_997] {strides = array<i32>} : memref<128x64xf32, #tpu.memory_space<vmem>>, vector<1x16xf32>,
        %parallel_loop3A_999 = vector.shape_cast %parallel_loop3A_998 : vector<1x16xf32> to vector<16xf32>
        %parallel_loop3A_1000 = arith.mulf %parallel_loop3A_999, %parallel_loop3A_965 : vector<16xf32>
        %parallel_loop3A_1001 = arith.constant 13 : i32
        %parallel_loop3A_1002 = arith.addi %parallel_loop3A_195, %parallel_loop3A_1001 : i32
        %parallel_loop3A_1003 = arith.index_cast %parallel_loop3A_1002 : i32 to index
        %parallel_loop3A_1004 = arith.constant 32 : index
        %parallel_loop3A_1005 = tpu.vector_load %arg12[%parallel_loop3A_1003, %parallel_loop3A_1004] {strides = array<i32>} : memref<128x64xf32, #tpu.memory_space<vmem>>, vector<1x16xf32>,
        %parallel_loop3A_1006 = vector.shape_cast %parallel_loop3A_1005 : vector<1x16xf32> to vector<16xf32>
        %parallel_loop3A_1007 = vector.shape_cast %parallel_loop3A_1000 : vector<16xf32> to vector<1x16xf32>
        tpu.vector_store %arg12[%parallel_loop3A_1003, %parallel_loop3A_1004], %parallel_loop3A_1007 {strides = array<i32>} : memref<128x64xf32, #tpu.memory_space<vmem>>, vector<1x16xf32>,
        %parallel_loop3A_1008 = arith.constant 13 : i32
        %parallel_loop3A_1009 = arith.addi %parallel_loop3A_195, %parallel_loop3A_1008 : i32
        %parallel_loop3A_1010 = arith.index_cast %parallel_loop3A_1009 : i32 to index
        %parallel_loop3A_1011 = arith.constant 48 : index
        %parallel_loop3A_1012 = tpu.vector_load %arg12[%parallel_loop3A_1010, %parallel_loop3A_1011] {strides = array<i32>} : memref<128x64xf32, #tpu.memory_space<vmem>>, vector<1x16xf32>,
        %parallel_loop3A_1013 = vector.shape_cast %parallel_loop3A_1012 : vector<1x16xf32> to vector<16xf32>
        %parallel_loop3A_1014 = arith.mulf %parallel_loop3A_1013, %parallel_loop3A_965 : vector<16xf32>
        %parallel_loop3A_1015 = arith.constant 13 : i32
        %parallel_loop3A_1016 = arith.addi %parallel_loop3A_195, %parallel_loop3A_1015 : i32
        %parallel_loop3A_1017 = arith.index_cast %parallel_loop3A_1016 : i32 to index
        %parallel_loop3A_1018 = arith.constant 48 : index
        %parallel_loop3A_1019 = tpu.vector_load %arg12[%parallel_loop3A_1017, %parallel_loop3A_1018] {strides = array<i32>} : memref<128x64xf32, #tpu.memory_space<vmem>>, vector<1x16xf32>,
        %parallel_loop3A_1020 = vector.shape_cast %parallel_loop3A_1019 : vector<1x16xf32> to vector<16xf32>
        %parallel_loop3A_1021 = vector.shape_cast %parallel_loop3A_1014 : vector<16xf32> to vector<1x16xf32>
        tpu.vector_store %arg12[%parallel_loop3A_1017, %parallel_loop3A_1018], %parallel_loop3A_1021 {strides = array<i32>} : memref<128x64xf32, #tpu.memory_space<vmem>>, vector<1x16xf32>,
        %parallel_loop3A_1022 = vector.extract_strided_slice %parallel_loop3A_193 {offsets = [14], sizes = [1], strides = [1]} : vector<16xf32> to vector<1xf32>
        %parallel_loop3A_1023 = vector.extract %parallel_loop3A_1022[0] : f32 from vector<1xf32>
        %parallel_loop3A_1024 = vector.broadcast %parallel_loop3A_1023 : f32 to vector<16xf32>
        %parallel_loop3A_1025 = arith.constant 14 : i32
        %parallel_loop3A_1026 = arith.addi %parallel_loop3A_195, %parallel_loop3A_1025 : i32
        %parallel_loop3A_1027 = arith.index_cast %parallel_loop3A_1026 : i32 to index
        %parallel_loop3A_1028 = arith.constant 0 : index
        %parallel_loop3A_1029 = tpu.vector_load %arg12[%parallel_loop3A_1027, %parallel_loop3A_1028] {strides = array<i32>} : memref<128x64xf32, #tpu.memory_space<vmem>>, vector<1x16xf32>,
        %parallel_loop3A_1030 = vector.shape_cast %parallel_loop3A_1029 : vector<1x16xf32> to vector<16xf32>
        %parallel_loop3A_1031 = arith.mulf %parallel_loop3A_1030, %parallel_loop3A_1024 : vector<16xf32>
        %parallel_loop3A_1032 = arith.constant 14 : i32
        %parallel_loop3A_1033 = arith.addi %parallel_loop3A_195, %parallel_loop3A_1032 : i32
        %parallel_loop3A_1034 = arith.index_cast %parallel_loop3A_1033 : i32 to index
        %parallel_loop3A_1035 = arith.constant 0 : index
        %parallel_loop3A_1036 = tpu.vector_load %arg12[%parallel_loop3A_1034, %parallel_loop3A_1035] {strides = array<i32>} : memref<128x64xf32, #tpu.memory_space<vmem>>, vector<1x16xf32>,
        %parallel_loop3A_1037 = vector.shape_cast %parallel_loop3A_1036 : vector<1x16xf32> to vector<16xf32>
        %parallel_loop3A_1038 = vector.shape_cast %parallel_loop3A_1031 : vector<16xf32> to vector<1x16xf32>
        tpu.vector_store %arg12[%parallel_loop3A_1034, %parallel_loop3A_1035], %parallel_loop3A_1038 {strides = array<i32>} : memref<128x64xf32, #tpu.memory_space<vmem>>, vector<1x16xf32>,
        %parallel_loop3A_1039 = arith.constant 14 : i32
        %parallel_loop3A_1040 = arith.addi %parallel_loop3A_195, %parallel_loop3A_1039 : i32
        %parallel_loop3A_1041 = arith.index_cast %parallel_loop3A_1040 : i32 to index
        %parallel_loop3A_1042 = arith.constant 16 : index
        %parallel_loop3A_1043 = tpu.vector_load %arg12[%parallel_loop3A_1041, %parallel_loop3A_1042] {strides = array<i32>} : memref<128x64xf32, #tpu.memory_space<vmem>>, vector<1x16xf32>,
        %parallel_loop3A_1044 = vector.shape_cast %parallel_loop3A_1043 : vector<1x16xf32> to vector<16xf32>
        %parallel_loop3A_1045 = arith.mulf %parallel_loop3A_1044, %parallel_loop3A_1024 : vector<16xf32>
        %parallel_loop3A_1046 = arith.constant 14 : i32
        %parallel_loop3A_1047 = arith.addi %parallel_loop3A_195, %parallel_loop3A_1046 : i32
        %parallel_loop3A_1048 = arith.index_cast %parallel_loop3A_1047 : i32 to index
        %parallel_loop3A_1049 = arith.constant 16 : index
        %parallel_loop3A_1050 = tpu.vector_load %arg12[%parallel_loop3A_1048, %parallel_loop3A_1049] {strides = array<i32>} : memref<128x64xf32, #tpu.memory_space<vmem>>, vector<1x16xf32>,
        %parallel_loop3A_1051 = vector.shape_cast %parallel_loop3A_1050 : vector<1x16xf32> to vector<16xf32>
        %parallel_loop3A_1052 = vector.shape_cast %parallel_loop3A_1045 : vector<16xf32> to vector<1x16xf32>
        tpu.vector_store %arg12[%parallel_loop3A_1048, %parallel_loop3A_1049], %parallel_loop3A_1052 {strides = array<i32>} : memref<128x64xf32, #tpu.memory_space<vmem>>, vector<1x16xf32>,
        %parallel_loop3A_1053 = arith.constant 14 : i32
        %parallel_loop3A_1054 = arith.addi %parallel_loop3A_195, %parallel_loop3A_1053 : i32
        %parallel_loop3A_1055 = arith.index_cast %parallel_loop3A_1054 : i32 to index
        %parallel_loop3A_1056 = arith.constant 32 : index
        %parallel_loop3A_1057 = tpu.vector_load %arg12[%parallel_loop3A_1055, %parallel_loop3A_1056] {strides = array<i32>} : memref<128x64xf32, #tpu.memory_space<vmem>>, vector<1x16xf32>,
        %parallel_loop3A_1058 = vector.shape_cast %parallel_loop3A_1057 : vector<1x16xf32> to vector<16xf32>
        %parallel_loop3A_1059 = arith.mulf %parallel_loop3A_1058, %parallel_loop3A_1024 : vector<16xf32>
        %parallel_loop3A_1060 = arith.constant 14 : i32
        %parallel_loop3A_1061 = arith.addi %parallel_loop3A_195, %parallel_loop3A_1060 : i32
        %parallel_loop3A_1062 = arith.index_cast %parallel_loop3A_1061 : i32 to index
        %parallel_loop3A_1063 = arith.constant 32 : index
        %parallel_loop3A_1064 = tpu.vector_load %arg12[%parallel_loop3A_1062, %parallel_loop3A_1063] {strides = array<i32>} : memref<128x64xf32, #tpu.memory_space<vmem>>, vector<1x16xf32>,
        %parallel_loop3A_1065 = vector.shape_cast %parallel_loop3A_1064 : vector<1x16xf32> to vector<16xf32>
        %parallel_loop3A_1066 = vector.shape_cast %parallel_loop3A_1059 : vector<16xf32> to vector<1x16xf32>
        tpu.vector_store %arg12[%parallel_loop3A_1062, %parallel_loop3A_1063], %parallel_loop3A_1066 {strides = array<i32>} : memref<128x64xf32, #tpu.memory_space<vmem>>, vector<1x16xf32>,
        %parallel_loop3A_1067 = arith.constant 14 : i32
        %parallel_loop3A_1068 = arith.addi %parallel_loop3A_195, %parallel_loop3A_1067 : i32
        %parallel_loop3A_1069 = arith.index_cast %parallel_loop3A_1068 : i32 to index
        %parallel_loop3A_1070 = arith.constant 48 : index
        %parallel_loop3A_1071 = tpu.vector_load %arg12[%parallel_loop3A_1069, %parallel_loop3A_1070] {strides = array<i32>} : memref<128x64xf32, #tpu.memory_space<vmem>>, vector<1x16xf32>,
        %parallel_loop3A_1072 = vector.shape_cast %parallel_loop3A_1071 : vector<1x16xf32> to vector<16xf32>
        %parallel_loop3A_1073 = arith.mulf %parallel_loop3A_1072, %parallel_loop3A_1024 : vector<16xf32>
        %parallel_loop3A_1074 = arith.constant 14 : i32
        %parallel_loop3A_1075 = arith.addi %parallel_loop3A_195, %parallel_loop3A_1074 : i32
        %parallel_loop3A_1076 = arith.index_cast %parallel_loop3A_1075 : i32 to index
        %parallel_loop3A_1077 = arith.constant 48 : index
        %parallel_loop3A_1078 = tpu.vector_load %arg12[%parallel_loop3A_1076, %parallel_loop3A_1077] {strides = array<i32>} : memref<128x64xf32, #tpu.memory_space<vmem>>, vector<1x16xf32>,
        %parallel_loop3A_1079 = vector.shape_cast %parallel_loop3A_1078 : vector<1x16xf32> to vector<16xf32>
        %parallel_loop3A_1080 = vector.shape_cast %parallel_loop3A_1073 : vector<16xf32> to vector<1x16xf32>
        tpu.vector_store %arg12[%parallel_loop3A_1076, %parallel_loop3A_1077], %parallel_loop3A_1080 {strides = array<i32>} : memref<128x64xf32, #tpu.memory_space<vmem>>, vector<1x16xf32>,
        %parallel_loop3A_1081 = vector.extract_strided_slice %parallel_loop3A_193 {offsets = [15], sizes = [1], strides = [1]} : vector<16xf32> to vector<1xf32>
        %parallel_loop3A_1082 = vector.extract %parallel_loop3A_1081[0] : f32 from vector<1xf32>
        %parallel_loop3A_1083 = vector.broadcast %parallel_loop3A_1082 : f32 to vector<16xf32>
        %parallel_loop3A_1084 = arith.constant 15 : i32
        %parallel_loop3A_1085 = arith.addi %parallel_loop3A_195, %parallel_loop3A_1084 : i32
        %parallel_loop3A_1086 = arith.index_cast %parallel_loop3A_1085 : i32 to index
        %parallel_loop3A_1087 = arith.constant 0 : index
        %parallel_loop3A_1088 = tpu.vector_load %arg12[%parallel_loop3A_1086, %parallel_loop3A_1087] {strides = array<i32>} : memref<128x64xf32, #tpu.memory_space<vmem>>, vector<1x16xf32>,
        %parallel_loop3A_1089 = vector.shape_cast %parallel_loop3A_1088 : vector<1x16xf32> to vector<16xf32>
        %parallel_loop3A_1090 = arith.mulf %parallel_loop3A_1089, %parallel_loop3A_1083 : vector<16xf32>
        %parallel_loop3A_1091 = arith.constant 15 : i32
        %parallel_loop3A_1092 = arith.addi %parallel_loop3A_195, %parallel_loop3A_1091 : i32
        %parallel_loop3A_1093 = arith.index_cast %parallel_loop3A_1092 : i32 to index
        %parallel_loop3A_1094 = arith.constant 0 : index
        %parallel_loop3A_1095 = tpu.vector_load %arg12[%parallel_loop3A_1093, %parallel_loop3A_1094] {strides = array<i32>} : memref<128x64xf32, #tpu.memory_space<vmem>>, vector<1x16xf32>,
        %parallel_loop3A_1096 = vector.shape_cast %parallel_loop3A_1095 : vector<1x16xf32> to vector<16xf32>
        %parallel_loop3A_1097 = vector.shape_cast %parallel_loop3A_1090 : vector<16xf32> to vector<1x16xf32>
        tpu.vector_store %arg12[%parallel_loop3A_1093, %parallel_loop3A_1094], %parallel_loop3A_1097 {strides = array<i32>} : memref<128x64xf32, #tpu.memory_space<vmem>>, vector<1x16xf32>,
        %parallel_loop3A_1098 = arith.constant 15 : i32
        %parallel_loop3A_1099 = arith.addi %parallel_loop3A_195, %parallel_loop3A_1098 : i32
        %parallel_loop3A_1100 = arith.index_cast %parallel_loop3A_1099 : i32 to index
        %parallel_loop3A_1101 = arith.constant 16 : index
        %parallel_loop3A_1102 = tpu.vector_load %arg12[%parallel_loop3A_1100, %parallel_loop3A_1101] {strides = array<i32>} : memref<128x64xf32, #tpu.memory_space<vmem>>, vector<1x16xf32>,
        %parallel_loop3A_1103 = vector.shape_cast %parallel_loop3A_1102 : vector<1x16xf32> to vector<16xf32>
        %parallel_loop3A_1104 = arith.mulf %parallel_loop3A_1103, %parallel_loop3A_1083 : vector<16xf32>
        %parallel_loop3A_1105 = arith.constant 15 : i32
        %parallel_loop3A_1106 = arith.addi %parallel_loop3A_195, %parallel_loop3A_1105 : i32
        %parallel_loop3A_1107 = arith.index_cast %parallel_loop3A_1106 : i32 to index
        %parallel_loop3A_1108 = arith.constant 16 : index
        %parallel_loop3A_1109 = tpu.vector_load %arg12[%parallel_loop3A_1107, %parallel_loop3A_1108] {strides = array<i32>} : memref<128x64xf32, #tpu.memory_space<vmem>>, vector<1x16xf32>,
        %parallel_loop3A_1110 = vector.shape_cast %parallel_loop3A_1109 : vector<1x16xf32> to vector<16xf32>
        %parallel_loop3A_1111 = vector.shape_cast %parallel_loop3A_1104 : vector<16xf32> to vector<1x16xf32>
        tpu.vector_store %arg12[%parallel_loop3A_1107, %parallel_loop3A_1108], %parallel_loop3A_1111 {strides = array<i32>} : memref<128x64xf32, #tpu.memory_space<vmem>>, vector<1x16xf32>,
        %parallel_loop3A_1112 = arith.constant 15 : i32
        %parallel_loop3A_1113 = arith.addi %parallel_loop3A_195, %parallel_loop3A_1112 : i32
        %parallel_loop3A_1114 = arith.index_cast %parallel_loop3A_1113 : i32 to index
        %parallel_loop3A_1115 = arith.constant 32 : index
        %parallel_loop3A_1116 = tpu.vector_load %arg12[%parallel_loop3A_1114, %parallel_loop3A_1115] {strides = array<i32>} : memref<128x64xf32, #tpu.memory_space<vmem>>, vector<1x16xf32>,
        %parallel_loop3A_1117 = vector.shape_cast %parallel_loop3A_1116 : vector<1x16xf32> to vector<16xf32>
        %parallel_loop3A_1118 = arith.mulf %parallel_loop3A_1117, %parallel_loop3A_1083 : vector<16xf32>
        %parallel_loop3A_1119 = arith.constant 15 : i32
        %parallel_loop3A_1120 = arith.addi %parallel_loop3A_195, %parallel_loop3A_1119 : i32
        %parallel_loop3A_1121 = arith.index_cast %parallel_loop3A_1120 : i32 to index
        %parallel_loop3A_1122 = arith.constant 32 : index
        %parallel_loop3A_1123 = tpu.vector_load %arg12[%parallel_loop3A_1121, %parallel_loop3A_1122] {strides = array<i32>} : memref<128x64xf32, #tpu.memory_space<vmem>>, vector<1x16xf32>,
        %parallel_loop3A_1124 = vector.shape_cast %parallel_loop3A_1123 : vector<1x16xf32> to vector<16xf32>
        %parallel_loop3A_1125 = vector.shape_cast %parallel_loop3A_1118 : vector<16xf32> to vector<1x16xf32>
        tpu.vector_store %arg12[%parallel_loop3A_1121, %parallel_loop3A_1122], %parallel_loop3A_1125 {strides = array<i32>} : memref<128x64xf32, #tpu.memory_space<vmem>>, vector<1x16xf32>,
        %parallel_loop3A_1126 = arith.constant 15 : i32
        %parallel_loop3A_1127 = arith.addi %parallel_loop3A_195, %parallel_loop3A_1126 : i32
        %parallel_loop3A_1128 = arith.index_cast %parallel_loop3A_1127 : i32 to index
        %parallel_loop3A_1129 = arith.constant 48 : index
        %parallel_loop3A_1130 = tpu.vector_load %arg12[%parallel_loop3A_1128, %parallel_loop3A_1129] {strides = array<i32>} : memref<128x64xf32, #tpu.memory_space<vmem>>, vector<1x16xf32>,
        %parallel_loop3A_1131 = vector.shape_cast %parallel_loop3A_1130 : vector<1x16xf32> to vector<16xf32>
        %parallel_loop3A_1132 = arith.mulf %parallel_loop3A_1131, %parallel_loop3A_1083 : vector<16xf32>
        %parallel_loop3A_1133 = arith.constant 15 : i32
        %parallel_loop3A_1134 = arith.addi %parallel_loop3A_195, %parallel_loop3A_1133 : i32
        %parallel_loop3A_1135 = arith.index_cast %parallel_loop3A_1134 : i32 to index
        %parallel_loop3A_1136 = arith.constant 48 : index
        %parallel_loop3A_1137 = tpu.vector_load %arg12[%parallel_loop3A_1135, %parallel_loop3A_1136] {strides = array<i32>} : memref<128x64xf32, #tpu.memory_space<vmem>>, vector<1x16xf32>,
        %parallel_loop3A_1138 = vector.shape_cast %parallel_loop3A_1137 : vector<1x16xf32> to vector<16xf32>
        %parallel_loop3A_1139 = vector.shape_cast %parallel_loop3A_1132 : vector<16xf32> to vector<1x16xf32>
        tpu.vector_store %arg12[%parallel_loop3A_1135, %parallel_loop3A_1136], %parallel_loop3A_1139 {strides = array<i32>} : memref<128x64xf32, #tpu.memory_space<vmem>>, vector<1x16xf32>,
      } {sc.loop_unroll_factor = 2 : i64, sc.parallel_access}
      %dma_start3A_178 = arith.constant 0 : i32
      %dma_start3A_179 = tpu.memref_slice %arg9[%add3A_152, %dma_start3A_178] : memref<162x128xi32, #tpu.memory_space<vmem>> -> memref<1x128xi32, #tpu.memory_space<vmem>>
      %dma_start3A_180 = tpu.memref_squeeze %dma_start3A_179 : memref<1x128xi32, #tpu.memory_space<vmem>> -> memref<128xi32, #tpu.memory_space<vmem>>
      %dma_start3A_181 = arith.constant 0 : i32
      %dma_start3A_182 = arith.constant 0 : i32
      %dma_start3A_183 = tpu.memref_slice %arg19[%dma_start3A_181, %dma_start3A_182] : memref<10000x64xf32, #tpu.memory_space<vmem_shared>> -> memref<10000x64xf32, #tpu.memory_space<vmem_shared>>
      tpu.enqueue_indirect_dma source(%arg12 : memref<128x64xf32, #tpu.memory_space<vmem>>) target(%dma_start3A_183 : memref<10000x64xf32, #tpu.memory_space<vmem_shared>>) offsets(%dma_start3A_180 : memref<128xi32, #tpu.memory_space<vmem>>) semaphore(%arg18 : memref<!tpu.dma_semaphore, #tpu.memory_space<semaphore_mem>>) {add = true}
      %scan3A_184 = arith.constant 0 : i32
      scf.yield %scan3A_184 : i32
    }
    %scan3A_47 = arith.constant 54 : i32
    %dma_wait3A = arith.constant 161 : i32
    %dma_wait3A_48 = arith.constant 0 : i32
    %dma_wait3A_49 = tpu.memref_slice %arg9[%dma_wait3A, %dma_wait3A_48] : memref<162x128xi32, #tpu.memory_space<vmem>> -> memref<1x128xi32, #tpu.memory_space<vmem>>
    %dma_wait3A_50 = tpu.memref_squeeze %dma_wait3A_49 : memref<1x128xi32, #tpu.memory_space<vmem>> -> memref<128xi32, #tpu.memory_space<vmem>>
    %dma_wait3A_51 = arith.constant 0 : i32
    %dma_wait3A_52 = arith.constant 0 : i32
    %dma_wait3A_53 = tpu.memref_slice %arg19[%dma_wait3A_51, %dma_wait3A_52] : memref<10000x64xf32, #tpu.memory_space<vmem_shared>> -> memref<10000x64xf32, #tpu.memory_space<vmem_shared>>
    tpu.wait_indirect_dma semaphore(%arg18 : memref<!tpu.dma_semaphore, #tpu.memory_space<semaphore_mem>>) src(%arg12 : memref<128x64xf32, #tpu.memory_space<vmem>>) dst(%dma_wait3A_53 : memref<10000x64xf32, #tpu.memory_space<vmem_shared>>)
    %barrier3A_54 = arith.constant 0 : index
    tpu.barrier barrier_id(%barrier3A_54)
    %add3A_55 = arith.constant 0 : i32
    %add3A_56 = arith.addi %mul3A_2, %add3A_55 : i32
    "tpu.region"() ({
      %run_scoped3A = tpu.sem_alloc : memref<!tpu.dma_semaphore, #tpu.memory_space<semaphore_mem>>
      %dma_start3A_80 = arith.constant 0 : i32
      %dma_start3A_81 = tpu.memref_slice %arg19[%add3A_56, %dma_start3A_80] : memref<10000x64xf32, #tpu.memory_space<vmem_shared>> -> memref<128x64xf32, #tpu.memory_space<vmem_shared>>
      %dma_start3A_82 = arith.constant 0 : i32
      %dma_start3A_83 = tpu.memref_slice %arg19[%add3A_56, %dma_start3A_82] : memref<10000x64xf32, #tpu.memory_space<vmem_shared>> -> memref<128x64xf32, #tpu.memory_space<vmem_shared>>
      tpu.enqueue_dma source(%dma_start3A_83 : memref<128x64xf32, #tpu.memory_space<vmem_shared>>) target(%arg10 : memref<128x64xf32, #tpu.memory_space<vmem>>) target_semaphore(%run_scoped3A : memref<!tpu.dma_semaphore, #tpu.memory_space<semaphore_mem>>)
      %dma_wait3A_84 = arith.constant 0 : i32
      %dma_wait3A_85 = tpu.memref_slice %arg19[%add3A_56, %dma_wait3A_84] : memref<10000x64xf32, #tpu.memory_space<vmem_shared>> -> memref<128x64xf32, #tpu.memory_space<vmem_shared>>
      %dma_wait3A_86 = arith.constant 0 : i32
      %dma_wait3A_87 = tpu.memref_slice %arg19[%add3A_56, %dma_wait3A_86] : memref<10000x64xf32, #tpu.memory_space<vmem_shared>> -> memref<128x64xf32, #tpu.memory_space<vmem_shared>>
      tpu.wait_dma2 semaphore(%run_scoped3A : memref<!tpu.dma_semaphore, #tpu.memory_space<semaphore_mem>>) src(%dma_wait3A_87 : memref<128x64xf32, #tpu.memory_space<vmem_shared>>) dst(%arg10 : memref<128x64xf32, #tpu.memory_space<vmem>>)
      tpu.yield
    }) : () -> ()
    %add3A_57 = arith.constant 0 : i32
    %add3A_58 = arith.addi %mul3A_2, %add3A_57 : i32
    "tpu.region"() ({
      %run_scoped3A = tpu.sem_alloc : memref<!tpu.dma_semaphore, #tpu.memory_space<semaphore_mem>>
      %dma_start3A_80 = arith.constant 0 : i32
      %dma_start3A_81 = tpu.memref_slice %arg6[%arg0, %add3A_58, %dma_start3A_80] : memref<2x10000x128xf32, #tpu.memory_space<hbm>> -> memref<1x128x64xf32, #tpu.memory_space<hbm>>
      %dma_start3A_82 = tpu.memref_squeeze %dma_start3A_81 : memref<1x128x64xf32, #tpu.memory_space<hbm>> -> memref<128x64xf32, #tpu.memory_space<hbm>>
      %dma_start3A_83 = arith.constant 0 : i32
      %dma_start3A_84 = tpu.memref_slice %arg6[%arg0, %add3A_58, %dma_start3A_83] : memref<2x10000x128xf32, #tpu.memory_space<hbm>> -> memref<1x128x64xf32, #tpu.memory_space<hbm>>
      %dma_start3A_85 = tpu.memref_squeeze %dma_start3A_84 : memref<1x128x64xf32, #tpu.memory_space<hbm>> -> memref<128x64xf32, #tpu.memory_space<hbm>>
      tpu.enqueue_dma source(%arg10 : memref<128x64xf32, #tpu.memory_space<vmem>>) target(%dma_start3A_85 : memref<128x64xf32, #tpu.memory_space<hbm>>) target_semaphore(%run_scoped3A : memref<!tpu.dma_semaphore, #tpu.memory_space<semaphore_mem>>)
      %dma_wait3A_86 = arith.constant 0 : i32
      %dma_wait3A_87 = tpu.memref_slice %arg6[%arg0, %add3A_58, %dma_wait3A_86] : memref<2x10000x128xf32, #tpu.memory_space<hbm>> -> memref<1x128x64xf32, #tpu.memory_space<hbm>>
      %dma_wait3A_88 = tpu.memref_squeeze %dma_wait3A_87 : memref<1x128x64xf32, #tpu.memory_space<hbm>> -> memref<128x64xf32, #tpu.memory_space<hbm>>
      %dma_wait3A_89 = arith.constant 0 : i32
      %dma_wait3A_90 = tpu.memref_slice %arg6[%arg0, %add3A_58, %dma_wait3A_89] : memref<2x10000x128xf32, #tpu.memory_space<hbm>> -> memref<1x128x64xf32, #tpu.memory_space<hbm>>
      %dma_wait3A_91 = tpu.memref_squeeze %dma_wait3A_90 : memref<1x128x64xf32, #tpu.memory_space<hbm>> -> memref<128x64xf32, #tpu.memory_space<hbm>>
      tpu.wait_dma2 semaphore(%run_scoped3A : memref<!tpu.dma_semaphore, #tpu.memory_space<semaphore_mem>>) src(%arg10 : memref<128x64xf32, #tpu.memory_space<vmem>>) dst(%dma_wait3A_91 : memref<128x64xf32, #tpu.memory_space<hbm>>)
      tpu.yield
    }) : () -> ()
    %add3A_59 = arith.constant 128 : i32
    %add3A_60 = arith.addi %mul3A_2, %add3A_59 : i32
    "tpu.region"() ({
      %run_scoped3A = tpu.sem_alloc : memref<!tpu.dma_semaphore, #tpu.memory_space<semaphore_mem>>
      %dma_start3A_80 = arith.constant 0 : i32
      %dma_start3A_81 = tpu.memref_slice %arg19[%add3A_60, %dma_start3A_80] : memref<10000x64xf32, #tpu.memory_space<vmem_shared>> -> memref<128x64xf32, #tpu.memory_space<vmem_shared>>
      %dma_start3A_82 = arith.constant 0 : i32
      %dma_start3A_83 = tpu.memref_slice %arg19[%add3A_60, %dma_start3A_82] : memref<10000x64xf32, #tpu.memory_space<vmem_shared>> -> memref<128x64xf32, #tpu.memory_space<vmem_shared>>
      tpu.enqueue_dma source(%dma_start3A_83 : memref<128x64xf32, #tpu.memory_space<vmem_shared>>) target(%arg10 : memref<128x64xf32, #tpu.memory_space<vmem>>) target_semaphore(%run_scoped3A : memref<!tpu.dma_semaphore, #tpu.memory_space<semaphore_mem>>)
      %dma_wait3A_84 = arith.constant 0 : i32
      %dma_wait3A_85 = tpu.memref_slice %arg19[%add3A_60, %dma_wait3A_84] : memref<10000x64xf32, #tpu.memory_space<vmem_shared>> -> memref<128x64xf32, #tpu.memory_space<vmem_shared>>
      %dma_wait3A_86 = arith.constant 0 : i32
      %dma_wait3A_87 = tpu.memref_slice %arg19[%add3A_60, %dma_wait3A_86] : memref<10000x64xf32, #tpu.memory_space<vmem_shared>> -> memref<128x64xf32, #tpu.memory_space<vmem_shared>>
      tpu.wait_dma2 semaphore(%run_scoped3A : memref<!tpu.dma_semaphore, #tpu.memory_space<semaphore_mem>>) src(%dma_wait3A_87 : memref<128x64xf32, #tpu.memory_space<vmem_shared>>) dst(%arg10 : memref<128x64xf32, #tpu.memory_space<vmem>>)
      tpu.yield
    }) : () -> ()
    %add3A_61 = arith.constant 128 : i32
    %add3A_62 = arith.addi %mul3A_2, %add3A_61 : i32
    "tpu.region"() ({
      %run_scoped3A = tpu.sem_alloc : memref<!tpu.dma_semaphore, #tpu.memory_space<semaphore_mem>>
      %dma_start3A_80 = arith.constant 0 : i32
      %dma_start3A_81 = tpu.memref_slice %arg6[%arg0, %add3A_62, %dma_start3A_80] : memref<2x10000x128xf32, #tpu.memory_space<hbm>> -> memref<1x128x64xf32, #tpu.memory_space<hbm>>
      %dma_start3A_82 = tpu.memref_squeeze %dma_start3A_81 : memref<1x128x64xf32, #tpu.memory_space<hbm>> -> memref<128x64xf32, #tpu.memory_space<hbm>>
      %dma_start3A_83 = arith.constant 0 : i32
      %dma_start3A_84 = tpu.memref_slice %arg6[%arg0, %add3A_62, %dma_start3A_83] : memref<2x10000x128xf32, #tpu.memory_space<hbm>> -> memref<1x128x64xf32, #tpu.memory_space<hbm>>
      %dma_start3A_85 = tpu.memref_squeeze %dma_start3A_84 : memref<1x128x64xf32, #tpu.memory_space<hbm>> -> memref<128x64xf32, #tpu.memory_space<hbm>>
      tpu.enqueue_dma source(%arg10 : memref<128x64xf32, #tpu.memory_space<vmem>>) target(%dma_start3A_85 : memref<128x64xf32, #tpu.memory_space<hbm>>) target_semaphore(%run_scoped3A : memref<!tpu.dma_semaphore, #tpu.memory_space<semaphore_mem>>)
      %dma_wait3A_86 = arith.constant 0 : i32
      %dma_wait3A_87 = tpu.memref_slice %arg6[%arg0, %add3A_62, %dma_wait3A_86] : memref<2x10000x128xf32, #tpu.memory_space<hbm>> -> memref<1x128x64xf32, #tpu.memory_space<hbm>>
      %dma_wait3A_88 = tpu.memref_squeeze %dma_wait3A_87 : memref<1x128x64xf32, #tpu.memory_space<hbm>> -> memref<128x64xf32, #tpu.memory_space<hbm>>
      %dma_wait3A_89 = arith.constant 0 : i32
      %dma_wait3A_90 = tpu.memref_slice %arg6[%arg0, %add3A_62, %dma_wait3A_89] : memref<2x10000x128xf32, #tpu.memory_space<hbm>> -> memref<1x128x64xf32, #tpu.memory_space<hbm>>
      %dma_wait3A_91 = tpu.memref_squeeze %dma_wait3A_90 : memref<1x128x64xf32, #tpu.memory_space<hbm>> -> memref<128x64xf32, #tpu.memory_space<hbm>>
      tpu.wait_dma2 semaphore(%run_scoped3A : memref<!tpu.dma_semaphore, #tpu.memory_space<semaphore_mem>>) src(%arg10 : memref<128x64xf32, #tpu.memory_space<vmem>>) dst(%dma_wait3A_91 : memref<128x64xf32, #tpu.memory_space<hbm>>)
      tpu.yield
    }) : () -> ()
    %add3A_63 = arith.constant 256 : i32
    %add3A_64 = arith.addi %mul3A_2, %add3A_63 : i32
    "tpu.region"() ({
      %run_scoped3A = tpu.sem_alloc : memref<!tpu.dma_semaphore, #tpu.memory_space<semaphore_mem>>
      %dma_start3A_80 = arith.constant 0 : i32
      %dma_start3A_81 = tpu.memref_slice %arg19[%add3A_64, %dma_start3A_80] : memref<10000x64xf32, #tpu.memory_space<vmem_shared>> -> memref<128x64xf32, #tpu.memory_space<vmem_shared>>
      %dma_start3A_82 = arith.constant 0 : i32
      %dma_start3A_83 = tpu.memref_slice %arg19[%add3A_64, %dma_start3A_82] : memref<10000x64xf32, #tpu.memory_space<vmem_shared>> -> memref<128x64xf32, #tpu.memory_space<vmem_shared>>
      tpu.enqueue_dma source(%dma_start3A_83 : memref<128x64xf32, #tpu.memory_space<vmem_shared>>) target(%arg10 : memref<128x64xf32, #tpu.memory_space<vmem>>) target_semaphore(%run_scoped3A : memref<!tpu.dma_semaphore, #tpu.memory_space<semaphore_mem>>)
      %dma_wait3A_84 = arith.constant 0 : i32
      %dma_wait3A_85 = tpu.memref_slice %arg19[%add3A_64, %dma_wait3A_84] : memref<10000x64xf32, #tpu.memory_space<vmem_shared>> -> memref<128x64xf32, #tpu.memory_space<vmem_shared>>
      %dma_wait3A_86 = arith.constant 0 : i32
      %dma_wait3A_87 = tpu.memref_slice %arg19[%add3A_64, %dma_wait3A_86] : memref<10000x64xf32, #tpu.memory_space<vmem_shared>> -> memref<128x64xf32, #tpu.memory_space<vmem_shared>>
      tpu.wait_dma2 semaphore(%run_scoped3A : memref<!tpu.dma_semaphore, #tpu.memory_space<semaphore_mem>>) src(%dma_wait3A_87 : memref<128x64xf32, #tpu.memory_space<vmem_shared>>) dst(%arg10 : memref<128x64xf32, #tpu.memory_space<vmem>>)
      tpu.yield
    }) : () -> ()
    %add3A_65 = arith.constant 256 : i32
    %add3A_66 = arith.addi %mul3A_2, %add3A_65 : i32
    "tpu.region"() ({
      %run_scoped3A = tpu.sem_alloc : memref<!tpu.dma_semaphore, #tpu.memory_space<semaphore_mem>>
      %dma_start3A_80 = arith.constant 0 : i32
      %dma_start3A_81 = tpu.memref_slice %arg6[%arg0, %add3A_66, %dma_start3A_80] : memref<2x10000x128xf32, #tpu.memory_space<hbm>> -> memref<1x128x64xf32, #tpu.memory_space<hbm>>
      %dma_start3A_82 = tpu.memref_squeeze %dma_start3A_81 : memref<1x128x64xf32, #tpu.memory_space<hbm>> -> memref<128x64xf32, #tpu.memory_space<hbm>>
      %dma_start3A_83 = arith.constant 0 : i32
      %dma_start3A_84 = tpu.memref_slice %arg6[%arg0, %add3A_66, %dma_start3A_83] : memref<2x10000x128xf32, #tpu.memory_space<hbm>> -> memref<1x128x64xf32, #tpu.memory_space<hbm>>
      %dma_start3A_85 = tpu.memref_squeeze %dma_start3A_84 : memref<1x128x64xf32, #tpu.memory_space<hbm>> -> memref<128x64xf32, #tpu.memory_space<hbm>>
      tpu.enqueue_dma source(%arg10 : memref<128x64xf32, #tpu.memory_space<vmem>>) target(%dma_start3A_85 : memref<128x64xf32, #tpu.memory_space<hbm>>) target_semaphore(%run_scoped3A : memref<!tpu.dma_semaphore, #tpu.memory_space<semaphore_mem>>)
      %dma_wait3A_86 = arith.constant 0 : i32
      %dma_wait3A_87 = tpu.memref_slice %arg6[%arg0, %add3A_66, %dma_wait3A_86] : memref<2x10000x128xf32, #tpu.memory_space<hbm>> -> memref<1x128x64xf32, #tpu.memory_space<hbm>>
      %dma_wait3A_88 = tpu.memref_squeeze %dma_wait3A_87 : memref<1x128x64xf32, #tpu.memory_space<hbm>> -> memref<128x64xf32, #tpu.memory_space<hbm>>
      %dma_wait3A_89 = arith.constant 0 : i32
      %dma_wait3A_90 = tpu.memref_slice %arg6[%arg0, %add3A_66, %dma_wait3A_89] : memref<2x10000x128xf32, #tpu.memory_space<hbm>> -> memref<1x128x64xf32, #tpu.memory_space<hbm>>
      %dma_wait3A_91 = tpu.memref_squeeze %dma_wait3A_90 : memref<1x128x64xf32, #tpu.memory_space<hbm>> -> memref<128x64xf32, #tpu.memory_space<hbm>>
      tpu.wait_dma2 semaphore(%run_scoped3A : memref<!tpu.dma_semaphore, #tpu.memory_space<semaphore_mem>>) src(%arg10 : memref<128x64xf32, #tpu.memory_space<vmem>>) dst(%dma_wait3A_91 : memref<128x64xf32, #tpu.memory_space<hbm>>)
      tpu.yield
    }) : () -> ()
    %add3A_67 = arith.constant 384 : i32
    %add3A_68 = arith.addi %mul3A_2, %add3A_67 : i32
    "tpu.region"() ({
      %run_scoped3A = tpu.sem_alloc : memref<!tpu.dma_semaphore, #tpu.memory_space<semaphore_mem>>
      %dma_start3A_80 = arith.constant 0 : i32
      %dma_start3A_81 = tpu.memref_slice %arg19[%add3A_68, %dma_start3A_80] : memref<10000x64xf32, #tpu.memory_space<vmem_shared>> -> memref<128x64xf32, #tpu.memory_space<vmem_shared>>
      %dma_start3A_82 = arith.constant 0 : i32
      %dma_start3A_83 = tpu.memref_slice %arg19[%add3A_68, %dma_start3A_82] : memref<10000x64xf32, #tpu.memory_space<vmem_shared>> -> memref<128x64xf32, #tpu.memory_space<vmem_shared>>
      tpu.enqueue_dma source(%dma_start3A_83 : memref<128x64xf32, #tpu.memory_space<vmem_shared>>) target(%arg10 : memref<128x64xf32, #tpu.memory_space<vmem>>) target_semaphore(%run_scoped3A : memref<!tpu.dma_semaphore, #tpu.memory_space<semaphore_mem>>)
      %dma_wait3A_84 = arith.constant 0 : i32
      %dma_wait3A_85 = tpu.memref_slice %arg19[%add3A_68, %dma_wait3A_84] : memref<10000x64xf32, #tpu.memory_space<vmem_shared>> -> memref<128x64xf32, #tpu.memory_space<vmem_shared>>
      %dma_wait3A_86 = arith.constant 0 : i32
      %dma_wait3A_87 = tpu.memref_slice %arg19[%add3A_68, %dma_wait3A_86] : memref<10000x64xf32, #tpu.memory_space<vmem_shared>> -> memref<128x64xf32, #tpu.memory_space<vmem_shared>>
      tpu.wait_dma2 semaphore(%run_scoped3A : memref<!tpu.dma_semaphore, #tpu.memory_space<semaphore_mem>>) src(%dma_wait3A_87 : memref<128x64xf32, #tpu.memory_space<vmem_shared>>) dst(%arg10 : memref<128x64xf32, #tpu.memory_space<vmem>>)
      tpu.yield
    }) : () -> ()
    %add3A_69 = arith.constant 384 : i32
    %add3A_70 = arith.addi %mul3A_2, %add3A_69 : i32
    "tpu.region"() ({
      %run_scoped3A = tpu.sem_alloc : memref<!tpu.dma_semaphore, #tpu.memory_space<semaphore_mem>>
      %dma_start3A_80 = arith.constant 0 : i32
      %dma_start3A_81 = tpu.memref_slice %arg6[%arg0, %add3A_70, %dma_start3A_80] : memref<2x10000x128xf32, #tpu.memory_space<hbm>> -> memref<1x128x64xf32, #tpu.memory_space<hbm>>
      %dma_start3A_82 = tpu.memref_squeeze %dma_start3A_81 : memref<1x128x64xf32, #tpu.memory_space<hbm>> -> memref<128x64xf32, #tpu.memory_space<hbm>>
      %dma_start3A_83 = arith.constant 0 : i32
      %dma_start3A_84 = tpu.memref_slice %arg6[%arg0, %add3A_70, %dma_start3A_83] : memref<2x10000x128xf32, #tpu.memory_space<hbm>> -> memref<1x128x64xf32, #tpu.memory_space<hbm>>
      %dma_start3A_85 = tpu.memref_squeeze %dma_start3A_84 : memref<1x128x64xf32, #tpu.memory_space<hbm>> -> memref<128x64xf32, #tpu.memory_space<hbm>>
      tpu.enqueue_dma source(%arg10 : memref<128x64xf32, #tpu.memory_space<vmem>>) target(%dma_start3A_85 : memref<128x64xf32, #tpu.memory_space<hbm>>) target_semaphore(%run_scoped3A : memref<!tpu.dma_semaphore, #tpu.memory_space<semaphore_mem>>)
      %dma_wait3A_86 = arith.constant 0 : i32
      %dma_wait3A_87 = tpu.memref_slice %arg6[%arg0, %add3A_70, %dma_wait3A_86] : memref<2x10000x128xf32, #tpu.memory_space<hbm>> -> memref<1x128x64xf32, #tpu.memory_space<hbm>>
      %dma_wait3A_88 = tpu.memref_squeeze %dma_wait3A_87 : memref<1x128x64xf32, #tpu.memory_space<hbm>> -> memref<128x64xf32, #tpu.memory_space<hbm>>
      %dma_wait3A_89 = arith.constant 0 : i32
      %dma_wait3A_90 = tpu.memref_slice %arg6[%arg0, %add3A_70, %dma_wait3A_89] : memref<2x10000x128xf32, #tpu.memory_space<hbm>> -> memref<1x128x64xf32, #tpu.memory_space<hbm>>
      %dma_wait3A_91 = tpu.memref_squeeze %dma_wait3A_90 : memref<1x128x64xf32, #tpu.memory_space<hbm>> -> memref<128x64xf32, #tpu.memory_space<hbm>>
      tpu.wait_dma2 semaphore(%run_scoped3A : memref<!tpu.dma_semaphore, #tpu.memory_space<semaphore_mem>>) src(%arg10 : memref<128x64xf32, #tpu.memory_space<vmem>>) dst(%dma_wait3A_91 : memref<128x64xf32, #tpu.memory_space<hbm>>)
      tpu.yield
    }) : () -> ()
    %add3A_71 = arith.constant 512 : i32
    %add3A_72 = arith.addi %mul3A_2, %add3A_71 : i32
    "tpu.region"() ({
      %run_scoped3A = tpu.sem_alloc : memref<!tpu.dma_semaphore, #tpu.memory_space<semaphore_mem>>
      %dma_start3A_80 = arith.constant 0 : i32
      %dma_start3A_81 = arith.constant 0 : i32
      %dma_start3A_82 = tpu.memref_slice %arg10[%dma_start3A_80, %dma_start3A_81] : memref<128x64xf32, #tpu.memory_space<vmem>> -> memref<112x64xf32, #tpu.memory_space<vmem>>
      %dma_start3A_83 = arith.constant 0 : i32
      %dma_start3A_84 = tpu.memref_slice %arg19[%add3A_72, %dma_start3A_83] : memref<10000x64xf32, #tpu.memory_space<vmem_shared>> -> memref<112x64xf32, #tpu.memory_space<vmem_shared>>
      %dma_start3A_85 = arith.constant 0 : i32
      %dma_start3A_86 = arith.constant 0 : i32
      %dma_start3A_87 = tpu.memref_slice %arg10[%dma_start3A_85, %dma_start3A_86] : memref<128x64xf32, #tpu.memory_space<vmem>> -> memref<112x64xf32, #tpu.memory_space<vmem>>
      %dma_start3A_88 = arith.constant 0 : i32
      %dma_start3A_89 = tpu.memref_slice %arg19[%add3A_72, %dma_start3A_88] : memref<10000x64xf32, #tpu.memory_space<vmem_shared>> -> memref<112x64xf32, #tpu.memory_space<vmem_shared>>
      tpu.enqueue_dma source(%dma_start3A_89 : memref<112x64xf32, #tpu.memory_space<vmem_shared>>) target(%dma_start3A_87 : memref<112x64xf32, #tpu.memory_space<vmem>>) target_semaphore(%run_scoped3A : memref<!tpu.dma_semaphore, #tpu.memory_space<semaphore_mem>>)
      %dma_wait3A_90 = arith.constant 0 : i32
      %dma_wait3A_91 = arith.constant 0 : i32
      %dma_wait3A_92 = tpu.memref_slice %arg10[%dma_wait3A_90, %dma_wait3A_91] : memref<128x64xf32, #tpu.memory_space<vmem>> -> memref<112x64xf32, #tpu.memory_space<vmem>>
      %dma_wait3A_93 = arith.constant 0 : i32
      %dma_wait3A_94 = tpu.memref_slice %arg19[%add3A_72, %dma_wait3A_93] : memref<10000x64xf32, #tpu.memory_space<vmem_shared>> -> memref<112x64xf32, #tpu.memory_space<vmem_shared>>
      %dma_wait3A_95 = arith.constant 0 : i32
      %dma_wait3A_96 = arith.constant 0 : i32
      %dma_wait3A_97 = tpu.memref_slice %arg10[%dma_wait3A_95, %dma_wait3A_96] : memref<128x64xf32, #tpu.memory_space<vmem>> -> memref<112x64xf32, #tpu.memory_space<vmem>>
      %dma_wait3A_98 = arith.constant 0 : i32
      %dma_wait3A_99 = tpu.memref_slice %arg19[%add3A_72, %dma_wait3A_98] : memref<10000x64xf32, #tpu.memory_space<vmem_shared>> -> memref<112x64xf32, #tpu.memory_space<vmem_shared>>
      tpu.wait_dma2 semaphore(%run_scoped3A : memref<!tpu.dma_semaphore, #tpu.memory_space<semaphore_mem>>) src(%dma_wait3A_99 : memref<112x64xf32, #tpu.memory_space<vmem_shared>>) dst(%dma_wait3A_97 : memref<112x64xf32, #tpu.memory_space<vmem>>)
      tpu.yield
    }) : () -> ()
    %add3A_73 = arith.constant 512 : i32
    %add3A_74 = arith.addi %mul3A_2, %add3A_73 : i32
    "tpu.region"() ({
      %run_scoped3A = tpu.sem_alloc : memref<!tpu.dma_semaphore, #tpu.memory_space<semaphore_mem>>
      %dma_start3A_80 = arith.constant 0 : i32
      %dma_start3A_81 = arith.constant 0 : i32
      %dma_start3A_82 = tpu.memref_slice %arg10[%dma_start3A_80, %dma_start3A_81] : memref<128x64xf32, #tpu.memory_space<vmem>> -> memref<112x64xf32, #tpu.memory_space<vmem>>
      %dma_start3A_83 = arith.constant 0 : i32
      %dma_start3A_84 = tpu.memref_slice %arg6[%arg0, %add3A_74, %dma_start3A_83] : memref<2x10000x128xf32, #tpu.memory_space<hbm>> -> memref<1x112x64xf32, #tpu.memory_space<hbm>>
      %dma_start3A_85 = tpu.memref_squeeze %dma_start3A_84 : memref<1x112x64xf32, #tpu.memory_space<hbm>> -> memref<112x64xf32, #tpu.memory_space<hbm>>
      %dma_start3A_86 = arith.constant 0 : i32
      %dma_start3A_87 = tpu.memref_slice %arg6[%arg0, %add3A_74, %dma_start3A_86] : memref<2x10000x128xf32, #tpu.memory_space<hbm>> -> memref<1x112x64xf32, #tpu.memory_space<hbm>>
      %dma_start3A_88 = tpu.memref_squeeze %dma_start3A_87 : memref<1x112x64xf32, #tpu.memory_space<hbm>> -> memref<112x64xf32, #tpu.memory_space<hbm>>
      %dma_start3A_89 = arith.constant 0 : i32
      %dma_start3A_90 = arith.constant 0 : i32
      %dma_start3A_91 = tpu.memref_slice %arg10[%dma_start3A_89, %dma_start3A_90] : memref<128x64xf32, #tpu.memory_space<vmem>> -> memref<112x64xf32, #tpu.memory_space<vmem>>
      tpu.enqueue_dma source(%dma_start3A_91 : memref<112x64xf32, #tpu.memory_space<vmem>>) target(%dma_start3A_88 : memref<112x64xf32, #tpu.memory_space<hbm>>) target_semaphore(%run_scoped3A : memref<!tpu.dma_semaphore, #tpu.memory_space<semaphore_mem>>)
      %dma_wait3A_92 = arith.constant 0 : i32
      %dma_wait3A_93 = arith.constant 0 : i32
      %dma_wait3A_94 = tpu.memref_slice %arg10[%dma_wait3A_92, %dma_wait3A_93] : memref<128x64xf32, #tpu.memory_space<vmem>> -> memref<112x64xf32, #tpu.memory_space<vmem>>
      %dma_wait3A_95 = arith.constant 0 : i32
      %dma_wait3A_96 = tpu.memref_slice %arg6[%arg0, %add3A_74, %dma_wait3A_95] : memref<2x10000x128xf32, #tpu.memory_space<hbm>> -> memref<1x112x64xf32, #tpu.memory_space<hbm>>
      %dma_wait3A_97 = tpu.memref_squeeze %dma_wait3A_96 : memref<1x112x64xf32, #tpu.memory_space<hbm>> -> memref<112x64xf32, #tpu.memory_space<hbm>>
      %dma_wait3A_98 = arith.constant 0 : i32
      %dma_wait3A_99 = tpu.memref_slice %arg6[%arg0, %add3A_74, %dma_wait3A_98] : memref<2x10000x128xf32, #tpu.memory_space<hbm>> -> memref<1x112x64xf32, #tpu.memory_space<hbm>>
      %dma_wait3A_100 = tpu.memref_squeeze %dma_wait3A_99 : memref<1x112x64xf32, #tpu.memory_space<hbm>> -> memref<112x64xf32, #tpu.memory_space<hbm>>
      %dma_wait3A_101 = arith.constant 0 : i32
      %dma_wait3A_102 = arith.constant 0 : i32
      %dma_wait3A_103 = tpu.memref_slice %arg10[%dma_wait3A_101, %dma_wait3A_102] : memref<128x64xf32, #tpu.memory_space<vmem>> -> memref<112x64xf32, #tpu.memory_space<vmem>>
      tpu.wait_dma2 semaphore(%run_scoped3A : memref<!tpu.dma_semaphore, #tpu.memory_space<semaphore_mem>>) src(%dma_wait3A_103 : memref<112x64xf32, #tpu.memory_space<vmem>>) dst(%dma_wait3A_100 : memref<112x64xf32, #tpu.memory_space<hbm>>)
      tpu.yield
    }) : () -> ()
    %eq3A_75 = arith.constant 15 : i32
    %eq3A_76 = arith.cmpi eq, %arg1, %eq3A_75 : i32
    %convert_element_type3A_77 = arith.extui %eq3A_76 : i1 to i32
    %cond3A_78 = arith.constant 0 : i32
    %cond3A_79 = arith.cmpi ne, %convert_element_type3A_77, %cond3A_78 : i32
    scf.if %cond3A_79 {
      "tpu.region"() ({
        %run_scoped3A = tpu.sem_alloc : memref<!tpu.dma_semaphore, #tpu.memory_space<semaphore_mem>>
        %dma_start3A_80 = arith.constant 0 : i32
        %dma_start3A_81 = arith.constant 0 : i32
        %dma_start3A_82 = tpu.memref_slice %arg10[%dma_start3A_80, %dma_start3A_81] : memref<128x64xf32, #tpu.memory_space<vmem>> -> memref<16x64xf32, #tpu.memory_space<vmem>>
        %dma_start3A_83 = arith.constant 9984 : i32
        %dma_start3A_84 = arith.constant 0 : i32
        %dma_start3A_85 = tpu.memref_slice %arg19[%dma_start3A_83, %dma_start3A_84] : memref<10000x64xf32, #tpu.memory_space<vmem_shared>> -> memref<16x64xf32, #tpu.memory_space<vmem_shared>>
        %dma_start3A_86 = arith.constant 0 : i32
        %dma_start3A_87 = arith.constant 0 : i32
        %dma_start3A_88 = tpu.memref_slice %arg10[%dma_start3A_86, %dma_start3A_87] : memref<128x64xf32, #tpu.memory_space<vmem>> -> memref<16x64xf32, #tpu.memory_space<vmem>>
        %dma_start3A_89 = arith.constant 9984 : i32
        %dma_start3A_90 = arith.constant 0 : i32
        %dma_start3A_91 = tpu.memref_slice %arg19[%dma_start3A_89, %dma_start3A_90] : memref<10000x64xf32, #tpu.memory_space<vmem_shared>> -> memref<16x64xf32, #tpu.memory_space<vmem_shared>>
        tpu.enqueue_dma source(%dma_start3A_91 : memref<16x64xf32, #tpu.memory_space<vmem_shared>>) target(%dma_start3A_88 : memref<16x64xf32, #tpu.memory_space<vmem>>) target_semaphore(%run_scoped3A : memref<!tpu.dma_semaphore, #tpu.memory_space<semaphore_mem>>)
        %dma_wait3A_92 = arith.constant 0 : i32
        %dma_wait3A_93 = arith.constant 0 : i32
        %dma_wait3A_94 = tpu.memref_slice %arg10[%dma_wait3A_92, %dma_wait3A_93] : memref<128x64xf32, #tpu.memory_space<vmem>> -> memref<16x64xf32, #tpu.memory_space<vmem>>
        %dma_wait3A_95 = arith.constant 9984 : i32
        %dma_wait3A_96 = arith.constant 0 : i32
        %dma_wait3A_97 = tpu.memref_slice %arg19[%dma_wait3A_95, %dma_wait3A_96] : memref<10000x64xf32, #tpu.memory_space<vmem_shared>> -> memref<16x64xf32, #tpu.memory_space<vmem_shared>>
        %dma_wait3A_98 = arith.constant 0 : i32
        %dma_wait3A_99 = arith.constant 0 : i32
        %dma_wait3A_100 = tpu.memref_slice %arg10[%dma_wait3A_98, %dma_wait3A_99] : memref<128x64xf32, #tpu.memory_space<vmem>> -> memref<16x64xf32, #tpu.memory_space<vmem>>
        %dma_wait3A_101 = arith.constant 9984 : i32
        %dma_wait3A_102 = arith.constant 0 : i32
        %dma_wait3A_103 = tpu.memref_slice %arg19[%dma_wait3A_101, %dma_wait3A_102] : memref<10000x64xf32, #tpu.memory_space<vmem_shared>> -> memref<16x64xf32, #tpu.memory_space<vmem_shared>>
        tpu.wait_dma2 semaphore(%run_scoped3A : memref<!tpu.dma_semaphore, #tpu.memory_space<semaphore_mem>>) src(%dma_wait3A_103 : memref<16x64xf32, #tpu.memory_space<vmem_shared>>) dst(%dma_wait3A_100 : memref<16x64xf32, #tpu.memory_space<vmem>>)
        tpu.yield
      }) : () -> ()
      "tpu.region"() ({
        %run_scoped3A = tpu.sem_alloc : memref<!tpu.dma_semaphore, #tpu.memory_space<semaphore_mem>>
        %dma_start3A_80 = arith.constant 0 : i32
        %dma_start3A_81 = arith.constant 0 : i32
        %dma_start3A_82 = tpu.memref_slice %arg10[%dma_start3A_80, %dma_start3A_81] : memref<128x64xf32, #tpu.memory_space<vmem>> -> memref<16x64xf32, #tpu.memory_space<vmem>>
        %dma_start3A_83 = arith.constant 9984 : i32
        %dma_start3A_84 = arith.constant 0 : i32
        %dma_start3A_85 = tpu.memref_slice %arg6[%arg0, %dma_start3A_83, %dma_start3A_84] : memref<2x10000x128xf32, #tpu.memory_space<hbm>> -> memref<1x16x64xf32, #tpu.memory_space<hbm>>
        %dma_start3A_86 = tpu.memref_squeeze %dma_start3A_85 : memref<1x16x64xf32, #tpu.memory_space<hbm>> -> memref<16x64xf32, #tpu.memory_space<hbm>>
        %dma_start3A_87 = arith.constant 9984 : i32
        %dma_start3A_88 = arith.constant 0 : i32
        %dma_start3A_89 = tpu.memref_slice %arg6[%arg0, %dma_start3A_87, %dma_start3A_88] : memref<2x10000x128xf32, #tpu.memory_space<hbm>> -> memref<1x16x64xf32, #tpu.memory_space<hbm>>
        %dma_start3A_90 = tpu.memref_squeeze %dma_start3A_89 : memref<1x16x64xf32, #tpu.memory_space<hbm>> -> memref<16x64xf32, #tpu.memory_space<hbm>>
        %dma_start3A_91 = arith.constant 0 : i32
        %dma_start3A_92 = arith.constant 0 : i32
        %dma_start3A_93 = tpu.memref_slice %arg10[%dma_start3A_91, %dma_start3A_92] : memref<128x64xf32, #tpu.memory_space<vmem>> -> memref<16x64xf32, #tpu.memory_space<vmem>>
        tpu.enqueue_dma source(%dma_start3A_93 : memref<16x64xf32, #tpu.memory_space<vmem>>) target(%dma_start3A_90 : memref<16x64xf32, #tpu.memory_space<hbm>>) target_semaphore(%run_scoped3A : memref<!tpu.dma_semaphore, #tpu.memory_space<semaphore_mem>>)
        %dma_wait3A_94 = arith.constant 0 : i32
        %dma_wait3A_95 = arith.constant 0 : i32
        %dma_wait3A_96 = tpu.memref_slice %arg10[%dma_wait3A_94, %dma_wait3A_95] : memref<128x64xf32, #tpu.memory_space<vmem>> -> memref<16x64xf32, #tpu.memory_space<vmem>>
        %dma_wait3A_97 = arith.constant 9984 : i32
        %dma_wait3A_98 = arith.constant 0 : i32
        %dma_wait3A_99 = tpu.memref_slice %arg6[%arg0, %dma_wait3A_97, %dma_wait3A_98] : memref<2x10000x128xf32, #tpu.memory_space<hbm>> -> memref<1x16x64xf32, #tpu.memory_space<hbm>>
        %dma_wait3A_100 = tpu.memref_squeeze %dma_wait3A_99 : memref<1x16x64xf32, #tpu.memory_space<hbm>> -> memref<16x64xf32, #tpu.memory_space<hbm>>
        %dma_wait3A_101 = arith.constant 9984 : i32
        %dma_wait3A_102 = arith.constant 0 : i32
        %dma_wait3A_103 = tpu.memref_slice %arg6[%arg0, %dma_wait3A_101, %dma_wait3A_102] : memref<2x10000x128xf32, #tpu.memory_space<hbm>> -> memref<1x16x64xf32, #tpu.memory_space<hbm>>
        %dma_wait3A_104 = tpu.memref_squeeze %dma_wait3A_103 : memref<1x16x64xf32, #tpu.memory_space<hbm>> -> memref<16x64xf32, #tpu.memory_space<hbm>>
        %dma_wait3A_105 = arith.constant 0 : i32
        %dma_wait3A_106 = arith.constant 0 : i32
        %dma_wait3A_107 = tpu.memref_slice %arg10[%dma_wait3A_105, %dma_wait3A_106] : memref<128x64xf32, #tpu.memory_space<vmem>> -> memref<16x64xf32, #tpu.memory_space<vmem>>
        tpu.wait_dma2 semaphore(%run_scoped3A : memref<!tpu.dma_semaphore, #tpu.memory_space<semaphore_mem>>) src(%dma_wait3A_107 : memref<16x64xf32, #tpu.memory_space<vmem>>) dst(%dma_wait3A_104 : memref<16x64xf32, #tpu.memory_space<hbm>>)
        tpu.yield
      }) : () -> ()
    } else {
    }
    return
  }
}

module attributes {stable_mosaic.version = 14 : i64} {
  func.func @_mid_kernel(%arg0: memref<10000x128xf32, #tpu.memory_space<vmem>>, %arg1: memref<128x64xf32, #tpu.memory_space<vmem>>, %arg2: memref<128x64xf32, #tpu.memory_space<vmem>>, %arg3: memref<128x64xf32, #tpu.memory_space<vmem>>, %arg4: memref<128x64xf32, #tpu.memory_space<vmem>>, %arg5: memref<10000x2xf32, #tpu.memory_space<vmem>>, %arg6: memref<2x10000x64xf32, #tpu.memory_space<vmem>>) attributes {dimension_semantics = [], scalar_prefetch = 0 : i64, scratch_operands = 0 : i64, tpu.core_type = #tpu.core_type<tc>} {
    %get3A = arith.constant 0 : index
    %get3A_0 = arith.constant 0 : index
    %get3A_1 = vector.load %arg1[%get3A, %get3A_0] : memref<128x64xf32, #tpu.memory_space<vmem>>, vector<128x64xf32>
    %get3A_2 = arith.constant 0 : index
    %get3A_3 = arith.constant 0 : index
    %get3A_4 = vector.load %arg2[%get3A_2, %get3A_3] : memref<128x64xf32, #tpu.memory_space<vmem>>, vector<64x64xf32>
    %dot_general3A = arith.constant dense<0.000000e+00> : vector<128x64xf32>
    %dot_general3A_5 = tpu.matmul %get3A_1, %get3A_4, %dot_general3A {dimension_numbers = #tpu.dot_dimension_numbers<[1], [0], [0], [1], [0, 0, 1, 1], [], []>, transpose_lhs_hint = false} : vector<128x64xf32>, vector<64x64xf32>, vector<128x64xf32> -> vector<128x64xf32>
    %get3A_6 = arith.constant 0 : index
    %get3A_7 = arith.constant 0 : index
    %get3A_8 = vector.load %arg3[%get3A_6, %get3A_7] : memref<128x64xf32, #tpu.memory_space<vmem>>, vector<128x64xf32>
    %get3A_9 = arith.constant 0 : index
    %get3A_10 = arith.constant 0 : index
    %get3A_11 = vector.load %arg4[%get3A_9, %get3A_10] : memref<128x64xf32, #tpu.memory_space<vmem>>, vector<64x64xf32>
    %dot_general3A_12 = arith.constant dense<0.000000e+00> : vector<128x64xf32>
    %dot_general3A_13 = tpu.matmul %get3A_8, %get3A_11, %dot_general3A_12 {dimension_numbers = #tpu.dot_dimension_numbers<[1], [0], [0], [1], [0, 0, 1, 1], [], []>, transpose_lhs_hint = false} : vector<128x64xf32>, vector<64x64xf32>, vector<128x64xf32> -> vector<128x64xf32>
    %get3A_14 = arith.constant 0 : index
    %get3A_15 = arith.constant 0 : index
    %get3A_16 = vector.load %arg5[%get3A_14, %get3A_15] : memref<10000x2xf32, #tpu.memory_space<vmem>>, vector<10000x1xf32>
    %add3A = arith.constant 1.000000e+00 : f32
    %add3A_17 = vector.broadcast %add3A : f32 to vector<10000x1xf32>
    %add3A_18 = arith.addf %add3A_17, %get3A_16 : vector<10000x1xf32>
    %get3A_19 = arith.constant 0 : index
    %get3A_20 = arith.constant 1 : index
    %get3A_21 = vector.load %arg5[%get3A_19, %get3A_20] : memref<10000x2xf32, #tpu.memory_space<vmem>>, vector<10000x1xf32>
    %add3A_22 = arith.addf %add3A_18, %get3A_21 : vector<10000x1xf32>
    %rsqrt3A = math.rsqrt %add3A_22 : vector<10000x1xf32>
    %get3A_23 = arith.constant 0 : index
    %get3A_24 = arith.constant 0 : index
    %get3A_25 = vector.load %arg0[%get3A_23, %get3A_24] : memref<10000x128xf32, #tpu.memory_space<vmem>>, vector<10000x128xf32>
    %dot_general3A_26 = arith.constant dense<0.000000e+00> : vector<10000x64xf32>
    %dot_general3A_27 = tpu.matmul %get3A_25, %dot_general3A_5, %dot_general3A_26 {dimension_numbers = #tpu.dot_dimension_numbers<[1], [0], [0], [1], [0, 0, 1, 1], [], []>, transpose_lhs_hint = false} : vector<10000x128xf32>, vector<128x64xf32>, vector<10000x64xf32> -> vector<10000x64xf32>
    %mul3A = vector.broadcast %rsqrt3A : vector<10000x1xf32> to vector<10000x64xf32>
    %mul3A_28 = arith.mulf %dot_general3A_27, %mul3A : vector<10000x64xf32>
    %swap3A = arith.constant 0 : index
    %swap3A_29 = arith.constant 0 : index
    %swap3A_30 = arith.constant 0 : index
    %swap3A_31 = vector.load %arg6[%swap3A, %swap3A_29, %swap3A_30] : memref<2x10000x64xf32, #tpu.memory_space<vmem>>, vector<1x10000x64xf32>
    %swap3A_32 = vector.shape_cast %swap3A_31 : vector<1x10000x64xf32> to vector<10000x64xf32>
    %swap3A_33 = vector.shape_cast %mul3A_28 : vector<10000x64xf32> to vector<1x10000x64xf32>
    tpu.vector_store %arg6[%swap3A, %swap3A_29, %swap3A_30], %swap3A_33 {strides = array<i32>} : memref<2x10000x64xf32, #tpu.memory_space<vmem>>, vector<1x10000x64xf32>,
    %get3A_34 = arith.constant 0 : index
    %get3A_35 = arith.constant 0 : index
    %get3A_36 = vector.load %arg0[%get3A_34, %get3A_35] : memref<10000x128xf32, #tpu.memory_space<vmem>>, vector<10000x128xf32>
    %dot_general3A_37 = arith.constant dense<0.000000e+00> : vector<10000x64xf32>
    %dot_general3A_38 = tpu.matmul %get3A_36, %dot_general3A_13, %dot_general3A_37 {dimension_numbers = #tpu.dot_dimension_numbers<[1], [0], [0], [1], [0, 0, 1, 1], [], []>, transpose_lhs_hint = false} : vector<10000x128xf32>, vector<128x64xf32>, vector<10000x64xf32> -> vector<10000x64xf32>
    %mul3A_39 = vector.broadcast %rsqrt3A : vector<10000x1xf32> to vector<10000x64xf32>
    %mul3A_40 = arith.mulf %dot_general3A_38, %mul3A_39 : vector<10000x64xf32>
    %swap3A_41 = arith.constant 1 : index
    %swap3A_42 = arith.constant 0 : index
    %swap3A_43 = arith.constant 0 : index
    %swap3A_44 = vector.load %arg6[%swap3A_41, %swap3A_42, %swap3A_43] : memref<2x10000x64xf32, #tpu.memory_space<vmem>>, vector<1x10000x64xf32>
    %swap3A_45 = vector.shape_cast %swap3A_44 : vector<1x10000x64xf32> to vector<10000x64xf32>
    %swap3A_46 = vector.shape_cast %mul3A_40 : vector<10000x64xf32> to vector<1x10000x64xf32>
    tpu.vector_store %arg6[%swap3A_41, %swap3A_42, %swap3A_43], %swap3A_46 {strides = array<i32>} : memref<2x10000x64xf32, #tpu.memory_space<vmem>>, vector<1x10000x64xf32>,
    return
  }
}

module attributes {stable_mosaic.version = 14 : i64} {
  func.func @_final_kernel(%arg0: memref<2x10000x128xf32, #tpu.memory_space<vmem>>, %arg1: memref<2x10000x64xf32, #tpu.memory_space<vmem>>, %arg2: memref<10000x2xf32, #tpu.memory_space<vmem>>, %arg3: memref<1x64xf32, #tpu.memory_space<vmem>>, %arg4: memref<1x64xf32, #tpu.memory_space<vmem>>, %arg5: memref<1x64xf32, #tpu.memory_space<vmem>>, %arg6: memref<1x64xf32, #tpu.memory_space<vmem>>, %arg7: memref<128x64xf32, #tpu.memory_space<vmem>>, %arg8: memref<128x64xf32, #tpu.memory_space<vmem>>, %arg9: memref<64x1xf32, #tpu.memory_space<vmem>>, %arg10: memref<1x1xf32, #tpu.memory_space<vmem>>, %arg11: memref<10000x1xf32, #tpu.memory_space<vmem>>, %arg12: memref<10000x64xf32, #tpu.memory_space<vmem>>) attributes {dimension_semantics = [], scalar_prefetch = 0 : i64, scratch_operands = 0 : i64, tpu.core_type = #tpu.core_type<tc>} {
    %get3A = arith.constant 0 : index
    %get3A_0 = arith.constant 0 : index
    %get3A_1 = vector.load %arg2[%get3A, %get3A_0] : memref<10000x2xf32, #tpu.memory_space<vmem>>, vector<10000x1xf32>
    %add3A = arith.constant 1.000000e+00 : f32
    %add3A_2 = vector.broadcast %add3A : f32 to vector<10000x1xf32>
    %add3A_3 = arith.addf %add3A_2, %get3A_1 : vector<10000x1xf32>
    %get3A_4 = arith.constant 0 : index
    %get3A_5 = arith.constant 1 : index
    %get3A_6 = vector.load %arg2[%get3A_4, %get3A_5] : memref<10000x2xf32, #tpu.memory_space<vmem>>, vector<10000x1xf32>
    %add3A_7 = arith.addf %add3A_3, %get3A_6 : vector<10000x1xf32>
    %rsqrt3A = math.rsqrt %add3A_7 : vector<10000x1xf32>
    %get3A_8 = arith.constant 0 : index
    %get3A_9 = arith.constant 0 : index
    %get3A_10 = arith.constant 0 : index
    %get3A_11 = vector.load %arg0[%get3A_8, %get3A_9, %get3A_10] : memref<2x10000x128xf32, #tpu.memory_space<vmem>>, vector<1x10000x128xf32>
    %get3A_12 = vector.shape_cast %get3A_11 : vector<1x10000x128xf32> to vector<10000x128xf32>
    %slice3A = vector.extract_strided_slice %get3A_12 {offsets = [0, 0], sizes = [10000, 64], strides = [1, 1]} : vector<10000x128xf32> to vector<10000x64xf32>
    %get3A_13 = arith.constant 0 : index
    %get3A_14 = arith.constant 0 : index
    %get3A_15 = arith.constant 0 : index
    %get3A_16 = vector.load %arg1[%get3A_13, %get3A_14, %get3A_15] : memref<2x10000x64xf32, #tpu.memory_space<vmem>>, vector<1x10000x64xf32>
    %get3A_17 = vector.shape_cast %get3A_16 : vector<1x10000x64xf32> to vector<10000x64xf32>
    %add3A_18 = arith.addf %slice3A, %get3A_17 : vector<10000x64xf32>
    %mul3A = vector.broadcast %rsqrt3A : vector<10000x1xf32> to vector<10000x64xf32>
    %mul3A_19 = arith.mulf %add3A_18, %mul3A : vector<10000x64xf32>
    %get3A_20 = arith.constant 1 : index
    %get3A_21 = arith.constant 0 : index
    %get3A_22 = arith.constant 0 : index
    %get3A_23 = vector.load %arg0[%get3A_20, %get3A_21, %get3A_22] : memref<2x10000x128xf32, #tpu.memory_space<vmem>>, vector<1x10000x128xf32>
    %get3A_24 = vector.shape_cast %get3A_23 : vector<1x10000x128xf32> to vector<10000x128xf32>
    %slice3A_25 = vector.extract_strided_slice %get3A_24 {offsets = [0, 0], sizes = [10000, 64], strides = [1, 1]} : vector<10000x128xf32> to vector<10000x64xf32>
    %get3A_26 = arith.constant 1 : index
    %get3A_27 = arith.constant 0 : index
    %get3A_28 = arith.constant 0 : index
    %get3A_29 = vector.load %arg1[%get3A_26, %get3A_27, %get3A_28] : memref<2x10000x64xf32, #tpu.memory_space<vmem>>, vector<1x10000x64xf32>
    %get3A_30 = vector.shape_cast %get3A_29 : vector<1x10000x64xf32> to vector<10000x64xf32>
    %add3A_31 = arith.addf %slice3A_25, %get3A_30 : vector<10000x64xf32>
    %mul3A_32 = vector.broadcast %rsqrt3A : vector<10000x1xf32> to vector<10000x64xf32>
    %mul3A_33 = arith.mulf %add3A_31, %mul3A_32 : vector<10000x64xf32>
    %get3A_34 = arith.constant 0 : index
    %get3A_35 = arith.constant 0 : index
    %get3A_36 = vector.load %arg3[%get3A_34, %get3A_35] : memref<1x64xf32, #tpu.memory_space<vmem>>, vector<1x64xf32>
    %get3A_37 = arith.constant 0 : index
    %get3A_38 = arith.constant 0 : index
    %get3A_39 = vector.load %arg7[%get3A_37, %get3A_38] : memref<128x64xf32, #tpu.memory_space<vmem>>, vector<64x64xf32>
    %dot_general3A = arith.constant dense<0.000000e+00> : vector<1x64xf32>
    %dot_general3A_40 = tpu.matmul %get3A_36, %get3A_39, %dot_general3A {dimension_numbers = #tpu.dot_dimension_numbers<[1], [0], [0], [1], [0, 0, 1, 1], [], []>, transpose_lhs_hint = false} : vector<1x64xf32>, vector<64x64xf32>, vector<1x64xf32> -> vector<1x64xf32>
    %get3A_41 = arith.constant 0 : index
    %get3A_42 = arith.constant 0 : index
    %get3A_43 = vector.load %arg4[%get3A_41, %get3A_42] : memref<1x64xf32, #tpu.memory_space<vmem>>, vector<1x64xf32>
    %add3A_44 = arith.addf %dot_general3A_40, %get3A_43 : vector<1x64xf32>
    %get3A_45 = arith.constant 0 : index
    %get3A_46 = arith.constant 0 : index
    %get3A_47 = vector.load %arg5[%get3A_45, %get3A_46] : memref<1x64xf32, #tpu.memory_space<vmem>>, vector<1x64xf32>
    %get3A_48 = arith.constant 0 : index
    %get3A_49 = arith.constant 0 : index
    %get3A_50 = vector.load %arg8[%get3A_48, %get3A_49] : memref<128x64xf32, #tpu.memory_space<vmem>>, vector<64x64xf32>
    %dot_general3A_51 = arith.constant dense<0.000000e+00> : vector<1x64xf32>
    %dot_general3A_52 = tpu.matmul %get3A_47, %get3A_50, %dot_general3A_51 {dimension_numbers = #tpu.dot_dimension_numbers<[1], [0], [0], [1], [0, 0, 1, 1], [], []>, transpose_lhs_hint = false} : vector<1x64xf32>, vector<64x64xf32>, vector<1x64xf32> -> vector<1x64xf32>
    %get3A_53 = arith.constant 0 : index
    %get3A_54 = arith.constant 0 : index
    %get3A_55 = vector.load %arg6[%get3A_53, %get3A_54] : memref<1x64xf32, #tpu.memory_space<vmem>>, vector<1x64xf32>
    %add3A_56 = arith.addf %dot_general3A_52, %get3A_55 : vector<1x64xf32>
    %add3A_57 = vector.broadcast %add3A_44 : vector<1x64xf32> to vector<10000x64xf32>
    %add3A_58 = arith.addf %mul3A_19, %add3A_57 : vector<10000x64xf32>
    %logistic3A = arith.negf %add3A_58 : vector<10000x64xf32>
    %logistic3A_59 = math.exp %logistic3A : vector<10000x64xf32>
    %logistic3A_60 = arith.constant 1.000000e+00 : f32
    %logistic3A_61 = vector.broadcast %logistic3A_60 : f32 to vector<10000x64xf32>
    %logistic3A_62 = arith.addf %logistic3A_61, %logistic3A_59 : vector<10000x64xf32>
    %logistic3A_63 = arith.divf %logistic3A_61, %logistic3A_62 : vector<10000x64xf32>
    %add3A_64 = vector.broadcast %add3A_56 : vector<1x64xf32> to vector<10000x64xf32>
    %add3A_65 = arith.addf %mul3A_33, %add3A_64 : vector<10000x64xf32>
    %tanh3A = math.tanh %add3A_65 : vector<10000x64xf32>
    %sub3A = arith.constant 1.000000e+00 : f32
    %sub3A_66 = vector.broadcast %sub3A : f32 to vector<10000x64xf32>
    %sub3A_67 = arith.subf %sub3A_66, %logistic3A_63 : vector<10000x64xf32>
    %mul3A_68 = arith.mulf %sub3A_67, %tanh3A : vector<10000x64xf32>
    %max3A = arith.constant 0.000000e+00 : f32
    %max3A_69 = vector.broadcast %max3A : f32 to vector<10000x64xf32>
    %max3A_70 = arith.maximumf %mul3A_68, %max3A_69 : vector<10000x64xf32>
    %get3A_71 = arith.constant 0 : index
    %get3A_72 = arith.constant 0 : index
    %get3A_73 = vector.load %arg9[%get3A_71, %get3A_72] : memref<64x1xf32, #tpu.memory_space<vmem>>, vector<64x1xf32>
    %dot_general3A_74 = arith.constant dense<0.000000e+00> : vector<10000x1xf32>
    %dot_general3A_75 = tpu.matmul %max3A_70, %get3A_73, %dot_general3A_74 {dimension_numbers = #tpu.dot_dimension_numbers<[1], [0], [0], [1], [0, 0, 1, 1], [], []>, transpose_lhs_hint = false} : vector<10000x64xf32>, vector<64x1xf32>, vector<10000x1xf32> -> vector<10000x1xf32>
    %get3A_76 = arith.constant 0 : index
    %get3A_77 = arith.constant 0 : index
    %get3A_78 = vector.load %arg10[%get3A_76, %get3A_77] : memref<1x1xf32, #tpu.memory_space<vmem>>, vector<1x1xf32>
    %add3A_79 = vector.broadcast %get3A_78 : vector<1x1xf32> to vector<10000x1xf32>
    %add3A_80 = arith.addf %dot_general3A_75, %add3A_79 : vector<10000x1xf32>
    %swap3A = arith.constant 0 : index
    %swap3A_81 = arith.constant 0 : index
    %swap3A_82 = vector.load %arg11[%swap3A, %swap3A_81] : memref<10000x1xf32, #tpu.memory_space<vmem>>, vector<10000x1xf32>
    tpu.vector_store %arg11[%swap3A, %swap3A_81], %add3A_80 {strides = array<i32>} : memref<10000x1xf32, #tpu.memory_space<vmem>>, vector<10000x1xf32>,
    %swap3A_83 = arith.constant 0 : index
    %swap3A_84 = arith.constant 0 : index
    %swap3A_85 = vector.load %arg12[%swap3A_83, %swap3A_84] : memref<10000x64xf32, #tpu.memory_space<vmem>>, vector<10000x64xf32>
    tpu.vector_store %arg12[%swap3A_83, %swap3A_84], %mul3A_68 {strides = array<i32>} : memref<10000x64xf32, #tpu.memory_space<vmem>>, vector<10000x64xf32>,
    return
  }
}

</mosaic_0001>

<sc_bundles>
// kernel: kernel.6.cloned.1.call-start
scs
__scs_entry_jumppad:
0x0: {  	(pc) =	sbr.rel $0x88, $3  }
0x1: {  	(tag) =	ssettag $0x0;
	lr =	simm.s32 $0x1  }
0x2: {  	[smem:$0x3F94] =	sst lr;
	_ =	strace $0xD0000000  }
0x3: {  	_ = 	snop  }
0x4: {  	_ = 	snop  }
0x5: {  	_ = 	snop  }
0x6: {  	_ = 	snop  }
0x7: {  	_ = 	snop  }
__scs_overlays_trampoline_lowered:
0x8: {  	[smem:$0x3FA3] =	sst s0  }
0x9: {  	[smem:$0x3FA4] =	sst s1  }
0xa: {  	[smem:$0x3FA5] =	sst s2  }
0xb: {  	[smem:$0x3FA6] =	sst s3  }
0xc: {  	[smem:$0x3FA7] =	sst s4  }
0xd: {  	[smem:$0x3FA8] =	sst s5  }
0xe: {  	[smem:$0x3FA9] =	sst s6  }
0xf: {  	[smem:$0x3FAA] =	sst s7  }
0x10: {  	[smem:$0x3FAB] =	sst s8  }
0x11: {  	[smem:$0x3FAC] =	sst s9;
	s0 =	simm.s32 @!p0 $0x0  }
0x12: {  	s1 =	sld [smem:$0x3F92];
	s0 =	simm.s32 @p0 $0x1  }
0x13: {  	[smem:$0x3FAD] =	sst s0;
	s0 =	simm.s32 @!p1 $0x0  }
0x14: {  	s2 =	sld [smem:$0x3F91];
	s0 =	simm.s32 @p1 $0x1  }
0x15: {  	[smem:$0x3FAE] =	sst s0;
	s0 =	simm.s32 @!p2 $0x0  }
0x16: {  	s3 =	sld [smem:$0x3FDB];
	s0 =	simm.s32 @p2 $0x1  }
0x17: {  	s4 =	simm.s32 $0x1BF5;
	[smem:$0x3FB0] =	sst s0  }
0x18: {  	s0 =	sld [smem:$0x3F93];
	_ =	swait.ge [sflag:s4], $0x0  }
0x19: {  	s7 =	sld [smem:$0x3F94]  }
0x1a: {  	s8 =	sadd.s32 $0xFFFFE003, lr  }
0x1b: {  	s9 =	sadd.s32 $0xFFFFFEF7, lr;
	s5 =	simm.s32 $0xFFFFFFFF;
	p2 =	slt.u32 s8, $0xFFFFF086  }
0x1c: {  	p1 =	slt.u32 s9, $0xF7A;
	s5 =	simm.s32 @!p2 $0x0  }
0x1d: {  	s5 =	simm.s32 @p1 $0x1;
	p0 =	seq.s32 s7, s2  }
0x1e: {  	s7 =	smul.u32 @!p0 $0xF7A, s2;
	p2 =	seq.s32 @!p0 s5, $0x0  }
0x1f: {  	s9 =	smul.u32 $0xF7A, s1;
	s8 =	simm.s32 @!p0 $0x1BF5;
	p2 =	por !p2, p0  }
0x20: {  	[sflag:s8] =	ssyncset.s32 @!p0 $0xFFFFF086;
	s6 =	sadd.s32 @!p0 s3, s7;
	s7 =	simm.s32 @!p0 $0x108  }
0x21: {  	s3 =	sadd.s32 s3, s9;
	s6 =	sadd.s32 @!p0 $0x88, s6;
	s7 =	simm.s32 @p2 $0x1082  }
0x22: {  	[simem:s7], [sflag:s8] =	dma.local @!p0 [hbm:s6], $0xF7A  }
0x23: {  	s9 =	sor.u32 $0xD0000000, s2;
	s6 =	simm.s32 $0x108;
	_ =	swait.ge @!p0 [sflag:s8], $0x0  }
0x24: {  	s3 =	sadd.s32 $0x88, s3;
	s6 =	simm.s32 @!p1 $0x1082;
	[sflag:s4] =	ssyncset.s32 $0xFFFFF086  }
0x25: {  	[simem:s6], [sflag:s4] =	dma.local [hbm:s3], $0xF7A  }
0x26: {  	[smem:$0x3F94] =	sst s1;
	(tag) =	ssettag s2;
	_ =	strace s9  }
0x27: {  	s1 =	sld [smem:$0x3FA4]  }
0x28: {  	s2 =	sld [smem:$0x3FA5]  }
0x29: {  	s4 =	sld [smem:$0x3FA7]  }
0x2a: {  	p0 =	seq.s32 s5, $0x0;
	s5 =	sld [smem:$0x3FA8]  }
0x2b: {  	s6 =	sld [smem:$0x3FA9]  }
0x2c: {  	s7 =	sld [smem:$0x3FAA]  }
0x2d: {  	s3 =	simm.s32 $0x108;
	s8 =	sld [smem:$0x3FAB]  }
0x2e: {  	s3 =	simm.s32 @!p0 $0x1082;
	s9 =	sld [smem:$0x3FAC]  }
0x2f: {  	lr =	sadd.s32 s0, s3;
	s0 =	sld [smem:$0x3FA3]  }
0x30: {  	s3 =	sld [smem:$0x3FA6]  }
0x31: {  	[smem:$0x3FAF] =	sst s10  }
0x32: {  	s10 =	sld [smem:$0x3FAD];
	_ =	sdelay $0x3  }
0x33: {  	p0 =	seq.s32 s10, $0x1;
	s10 =	sld [smem:$0x3FAF];
	_ =	sdelay $0x3  }
0x34: {  	[smem:$0x3FAF] =	sst s10  }
0x35: {  	s10 =	sld [smem:$0x3FAE];
	_ =	sdelay $0x3  }
0x36: {  	p1 =	seq.s32 s10, $0x1;
	s10 =	sld [smem:$0x3FAF];
	_ =	sdelay $0x3  }
0x37: {  	[smem:$0x3FAF] =	sst s10  }
0x38: {  	s10 =	sld [smem:$0x3FB0]  }
0x39: {  	_ = 	snop;
	(pc) =	sbr.ind lr, $3  }
0x3a: {  	_ = 	snop  }
0x3b: {  	_ = 	snop  }
0x3c: {  	p2 =	seq.s32 s10, $0x1;
	s10 =	sld [smem:$0x3FAF]  }
0x3d: {  	_ =	shalt  }
0x3e: {  	_ =	shalt  }
0x3f: {  	_ =	shalt  }
0x40: {  	_ =	shalt  }
0x41: {  	_ =	shalt  }
0x42: {  	_ =	shalt  }
0x43: {  	_ =	shalt  }
0x44: {  	_ =	shalt  }
0x45: {  	_ =	shalt  }
0x46: {  	_ =	shalt  }
0x47: {  	_ =	shalt  }
0x48: {  	_ =	shalt  }
0x49: {  	_ =	shalt  }
0x4a: {  	_ =	shalt  }
0x4b: {  	_ =	shalt  }
0x4c: {  	_ =	shalt  }
0x4d: {  	_ =	shalt  }
0x4e: {  	_ =	shalt  }
0x4f: {  	_ =	shalt  }
0x50: {  	_ =	shalt  }
0x51: {  	_ =	shalt  }
0x52: {  	_ =	shalt  }
0x53: {  	_ =	shalt  }
0x54: {  	_ =	shalt  }
0x55: {  	_ =	shalt  }
0x56: {  	_ =	shalt  }
0x57: {  	_ =	shalt  }
0x58: {  	_ =	shalt  }
0x59: {  	_ =	shalt  }
0x5a: {  	_ =	shalt  }
0x5b: {  	_ =	shalt  }
0x5c: {  	_ =	shalt  }
0x5d: {  	_ =	shalt  }
0x5e: {  	_ =	shalt  }
0x5f: {  	_ =	shalt  }
0x60: {  	_ =	shalt  }
0x61: {  	_ =	shalt  }
0x62: {  	_ =	shalt  }
0x63: {  	_ =	shalt  }
0x64: {  	_ =	shalt  }
0x65: {  	_ =	shalt  }
0x66: {  	_ =	shalt  }
0x67: {  	_ =	shalt  }
0x68: {  	_ =	shalt  }
0x69: {  	_ =	shalt  }
0x6a: {  	_ =	shalt  }
0x6b: {  	_ =	shalt  }
0x6c: {  	_ =	shalt  }
0x6d: {  	_ =	shalt  }
0x6e: {  	_ =	shalt  }
0x6f: {  	_ =	shalt  }
0x70: {  	_ =	shalt  }
0x71: {  	_ =	shalt  }
0x72: {  	_ =	shalt  }
0x73: {  	_ =	shalt  }
0x74: {  	_ =	shalt  }
0x75: {  	_ =	shalt  }
0x76: {  	_ =	shalt  }
0x77: {  	_ =	shalt  }
0x78: {  	_ =	shalt  }
0x79: {  	_ =	shalt  }
0x7a: {  	_ =	shalt  }
0x7b: {  	_ =	shalt  }
0x7c: {  	_ =	shalt  }
0x7d: {  	_ =	shalt  }
0x7e: {  	_ =	shalt  }
0x7f: {  	_ =	shalt  }
0x80: {  	_ =	shalt  }
0x81: {  	_ =	shalt  }
0x82: {  	_ =	shalt  }
0x83: {  	_ =	shalt  }
0x84: {  	_ =	shalt  }
0x85: {  	_ =	shalt  }
0x86: {  	_ =	shalt  }
0x87: {  	_ =	shalt  }
.Lfunc_end0:
.L_simem_size_0:
called_computation_lowered:
.L_overlay_start_0:
0x88: {  	s2 =	sld [smem:$0x3FD9]  }
0x89: {  	s3 =	sld [smem:$0x3FFE];
	_ =	sdelay $0x1  }
0x8a: {  	s1 =	srdreg.scid  }
0x8b: {  	s0 =	sand.u32 $0x1, s1  }
0x8c: {  	s14 =	sshll.u32 s0, $0xA;
	s2 =	sadd.s32 s3, s2  }
0x8d: {  	s2 =	sadd.s32 s2, s14  }
0x8e: {  	[smem:$0x3FBB] =	sst s2  }
0x8f: {  	_ = 	snop  }
0x90: {  	s2 =	sld [smem:$0x3FD0];
	_ =	sdelay $0x2  }
0x91: {  	s15 =	simm.s32 $0xA;
	s4 =	simm.s32 $0x10  }
0x92: {  	[smem:s4], [sflag:s15] =	dma.local [hbm:s2], $0x1  }
0x93: {  	_ =	swait.eq [sflag:s15], $0x1  }
0x94: {  	[sflag:s15] =	ssyncset.done $0x0  }
0x95: {  	[sflag:s15] =	ssyncadd.s32 $0xFFFFFFFF  }
0x96: {  	s16 =	sld [smem:$0x11];
	(tm) =	ssettm $0x1  }
0x97: {  	s17 =	sld [smem:$0x3FFB];
	_ =	sdelay $0x3  }
0x98: {  	_ =	strace s17  }
0x99: {  	s3 =	sld [smem:$0x3FFC];
	_ =	sdelay $0x3  }
0x9a: {  	_ =	strace s3  }
0x9b: {  	s3 =	sld [smem:$0x3FFD];
	_ =	sdelay $0x3  }
0x9c: {  	_ =	strace s3  }
0x9d: {  	_ =	strace $0x8FFFFFFF  }
0x9e: {  	s18 =	sld [smem:$0x3FDB];
	_ =	sdelay $0x1  }
0x9f: {  	s19 =	simm.s32 $_scs_section_size  }
0xa0: {  	s5 =	simm.s32 $_size__tile_overlayer_lowered;
	s6 =	simm.s32 $_tile_overlayer_lowered  }
0xa1: {  	s22 =	simm.s32 $0x1BFF;
	s21 =	sshll.u32 s6, $0x1;
	s3 =	sadd.s32 s19, s18  }
0xa2: {  	s7 =	simm.s32 $0x0;
	s20 =	sshll.u32 s5, $0x1;
	s5 =	sadd.s32 s21, s3  }
0xa3: {  	[timem:s7], [sflag:s22] =	dma.local [hbm:s5], s20  }
0xa4: {  	_ =	swait.ge [sflag:s22], s20  }
0xa5: {  	s4 =	ssub.s32 $0x0, s20;
	[sflag:s22] =	ssyncset.done $0x0  }
0xa6: {  	[sflag:s22] =	ssyncadd.s32 s4;
	_ =	sdelay $0x1  }
0xa7: {  	s23 =	simm.s32 $0x1B8B  }
0xa8: {  	_ =	swait.ge [sflag:s23], $0x1  }
0xa9: {  	[sflag:s23] =	ssyncset.done $0x0  }
0xaa: {  	s25 =	simm.s32 $0x1B8E;
	s24 =	sld [smem:$0x3FFE];
	[sflag:s23] =	ssyncadd.s32 $0xFFFFFFFF  }
0xab: {  	s26 =	simm.s32 $execute0_lowered;
	[smem:$0x3FD2] =	sst s25  }
0xac: {  	s5 =	sshll.u32 s26, $0x1;
	_ =	strace $0x80000046;
	[dreg:$0x1] =	wrdreg $0xFFFFFFFF  }
0xad: {  	s28 =	simm.s32 $_size_execute0_lowered;
	s3 =	sadd.s32 s3, s5;
	[dreg:$0x0] =	wrdreg $0x0  }
0xae: {  	s5 =	sshll.u32 s28, $0x1;
	[dreg:$0x2] =	wrdreg s3  }
0xaf: {  	[dreg:$0x3] =	wrdreg s5  }
0xb0: {  	[dreg:$0x4] =	wrdreg $0xC0  }
0xb1: {  	_ =	task [dreg:s7], $0x5FFFF  }
0xb2: {  	[dreg:$0x1] =	wrdreg $0xFFFFFFFF  }
0xb3: {  	[dreg:$0x0] =	wrdreg $0x60  }
0xb4: {  	[dreg:$0x2] =	wrdreg s16  }
0xb5: {  	[dreg:$0x3] =	wrdreg s24  }
0xb6: {  	[dreg:$0x4] =	wrdreg $0x57000  }
0xb7: {  	[dreg:$0x5] =	wrdreg $0x9  }
0xb8: {  	_ =	task.clear_ibuf [dreg:s7], $0x6FFFF;
	_ =	strace $0x90000046  }
0xb9: {  	s29 =	simm.s32 $0x9;
	_ =	strace $0x80000048  }
0xba: {  	_ =	swait.ge [sflag:s29], $0x1  }
0xbb: {  	[sflag:s29] =	ssyncadd.s32 $0xFFFFFFFF  }
0xbc: {  	_ =	strace $0x90000048  }
0xbd: {  	_ =	sfence  }
0xbe: {  	s30 =	sld [smem:$0x0];
	_ =	sdelay $0x2  }
0xbf: {  	s31 =	sshll.u32 s1, $0xD;
	s1 =	sshrl.u32 s1, $0x2  }
0xc0: {  	s3 =	sand.u32 $0x4000, s31;
	s1 =	sadd.s32 s1, s30  }
0xc1: {  	s0 =	sor.u32 s3, s0;
	s1 =	sshll.u32 s1, $0x11  }
0xc2: {  	s0 =	sor.u32 s1, s0  }
0xc3: {  	s0 =	sadd.s32 $0x8F2B, s0  }
0xc4: {  	[sflag:s0] =	ssyncadd.remote.s32 $0x1  }
0xc5: {  	_ =	sfence.sel $0xFFFF  }
0xc6: {  	[dreg:$0x0] =	wrdreg $0xFFFFFFFF;
	(pc) =	sbr.abs _section_cstart, $3  }
0xc7: {  	[dreg:$0x1] =	wrdreg $0xFFFFFFFF  }
0xc8: {  	_ =	task.clear_ibuf [dreg:s7], $0x2FFFF;
	_ =	strace $0x9FFFFFFF  }
0xc9: {  	(tm) =	ssettm $0x7FFFFFFF  }
tec
execute0_lowered:
.L_overlay_start_1:
0x0: {  	(tag) =	ssettag $0x1  }
0x1: {  	s4 =	rddreg [dreg:$0x0]  }
0x2: {  	s1 =	srdreg.scid;
	s9 =	rddreg [dreg:$0x1]  }
0x3: {  	s0 =	stileid.u32;
	s2 =	rddreg [dreg:$0x2]  }
0x4: {  	s3 =	simm.s32 $0x0;
	s11 =	simm.s32 $0x20E00;
	s12 =	simm.s32 $0x2C00  }
0x5: {  	s13 =	simm.s32 $0x5480;
	s14 =	simm.s32 $0x80;
	s15 =	simm.s32 $0x1  }
0x6: {  	s16 =	simm.s32 $0x0;
	s6 =	sand.u32 $0x1, s1;
	s30 =	sshll.u32 s0, $0x1  }
0x7: {  	s1 =	rddreg [dreg:$0x3];
	s31 =	smul.u32 $0x270, s0;
	s5 =	sor.u32 s6, s30  }
0x8: {  	[smem:$0x7FF] =	sst s3;
	s8 =	ssub.s32 $0x2, s6;
	s7 =	smul.u32 $0x510, s5  }
0x9: {  	_ =	strace $0x80000047;
	p0 =	seq.s32 s6, $0x0;
	s5 =	smul.u32 $0x580, s5  }
0xa: {  	s10 =	sshrl.u32 s8, $0x1;
	s6 =	sadd.s32 s31, s2;
	s11 =	simm.s32 @!p0 $0x21400  }
0xb: {  	p0 =	sne.s32 s0, $0xF;
	s8 =	ssub.s32 s8, s10;
	s10 =	sshrl.u32 s31, $0x3  }
0xc: {  	s11 =	sadd.s32 s11, s9;
	s7 =	sadd.s32 s7, s9;
	s4 =	sadd.s32 s4, s5  }
0xd: {  	s8 =	smax.u32 s8, $0x1;
	s9 =	sadd.s32 s11, s10;
	s10 =	sadd.s32 $0x4E0, s11  }
0xe: {  	v0 =	vimm.f32 $0.0e+00;
	s11 =	simm.s32 $0x2;
	s5 =	sadd.s32 $0x16C00, s7;
	s7 =	sadd.s32 $0x2700, s2  }
.LBB2_1:
0xf: {  	[tilespmem:s3], [sflag:$0x2] =	stream.linear.gather [hbm4b:s4+s3], $0x2880, $0x38;
	[tilespmem:$0x5978] =	vst v63  }
0x10: {  	_ =	swait.ge [sflag:s11], $0x2880  }
0x11: {  	[sflag:s11] =	ssyncset.done $0x0  }
0x12: {  	[sflag:s11] =	ssyncadd.s32 $0xFFFFD780  }
0x13: {  	[tilespmem:s12], [sflag:$0x2] =	stream.linear.gather [hbm4b:s5+s3], $0x2880, $0x38;
	[tilespmem:$0x5978] =	vst v63  }
0x14: {  	_ =	swait.ge [sflag:s11], $0x2880  }
0x15: {  	[sflag:s11] =	ssyncset.done $0x0  }
0x16: {  	[sflag:s11] =	ssyncadd.s32 $0xFFFFD780  }
0x17: {  	[tilespmem:$0x5480] =	vst v0  }
0x18: {  	[tilespmem:$0x5490] =	vst v0  }
0x19: {  	[tilespmem:$0x54A0] =	vst v0  }
0x1a: {  	[tilespmem:$0x54B0] =	vst v0  }
0x1b: {  	[tilespmem:$0x54C0] =	vst v0  }
0x1c: {  	[tilespmem:$0x54D0] =	vst v0  }
0x1d: {  	[tilespmem:$0x54E0] =	vst v0  }
0x1e: {  	[tilespmem:$0x54F0] =	vst v0  }
0x1f: {  	[tilespmem:$0x5500] =	vst v0  }
0x20: {  	[tilespmem:$0x5510] =	vst v0  }
0x21: {  	[tilespmem:$0x5520] =	vst v0  }
0x22: {  	[tilespmem:$0x5530] =	vst v0  }
0x23: {  	[tilespmem:$0x5540] =	vst v0  }
0x24: {  	[tilespmem:$0x5550] =	vst v0  }
0x25: {  	[tilespmem:$0x5560] =	vst v0  }
0x26: {  	[tilespmem:$0x5570] =	vst v0  }
0x27: {  	[tilespmem:$0x5580] =	vst v0  }
0x28: {  	[tilespmem:$0x5590] =	vst v0  }
0x29: {  	[tilespmem:$0x55A0] =	vst v0  }
0x2a: {  	[tilespmem:$0x55B0] =	vst v0  }
0x2b: {  	[tilespmem:$0x55C0] =	vst v0  }
0x2c: {  	[tilespmem:$0x55D0] =	vst v0  }
0x2d: {  	[tilespmem:$0x55E0] =	vst v0  }
0x2e: {  	[tilespmem:$0x55F0] =	vst v0  }
0x2f: {  	[tilespmem:$0x5600] =	vst v0  }
0x30: {  	[tilespmem:$0x5610] =	vst v0  }
0x31: {  	[tilespmem:$0x5620] =	vst v0  }
0x32: {  	[tilespmem:$0x5630] =	vst v0  }
0x33: {  	[tilespmem:$0x5640] =	vst v0  }
0x34: {  	[tilespmem:$0x5650] =	vst v0  }
0x35: {  	[tilespmem:$0x5660] =	vst v0  }
0x36: {  	[tilespmem:$0x5670] =	vst v0  }
0x37: {  	[tilespmem:$0x5680] =	vst v0  }
0x38: {  	[tilespmem:$0x5690] =	vst v0  }
0x39: {  	[tilespmem:$0x56A0] =	vst v0  }
0x3a: {  	[tilespmem:$0x56B0] =	vst v0  }
0x3b: {  	[tilespmem:$0x56C0] =	vst v0  }
0x3c: {  	[tilespmem:$0x56D0] =	vst v0  }
0x3d: {  	[tilespmem:$0x56E0] =	vst v0  }
0x3e: {  	[spmem:s6] =	stream.linear.scatter [tilespmem:s13], [sflag:$0x2], $0x270, $0x38;
	[tilespmem:$0x5978] =	vst v63  }
0x3f: {  	_ =	swait.ge [sflag:s11], $0x270  }
0x40: {  	[sflag:s11] =	ssyncset.done $0x0  }
0x41: {  	s17 =	simm.s32 @!p0 $0x5480;
	[sflag:s11] =	ssyncadd.s32 $0xFFFFFD90  }
0x42: {  	[spmem:s7] =	stream.linear.scatter @!p0 [tilespmem:s17], [sflag:$0x2], $0x10, $0x38;
	[tilespmem:$0x5978] =	vst v63  }
0x43: {  	s17 =	simm.s32 @!p0 $0x2  }
0x44: {  	_ =	swait.ge @!p0 [sflag:s17], $0x10  }
0x45: {  	[sflag:s17] =	ssyncset.done @!p0 $0x0  }
0x46: {  	s18 =	simm.s32 $0x0;
	[sflag:s17] =	ssyncadd.s32 @!p0 $0xFFFFFFF0  }
0x47: {  	s19 =	simm.s32 $0x2C00;
	s17 =	simm.s32 $0x200;
	[bflag:$0x0] =	sbarrier.arrive $0xFFFF  }
.LBB2_2:
0x48: {  	[spmem:s2] =	stream.indirect.scatter.add.f32 [tilespmem:s19], [sflag:$0x1], $0x1, s18, s14, $0xb8;
	[tilespmem:$0x5978] =	vst v63  }
0x49: {  	s18 =	smov.u32 s17;
	p1 =	sne.s32 s17, $0xA000  }
.Ltmp0:
0x4a: {  	s17 =	sadd.s32 $0x200, s17;
	(pc) =	sbr.rel @p1 .LBB2_2-.Ltmp0, $3  }
0x4b: {  	_ =	sdelay $0x1  }
0x4c: {  	s18 =	sshra.s32 s18, $0x2  }
0x4d: {  	s19 =	sadd.s32 $0x2C00, s18  }
0x4e: {  	[spmem:s2] =	stream.indirect.scatter.add.f32 [tilespmem:s19], [sflag:$0x1], $0x1, s18, s14, $0xb8;
	[tilespmem:$0x5978] =	vst v63  }
0x4f: {  	_ =	swait.ge [sflag:s15], $0x2880  }
0x50: {  	[sflag:s15] =	ssyncset.done $0x0  }
0x51: {  	[sflag:s15] =	ssyncadd.s32 $0xFFFFD780  }
0x52: {  	[bflag:$0x0] =	sbarrier.arrive $0xFFFF  }
0x53: {  	[tilespmem:s13], [sflag:$0x2] =	stream.linear.gather [spmem:s6], $0x270, $0x38;
	[tilespmem:$0x5978] =	vst v63  }
0x54: {  	_ =	swait.ge [sflag:s11], $0x270  }
0x55: {  	[sflag:s11] =	ssyncset.done $0x0  }
0x56: {  	[sflag:s11] =	ssyncadd.s32 $0xFFFFFD90  }
0x57: {  	[hbm4b:s9+s3] =	stream.linear.scatter [tilespmem:s13], [sflag:$0x2], $0x270, $0x38;
	[tilespmem:$0x5978] =	vst v63  }
0x58: {  	_ =	swait.ge [sflag:s11], $0x270  }
0x59: {  	[sflag:s11] =	ssyncset.done $0x0  }
0x5a: {  	s17 =	simm.s32 @!p0 $0x5480;
	s18 =	simm.s32 @!p0 $0x2;
	[sflag:s11] =	ssyncadd.s32 $0xFFFFFD90  }
0x5b: {  	[tilespmem:s17], [sflag:$0x2] =	stream.linear.gather @!p0 [spmem:s7], $0x10, $0x38;
	[tilespmem:$0x5978] =	vst v63  }
0x5c: {  	s16 =	sadd.s32 $0x1, s16;
	_ =	swait.ge @!p0 [sflag:s18], $0x10  }
0x5d: {  	p1 =	sne.s32 s16, s8;
	[sflag:s18] =	ssyncset.done @!p0 $0x0  }
.Ltmp1:
0x5e: {  	s19 =	simm.s32 @!p0 $0x0;
	[sflag:s18] =	ssyncadd.s32 @!p0 $0xFFFFFFF0;
	(pc) =	sbr.rel @p1 .LBB2_1-.Ltmp1, $4  }
0x5f: {  	[hbm4b:s10+s19] =	stream.linear.scatter @!p0 [tilespmem:s17], [sflag:$0x2], $0x10, $0x38;
	[tilespmem:$0x5978] =	vst v63  }
0x60: {  	_ =	swait.ge @!p0 [sflag:s18], $0x10  }
0x61: {  	[sflag:s18] =	ssyncset.done @!p0 $0x0  }
0x62: {  	[sflag:s18] =	ssyncadd.s32 @!p0 $0xFFFFFFF0  }
0x63: {  	_ =	sfence.sel $0x180000  }
0x64: {  	[bflag:$0x0] =	sbarrier.arrive $0xFFFF  }
0x65: {  	p0 =	sne.s32 s0, $0x0;
	_ =	strace $0x90000047  }
0x66: {  	s0 =	sadd.s32 @!p0 $0x100000, s1;
	[bflag:$0x2] =	sbarrier.arrive $0xFFFF  }
0x67: {  	[sflag:s0] =	ssyncadd.tile.s32 @!p0 $0x1;
	_ =	shalt  }
.Lfunc_end2:
_tile_overlayer_lowered:
.L_overlay_start_2:
0x68: {  	(tag) =	ssettag $0x2  }
0x69: {  	s0 =	rddreg [dreg:$0x0];
	s2 =	stileid.u32  }
0x6a: {  	s1 =	rddreg [dreg:$0x1];
	p0 =	sne.s32 s2, $0x0  }
0x6b: {  	s3 =	rddreg [dreg:$0x2];
	[bflag:$0x3] =	sbarrier.arrive $0xFFFF;
	s2 =	simm.s32 @!p0 $0x1C02  }
0x6c: {  	[timem:s3], [sflag:s2] =	dma.local @!p0 [hbm:s0], s1  }
0x6d: {  	s0 =	simm.s32 @!p0 $0x2  }
0x6e: {  	_ =	swait.ge @!p0 [sflag:s0], s1  }
0x6f: {  	s1 =	ssub.s32 @!p0 $0x0, s1;
	[sflag:s0] =	ssyncset.done @!p0 $0x0  }
0x70: {  	[sflag:s0] =	ssyncadd.s32 @!p0 s1  }
0x71: {  	[bflag:$0x3] =	sbarrier.arrive $0xFFFF  }
0x72: {  	_ =	shalt  }

// kernel: kernel.9.cloned.1.call-start
scs
__scs_entry_jumppad:
0x0: {  	(pc) =	sbr.rel $0x88, $3  }
0x1: {  	(tag) =	ssettag $0x0;
	lr =	simm.s32 $0x1  }
0x2: {  	[smem:$0x3F94] =	sst lr;
	_ =	strace $0xD0000000  }
0x3: {  	_ = 	snop  }
0x4: {  	_ = 	snop  }
0x5: {  	_ = 	snop  }
0x6: {  	_ = 	snop  }
0x7: {  	_ = 	snop  }
__scs_overlays_trampoline_lowered:
0x8: {  	[smem:$0x3FA3] =	sst s0  }
0x9: {  	[smem:$0x3FA4] =	sst s1  }
0xa: {  	[smem:$0x3FA5] =	sst s2  }
0xb: {  	[smem:$0x3FA6] =	sst s3  }
0xc: {  	[smem:$0x3FA7] =	sst s4  }
0xd: {  	[smem:$0x3FA8] =	sst s5  }
0xe: {  	[smem:$0x3FA9] =	sst s6  }
0xf: {  	[smem:$0x3FAA] =	sst s7  }
0x10: {  	[smem:$0x3FAB] =	sst s8  }
0x11: {  	[smem:$0x3FAC] =	sst s9;
	s0 =	simm.s32 @!p0 $0x0  }
0x12: {  	s1 =	sld [smem:$0x3F92];
	s0 =	simm.s32 @p0 $0x1  }
0x13: {  	[smem:$0x3FAD] =	sst s0;
	s0 =	simm.s32 @!p1 $0x0  }
0x14: {  	s2 =	sld [smem:$0x3F91];
	s0 =	simm.s32 @p1 $0x1  }
0x15: {  	[smem:$0x3FAE] =	sst s0;
	s0 =	simm.s32 @!p2 $0x0  }
0x16: {  	s3 =	sld [smem:$0x3FDB];
	s0 =	simm.s32 @p2 $0x1  }
0x17: {  	s4 =	simm.s32 $0x1BF5;
	[smem:$0x3FB0] =	sst s0  }
0x18: {  	s0 =	sld [smem:$0x3F93];
	_ =	swait.ge [sflag:s4], $0x0  }
0x19: {  	s7 =	sld [smem:$0x3F94]  }
0x1a: {  	s8 =	sadd.s32 $0xFFFFE003, lr  }
0x1b: {  	s9 =	sadd.s32 $0xFFFFFEF7, lr;
	s5 =	simm.s32 $0xFFFFFFFF;
	p2 =	slt.u32 s8, $0xFFFFF086  }
0x1c: {  	p1 =	slt.u32 s9, $0xF7A;
	s5 =	simm.s32 @!p2 $0x0  }
0x1d: {  	s5 =	simm.s32 @p1 $0x1;
	p0 =	seq.s32 s7, s2  }
0x1e: {  	s7 =	smul.u32 @!p0 $0xF7A, s2;
	p2 =	seq.s32 @!p0 s5, $0x0  }
0x1f: {  	s9 =	smul.u32 $0xF7A, s1;
	s8 =	simm.s32 @!p0 $0x1BF5;
	p2 =	por !p2, p0  }
0x20: {  	[sflag:s8] =	ssyncset.s32 @!p0 $0xFFFFF086;
	s6 =	sadd.s32 @!p0 s3, s7;
	s7 =	simm.s32 @!p0 $0x108  }
0x21: {  	s3 =	sadd.s32 s3, s9;
	s6 =	sadd.s32 @!p0 $0x88, s6;
	s7 =	simm.s32 @p2 $0x1082  }
0x22: {  	[simem:s7], [sflag:s8] =	dma.local @!p0 [hbm:s6], $0xF7A  }
0x23: {  	s9 =	sor.u32 $0xD0000000, s2;
	s6 =	simm.s32 $0x108;
	_ =	swait.ge @!p0 [sflag:s8], $0x0  }
0x24: {  	s3 =	sadd.s32 $0x88, s3;
	s6 =	simm.s32 @!p1 $0x1082;
	[sflag:s4] =	ssyncset.s32 $0xFFFFF086  }
0x25: {  	[simem:s6], [sflag:s4] =	dma.local [hbm:s3], $0xF7A  }
0x26: {  	[smem:$0x3F94] =	sst s1;
	(tag) =	ssettag s2;
	_ =	strace s9  }
0x27: {  	s1 =	sld [smem:$0x3FA4]  }
0x28: {  	s2 =	sld [smem:$0x3FA5]  }
0x29: {  	s4 =	sld [smem:$0x3FA7]  }
0x2a: {  	p0 =	seq.s32 s5, $0x0;
	s5 =	sld [smem:$0x3FA8]  }
0x2b: {  	s6 =	sld [smem:$0x3FA9]  }
0x2c: {  	s7 =	sld [smem:$0x3FAA]  }
0x2d: {  	s3 =	simm.s32 $0x108;
	s8 =	sld [smem:$0x3FAB]  }
0x2e: {  	s3 =	simm.s32 @!p0 $0x1082;
	s9 =	sld [smem:$0x3FAC]  }
0x2f: {  	lr =	sadd.s32 s0, s3;
	s0 =	sld [smem:$0x3FA3]  }
0x30: {  	s3 =	sld [smem:$0x3FA6]  }
0x31: {  	[smem:$0x3FAF] =	sst s10  }
0x32: {  	s10 =	sld [smem:$0x3FAD];
	_ =	sdelay $0x3  }
0x33: {  	p0 =	seq.s32 s10, $0x1;
	s10 =	sld [smem:$0x3FAF];
	_ =	sdelay $0x3  }
0x34: {  	[smem:$0x3FAF] =	sst s10  }
0x35: {  	s10 =	sld [smem:$0x3FAE];
	_ =	sdelay $0x3  }
0x36: {  	p1 =	seq.s32 s10, $0x1;
	s10 =	sld [smem:$0x3FAF];
	_ =	sdelay $0x3  }
0x37: {  	[smem:$0x3FAF] =	sst s10  }
0x38: {  	s10 =	sld [smem:$0x3FB0]  }
0x39: {  	_ = 	snop;
	(pc) =	sbr.ind lr, $3  }
0x3a: {  	_ = 	snop  }
0x3b: {  	_ = 	snop  }
0x3c: {  	p2 =	seq.s32 s10, $0x1;
	s10 =	sld [smem:$0x3FAF]  }
0x3d: {  	_ =	shalt  }
0x3e: {  	_ =	shalt  }
0x3f: {  	_ =	shalt  }
0x40: {  	_ =	shalt  }
0x41: {  	_ =	shalt  }
0x42: {  	_ =	shalt  }
0x43: {  	_ =	shalt  }
0x44: {  	_ =	shalt  }
0x45: {  	_ =	shalt  }
0x46: {  	_ =	shalt  }
0x47: {  	_ =	shalt  }
0x48: {  	_ =	shalt  }
0x49: {  	_ =	shalt  }
0x4a: {  	_ =	shalt  }
0x4b: {  	_ =	shalt  }
0x4c: {  	_ =	shalt  }
0x4d: {  	_ =	shalt  }
0x4e: {  	_ =	shalt  }
0x4f: {  	_ =	shalt  }
0x50: {  	_ =	shalt  }
0x51: {  	_ =	shalt  }
0x52: {  	_ =	shalt  }
0x53: {  	_ =	shalt  }
0x54: {  	_ =	shalt  }
0x55: {  	_ =	shalt  }
0x56: {  	_ =	shalt  }
0x57: {  	_ =	shalt  }
0x58: {  	_ =	shalt  }
0x59: {  	_ =	shalt  }
0x5a: {  	_ =	shalt  }
0x5b: {  	_ =	shalt  }
0x5c: {  	_ =	shalt  }
0x5d: {  	_ =	shalt  }
0x5e: {  	_ =	shalt  }
0x5f: {  	_ =	shalt  }
0x60: {  	_ =	shalt  }
0x61: {  	_ =	shalt  }
0x62: {  	_ =	shalt  }
0x63: {  	_ =	shalt  }
0x64: {  	_ =	shalt  }
0x65: {  	_ =	shalt  }
0x66: {  	_ =	shalt  }
0x67: {  	_ =	shalt  }
0x68: {  	_ =	shalt  }
0x69: {  	_ =	shalt  }
0x6a: {  	_ =	shalt  }
0x6b: {  	_ =	shalt  }
0x6c: {  	_ =	shalt  }
0x6d: {  	_ =	shalt  }
0x6e: {  	_ =	shalt  }
0x6f: {  	_ =	shalt  }
0x70: {  	_ =	shalt  }
0x71: {  	_ =	shalt  }
0x72: {  	_ =	shalt  }
0x73: {  	_ =	shalt  }
0x74: {  	_ =	shalt  }
0x75: {  	_ =	shalt  }
0x76: {  	_ =	shalt  }
0x77: {  	_ =	shalt  }
0x78: {  	_ =	shalt  }
0x79: {  	_ =	shalt  }
0x7a: {  	_ =	shalt  }
0x7b: {  	_ =	shalt  }
0x7c: {  	_ =	shalt  }
0x7d: {  	_ =	shalt  }
0x7e: {  	_ =	shalt  }
0x7f: {  	_ =	shalt  }
0x80: {  	_ =	shalt  }
0x81: {  	_ =	shalt  }
0x82: {  	_ =	shalt  }
0x83: {  	_ =	shalt  }
0x84: {  	_ =	shalt  }
0x85: {  	_ =	shalt  }
0x86: {  	_ =	shalt  }
0x87: {  	_ =	shalt  }
.Lfunc_end0:
.L_simem_size_0:
called_computation.1_lowered:
.L_overlay_start_0:
0x88: {  	s2 =	sld [smem:$0x3FD9]  }
0x89: {  	s3 =	sld [smem:$0x3FFE];
	_ =	sdelay $0x1  }
0x8a: {  	s1 =	srdreg.scid  }
0x8b: {  	s0 =	sand.u32 $0x1, s1  }
0x8c: {  	s16 =	sshll.u32 s0, $0xA;
	s2 =	sadd.s32 s3, s2  }
0x8d: {  	s2 =	sadd.s32 s2, s16  }
0x8e: {  	[smem:$0x3FBB] =	sst s2  }
0x8f: {  	_ = 	snop  }
0x90: {  	(tm) =	ssettm $0x1  }
0x91: {  	s17 =	sld [smem:$0x3FFB];
	_ =	sdelay $0x3  }
0x92: {  	_ =	strace s17  }
0x93: {  	s2 =	sld [smem:$0x3FFC];
	_ =	sdelay $0x3  }
0x94: {  	_ =	strace s2  }
0x95: {  	s2 =	sld [smem:$0x3FFD];
	_ =	sdelay $0x3  }
0x96: {  	_ =	strace s2  }
0x97: {  	_ =	strace $0x8FFFFFFF  }
0x98: {  	s18 =	sld [smem:$0x3FDB];
	_ =	sdelay $0x1  }
0x99: {  	s19 =	simm.s32 $_scs_section_size  }
0x9a: {  	s4 =	simm.s32 $_size__tile_overlayer_lowered;
	s5 =	simm.s32 $_tile_overlayer_lowered  }
0x9b: {  	s22 =	simm.s32 $0x1BFF;
	s21 =	sshll.u32 s5, $0x1;
	s2 =	sadd.s32 s19, s18  }
0x9c: {  	s6 =	simm.s32 $0x0;
	s20 =	sshll.u32 s4, $0x1;
	s4 =	sadd.s32 s21, s2  }
0x9d: {  	[timem:s6], [sflag:s22] =	dma.local [hbm:s4], s20  }
0x9e: {  	_ =	swait.ge [sflag:s22], s20  }
0x9f: {  	s3 =	ssub.s32 $0x0, s20;
	[sflag:s22] =	ssyncset.done $0x0  }
0xa0: {  	[sflag:s22] =	ssyncadd.s32 s3;
	_ =	sdelay $0x1  }
0xa1: {  	s23 =	simm.s32 $0x1B8B  }
0xa2: {  	_ =	swait.ge [sflag:s23], $0x1  }
0xa3: {  	[sflag:s23] =	ssyncset.done $0x0  }
0xa4: {  	s25 =	simm.s32 $0x1B8E;
	s24 =	sld [smem:$0x3FFE];
	[sflag:s23] =	ssyncadd.s32 $0xFFFFFFFF  }
0xa5: {  	s26 =	simm.s32 $execute0_lowered;
	[smem:$0x3FD2] =	sst s25  }
0xa6: {  	s4 =	sshll.u32 s26, $0x1;
	_ =	strace $0x80000049;
	[dreg:$0x1] =	wrdreg $0xFFFFFFFF  }
0xa7: {  	s28 =	simm.s32 $_size_execute0_lowered;
	s2 =	sadd.s32 s2, s4;
	[dreg:$0x0] =	wrdreg $0x0  }
0xa8: {  	s4 =	sshll.u32 s28, $0x1;
	[dreg:$0x2] =	wrdreg s2  }
0xa9: {  	[dreg:$0x3] =	wrdreg s4  }
0xaa: {  	[dreg:$0x4] =	wrdreg $0xC0  }
0xab: {  	_ =	task [dreg:s6], $0x5FFFF  }
0xac: {  	[dreg:$0x1] =	wrdreg $0xFFFFFFFF  }
0xad: {  	[dreg:$0x0] =	wrdreg $0x60  }
0xae: {  	[dreg:$0x2] =	wrdreg s24  }
0xaf: {  	[dreg:$0x3] =	wrdreg $0x153000  }
0xb0: {  	[dreg:$0x4] =	wrdreg $0x9  }
0xb1: {  	_ =	task.clear_ibuf [dreg:s6], $0x5FFFF;
	_ =	strace $0x90000049  }
0xb2: {  	s29 =	simm.s32 $0x9;
	_ =	strace $0x8000004B  }
0xb3: {  	_ =	swait.ge [sflag:s29], $0x1  }
0xb4: {  	[sflag:s29] =	ssyncadd.s32 $0xFFFFFFFF  }
0xb5: {  	_ =	strace $0x9000004B  }
0xb6: {  	_ =	sfence  }
0xb7: {  	s30 =	sld [smem:$0x0];
	_ =	sdelay $0x2  }
0xb8: {  	s31 =	sshll.u32 s1, $0xD;
	s1 =	sshrl.u32 s1, $0x2  }
0xb9: {  	s3 =	sand.u32 $0x4000, s31;
	s1 =	sadd.s32 s1, s30  }
0xba: {  	s0 =	sor.u32 s3, s0;
	s1 =	sshll.u32 s1, $0x11  }
0xbb: {  	s0 =	sor.u32 s1, s0  }
0xbc: {  	s0 =	sadd.s32 $0x8F2B, s0  }
0xbd: {  	[sflag:s0] =	ssyncadd.remote.s32 $0x1  }
0xbe: {  	_ =	sfence.sel $0xFFFF  }
0xbf: {  	[dreg:$0x0] =	wrdreg $0xFFFFFFFF;
	(pc) =	sbr.abs _section_cstart, $3  }
0xc0: {  	[dreg:$0x1] =	wrdreg $0xFFFFFFFF  }
0xc1: {  	_ =	task.clear_ibuf [dreg:s6], $0x2FFFF;
	_ =	strace $0x9FFFFFFF  }
0xc2: {  	(tm) =	ssettm $0x7FFFFFFF  }
0xc3: {  	_ =	shalt  }
tec
execute0_lowered:
.L_overlay_start_1:
0x0: {  	(tag) =	ssettag $0x1  }
0x1: {  	s0 =	rddreg [dreg:$0x0]  }
0x2: {  	s1 =	rddreg [dreg:$0x1]  }
0x3: {  	s2 =	srdreg.scid;
	s18 =	stileid.u32  }
0x4: {  	s3 =	simm.s32 $0x0;
	s28 =	simm.s32 $0x13300;
	s5 =	smul.u32 $0xA20, s18  }
0x5: {  	s29 =	simm.s32 $0x1;
	s30 =	simm.s32 $0x4;
	s10 =	smul.u32 $0x270, s18  }
0x6: {  	s31 =	simm.s32 $0x2;
	s2 =	sand.u32 $0x1, s2;
	s22 =	smul.u32 $0x27000, s18  }
0x7: {  	[smem:$0x7FF] =	sst s3;
	s16 =	smul.u32 $0x13800, s18;
	s12 =	sadd.s32 $0x9C000, s1  }
0x8: {  	p0 =	sne.s32 s18, $0xF;
	s4 =	smul.u32 $0x13880, s2;
	_ =	strace $0x8000004A  }
0x9: {  	s6 =	ssub.s32 $0x2, s2;
	s2 =	smul.u32 $0x138800, s2;
	s5 =	sadd.s32 s5, s0  }
0xa: {  	s7 =	sshrl.u32 s6, $0x1;
	s24 =	sshrl.u32 s22, $0x2;
	s13 =	sadd.s32 $0x80, s10  }
0xb: {  	s14 =	sadd.s32 $0x100, s10;
	s26 =	sadd.s32 $0x180, s10;
	s15 =	sadd.s32 $0x200, s10  }
0xc: {  	s4 =	sadd.s32 s4, s0;
	s0 =	sadd.s32 $0x96200, s0;
	s6 =	ssub.s32 s6, s7  }
0xd: {  	s8 =	sadd.s32 $0x2800, s5;
	s23 =	sadd.s32 $0x16C00, s5;
	s5 =	sadd.s32 $0xCA00, s5  }
0xe: {  	s7 =	sadd.s32 s24, s1;
	s25 =	sshll.u32 s13, $0x6;
	s9 =	sshll.u32 s14, $0x6  }
0xf: {  	s11 =	sshll.u32 s26, $0x6;
	s17 =	sshll.u32 s15, $0x6;
	[dreg:$0x3] =	wrdreg s8  }
0x10: {  	s19 =	sadd.s32 s16, s2;
	s14 =	sshll.u32 s14, $0x7;
	[dreg:$0x4] =	wrdreg s23  }
0x11: {  	[dreg:$0x5] =	wrdreg s5;
	s8 =	sadd.s32 s25, s1;
	s9 =	sadd.s32 s9, s1  }
0x12: {  	s10 =	sadd.s32 s11, s1;
	s11 =	sadd.s32 s17, s1;
	s17 =	sshll.u32 s13, $0x7  }
0x13: {  	s13 =	sadd.s32 $0x6F000, s4;
	s4 =	sshrl.u32 s19, $0x3;
	s22 =	sadd.s32 s2, s14  }
0x14: {  	s5 =	sshll.u32 s26, $0x7;
	s23 =	sshll.u32 s15, $0x7;
	s20 =	sadd.s32 s2, s17  }
0x15: {  	s4 =	sadd.s32 s0, s4;
	s24 =	sadd.s32 s2, s5;
	s25 =	sadd.s32 s2, s23  }
0x16: {  	s2 =	sshrl.u32 s2, $0x3;
	s23 =	simm.s32 $0x40;
	s16 =	sshrl.u32 s20, $0x3  }
0x17: {  	[dreg:$0x6] =	wrdreg s4;
	s4 =	sshrl.u32 s22, $0x3;
	s5 =	sshrl.u32 s25, $0x3  }
0x18: {  	s20 =	smax.u32 s6, $0x1;
	s25 =	simm.s32 $0x80;
	s21 =	sadd.s32 s0, s16  }
0x19: {  	s22 =	simm.s32 $0x6;
	s4 =	sadd.s32 s0, s4;
	[dreg:$0x7] =	wrdreg s21  }
0x1a: {  	s26 =	sadd.s32 s0, s5;
	[dreg:$0x8] =	wrdreg s4;
	s4 =	sshrl.u32 s24, $0x3  }
0x1b: {  	[dreg:$0xa] =	wrdreg s26;
	s21 =	simm.s32 $0x7;
	s24 =	simm.s32 $0xF300  }
0x1c: {  	s26 =	simm.s32 $0x11300;
	s4 =	sadd.s32 s0, s4;
	s0 =	sadd.s32 s0, s2  }
0x1d: {  	s2 =	simm.s32 $0x3;
	[dreg:$0x9] =	wrdreg s4;
	s0 =	sadd.s32 $0x27000, s0  }
0x1e: {  	v0 =	vimm.f32 $0.0e+00;
	s4 =	simm.s32 $0x0;
	[dreg:$0xb] =	wrdreg s0;
	s0 =	simm.s32 $0x5  }
.LBB2_1:
0x1f: {  	s5 =	rddreg [dreg:$0x3]  }
0x20: {  	[tilespmem:s3], [sflag:$0x7] =	stream.linear.gather [hbm4b:s5+s3], $0x5100, $0x38;
	[tilespmem:$0x1EF40] =	vst v63  }
0x21: {  	_ =	swait.ge [sflag:s21], $0x5100  }
0x22: {  	[sflag:s21] =	ssyncset.done $0x0  }
0x23: {  	s6 =	simm.s32 $0x5100;
	s15 =	rddreg [dreg:$0x4];
	[sflag:s21] =	ssyncadd.s32 $0xFFFFAF00  }
0x24: {  	[tilespmem:s6], [sflag:$0x7] =	stream.linear.gather [hbm4b:s15+s3], $0x5100, $0x38;
	[tilespmem:$0x1EF40] =	vst v63  }
0x25: {  	_ =	swait.ge [sflag:s21], $0x5100  }
0x26: {  	[sflag:s21] =	ssyncset.done $0x0  }
0x27: {  	s17 =	simm.s32 $0xA200;
	s16 =	rddreg [dreg:$0x5];
	[sflag:s21] =	ssyncadd.s32 $0xFFFFAF00  }
0x28: {  	[tilespmem:s17], [sflag:$0x7] =	stream.linear.gather [hbm4b:s16+s3], $0x5100, $0x38;
	[tilespmem:$0x1EF40] =	vst v63  }
0x29: {  	s18 =	sand.u32 $0x7F00, s3;
	s19 =	sand.u32 $0x30, s3;
	_ =	swait.ge [sflag:s21], $0x5100  }
0x2a: {  	s14 =	sshrl.u32 s18, $0x2;
	s5 =	simm.s32 $0x40;
	[sflag:s21] =	ssyncset.done $0x0  }
0x2b: {  	s14 =	sor.u32 s19, s14;
	s6 =	simm.s32 $0x0;
	[sflag:s21] =	ssyncadd.s32 $0xFFFFAF00  }
.LBB2_2:
0x2c: {  	p1 =	sne.s32 s5, $0x7FC0  }
0x2d: {  	[tilespmem:s14+$0xF300] =	vst v0;
	s6 =	sadd.s32 $0x10, s6;
	s14 =	smov.u32 s5;
	s5 =	sadd.s32 $0x40, s5  }
.Ltmp0:
0x2e: {  	(pc) =	sbr.rel @p1 .LBB2_2-.Ltmp0, $4  }
0x2f: {  	_ = 	snop  }
0x30: {  	s14 =	sand.u32 $0x7F00, s14  }
0x31: {  	s15 =	sand.u32 $0x30, s6;
	s14 =	sshrl.u32 s14, $0x2  }
0x32: {  	s14 =	sor.u32 s15, s14  }
0x33: {  	[tilespmem:s14+$0xF300] =	vst v0  }
0x34: {  	[spmem:s7] =	stream.linear.scatter [tilespmem:s24], [sflag:$0x7], $0x2000, $0x38;
	[tilespmem:$0x1EF40] =	vst v63  }
0x35: {  	_ =	swait.ge [sflag:s21], $0x2000  }
0x36: {  	[sflag:s21] =	ssyncset.done $0x0  }
0x37: {  	[sflag:s21] =	ssyncadd.s32 $0xFFFFE000  }
0x38: {  	[spmem:s8] =	stream.linear.scatter [tilespmem:s24], [sflag:$0x7], $0x2000, $0x38;
	[tilespmem:$0x1EF40] =	vst v63  }
0x39: {  	_ =	swait.ge [sflag:s21], $0x2000  }
0x3a: {  	[sflag:s21] =	ssyncset.done $0x0  }
0x3b: {  	[sflag:s21] =	ssyncadd.s32 $0xFFFFE000  }
0x3c: {  	[spmem:s9] =	stream.linear.scatter [tilespmem:s24], [sflag:$0x7], $0x2000, $0x38;
	[tilespmem:$0x1EF40] =	vst v63  }
0x3d: {  	_ =	swait.ge [sflag:s21], $0x2000  }
0x3e: {  	[sflag:s21] =	ssyncset.done $0x0  }
0x3f: {  	[sflag:s21] =	ssyncadd.s32 $0xFFFFE000  }
0x40: {  	[spmem:s10] =	stream.linear.scatter [tilespmem:s24], [sflag:$0x7], $0x2000, $0x38;
	[tilespmem:$0x1EF40] =	vst v63  }
0x41: {  	_ =	swait.ge [sflag:s21], $0x2000  }
0x42: {  	[sflag:s21] =	ssyncset.done $0x0  }
0x43: {  	[sflag:s21] =	ssyncadd.s32 $0xFFFFE000  }
0x44: {  	[spmem:s11] =	stream.linear.scatter [tilespmem:s24], [sflag:$0x7], $0x1C00, $0x38;
	[tilespmem:$0x1EF40] =	vst v63  }
0x45: {  	_ =	swait.ge [sflag:s21], $0x1C00  }
0x46: {  	[sflag:s21] =	ssyncset.done $0x0  }
0x47: {  	s5 =	simm.s32 @!p0 $0xF300;
	[sflag:s21] =	ssyncadd.s32 $0xFFFFE400  }
0x48: {  	[spmem:s12] =	stream.linear.scatter @!p0 [tilespmem:s5], [sflag:$0x7], $0x400, $0x38;
	[tilespmem:$0x1EF40] =	vst v63  }
0x49: {  	s5 =	simm.s32 @!p0 $0x7  }
0x4a: {  	_ =	swait.ge @!p0 [sflag:s5], $0x400  }
0x4b: {  	[sflag:s5] =	ssyncset.done @!p0 $0x0  }
0x4c: {  	[sflag:s5] =	ssyncadd.s32 @!p0 $0xFFFFFC00  }
0x4d: {  	s5 =	simm.s32 $0x0;
	[bflag:$0x0] =	sbarrier.arrive $0xFFFF  }
0x4e: {  	[tilespmem:s24], [sflag:$0x1] =	stream.indirect.gather [hbm4b:s13+s25], $0x40, s5, s25, $0xb8;
	[tilespmem:$0x1EF40] =	vst v63  }
0x4f: {  	_ = 	snop  }
0x50: {  	[tilespmem:s26], [sflag:$0x2] =	stream.indirect.gather [hbm4b:s13+s25], $0x40, s25, s25, $0xb8;
	[tilespmem:$0x1EF40] =	vst v63  }
.LBB2_4:
0x51: {  	p1 =	seq.s32 s5, $0x0  }
0x52: {  	s14 =	smul.u32 $0x600, s5;
	s6 =	simm.s32 @!p1 $0x6  }
0x53: {  	_ =	swait.ge @!p1 [sflag:s6], $0x2000  }
0x54: {  	s15 =	sadd.s32 $0x400, s14;
	[sflag:s6] =	ssyncset.done @!p1 $0x0  }
0x55: {  	[sflag:s6] =	ssyncadd.s32 @!p1 $0xFFFFE000;
	s6 =	sshra.s32 s15, $0x2;
	s15 =	sshra.s32 s14, $0x2  }
0x56: {  	[tilespmem:s28], [sflag:$0x3] =	stream.indirect.gather [hbm4b:s13+s25], $0x40, s6, s25, $0xb8;
	[tilespmem:$0x1EF40] =	vst v63  }
0x57: {  	s16 =	sadd.s32 $0x5100, s15  }
0x58: {  	_ =	swait.ge [sflag:s29], $0x2000;
	v1 =	vmov s16  }
0x59: {  	[sflag:s29] =	ssyncset.done $0x0  }
0x5a: {  	s16 =	simm.s32 $0x0;
	[sflag:s29] =	ssyncadd.s32 $0xFFFFE000  }
.LBB2_5:
0x5b: {  	s18 =	sshll.u32 s16, $0x4  }
0x5c: {  	s19 =	sshll.u32 s16, $0xA;
	s17 =	sand.u32 $0x3FFFFFF0, s18  }
0x5d: {  	v3 =	vld.idx.msk [tilespmem:v1+s17+$0x0 ss:$0x1], $0xffff;
	s17 =	sand.u32 $0x3FFFFC00, s19  }
0x5e: {  	v2 =	vld [tilespmem:s17+$0xF300]  }
0x5f: {  	v4 =	vld [tilespmem:s17+$0xF310]  }
0x60: {  	v5 =	vld [tilespmem:s17+$0xF320]  }
0x61: {  	v6 =	vld [tilespmem:s17+$0xF330]  }
0x62: {  	v8 =	vld [tilespmem:s17+$0xF340];
	v7 =	vbroadcast v3, $0x0  }
0x63: {  	v9 =	vld [tilespmem:s17+$0xF350]  }
0x64: {  	v10 =	vld [tilespmem:s17+$0xF360];
	v2 =	vmul.f32 v7, v2  }
0x65: {  	v11 =	vld [tilespmem:s17+$0xF370];
	v4 =	vmul.f32 v4, v7  }
0x66: {  	v12 =	vld [tilespmem:s17+$0xF380];
	v56 =	vbroadcast v3, $0x1;
	[tilespmem:s17+$0xF300] =	vst v2;
	v2 =	vmul.f32 v5, v7  }
0x67: {  	v58 =	vld [tilespmem:s17+$0xF390];
	v57 =	vmul.f32 v6, v7;
	[tilespmem:s17+$0xF310] =	vst v4  }
0x68: {  	v59 =	vld [tilespmem:s17+$0xF3A0];
	[tilespmem:s17+$0xF320] =	vst v2;
	v2 =	vmul.f32 v8, v56  }
0x69: {  	v61 =	vld [tilespmem:s17+$0xF3B0];
	v60 =	vmul.f32 v9, v56;
	[tilespmem:s17+$0xF330] =	vst v57  }
0x6a: {  	v63 =	vld [tilespmem:s17+$0xF3C0];
	v62 =	vbroadcast v3, $0x2;
	[tilespmem:s17+$0xF340] =	vst v2;
	v2 =	vmul.f32 v10, v56  }
0x6b: {  	v16 =	vld [tilespmem:s17+$0xF3D0];
	v15 =	vmul.f32 v11, v56;
	[tilespmem:s17+$0xF350] =	vst v60  }
0x6c: {  	v17 =	vld [tilespmem:s17+$0xF3E0];
	[tilespmem:s17+$0xF360] =	vst v2;
	v2 =	vmul.f32 v12, v62  }
0x6d: {  	v19 =	vld [tilespmem:s17+$0xF3F0];
	v18 =	vmul.f32 v58, v62;
	[tilespmem:s17+$0xF370] =	vst v15  }
0x6e: {  	v21 =	vld [tilespmem:s17+$0xF400];
	v20 =	vbroadcast v3, $0x3;
	[tilespmem:s17+$0xF380] =	vst v2;
	v2 =	vmul.f32 v59, v62  }
0x6f: {  	v23 =	vld [tilespmem:s17+$0xF410];
	v22 =	vmul.f32 v61, v62;
	[tilespmem:s17+$0xF390] =	vst v18  }
0x70: {  	v24 =	vld [tilespmem:s17+$0xF420];
	[tilespmem:s17+$0xF3A0] =	vst v2;
	v2 =	vmul.f32 v63, v20  }
0x71: {  	v26 =	vld [tilespmem:s17+$0xF430];
	v25 =	vmul.f32 v16, v20;
	[tilespmem:s17+$0xF3B0] =	vst v22  }
0x72: {  	v28 =	vld [tilespmem:s17+$0xF440];
	v27 =	vbroadcast v3, $0x4;
	[tilespmem:s17+$0xF3C0] =	vst v2;
	v2 =	vmul.f32 v17, v20  }
0x73: {  	v30 =	vld [tilespmem:s17+$0xF450];
	v29 =	vmul.f32 v19, v20;
	[tilespmem:s17+$0xF3D0] =	vst v25  }
0x74: {  	v31 =	vld [tilespmem:s17+$0xF460];
	[tilespmem:s17+$0xF3E0] =	vst v2;
	v2 =	vmul.f32 v21, v27  }
0x75: {  	v33 =	vld [tilespmem:s17+$0xF470];
	v32 =	vmul.f32 v23, v27;
	[tilespmem:s17+$0xF3F0] =	vst v29  }
0x76: {  	v35 =	vld [tilespmem:s17+$0xF480];
	v34 =	vbroadcast v3, $0x5;
	[tilespmem:s17+$0xF400] =	vst v2;
	v2 =	vmul.f32 v24, v27  }
0x77: {  	v37 =	vld [tilespmem:s17+$0xF490];
	v36 =	vmul.f32 v26, v27;
	[tilespmem:s17+$0xF410] =	vst v32  }
0x78: {  	v38 =	vld [tilespmem:s17+$0xF4A0];
	[tilespmem:s17+$0xF420] =	vst v2;
	v2 =	vmul.f32 v28, v34  }
0x79: {  	v40 =	vld [tilespmem:s17+$0xF4B0];
	v39 =	vmul.f32 v30, v34;
	[tilespmem:s17+$0xF430] =	vst v36  }
0x7a: {  	v42 =	vld [tilespmem:s17+$0xF4C0];
	v41 =	vbroadcast v3, $0x6;
	[tilespmem:s17+$0xF440] =	vst v2;
	v2 =	vmul.f32 v31, v34  }
0x7b: {  	v44 =	vld [tilespmem:s17+$0xF4D0];
	v43 =	vmul.f32 v33, v34;
	[tilespmem:s17+$0xF450] =	vst v39  }
0x7c: {  	v45 =	vld [tilespmem:s17+$0xF4E0];
	[tilespmem:s17+$0xF460] =	vst v2;
	v2 =	vmul.f32 v35, v41  }
0x7d: {  	v47 =	vld [tilespmem:s17+$0xF4F0];
	v46 =	vmul.f32 v37, v41;
	[tilespmem:s17+$0xF470] =	vst v43  }
0x7e: {  	v49 =	vld [tilespmem:s17+$0xF500];
	v48 =	vbroadcast v3, $0x7;
	[tilespmem:s17+$0xF480] =	vst v2;
	v2 =	vmul.f32 v38, v41  }
0x7f: {  	v51 =	vld [tilespmem:s17+$0xF510];
	v50 =	vmul.f32 v40, v41;
	[tilespmem:s17+$0xF490] =	vst v46  }
0x80: {  	v52 =	vld [tilespmem:s17+$0xF520];
	[tilespmem:s17+$0xF4A0] =	vst v2;
	v2 =	vmul.f32 v42, v48  }
0x81: {  	v54 =	vld [tilespmem:s17+$0xF530];
	v53 =	vmul.f32 v44, v48;
	[tilespmem:s17+$0xF4B0] =	vst v50  }
0x82: {  	v55 =	vbroadcast v3, $0x8;
	v58 =	vld [tilespmem:s17+$0xF550];
	[tilespmem:s17+$0xF4C0] =	vst v2;
	v2 =	vmul.f32 v45, v48  }
0x83: {  	[tilespmem:s17+$0xF4D0] =	vst v53;
	v57 =	vmul.f32 v47, v48;
	v56 =	vld [tilespmem:s17+$0xF540]  }
0x84: {  	v61 =	vld [tilespmem:s17+$0xF570];
	[tilespmem:s17+$0xF4E0] =	vst v2;
	v2 =	vmul.f32 v49, v55  }
0x85: {  	v60 =	vmul.f32 v51, v55;
	[tilespmem:s17+$0xF4F0] =	vst v57;
	v59 =	vld [tilespmem:s17+$0xF560]  }
0x86: {  	v16 =	vld [tilespmem:s17+$0xF590];
	v62 =	vbroadcast v3, $0x9;
	[tilespmem:s17+$0xF500] =	vst v2;
	v2 =	vmul.f32 v52, v55  }
0x87: {  	v15 =	vmul.f32 v54, v55;
	[tilespmem:s17+$0xF510] =	vst v60;
	v63 =	vld [tilespmem:s17+$0xF580]  }
0x88: {  	v19 =	vld [tilespmem:s17+$0xF5B0];
	[tilespmem:s17+$0xF520] =	vst v2;
	v2 =	vmul.f32 v56, v62  }
0x89: {  	[tilespmem:s17+$0xF530] =	vst v15;
	v18 =	vmul.f32 v58, v62;
	v17 =	vld [tilespmem:s17+$0xF5A0]  }
0x8a: {  	v23 =	vld [tilespmem:s17+$0xF5D0];
	v20 =	vbroadcast v3, $0xA;
	[tilespmem:s17+$0xF540] =	vst v2;
	v2 =	vmul.f32 v59, v62  }
0x8b: {  	v22 =	vmul.f32 v61, v62;
	[tilespmem:s17+$0xF550] =	vst v18;
	v21 =	vld [tilespmem:s17+$0xF5C0]  }
0x8c: {  	v26 =	vld [tilespmem:s17+$0xF5F0];
	[tilespmem:s17+$0xF560] =	vst v2;
	v2 =	vmul.f32 v63, v20  }
0x8d: {  	[tilespmem:s17+$0xF570] =	vst v22;
	v25 =	vmul.f32 v16, v20;
	v24 =	vld [tilespmem:s17+$0xF5E0]  }
0x8e: {  	v30 =	vld [tilespmem:s17+$0xF610];
	v27 =	vbroadcast v3, $0xB;
	[tilespmem:s17+$0xF580] =	vst v2;
	v2 =	vmul.f32 v17, v20  }
0x8f: {  	v29 =	vmul.f32 v19, v20;
	[tilespmem:s17+$0xF590] =	vst v25;
	v28 =	vld [tilespmem:s17+$0xF600]  }
0x90: {  	v33 =	vld [tilespmem:s17+$0xF630];
	[tilespmem:s17+$0xF5A0] =	vst v2;
	v2 =	vmul.f32 v21, v27  }
0x91: {  	[tilespmem:s17+$0xF5B0] =	vst v29;
	v32 =	vmul.f32 v23, v27;
	v31 =	vld [tilespmem:s17+$0xF620]  }
0x92: {  	v37 =	vld [tilespmem:s17+$0xF650];
	v34 =	vbroadcast v3, $0xC;
	[tilespmem:s17+$0xF5C0] =	vst v2;
	v2 =	vmul.f32 v24, v27  }
0x93: {  	v40 =	vld [tilespmem:s17+$0xF670];
	v36 =	vmul.f32 v26, v27;
	[tilespmem:s17+$0xF5D0] =	vst v32  }
0x94: {  	v35 =	vld [tilespmem:s17+$0xF640];
	[tilespmem:s17+$0xF5E0] =	vst v2;
	v2 =	vmul.f32 v28, v34  }
0x95: {  	s18 =	sor.u32 $0x10, s18;
	[tilespmem:s17+$0xF5F0] =	vst v36;
	v39 =	vmul.f32 v30, v34;
	v38 =	vld [tilespmem:s17+$0xF660]  }
0x96: {  	v41 =	vbroadcast v3, $0xD;
	v10 =	vmul.f32 v31, v34;
	[tilespmem:s17+$0xF600] =	vst v2;
	v2 =	vld.idx.msk [tilespmem:v1+s18+$0x0 ss:$0x1], $0xffff;
	s18 =	sshll.u32 s18, $0x6  }
0x97: {  	v43 =	vld [tilespmem:s17+$0xF680];
	[tilespmem:s17+$0xF610] =	vst v39;
	v42 =	vmul.f32 v33, v34;
	s18 =	sand.u32 $0x3FFFFC00, s18  }
0x98: {  	v46 =	vmul.f32 v37, v41;
	[tilespmem:s17+$0xF620] =	vst v10;
	v45 =	vld [tilespmem:s18+$0xF300]  }
0x99: {  	v51 =	vmul.f32 v40, v41;
	[tilespmem:s17+$0xF630] =	vst v42;
	v47 =	vld [tilespmem:s18+$0xF310]  }
0x9a: {  	v44 =	vmul.f32 v35, v41;
	[tilespmem:s17+$0xF650] =	vst v46;
	v49 =	vbroadcast v3, $0xE;
	v50 =	vld [tilespmem:s18+$0xF320]  }
0x9b: {  	[tilespmem:s17+$0xF670] =	vst v51;
	v48 =	vmul.f32 v38, v41;
	v53 =	vld [tilespmem:s18+$0xF330];
	v52 =	vbroadcast v2, $0x0  }
0x9c: {  	v54 =	vld [tilespmem:s17+$0xF690];
	[tilespmem:s17+$0xF640] =	vst v44;
	v6 =	vmul.f32 v43, v49  }
0x9d: {  	v58 =	vld [tilespmem:s17+$0xF6D0];
	[tilespmem:s17+$0xF660] =	vst v48;
	v10 =	vmul.f32 v52, v45  }
0x9e: {  	v57 =	vld [tilespmem:s17+$0xF6C0];
	[tilespmem:s17+$0xF680] =	vst v6;
	v8 =	vmul.f32 v47, v52  }
0x9f: {  	v55 =	vld [tilespmem:s17+$0xF6A0];
	v11 =	vmul.f32 v50, v52;
	[tilespmem:s18+$0xF300] =	vst v10  }
0xa0: {  	v3 =	vbroadcast v3, $0xF;
	v56 =	vld [tilespmem:s17+$0xF6B0];
	v5 =	vmul.f32 v53, v52;
	[tilespmem:s18+$0xF310] =	vst v8  }
0xa1: {  	v7 =	vmul.f32 v54, v49;
	v59 =	vld [tilespmem:s17+$0xF6E0];
	[tilespmem:s18+$0xF320] =	vst v11  }
0xa2: {  	v60 =	vld [tilespmem:s17+$0xF6F0];
	v12 =	vmul.f32 v58, v3;
	[tilespmem:s18+$0xF330] =	vst v5  }
0xa3: {  	[tilespmem:s17+$0xF690] =	vst v7;
	v62 =	vmul.f32 v57, v3;
	v61 =	vld [tilespmem:s17+$0xF740]  }
0xa4: {  	[tilespmem:s17+$0xF6D0] =	vst v12;
	v4 =	vmul.f32 v55, v49;
	v63 =	vld [tilespmem:s17+$0xF750]  }
0xa5: {  	[tilespmem:s17+$0xF6C0] =	vst v62;
	v6 =	vmul.f32 v56, v49;
	v13 =	vld [tilespmem:s17+$0xF760]  }
0xa6: {  	[tilespmem:s17+$0xF6A0] =	vst v4;
	v14 =	vmul.f32 v59, v3;
	v15 =	vbroadcast v2, $0x1;
	v17 =	vld [tilespmem:s17+$0xF780]  }
0xa7: {  	[tilespmem:s17+$0xF6B0] =	vst v6;
	v3 =	vmul.f32 v60, v3;
	v16 =	vld [tilespmem:s17+$0xF770]  }
0xa8: {  	[tilespmem:s17+$0xF6E0] =	vst v14;
	v20 =	vld [tilespmem:s17+$0xF7A0];
	v18 =	vmul.f32 v61, v15  }
0xa9: {  	[tilespmem:s17+$0xF6F0] =	vst v3;
	v22 =	vbroadcast v2, $0x2;
	v19 =	vld [tilespmem:s17+$0xF790];
	v3 =	vmul.f32 v63, v15  }
0xaa: {  	v24 =	vld [tilespmem:s17+$0xF7C0];
	v21 =	vmul.f32 v13, v15;
	[tilespmem:s17+$0xF740] =	vst v18  }
0xab: {  	v23 =	vld [tilespmem:s17+$0xF7B0];
	v25 =	vmul.f32 v17, v22;
	[tilespmem:s17+$0xF750] =	vst v3  }
0xac: {  	v27 =	vld [tilespmem:s17+$0xF7E0];
	v3 =	vmul.f32 v16, v15;
	[tilespmem:s17+$0xF760] =	vst v21  }
0xad: {  	v29 =	vbroadcast v2, $0x3;
	v26 =	vld [tilespmem:s17+$0xF7D0];
	v28 =	vmul.f32 v20, v22;
	[tilespmem:s17+$0xF780] =	vst v25  }
0xae: {  	v31 =	vld [tilespmem:s17+$0xF800];
	[tilespmem:s17+$0xF770] =	vst v3;
	v3 =	vmul.f32 v19, v22  }
0xaf: {  	v30 =	vld [tilespmem:s17+$0xF7F0];
	v32 =	vmul.f32 v24, v29;
	[tilespmem:s17+$0xF7A0] =	vst v28  }
0xb0: {  	v34 =	vld [tilespmem:s17+$0xF820];
	[tilespmem:s17+$0xF790] =	vst v3;
	v3 =	vmul.f32 v23, v22  }
0xb1: {  	v36 =	vbroadcast v2, $0x4;
	v33 =	vld [tilespmem:s17+$0xF810];
	v35 =	vmul.f32 v27, v29;
	[tilespmem:s17+$0xF7C0] =	vst v32  }
0xb2: {  	v38 =	vld [tilespmem:s17+$0xF840];
	[tilespmem:s17+$0xF7B0] =	vst v3;
	v3 =	vmul.f32 v26, v29  }
0xb3: {  	v37 =	vld [tilespmem:s17+$0xF830];
	v39 =	vmul.f32 v31, v36;
	[tilespmem:s17+$0xF7E0] =	vst v35  }
0xb4: {  	v41 =	vld [tilespmem:s17+$0xF860];
	[tilespmem:s17+$0xF7D0] =	vst v3;
	v3 =	vmul.f32 v30, v29  }
0xb5: {  	v43 =	vbroadcast v2, $0x5;
	v40 =	vld [tilespmem:s17+$0xF850];
	v42 =	vmul.f32 v34, v36;
	[tilespmem:s17+$0xF800] =	vst v39  }
0xb6: {  	v45 =	vld [tilespmem:s17+$0xF880];
	[tilespmem:s17+$0xF7F0] =	vst v3;
	v3 =	vmul.f32 v33, v36  }
0xb7: {  	v44 =	vld [tilespmem:s17+$0xF870];
	v46 =	vmul.f32 v38, v43;
	[tilespmem:s17+$0xF820] =	vst v42  }
0xb8: {  	v48 =	vld [tilespmem:s17+$0xF8A0];
	[tilespmem:s17+$0xF810] =	vst v3;
	v3 =	vmul.f32 v37, v36  }
0xb9: {  	v50 =	vbroadcast v2, $0x6;
	v47 =	vld [tilespmem:s17+$0xF890];
	v49 =	vmul.f32 v41, v43;
	[tilespmem:s17+$0xF840] =	vst v46  }
0xba: {  	v52 =	vld [tilespmem:s17+$0xF8C0];
	[tilespmem:s17+$0xF830] =	vst v3;
	v3 =	vmul.f32 v40, v43  }
0xbb: {  	v51 =	vld [tilespmem:s17+$0xF8B0];
	v53 =	vmul.f32 v45, v50;
	[tilespmem:s17+$0xF860] =	vst v49  }
0xbc: {  	v55 =	vld [tilespmem:s17+$0xF8E0];
	[tilespmem:s17+$0xF850] =	vst v3;
	v3 =	vmul.f32 v44, v43  }
0xbd: {  	v57 =	vbroadcast v2, $0x7;
	v54 =	vld [tilespmem:s17+$0xF8D0];
	v56 =	vmul.f32 v48, v50;
	[tilespmem:s17+$0xF880] =	vst v53  }
0xbe: {  	v59 =	vld [tilespmem:s17+$0xF900];
	[tilespmem:s17+$0xF870] =	vst v3;
	v3 =	vmul.f32 v47, v50  }
0xbf: {  	v58 =	vld [tilespmem:s17+$0xF8F0];
	v60 =	vmul.f32 v52, v57;
	[tilespmem:s17+$0xF8A0] =	vst v56  }
0xc0: {  	v62 =	vld [tilespmem:s17+$0xF920];
	[tilespmem:s17+$0xF890] =	vst v3;
	v3 =	vmul.f32 v51, v50  }
0xc1: {  	v12 =	vbroadcast v2, $0x8;
	v61 =	vld [tilespmem:s17+$0xF910];
	v63 =	vmul.f32 v55, v57;
	[tilespmem:s17+$0xF8C0] =	vst v60  }
0xc2: {  	v14 =	vld [tilespmem:s17+$0xF940];
	[tilespmem:s17+$0xF8B0] =	vst v3;
	v3 =	vmul.f32 v54, v57  }
0xc3: {  	v13 =	vld [tilespmem:s17+$0xF930];
	[tilespmem:s17+$0xF8E0] =	vst v63;
	v15 =	vmul.f32 v59, v12  }
0xc4: {  	v17 =	vld [tilespmem:s17+$0xF960];
	[tilespmem:s17+$0xF8D0] =	vst v3;
	v3 =	vmul.f32 v58, v57  }
0xc5: {  	v16 =	vld [tilespmem:s17+$0xF950];
	v18 =	vmul.f32 v62, v12;
	[tilespmem:s17+$0xF900] =	vst v15;
	v19 =	vbroadcast v2, $0x9  }
0xc6: {  	v21 =	vld [tilespmem:s17+$0xF980];
	[tilespmem:s17+$0xF8F0] =	vst v3;
	v3 =	vmul.f32 v61, v12  }
0xc7: {  	v20 =	vld [tilespmem:s17+$0xF970];
	[tilespmem:s17+$0xF920] =	vst v18;
	v22 =	vmul.f32 v14, v19  }
0xc8: {  	v24 =	vld [tilespmem:s17+$0xF9A0];
	[tilespmem:s17+$0xF910] =	vst v3;
	v3 =	vmul.f32 v13, v12  }
0xc9: {  	v23 =	vld [tilespmem:s17+$0xF990];
	v25 =	vmul.f32 v17, v19;
	[tilespmem:s17+$0xF940] =	vst v22;
	v26 =	vbroadcast v2, $0xA  }
0xca: {  	v28 =	vld [tilespmem:s17+$0xF9C0];
	[tilespmem:s17+$0xF930] =	vst v3;
	v3 =	vmul.f32 v16, v19  }
0xcb: {  	v27 =	vld [tilespmem:s17+$0xF9B0];
	[tilespmem:s17+$0xF960] =	vst v25;
	v29 =	vmul.f32 v21, v26  }
0xcc: {  	v31 =	vld [tilespmem:s17+$0xF9E0];
	[tilespmem:s17+$0xF950] =	vst v3;
	v3 =	vmul.f32 v20, v19  }
0xcd: {  	v30 =	vld [tilespmem:s17+$0xF9D0];
	v32 =	vmul.f32 v24, v26;
	[tilespmem:s17+$0xF980] =	vst v29;
	v33 =	vbroadcast v2, $0xB  }
0xce: {  	v35 =	vld [tilespmem:s17+$0xFA00];
	[tilespmem:s17+$0xF970] =	vst v3;
	v3 =	vmul.f32 v23, v26  }
0xcf: {  	v34 =	vld [tilespmem:s17+$0xF9F0];
	[tilespmem:s17+$0xF9A0] =	vst v32;
	v36 =	vmul.f32 v28, v33  }
0xd0: {  	v38 =	vld [tilespmem:s17+$0xFA20];
	[tilespmem:s17+$0xF990] =	vst v3;
	v3 =	vmul.f32 v27, v26  }
0xd1: {  	v37 =	vld [tilespmem:s17+$0xFA10];
	v39 =	vmul.f32 v31, v33;
	[tilespmem:s17+$0xF9C0] =	vst v36;
	v40 =	vbroadcast v2, $0xC  }
0xd2: {  	v42 =	vld [tilespmem:s17+$0xFA40];
	[tilespmem:s17+$0xF9B0] =	vst v3;
	v3 =	vmul.f32 v30, v33  }
0xd3: {  	v41 =	vld [tilespmem:s17+$0xFA30];
	[tilespmem:s17+$0xF9E0] =	vst v39;
	v43 =	vmul.f32 v35, v40  }
0xd4: {  	v45 =	vld [tilespmem:s17+$0xFA60];
	[tilespmem:s17+$0xF9D0] =	vst v3;
	v3 =	vmul.f32 v34, v33  }
0xd5: {  	v44 =	vld [tilespmem:s17+$0xFA50];
	v46 =	vmul.f32 v38, v40;
	[tilespmem:s17+$0xFA00] =	vst v43;
	v47 =	vbroadcast v2, $0xD  }
0xd6: {  	v49 =	vld [tilespmem:s17+$0xFA80];
	[tilespmem:s17+$0xF9F0] =	vst v3;
	v3 =	vmul.f32 v37, v40  }
0xd7: {  	v48 =	vld [tilespmem:s17+$0xFA70];
	[tilespmem:s17+$0xFA20] =	vst v46;
	v50 =	vmul.f32 v42, v47  }
0xd8: {  	v52 =	vld [tilespmem:s17+$0xFAA0];
	[tilespmem:s17+$0xFA10] =	vst v3;
	v3 =	vmul.f32 v41, v40  }
0xd9: {  	v51 =	vld [tilespmem:s17+$0xFA90];
	v53 =	vmul.f32 v45, v47;
	[tilespmem:s17+$0xFA40] =	vst v50;
	v54 =	vbroadcast v2, $0xE  }
0xda: {  	v56 =	vld [tilespmem:s17+$0xFAC0];
	[tilespmem:s17+$0xFA30] =	vst v3;
	v3 =	vmul.f32 v44, v47  }
0xdb: {  	v55 =	vld [tilespmem:s17+$0xFAB0];
	[tilespmem:s17+$0xFA60] =	vst v53;
	v57 =	vmul.f32 v49, v54  }
0xdc: {  	v59 =	vld [tilespmem:s17+$0xFAE0];
	[tilespmem:s17+$0xFA50] =	vst v3;
	v3 =	vmul.f32 v48, v47  }
0xdd: {  	v2 =	vbroadcast v2, $0xF;
	v58 =	vld [tilespmem:s17+$0xFAD0];
	v60 =	vmul.f32 v52, v54;
	[tilespmem:s17+$0xFA80] =	vst v57  }
0xde: {  	v61 =	vld [tilespmem:s17+$0xFAF0];
	[tilespmem:s17+$0xFA70] =	vst v3;
	v3 =	vmul.f32 v51, v54  }
0xdf: {  	v62 =	vmul.f32 v56, v2;
	[tilespmem:s17+$0xFAA0] =	vst v60  }
0xe0: {  	p1 =	slt.u32 s16, $0x6;
	[tilespmem:s17+$0xFA90] =	vst v3;
	v3 =	vmul.f32 v55, v54  }
.Ltmp1:
0xe1: {  	v63 =	vmul.f32 v59, v2;
	[tilespmem:s17+$0xFAC0] =	vst v62;
	(pc) =	sbr.rel @p1 .LBB2_5-.Ltmp1, $4  }
0xe2: {  	[tilespmem:s17+$0xFAB0] =	vst v3;
	v3 =	vmul.f32 v58, v2  }
0xe3: {  	[tilespmem:s17+$0xFAE0] =	vst v63;
	v2 =	vmul.f32 v61, v2  }
0xe4: {  	s19 =	sadd.s32 $0x2, s16;
	[tilespmem:s17+$0xFAD0] =	vst v3  }
0xe5: {  	s16 =	smov.u32 s19;
	[tilespmem:s17+$0xFAF0] =	vst v2  }
0xe6: {  	s15 =	sadd.s32 $0xA200, s15  }
0xe7: {  	[spmem:s1] =	stream.indirect.scatter.add.f32 [tilespmem:s24], [sflag:$0x4], $0x40, s15, s25, $0xb8;
	[tilespmem:$0x1EF40] =	vst v63  }
0xe8: {  	p1 =	seq.s32 s5, $0x35;
	_ =	swait.ge [sflag:s30], $0x2000  }
0xe9: {  	s15 =	sshra.s32 @!p1 s14, $0x2;
	s17 =	simm.s32 @!p1 $0x80;
	[sflag:s30] =	ssyncset.done $0x0  }
0xea: {  	s18 =	simm.s32 @!p1 $0xF300;
	s16 =	sadd.s32 @!p1 $0x180, s15;
	[sflag:s30] =	ssyncadd.s32 $0xFFFFE000  }
0xeb: {  	[tilespmem:s18], [sflag:$0x1] =	stream.indirect.gather @!p1 [hbm4b:s13+s17], $0x40, s16, s17, $0xb8;
	[tilespmem:$0x1EF40] =	vst v63  }
0xec: {  	s18 =	sadd.s32 $0x200, s14  }
0xed: {  	s14 =	sshra.s32 s18, $0x2  }
0xee: {  	s19 =	sadd.s32 $0x5100, s14  }
0xef: {  	_ =	swait.ge [sflag:s31], $0x2000;
	v1 =	vmov s19  }
0xf0: {  	[sflag:s31] =	ssyncset.done $0x0  }
0xf1: {  	s16 =	simm.s32 $0x0;
	[sflag:s31] =	ssyncadd.s32 $0xFFFFE000  }
.LBB2_7:
0xf2: {  	s18 =	sshll.u32 s16, $0x4  }
0xf3: {  	s19 =	sshll.u32 s16, $0xA;
	s17 =	sand.u32 $0x3FFFFFF0, s18  }
0xf4: {  	v3 =	vld.idx.msk [tilespmem:v1+s17+$0x0 ss:$0x1], $0xffff;
	s17 =	sand.u32 $0x3FFFFC00, s19  }
0xf5: {  	v2 =	vld [tilespmem:s17+$0x11300]  }
0xf6: {  	v4 =	vld [tilespmem:s17+$0x11310]  }
0xf7: {  	v5 =	vld [tilespmem:s17+$0x11320]  }
0xf8: {  	v6 =	vld [tilespmem:s17+$0x11330]  }
0xf9: {  	v8 =	vld [tilespmem:s17+$0x11340];
	v7 =	vbroadcast v3, $0x0  }
0xfa: {  	v9 =	vld [tilespmem:s17+$0x11350]  }
0xfb: {  	v10 =	vld [tilespmem:s17+$0x11360];
	v2 =	vmul.f32 v7, v2  }
0xfc: {  	v11 =	vld [tilespmem:s17+$0x11370];
	v4 =	vmul.f32 v4, v7  }
0xfd: {  	v12 =	vld [tilespmem:s17+$0x11380];
	v56 =	vbroadcast v3, $0x1;
	[tilespmem:s17+$0x11300] =	vst v2;
	v2 =	vmul.f32 v5, v7  }
0xfe: {  	v58 =	vld [tilespmem:s17+$0x11390];
	v57 =	vmul.f32 v6, v7;
	[tilespmem:s17+$0x11310] =	vst v4  }
0xff: {  	v59 =	vld [tilespmem:s17+$0x113A0];
	[tilespmem:s17+$0x11320] =	vst v2;
	v2 =	vmul.f32 v8, v56  }
0x100: {  	v61 =	vld [tilespmem:s17+$0x113B0];
	v60 =	vmul.f32 v9, v56;
	[tilespmem:s17+$0x11330] =	vst v57  }
0x101: {  	v63 =	vld [tilespmem:s17+$0x113C0];
	v62 =	vbroadcast v3, $0x2;
	[tilespmem:s17+$0x11340] =	vst v2;
	v2 =	vmul.f32 v10, v56  }
0x102: {  	v16 =	vld [tilespmem:s17+$0x113D0];
	v15 =	vmul.f32 v11, v56;
	[tilespmem:s17+$0x11350] =	vst v60  }
0x103: {  	v17 =	vld [tilespmem:s17+$0x113E0];
	[tilespmem:s17+$0x11360] =	vst v2;
	v2 =	vmul.f32 v12, v62  }
0x104: {  	v19 =	vld [tilespmem:s17+$0x113F0];
	v18 =	vmul.f32 v58, v62;
	[tilespmem:s17+$0x11370] =	vst v15  }
0x105: {  	v21 =	vld [tilespmem:s17+$0x11400];
	v20 =	vbroadcast v3, $0x3;
	[tilespmem:s17+$0x11380] =	vst v2;
	v2 =	vmul.f32 v59, v62  }
0x106: {  	v23 =	vld [tilespmem:s17+$0x11410];
	v22 =	vmul.f32 v61, v62;
	[tilespmem:s17+$0x11390] =	vst v18  }
0x107: {  	v24 =	vld [tilespmem:s17+$0x11420];
	[tilespmem:s17+$0x113A0] =	vst v2;
	v2 =	vmul.f32 v63, v20  }
0x108: {  	v26 =	vld [tilespmem:s17+$0x11430];
	v25 =	vmul.f32 v16, v20;
	[tilespmem:s17+$0x113B0] =	vst v22  }
0x109: {  	v28 =	vld [tilespmem:s17+$0x11440];
	v27 =	vbroadcast v3, $0x4;
	[tilespmem:s17+$0x113C0] =	vst v2;
	v2 =	vmul.f32 v17, v20  }
0x10a: {  	v30 =	vld [tilespmem:s17+$0x11450];
	v29 =	vmul.f32 v19, v20;
	[tilespmem:s17+$0x113D0] =	vst v25  }
0x10b: {  	v31 =	vld [tilespmem:s17+$0x11460];
	[tilespmem:s17+$0x113E0] =	vst v2;
	v2 =	vmul.f32 v21, v27  }
0x10c: {  	v33 =	vld [tilespmem:s17+$0x11470];
	v32 =	vmul.f32 v23, v27;
	[tilespmem:s17+$0x113F0] =	vst v29  }
0x10d: {  	v35 =	vld [tilespmem:s17+$0x11480];
	v34 =	vbroadcast v3, $0x5;
	[tilespmem:s17+$0x11400] =	vst v2;
	v2 =	vmul.f32 v24, v27  }
0x10e: {  	v37 =	vld [tilespmem:s17+$0x11490];
	v36 =	vmul.f32 v26, v27;
	[tilespmem:s17+$0x11410] =	vst v32  }
0x10f: {  	v38 =	vld [tilespmem:s17+$0x114A0];
	[tilespmem:s17+$0x11420] =	vst v2;
	v2 =	vmul.f32 v28, v34  }
0x110: {  	v40 =	vld [tilespmem:s17+$0x114B0];
	v39 =	vmul.f32 v30, v34;
	[tilespmem:s17+$0x11430] =	vst v36  }
0x111: {  	v42 =	vld [tilespmem:s17+$0x114C0];
	v41 =	vbroadcast v3, $0x6;
	[tilespmem:s17+$0x11440] =	vst v2;
	v2 =	vmul.f32 v31, v34  }
0x112: {  	v44 =	vld [tilespmem:s17+$0x114D0];
	v43 =	vmul.f32 v33, v34;
	[tilespmem:s17+$0x11450] =	vst v39  }
0x113: {  	v45 =	vld [tilespmem:s17+$0x114E0];
	[tilespmem:s17+$0x11460] =	vst v2;
	v2 =	vmul.f32 v35, v41  }
0x114: {  	v47 =	vld [tilespmem:s17+$0x114F0];
	v46 =	vmul.f32 v37, v41;
	[tilespmem:s17+$0x11470] =	vst v43  }
0x115: {  	v49 =	vld [tilespmem:s17+$0x11500];
	v48 =	vbroadcast v3, $0x7;
	[tilespmem:s17+$0x11480] =	vst v2;
	v2 =	vmul.f32 v38, v41  }
0x116: {  	v51 =	vld [tilespmem:s17+$0x11510];
	v50 =	vmul.f32 v40, v41;
	[tilespmem:s17+$0x11490] =	vst v46  }
0x117: {  	v52 =	vld [tilespmem:s17+$0x11520];
	[tilespmem:s17+$0x114A0] =	vst v2;
	v2 =	vmul.f32 v42, v48  }
0x118: {  	v54 =	vld [tilespmem:s17+$0x11530];
	v53 =	vmul.f32 v44, v48;
	[tilespmem:s17+$0x114B0] =	vst v50  }
0x119: {  	v55 =	vbroadcast v3, $0x8;
	v58 =	vld [tilespmem:s17+$0x11550];
	[tilespmem:s17+$0x114C0] =	vst v2;
	v2 =	vmul.f32 v45, v48  }
0x11a: {  	[tilespmem:s17+$0x114D0] =	vst v53;
	v57 =	vmul.f32 v47, v48;
	v56 =	vld [tilespmem:s17+$0x11540]  }
0x11b: {  	v61 =	vld [tilespmem:s17+$0x11570];
	[tilespmem:s17+$0x114E0] =	vst v2;
	v2 =	vmul.f32 v49, v55  }
0x11c: {  	v60 =	vmul.f32 v51, v55;
	[tilespmem:s17+$0x114F0] =	vst v57;
	v59 =	vld [tilespmem:s17+$0x11560]  }
0x11d: {  	v16 =	vld [tilespmem:s17+$0x11590];
	v62 =	vbroadcast v3, $0x9;
	[tilespmem:s17+$0x11500] =	vst v2;
	v2 =	vmul.f32 v52, v55  }
0x11e: {  	v15 =	vmul.f32 v54, v55;
	[tilespmem:s17+$0x11510] =	vst v60;
	v63 =	vld [tilespmem:s17+$0x11580]  }
0x11f: {  	v19 =	vld [tilespmem:s17+$0x115B0];
	[tilespmem:s17+$0x11520] =	vst v2;
	v2 =	vmul.f32 v56, v62  }
0x120: {  	[tilespmem:s17+$0x11530] =	vst v15;
	v18 =	vmul.f32 v58, v62;
	v17 =	vld [tilespmem:s17+$0x115A0]  }
0x121: {  	v23 =	vld [tilespmem:s17+$0x115D0];
	v20 =	vbroadcast v3, $0xA;
	[tilespmem:s17+$0x11540] =	vst v2;
	v2 =	vmul.f32 v59, v62  }
0x122: {  	v22 =	vmul.f32 v61, v62;
	[tilespmem:s17+$0x11550] =	vst v18;
	v21 =	vld [tilespmem:s17+$0x115C0]  }
0x123: {  	v26 =	vld [tilespmem:s17+$0x115F0];
	[tilespmem:s17+$0x11560] =	vst v2;
	v2 =	vmul.f32 v63, v20  }
0x124: {  	[tilespmem:s17+$0x11570] =	vst v22;
	v25 =	vmul.f32 v16, v20;
	v24 =	vld [tilespmem:s17+$0x115E0]  }
0x125: {  	v30 =	vld [tilespmem:s17+$0x11610];
	v27 =	vbroadcast v3, $0xB;
	[tilespmem:s17+$0x11580] =	vst v2;
	v2 =	vmul.f32 v17, v20  }
0x126: {  	v29 =	vmul.f32 v19, v20;
	[tilespmem:s17+$0x11590] =	vst v25;
	v28 =	vld [tilespmem:s17+$0x11600]  }
0x127: {  	v33 =	vld [tilespmem:s17+$0x11630];
	[tilespmem:s17+$0x115A0] =	vst v2;
	v2 =	vmul.f32 v21, v27  }
0x128: {  	[tilespmem:s17+$0x115B0] =	vst v29;
	v32 =	vmul.f32 v23, v27;
	v31 =	vld [tilespmem:s17+$0x11620]  }
0x129: {  	v37 =	vld [tilespmem:s17+$0x11650];
	v34 =	vbroadcast v3, $0xC;
	[tilespmem:s17+$0x115C0] =	vst v2;
	v2 =	vmul.f32 v24, v27  }
0x12a: {  	v40 =	vld [tilespmem:s17+$0x11670];
	v36 =	vmul.f32 v26, v27;
	[tilespmem:s17+$0x115D0] =	vst v32  }
0x12b: {  	v35 =	vld [tilespmem:s17+$0x11640];
	[tilespmem:s17+$0x115E0] =	vst v2;
	v2 =	vmul.f32 v28, v34  }
0x12c: {  	s18 =	sor.u32 $0x10, s18;
	[tilespmem:s17+$0x115F0] =	vst v36;
	v39 =	vmul.f32 v30, v34;
	v38 =	vld [tilespmem:s17+$0x11660]  }
0x12d: {  	v41 =	vbroadcast v3, $0xD;
	v10 =	vmul.f32 v31, v34;
	[tilespmem:s17+$0x11600] =	vst v2;
	v2 =	vld.idx.msk [tilespmem:v1+s18+$0x0 ss:$0x1], $0xffff;
	s18 =	sshll.u32 s18, $0x6  }
0x12e: {  	v43 =	vld [tilespmem:s17+$0x11680];
	[tilespmem:s17+$0x11610] =	vst v39;
	v42 =	vmul.f32 v33, v34;
	s18 =	sand.u32 $0x3FFFFC00, s18  }
0x12f: {  	v46 =	vmul.f32 v37, v41;
	[tilespmem:s17+$0x11620] =	vst v10;
	v45 =	vld [tilespmem:s18+$0x11300]  }
0x130: {  	v51 =	vmul.f32 v40, v41;
	[tilespmem:s17+$0x11630] =	vst v42;
	v47 =	vld [tilespmem:s18+$0x11310]  }
0x131: {  	v44 =	vmul.f32 v35, v41;
	[tilespmem:s17+$0x11650] =	vst v46;
	v49 =	vbroadcast v3, $0xE;
	v50 =	vld [tilespmem:s18+$0x11320]  }
0x132: {  	[tilespmem:s17+$0x11670] =	vst v51;
	v48 =	vmul.f32 v38, v41;
	v53 =	vld [tilespmem:s18+$0x11330];
	v52 =	vbroadcast v2, $0x0  }
0x133: {  	v54 =	vld [tilespmem:s17+$0x11690];
	[tilespmem:s17+$0x11640] =	vst v44;
	v6 =	vmul.f32 v43, v49  }
0x134: {  	v58 =	vld [tilespmem:s17+$0x116D0];
	[tilespmem:s17+$0x11660] =	vst v48;
	v10 =	vmul.f32 v52, v45  }
0x135: {  	v57 =	vld [tilespmem:s17+$0x116C0];
	[tilespmem:s17+$0x11680] =	vst v6;
	v8 =	vmul.f32 v47, v52  }
0x136: {  	v55 =	vld [tilespmem:s17+$0x116A0];
	v11 =	vmul.f32 v50, v52;
	[tilespmem:s18+$0x11300] =	vst v10  }
0x137: {  	v3 =	vbroadcast v3, $0xF;
	v56 =	vld [tilespmem:s17+$0x116B0];
	v5 =	vmul.f32 v53, v52;
	[tilespmem:s18+$0x11310] =	vst v8  }
0x138: {  	v7 =	vmul.f32 v54, v49;
	v59 =	vld [tilespmem:s17+$0x116E0];
	[tilespmem:s18+$0x11320] =	vst v11  }
0x139: {  	v60 =	vld [tilespmem:s17+$0x116F0];
	v12 =	vmul.f32 v58, v3;
	[tilespmem:s18+$0x11330] =	vst v5  }
0x13a: {  	[tilespmem:s17+$0x11690] =	vst v7;
	v62 =	vmul.f32 v57, v3;
	v61 =	vld [tilespmem:s17+$0x11740]  }
0x13b: {  	[tilespmem:s17+$0x116D0] =	vst v12;
	v4 =	vmul.f32 v55, v49;
	v63 =	vld [tilespmem:s17+$0x11750]  }
0x13c: {  	[tilespmem:s17+$0x116C0] =	vst v62;
	v6 =	vmul.f32 v56, v49;
	v13 =	vld [tilespmem:s17+$0x11760]  }
0x13d: {  	[tilespmem:s17+$0x116A0] =	vst v4;
	v14 =	vmul.f32 v59, v3;
	v15 =	vbroadcast v2, $0x1;
	v17 =	vld [tilespmem:s17+$0x11780]  }
0x13e: {  	[tilespmem:s17+$0x116B0] =	vst v6;
	v3 =	vmul.f32 v60, v3;
	v16 =	vld [tilespmem:s17+$0x11770]  }
0x13f: {  	[tilespmem:s17+$0x116E0] =	vst v14;
	v20 =	vld [tilespmem:s17+$0x117A0];
	v18 =	vmul.f32 v61, v15  }
0x140: {  	[tilespmem:s17+$0x116F0] =	vst v3;
	v22 =	vbroadcast v2, $0x2;
	v19 =	vld [tilespmem:s17+$0x11790];
	v3 =	vmul.f32 v63, v15  }
0x141: {  	v24 =	vld [tilespmem:s17+$0x117C0];
	v21 =	vmul.f32 v13, v15;
	[tilespmem:s17+$0x11740] =	vst v18  }
0x142: {  	v23 =	vld [tilespmem:s17+$0x117B0];
	v25 =	vmul.f32 v17, v22;
	[tilespmem:s17+$0x11750] =	vst v3  }
0x143: {  	v27 =	vld [tilespmem:s17+$0x117E0];
	v3 =	vmul.f32 v16, v15;
	[tilespmem:s17+$0x11760] =	vst v21  }
0x144: {  	v29 =	vbroadcast v2, $0x3;
	v26 =	vld [tilespmem:s17+$0x117D0];
	v28 =	vmul.f32 v20, v22;
	[tilespmem:s17+$0x11780] =	vst v25  }
0x145: {  	v31 =	vld [tilespmem:s17+$0x11800];
	[tilespmem:s17+$0x11770] =	vst v3;
	v3 =	vmul.f32 v19, v22  }
0x146: {  	v30 =	vld [tilespmem:s17+$0x117F0];
	v32 =	vmul.f32 v24, v29;
	[tilespmem:s17+$0x117A0] =	vst v28  }
0x147: {  	v34 =	vld [tilespmem:s17+$0x11820];
	[tilespmem:s17+$0x11790] =	vst v3;
	v3 =	vmul.f32 v23, v22  }
0x148: {  	v36 =	vbroadcast v2, $0x4;
	v33 =	vld [tilespmem:s17+$0x11810];
	v35 =	vmul.f32 v27, v29;
	[tilespmem:s17+$0x117C0] =	vst v32  }
0x149: {  	v38 =	vld [tilespmem:s17+$0x11840];
	[tilespmem:s17+$0x117B0] =	vst v3;
	v3 =	vmul.f32 v26, v29  }
0x14a: {  	v37 =	vld [tilespmem:s17+$0x11830];
	v39 =	vmul.f32 v31, v36;
	[tilespmem:s17+$0x117E0] =	vst v35  }
0x14b: {  	v41 =	vld [tilespmem:s17+$0x11860];
	[tilespmem:s17+$0x117D0] =	vst v3;
	v3 =	vmul.f32 v30, v29  }
0x14c: {  	v43 =	vbroadcast v2, $0x5;
	v40 =	vld [tilespmem:s17+$0x11850];
	v42 =	vmul.f32 v34, v36;
	[tilespmem:s17+$0x11800] =	vst v39  }
0x14d: {  	v45 =	vld [tilespmem:s17+$0x11880];
	[tilespmem:s17+$0x117F0] =	vst v3;
	v3 =	vmul.f32 v33, v36  }
0x14e: {  	v44 =	vld [tilespmem:s17+$0x11870];
	v46 =	vmul.f32 v38, v43;
	[tilespmem:s17+$0x11820] =	vst v42  }
0x14f: {  	v48 =	vld [tilespmem:s17+$0x118A0];
	[tilespmem:s17+$0x11810] =	vst v3;
	v3 =	vmul.f32 v37, v36  }
0x150: {  	v50 =	vbroadcast v2, $0x6;
	v47 =	vld [tilespmem:s17+$0x11890];
	v49 =	vmul.f32 v41, v43;
	[tilespmem:s17+$0x11840] =	vst v46  }
0x151: {  	v52 =	vld [tilespmem:s17+$0x118C0];
	[tilespmem:s17+$0x11830] =	vst v3;
	v3 =	vmul.f32 v40, v43  }
0x152: {  	v51 =	vld [tilespmem:s17+$0x118B0];
	v53 =	vmul.f32 v45, v50;
	[tilespmem:s17+$0x11860] =	vst v49  }
0x153: {  	v55 =	vld [tilespmem:s17+$0x118E0];
	[tilespmem:s17+$0x11850] =	vst v3;
	v3 =	vmul.f32 v44, v43  }
0x154: {  	v57 =	vbroadcast v2, $0x7;
	v54 =	vld [tilespmem:s17+$0x118D0];
	v56 =	vmul.f32 v48, v50;
	[tilespmem:s17+$0x11880] =	vst v53  }
0x155: {  	v59 =	vld [tilespmem:s17+$0x11900];
	[tilespmem:s17+$0x11870] =	vst v3;
	v3 =	vmul.f32 v47, v50  }
0x156: {  	v58 =	vld [tilespmem:s17+$0x118F0];
	v60 =	vmul.f32 v52, v57;
	[tilespmem:s17+$0x118A0] =	vst v56  }
0x157: {  	v62 =	vld [tilespmem:s17+$0x11920];
	[tilespmem:s17+$0x11890] =	vst v3;
	v3 =	vmul.f32 v51, v50  }
0x158: {  	v12 =	vbroadcast v2, $0x8;
	v61 =	vld [tilespmem:s17+$0x11910];
	v63 =	vmul.f32 v55, v57;
	[tilespmem:s17+$0x118C0] =	vst v60  }
0x159: {  	v14 =	vld [tilespmem:s17+$0x11940];
	[tilespmem:s17+$0x118B0] =	vst v3;
	v3 =	vmul.f32 v54, v57  }
0x15a: {  	v13 =	vld [tilespmem:s17+$0x11930];
	[tilespmem:s17+$0x118E0] =	vst v63;
	v15 =	vmul.f32 v59, v12  }
0x15b: {  	v17 =	vld [tilespmem:s17+$0x11960];
	[tilespmem:s17+$0x118D0] =	vst v3;
	v3 =	vmul.f32 v58, v57  }
0x15c: {  	v16 =	vld [tilespmem:s17+$0x11950];
	v18 =	vmul.f32 v62, v12;
	[tilespmem:s17+$0x11900] =	vst v15;
	v19 =	vbroadcast v2, $0x9  }
0x15d: {  	v21 =	vld [tilespmem:s17+$0x11980];
	[tilespmem:s17+$0x118F0] =	vst v3;
	v3 =	vmul.f32 v61, v12  }
0x15e: {  	v20 =	vld [tilespmem:s17+$0x11970];
	[tilespmem:s17+$0x11920] =	vst v18;
	v22 =	vmul.f32 v14, v19  }
0x15f: {  	v24 =	vld [tilespmem:s17+$0x119A0];
	[tilespmem:s17+$0x11910] =	vst v3;
	v3 =	vmul.f32 v13, v12  }
0x160: {  	v23 =	vld [tilespmem:s17+$0x11990];
	v25 =	vmul.f32 v17, v19;
	[tilespmem:s17+$0x11940] =	vst v22;
	v26 =	vbroadcast v2, $0xA  }
0x161: {  	v28 =	vld [tilespmem:s17+$0x119C0];
	[tilespmem:s17+$0x11930] =	vst v3;
	v3 =	vmul.f32 v16, v19  }
0x162: {  	v27 =	vld [tilespmem:s17+$0x119B0];
	[tilespmem:s17+$0x11960] =	vst v25;
	v29 =	vmul.f32 v21, v26  }
0x163: {  	v31 =	vld [tilespmem:s17+$0x119E0];
	[tilespmem:s17+$0x11950] =	vst v3;
	v3 =	vmul.f32 v20, v19  }
0x164: {  	v30 =	vld [tilespmem:s17+$0x119D0];
	v32 =	vmul.f32 v24, v26;
	[tilespmem:s17+$0x11980] =	vst v29;
	v33 =	vbroadcast v2, $0xB  }
0x165: {  	v35 =	vld [tilespmem:s17+$0x11A00];
	[tilespmem:s17+$0x11970] =	vst v3;
	v3 =	vmul.f32 v23, v26  }
0x166: {  	v34 =	vld [tilespmem:s17+$0x119F0];
	[tilespmem:s17+$0x119A0] =	vst v32;
	v36 =	vmul.f32 v28, v33  }
0x167: {  	v38 =	vld [tilespmem:s17+$0x11A20];
	[tilespmem:s17+$0x11990] =	vst v3;
	v3 =	vmul.f32 v27, v26  }
0x168: {  	v37 =	vld [tilespmem:s17+$0x11A10];
	v39 =	vmul.f32 v31, v33;
	[tilespmem:s17+$0x119C0] =	vst v36;
	v40 =	vbroadcast v2, $0xC  }
0x169: {  	v42 =	vld [tilespmem:s17+$0x11A40];
	[tilespmem:s17+$0x119B0] =	vst v3;
	v3 =	vmul.f32 v30, v33  }
0x16a: {  	v41 =	vld [tilespmem:s17+$0x11A30];
	[tilespmem:s17+$0x119E0] =	vst v39;
	v43 =	vmul.f32 v35, v40  }
0x16b: {  	v45 =	vld [tilespmem:s17+$0x11A60];
	[tilespmem:s17+$0x119D0] =	vst v3;
	v3 =	vmul.f32 v34, v33  }
0x16c: {  	v44 =	vld [tilespmem:s17+$0x11A50];
	v46 =	vmul.f32 v38, v40;
	[tilespmem:s17+$0x11A00] =	vst v43;
	v47 =	vbroadcast v2, $0xD  }
0x16d: {  	v49 =	vld [tilespmem:s17+$0x11A80];
	[tilespmem:s17+$0x119F0] =	vst v3;
	v3 =	vmul.f32 v37, v40  }
0x16e: {  	v48 =	vld [tilespmem:s17+$0x11A70];
	[tilespmem:s17+$0x11A20] =	vst v46;
	v50 =	vmul.f32 v42, v47  }
0x16f: {  	v52 =	vld [tilespmem:s17+$0x11AA0];
	[tilespmem:s17+$0x11A10] =	vst v3;
	v3 =	vmul.f32 v41, v40  }
0x170: {  	v51 =	vld [tilespmem:s17+$0x11A90];
	v53 =	vmul.f32 v45, v47;
	[tilespmem:s17+$0x11A40] =	vst v50;
	v54 =	vbroadcast v2, $0xE  }
0x171: {  	v56 =	vld [tilespmem:s17+$0x11AC0];
	[tilespmem:s17+$0x11A30] =	vst v3;
	v3 =	vmul.f32 v44, v47  }
0x172: {  	v55 =	vld [tilespmem:s17+$0x11AB0];
	[tilespmem:s17+$0x11A60] =	vst v53;
	v57 =	vmul.f32 v49, v54  }
0x173: {  	v59 =	vld [tilespmem:s17+$0x11AE0];
	[tilespmem:s17+$0x11A50] =	vst v3;
	v3 =	vmul.f32 v48, v47  }
0x174: {  	v2 =	vbroadcast v2, $0xF;
	v58 =	vld [tilespmem:s17+$0x11AD0];
	v60 =	vmul.f32 v52, v54;
	[tilespmem:s17+$0x11A80] =	vst v57  }
0x175: {  	v61 =	vld [tilespmem:s17+$0x11AF0];
	[tilespmem:s17+$0x11A70] =	vst v3;
	v3 =	vmul.f32 v51, v54  }
0x176: {  	v62 =	vmul.f32 v56, v2;
	[tilespmem:s17+$0x11AA0] =	vst v60  }
0x177: {  	p2 =	slt.u32 s16, $0x6;
	[tilespmem:s17+$0x11A90] =	vst v3;
	v3 =	vmul.f32 v55, v54  }
.Ltmp2:
0x178: {  	v63 =	vmul.f32 v59, v2;
	[tilespmem:s17+$0x11AC0] =	vst v62;
	(pc) =	sbr.rel @p2 .LBB2_7-.Ltmp2, $4  }
0x179: {  	[tilespmem:s17+$0x11AB0] =	vst v3;
	v3 =	vmul.f32 v58, v2  }
0x17a: {  	[tilespmem:s17+$0x11AE0] =	vst v63;
	v2 =	vmul.f32 v61, v2  }
0x17b: {  	s19 =	sadd.s32 $0x2, s16;
	[tilespmem:s17+$0x11AD0] =	vst v3  }
0x17c: {  	s16 =	smov.u32 s19;
	[tilespmem:s17+$0x11AF0] =	vst v2  }
0x17d: {  	s14 =	sadd.s32 $0xA200, s14  }
0x17e: {  	[spmem:s1] =	stream.indirect.scatter.add.f32 [tilespmem:s26], [sflag:$0x5], $0x40, s14, s25, $0xb8;
	[tilespmem:$0x1EF40] =	vst v63  }
0x17f: {  	_ =	swait.ge [sflag:s0], $0x2000  }
0x180: {  	s16 =	simm.s32 @!p1 $0x11300;
	s19 =	sadd.s32 $0x5100, s6;
	[sflag:s0] =	ssyncset.done $0x0  }
0x181: {  	s14 =	sadd.s32 @!p1 $0x200, s15;
	s15 =	simm.s32 @!p1 $0x80;
	[sflag:s0] =	ssyncadd.s32 $0xFFFFE000  }
0x182: {  	[tilespmem:s16], [sflag:$0x2] =	stream.indirect.gather @!p1 [hbm4b:s13+s15], $0x40, s14, s15, $0xb8;
	[tilespmem:$0x1EF40] =	vst v63  }
0x183: {  	v1 =	vmov s19;
	_ =	swait.ge [sflag:s2], $0x2000  }
0x184: {  	[sflag:s2] =	ssyncset.done $0x0  }
0x185: {  	s14 =	simm.s32 $0x0;
	[sflag:s2] =	ssyncadd.s32 $0xFFFFE000  }
.LBB2_9:
0x186: {  	s16 =	sshll.u32 s14, $0x4  }
0x187: {  	s17 =	sshll.u32 s14, $0xA;
	s15 =	sand.u32 $0x3FFFFFF0, s16  }
0x188: {  	s18 =	sand.u32 $0x3FFFFC00, s17;
	v3 =	vld.idx.msk [tilespmem:v1+s15+$0x0 ss:$0x1], $0xffff  }
0x189: {  	v2 =	vld [tilespmem:s18+$0x13300]  }
0x18a: {  	v4 =	vld [tilespmem:s18+$0x13310]  }
0x18b: {  	v5 =	vld [tilespmem:s18+$0x13320]  }
0x18c: {  	v6 =	vld [tilespmem:s18+$0x13330]  }
0x18d: {  	v8 =	vld [tilespmem:s18+$0x13340];
	v7 =	vbroadcast v3, $0x0  }
0x18e: {  	v9 =	vld [tilespmem:s18+$0x13350]  }
0x18f: {  	v10 =	vld [tilespmem:s18+$0x13360];
	v2 =	vmul.f32 v7, v2  }
0x190: {  	v11 =	vld [tilespmem:s18+$0x13370];
	v4 =	vmul.f32 v4, v7  }
0x191: {  	v12 =	vld [tilespmem:s18+$0x13380];
	v56 =	vbroadcast v3, $0x1;
	[tilespmem:s18+$0x13300] =	vst v2;
	v2 =	vmul.f32 v5, v7  }
0x192: {  	v58 =	vld [tilespmem:s18+$0x13390];
	v57 =	vmul.f32 v6, v7;
	[tilespmem:s18+$0x13310] =	vst v4  }
0x193: {  	v59 =	vld [tilespmem:s18+$0x133A0];
	[tilespmem:s18+$0x13320] =	vst v2;
	v2 =	vmul.f32 v8, v56  }
0x194: {  	v61 =	vld [tilespmem:s18+$0x133B0];
	v60 =	vmul.f32 v9, v56;
	[tilespmem:s18+$0x13330] =	vst v57  }
0x195: {  	v63 =	vld [tilespmem:s18+$0x133C0];
	v62 =	vbroadcast v3, $0x2;
	[tilespmem:s18+$0x13340] =	vst v2;
	v2 =	vmul.f32 v10, v56  }
0x196: {  	v16 =	vld [tilespmem:s18+$0x133D0];
	v15 =	vmul.f32 v11, v56;
	[tilespmem:s18+$0x13350] =	vst v60  }
0x197: {  	v17 =	vld [tilespmem:s18+$0x133E0];
	[tilespmem:s18+$0x13360] =	vst v2;
	v2 =	vmul.f32 v12, v62  }
0x198: {  	v19 =	vld [tilespmem:s18+$0x133F0];
	v18 =	vmul.f32 v58, v62;
	[tilespmem:s18+$0x13370] =	vst v15  }
0x199: {  	v21 =	vld [tilespmem:s18+$0x13400];
	v20 =	vbroadcast v3, $0x3;
	[tilespmem:s18+$0x13380] =	vst v2;
	v2 =	vmul.f32 v59, v62  }
0x19a: {  	v23 =	vld [tilespmem:s18+$0x13410];
	v22 =	vmul.f32 v61, v62;
	[tilespmem:s18+$0x13390] =	vst v18  }
0x19b: {  	v24 =	vld [tilespmem:s18+$0x13420];
	[tilespmem:s18+$0x133A0] =	vst v2;
	v2 =	vmul.f32 v63, v20  }
0x19c: {  	v26 =	vld [tilespmem:s18+$0x13430];
	v25 =	vmul.f32 v16, v20;
	[tilespmem:s18+$0x133B0] =	vst v22  }
0x19d: {  	v28 =	vld [tilespmem:s18+$0x13440];
	v27 =	vbroadcast v3, $0x4;
	[tilespmem:s18+$0x133C0] =	vst v2;
	v2 =	vmul.f32 v17, v20  }
0x19e: {  	v30 =	vld [tilespmem:s18+$0x13450];
	v29 =	vmul.f32 v19, v20;
	[tilespmem:s18+$0x133D0] =	vst v25  }
0x19f: {  	v31 =	vld [tilespmem:s18+$0x13460];
	[tilespmem:s18+$0x133E0] =	vst v2;
	v2 =	vmul.f32 v21, v27  }
0x1a0: {  	v33 =	vld [tilespmem:s18+$0x13470];
	v32 =	vmul.f32 v23, v27;
	[tilespmem:s18+$0x133F0] =	vst v29  }
0x1a1: {  	v35 =	vld [tilespmem:s18+$0x13480];
	v34 =	vbroadcast v3, $0x5;
	[tilespmem:s18+$0x13400] =	vst v2;
	v2 =	vmul.f32 v24, v27  }
0x1a2: {  	v37 =	vld [tilespmem:s18+$0x13490];
	v36 =	vmul.f32 v26, v27;
	[tilespmem:s18+$0x13410] =	vst v32  }
0x1a3: {  	v38 =	vld [tilespmem:s18+$0x134A0];
	[tilespmem:s18+$0x13420] =	vst v2;
	v2 =	vmul.f32 v28, v34  }
0x1a4: {  	v40 =	vld [tilespmem:s18+$0x134B0];
	v39 =	vmul.f32 v30, v34;
	[tilespmem:s18+$0x13430] =	vst v36  }
0x1a5: {  	v42 =	vld [tilespmem:s18+$0x134C0];
	v41 =	vbroadcast v3, $0x6;
	[tilespmem:s18+$0x13440] =	vst v2;
	v2 =	vmul.f32 v31, v34  }
0x1a6: {  	v44 =	vld [tilespmem:s18+$0x134D0];
	v43 =	vmul.f32 v33, v34;
	[tilespmem:s18+$0x13450] =	vst v39  }
0x1a7: {  	v45 =	vld [tilespmem:s18+$0x134E0];
	[tilespmem:s18+$0x13460] =	vst v2;
	v2 =	vmul.f32 v35, v41  }
0x1a8: {  	v47 =	vld [tilespmem:s18+$0x134F0];
	v46 =	vmul.f32 v37, v41;
	[tilespmem:s18+$0x13470] =	vst v43  }
0x1a9: {  	v49 =	vld [tilespmem:s18+$0x13500];
	v48 =	vbroadcast v3, $0x7;
	[tilespmem:s18+$0x13480] =	vst v2;
	v2 =	vmul.f32 v38, v41  }
0x1aa: {  	v51 =	vld [tilespmem:s18+$0x13510];
	v50 =	vmul.f32 v40, v41;
	[tilespmem:s18+$0x13490] =	vst v46  }
0x1ab: {  	v52 =	vld [tilespmem:s18+$0x13520];
	[tilespmem:s18+$0x134A0] =	vst v2;
	v2 =	vmul.f32 v42, v48  }
0x1ac: {  	v54 =	vld [tilespmem:s18+$0x13530];
	v53 =	vmul.f32 v44, v48;
	[tilespmem:s18+$0x134B0] =	vst v50  }
0x1ad: {  	v55 =	vbroadcast v3, $0x8;
	v58 =	vld [tilespmem:s18+$0x13550];
	[tilespmem:s18+$0x134C0] =	vst v2;
	v2 =	vmul.f32 v45, v48  }
0x1ae: {  	[tilespmem:s18+$0x134D0] =	vst v53;
	v57 =	vmul.f32 v47, v48;
	v56 =	vld [tilespmem:s18+$0x13540]  }
0x1af: {  	v61 =	vld [tilespmem:s18+$0x13570];
	[tilespmem:s18+$0x134E0] =	vst v2;
	v2 =	vmul.f32 v49, v55  }
0x1b0: {  	v60 =	vmul.f32 v51, v55;
	[tilespmem:s18+$0x134F0] =	vst v57;
	v59 =	vld [tilespmem:s18+$0x13560]  }
0x1b1: {  	v16 =	vld [tilespmem:s18+$0x13590];
	v62 =	vbroadcast v3, $0x9;
	[tilespmem:s18+$0x13500] =	vst v2;
	v2 =	vmul.f32 v52, v55  }
0x1b2: {  	v15 =	vmul.f32 v54, v55;
	[tilespmem:s18+$0x13510] =	vst v60;
	v63 =	vld [tilespmem:s18+$0x13580]  }
0x1b3: {  	v19 =	vld [tilespmem:s18+$0x135B0];
	[tilespmem:s18+$0x13520] =	vst v2;
	v2 =	vmul.f32 v56, v62  }
0x1b4: {  	[tilespmem:s18+$0x13530] =	vst v15;
	v18 =	vmul.f32 v58, v62;
	v17 =	vld [tilespmem:s18+$0x135A0]  }
0x1b5: {  	v23 =	vld [tilespmem:s18+$0x135D0];
	v20 =	vbroadcast v3, $0xA;
	[tilespmem:s18+$0x13540] =	vst v2;
	v2 =	vmul.f32 v59, v62  }
0x1b6: {  	v22 =	vmul.f32 v61, v62;
	[tilespmem:s18+$0x13550] =	vst v18;
	v21 =	vld [tilespmem:s18+$0x135C0]  }
0x1b7: {  	v26 =	vld [tilespmem:s18+$0x135F0];
	[tilespmem:s18+$0x13560] =	vst v2;
	v2 =	vmul.f32 v63, v20  }
0x1b8: {  	[tilespmem:s18+$0x13570] =	vst v22;
	v25 =	vmul.f32 v16, v20;
	v24 =	vld [tilespmem:s18+$0x135E0]  }
0x1b9: {  	v30 =	vld [tilespmem:s18+$0x13610];
	v27 =	vbroadcast v3, $0xB;
	[tilespmem:s18+$0x13580] =	vst v2;
	v2 =	vmul.f32 v17, v20  }
0x1ba: {  	v29 =	vmul.f32 v19, v20;
	[tilespmem:s18+$0x13590] =	vst v25;
	v28 =	vld [tilespmem:s18+$0x13600]  }
0x1bb: {  	v33 =	vld [tilespmem:s18+$0x13630];
	[tilespmem:s18+$0x135A0] =	vst v2;
	v2 =	vmul.f32 v21, v27  }
0x1bc: {  	[tilespmem:s18+$0x135B0] =	vst v29;
	v32 =	vmul.f32 v23, v27;
	v31 =	vld [tilespmem:s18+$0x13620]  }
0x1bd: {  	v37 =	vld [tilespmem:s18+$0x13650];
	v34 =	vbroadcast v3, $0xC;
	[tilespmem:s18+$0x135C0] =	vst v2;
	v2 =	vmul.f32 v24, v27  }
0x1be: {  	v40 =	vld [tilespmem:s18+$0x13670];
	v36 =	vmul.f32 v26, v27;
	[tilespmem:s18+$0x135D0] =	vst v32  }
0x1bf: {  	v35 =	vld [tilespmem:s18+$0x13640];
	[tilespmem:s18+$0x135E0] =	vst v2;
	v2 =	vmul.f32 v28, v34  }
0x1c0: {  	s16 =	sor.u32 $0x10, s16;
	[tilespmem:s18+$0x135F0] =	vst v36;
	v39 =	vmul.f32 v30, v34;
	v38 =	vld [tilespmem:s18+$0x13660]  }
0x1c1: {  	v41 =	vbroadcast v3, $0xD;
	v10 =	vmul.f32 v31, v34;
	[tilespmem:s18+$0x13600] =	vst v2;
	v2 =	vld.idx.msk [tilespmem:v1+s16+$0x0 ss:$0x1], $0xffff;
	s16 =	sshll.u32 s16, $0x6  }
0x1c2: {  	v43 =	vld [tilespmem:s18+$0x13680];
	[tilespmem:s18+$0x13610] =	vst v39;
	v42 =	vmul.f32 v33, v34;
	s16 =	sand.u32 $0x3FFFFC00, s16  }
0x1c3: {  	v46 =	vmul.f32 v37, v41;
	[tilespmem:s18+$0x13620] =	vst v10;
	v45 =	vld [tilespmem:s16+$0x13300]  }
0x1c4: {  	v51 =	vmul.f32 v40, v41;
	[tilespmem:s18+$0x13630] =	vst v42;
	v47 =	vld [tilespmem:s16+$0x13310]  }
0x1c5: {  	v44 =	vmul.f32 v35, v41;
	[tilespmem:s18+$0x13650] =	vst v46;
	v49 =	vbroadcast v3, $0xE;
	v50 =	vld [tilespmem:s16+$0x13320]  }
0x1c6: {  	[tilespmem:s18+$0x13670] =	vst v51;
	v48 =	vmul.f32 v38, v41;
	v53 =	vld [tilespmem:s16+$0x13330];
	v52 =	vbroadcast v2, $0x0  }
0x1c7: {  	v54 =	vld [tilespmem:s18+$0x13690];
	[tilespmem:s18+$0x13640] =	vst v44;
	v6 =	vmul.f32 v43, v49  }
0x1c8: {  	v58 =	vld [tilespmem:s18+$0x136D0];
	[tilespmem:s18+$0x13660] =	vst v48;
	v10 =	vmul.f32 v52, v45  }
0x1c9: {  	v57 =	vld [tilespmem:s18+$0x136C0];
	[tilespmem:s18+$0x13680] =	vst v6;
	v8 =	vmul.f32 v47, v52  }
0x1ca: {  	v55 =	vld [tilespmem:s18+$0x136A0];
	v11 =	vmul.f32 v50, v52;
	[tilespmem:s16+$0x13300] =	vst v10  }
0x1cb: {  	v3 =	vbroadcast v3, $0xF;
	v56 =	vld [tilespmem:s18+$0x136B0];
	v5 =	vmul.f32 v53, v52;
	[tilespmem:s16+$0x13310] =	vst v8  }
0x1cc: {  	v7 =	vmul.f32 v54, v49;
	v59 =	vld [tilespmem:s18+$0x136E0];
	[tilespmem:s16+$0x13320] =	vst v11  }
0x1cd: {  	v60 =	vld [tilespmem:s18+$0x136F0];
	v12 =	vmul.f32 v58, v3;
	[tilespmem:s16+$0x13330] =	vst v5  }
0x1ce: {  	[tilespmem:s18+$0x13690] =	vst v7;
	v62 =	vmul.f32 v57, v3;
	v61 =	vld [tilespmem:s18+$0x13740]  }
0x1cf: {  	[tilespmem:s18+$0x136D0] =	vst v12;
	v4 =	vmul.f32 v55, v49;
	v63 =	vld [tilespmem:s18+$0x13750]  }
0x1d0: {  	[tilespmem:s18+$0x136C0] =	vst v62;
	v6 =	vmul.f32 v56, v49;
	v13 =	vld [tilespmem:s18+$0x13760]  }
0x1d1: {  	[tilespmem:s18+$0x136A0] =	vst v4;
	v14 =	vmul.f32 v59, v3;
	v15 =	vbroadcast v2, $0x1;
	v17 =	vld [tilespmem:s18+$0x13780]  }
0x1d2: {  	[tilespmem:s18+$0x136B0] =	vst v6;
	v3 =	vmul.f32 v60, v3;
	v16 =	vld [tilespmem:s18+$0x13770]  }
0x1d3: {  	[tilespmem:s18+$0x136E0] =	vst v14;
	v20 =	vld [tilespmem:s18+$0x137A0];
	v18 =	vmul.f32 v61, v15  }
0x1d4: {  	[tilespmem:s18+$0x136F0] =	vst v3;
	v22 =	vbroadcast v2, $0x2;
	v19 =	vld [tilespmem:s18+$0x13790];
	v3 =	vmul.f32 v63, v15  }
0x1d5: {  	v24 =	vld [tilespmem:s18+$0x137C0];
	v21 =	vmul.f32 v13, v15;
	[tilespmem:s18+$0x13740] =	vst v18  }
0x1d6: {  	v23 =	vld [tilespmem:s18+$0x137B0];
	v25 =	vmul.f32 v17, v22;
	[tilespmem:s18+$0x13750] =	vst v3  }
0x1d7: {  	v27 =	vld [tilespmem:s18+$0x137E0];
	v3 =	vmul.f32 v16, v15;
	[tilespmem:s18+$0x13760] =	vst v21  }
0x1d8: {  	v29 =	vbroadcast v2, $0x3;
	v26 =	vld [tilespmem:s18+$0x137D0];
	v28 =	vmul.f32 v20, v22;
	[tilespmem:s18+$0x13780] =	vst v25  }
0x1d9: {  	v31 =	vld [tilespmem:s18+$0x13800];
	[tilespmem:s18+$0x13770] =	vst v3;
	v3 =	vmul.f32 v19, v22  }
0x1da: {  	v30 =	vld [tilespmem:s18+$0x137F0];
	v32 =	vmul.f32 v24, v29;
	[tilespmem:s18+$0x137A0] =	vst v28  }
0x1db: {  	v34 =	vld [tilespmem:s18+$0x13820];
	[tilespmem:s18+$0x13790] =	vst v3;
	v3 =	vmul.f32 v23, v22  }
0x1dc: {  	v36 =	vbroadcast v2, $0x4;
	v33 =	vld [tilespmem:s18+$0x13810];
	v35 =	vmul.f32 v27, v29;
	[tilespmem:s18+$0x137C0] =	vst v32  }
0x1dd: {  	v38 =	vld [tilespmem:s18+$0x13840];
	[tilespmem:s18+$0x137B0] =	vst v3;
	v3 =	vmul.f32 v26, v29  }
0x1de: {  	v37 =	vld [tilespmem:s18+$0x13830];
	v39 =	vmul.f32 v31, v36;
	[tilespmem:s18+$0x137E0] =	vst v35  }
0x1df: {  	v41 =	vld [tilespmem:s18+$0x13860];
	[tilespmem:s18+$0x137D0] =	vst v3;
	v3 =	vmul.f32 v30, v29  }
0x1e0: {  	v43 =	vbroadcast v2, $0x5;
	v40 =	vld [tilespmem:s18+$0x13850];
	v42 =	vmul.f32 v34, v36;
	[tilespmem:s18+$0x13800] =	vst v39  }
0x1e1: {  	v45 =	vld [tilespmem:s18+$0x13880];
	[tilespmem:s18+$0x137F0] =	vst v3;
	v3 =	vmul.f32 v33, v36  }
0x1e2: {  	v44 =	vld [tilespmem:s18+$0x13870];
	v46 =	vmul.f32 v38, v43;
	[tilespmem:s18+$0x13820] =	vst v42  }
0x1e3: {  	v48 =	vld [tilespmem:s18+$0x138A0];
	[tilespmem:s18+$0x13810] =	vst v3;
	v3 =	vmul.f32 v37, v36  }
0x1e4: {  	v50 =	vbroadcast v2, $0x6;
	v47 =	vld [tilespmem:s18+$0x13890];
	v49 =	vmul.f32 v41, v43;
	[tilespmem:s18+$0x13840] =	vst v46  }
0x1e5: {  	v52 =	vld [tilespmem:s18+$0x138C0];
	[tilespmem:s18+$0x13830] =	vst v3;
	v3 =	vmul.f32 v40, v43  }
0x1e6: {  	v51 =	vld [tilespmem:s18+$0x138B0];
	v53 =	vmul.f32 v45, v50;
	[tilespmem:s18+$0x13860] =	vst v49  }
0x1e7: {  	v55 =	vld [tilespmem:s18+$0x138E0];
	[tilespmem:s18+$0x13850] =	vst v3;
	v3 =	vmul.f32 v44, v43  }
0x1e8: {  	v57 =	vbroadcast v2, $0x7;
	v54 =	vld [tilespmem:s18+$0x138D0];
	v56 =	vmul.f32 v48, v50;
	[tilespmem:s18+$0x13880] =	vst v53  }
0x1e9: {  	v59 =	vld [tilespmem:s18+$0x13900];
	[tilespmem:s18+$0x13870] =	vst v3;
	v3 =	vmul.f32 v47, v50  }
0x1ea: {  	v58 =	vld [tilespmem:s18+$0x138F0];
	v60 =	vmul.f32 v52, v57;
	[tilespmem:s18+$0x138A0] =	vst v56  }
0x1eb: {  	v62 =	vld [tilespmem:s18+$0x13920];
	[tilespmem:s18+$0x13890] =	vst v3;
	v3 =	vmul.f32 v51, v50  }
0x1ec: {  	v12 =	vbroadcast v2, $0x8;
	v61 =	vld [tilespmem:s18+$0x13910];
	v63 =	vmul.f32 v55, v57;
	[tilespmem:s18+$0x138C0] =	vst v60  }
0x1ed: {  	v14 =	vld [tilespmem:s18+$0x13940];
	[tilespmem:s18+$0x138B0] =	vst v3;
	v3 =	vmul.f32 v54, v57  }
0x1ee: {  	v13 =	vld [tilespmem:s18+$0x13930];
	[tilespmem:s18+$0x138E0] =	vst v63;
	v15 =	vmul.f32 v59, v12  }
0x1ef: {  	v17 =	vld [tilespmem:s18+$0x13960];
	[tilespmem:s18+$0x138D0] =	vst v3;
	v3 =	vmul.f32 v58, v57  }
0x1f0: {  	v16 =	vld [tilespmem:s18+$0x13950];
	v18 =	vmul.f32 v62, v12;
	[tilespmem:s18+$0x13900] =	vst v15;
	v19 =	vbroadcast v2, $0x9  }
0x1f1: {  	v21 =	vld [tilespmem:s18+$0x13980];
	[tilespmem:s18+$0x138F0] =	vst v3;
	v3 =	vmul.f32 v61, v12  }
0x1f2: {  	v20 =	vld [tilespmem:s18+$0x13970];
	[tilespmem:s18+$0x13920] =	vst v18;
	v22 =	vmul.f32 v14, v19  }
0x1f3: {  	v24 =	vld [tilespmem:s18+$0x139A0];
	[tilespmem:s18+$0x13910] =	vst v3;
	v3 =	vmul.f32 v13, v12  }
0x1f4: {  	v23 =	vld [tilespmem:s18+$0x13990];
	v25 =	vmul.f32 v17, v19;
	[tilespmem:s18+$0x13940] =	vst v22;
	v26 =	vbroadcast v2, $0xA  }
0x1f5: {  	v28 =	vld [tilespmem:s18+$0x139C0];
	[tilespmem:s18+$0x13930] =	vst v3;
	v3 =	vmul.f32 v16, v19  }
0x1f6: {  	v27 =	vld [tilespmem:s18+$0x139B0];
	[tilespmem:s18+$0x13960] =	vst v25;
	v29 =	vmul.f32 v21, v26  }
0x1f7: {  	v31 =	vld [tilespmem:s18+$0x139E0];
	[tilespmem:s18+$0x13950] =	vst v3;
	v3 =	vmul.f32 v20, v19  }
0x1f8: {  	v30 =	vld [tilespmem:s18+$0x139D0];
	v32 =	vmul.f32 v24, v26;
	[tilespmem:s18+$0x13980] =	vst v29;
	v33 =	vbroadcast v2, $0xB  }
0x1f9: {  	v35 =	vld [tilespmem:s18+$0x13A00];
	[tilespmem:s18+$0x13970] =	vst v3;
	v3 =	vmul.f32 v23, v26  }
0x1fa: {  	v34 =	vld [tilespmem:s18+$0x139F0];
	[tilespmem:s18+$0x139A0] =	vst v32;
	v36 =	vmul.f32 v28, v33  }
0x1fb: {  	v38 =	vld [tilespmem:s18+$0x13A20];
	[tilespmem:s18+$0x13990] =	vst v3;
	v3 =	vmul.f32 v27, v26  }
0x1fc: {  	v37 =	vld [tilespmem:s18+$0x13A10];
	v39 =	vmul.f32 v31, v33;
	[tilespmem:s18+$0x139C0] =	vst v36;
	v40 =	vbroadcast v2, $0xC  }
0x1fd: {  	v42 =	vld [tilespmem:s18+$0x13A40];
	[tilespmem:s18+$0x139B0] =	vst v3;
	v3 =	vmul.f32 v30, v33  }
0x1fe: {  	v41 =	vld [tilespmem:s18+$0x13A30];
	[tilespmem:s18+$0x139E0] =	vst v39;
	v43 =	vmul.f32 v35, v40  }
0x1ff: {  	v45 =	vld [tilespmem:s18+$0x13A60];
	[tilespmem:s18+$0x139D0] =	vst v3;
	v3 =	vmul.f32 v34, v33  }
0x200: {  	v44 =	vld [tilespmem:s18+$0x13A50];
	v46 =	vmul.f32 v38, v40;
	[tilespmem:s18+$0x13A00] =	vst v43;
	v47 =	vbroadcast v2, $0xD  }
0x201: {  	v49 =	vld [tilespmem:s18+$0x13A80];
	[tilespmem:s18+$0x139F0] =	vst v3;
	v3 =	vmul.f32 v37, v40  }
0x202: {  	v48 =	vld [tilespmem:s18+$0x13A70];
	[tilespmem:s18+$0x13A20] =	vst v46;
	v50 =	vmul.f32 v42, v47  }
0x203: {  	v52 =	vld [tilespmem:s18+$0x13AA0];
	[tilespmem:s18+$0x13A10] =	vst v3;
	v3 =	vmul.f32 v41, v40  }
0x204: {  	v51 =	vld [tilespmem:s18+$0x13A90];
	v53 =	vmul.f32 v45, v47;
	[tilespmem:s18+$0x13A40] =	vst v50;
	v54 =	vbroadcast v2, $0xE  }
0x205: {  	v56 =	vld [tilespmem:s18+$0x13AC0];
	[tilespmem:s18+$0x13A30] =	vst v3;
	v3 =	vmul.f32 v44, v47  }
0x206: {  	v55 =	vld [tilespmem:s18+$0x13AB0];
	[tilespmem:s18+$0x13A60] =	vst v53;
	v57 =	vmul.f32 v49, v54  }
0x207: {  	v59 =	vld [tilespmem:s18+$0x13AE0];
	[tilespmem:s18+$0x13A50] =	vst v3;
	v3 =	vmul.f32 v48, v47  }
0x208: {  	v2 =	vbroadcast v2, $0xF;
	v58 =	vld [tilespmem:s18+$0x13AD0];
	v60 =	vmul.f32 v52, v54;
	[tilespmem:s18+$0x13A80] =	vst v57  }
0x209: {  	v61 =	vld [tilespmem:s18+$0x13AF0];
	[tilespmem:s18+$0x13A70] =	vst v3;
	v3 =	vmul.f32 v51, v54  }
0x20a: {  	v62 =	vmul.f32 v56, v2;
	[tilespmem:s18+$0x13AA0] =	vst v60  }
0x20b: {  	p1 =	slt.u32 s14, $0x6;
	[tilespmem:s18+$0x13A90] =	vst v3;
	v3 =	vmul.f32 v55, v54  }
.Ltmp3:
0x20c: {  	v63 =	vmul.f32 v59, v2;
	[tilespmem:s18+$0x13AC0] =	vst v62;
	(pc) =	sbr.rel @p1 .LBB2_9-.Ltmp3, $4  }
0x20d: {  	[tilespmem:s18+$0x13AB0] =	vst v3;
	v3 =	vmul.f32 v58, v2  }
0x20e: {  	[tilespmem:s18+$0x13AE0] =	vst v63;
	v2 =	vmul.f32 v61, v2  }
0x20f: {  	s19 =	sadd.s32 $0x2, s14;
	[tilespmem:s18+$0x13AD0] =	vst v3  }
0x210: {  	s14 =	smov.u32 s19;
	[tilespmem:s18+$0x13AF0] =	vst v2  }
0x211: {  	s5 =	sadd.s32 $0x1, s5  }
0x212: {  	p1 =	sne.s32 s5, $0x36  }
.Ltmp4:
0x213: {  	_ = 	snop;
	(pc) =	sbr.rel @p1 .LBB2_4-.Ltmp4, $3  }
0x214: {  	_ =	sdelay $0x1  }
0x215: {  	s6 =	sadd.s32 $0xA200, s6  }
0x216: {  	[spmem:s1] =	stream.indirect.scatter.add.f32 [tilespmem:s28], [sflag:$0x6], $0x40, s6, s25, $0xb8;
	[tilespmem:$0x1EF40] =	vst v63  }
0x217: {  	_ =	swait.ge [sflag:s22], $0x2000  }
0x218: {  	[sflag:s22] =	ssyncset.done $0x0  }
0x219: {  	[sflag:s22] =	ssyncadd.s32 $0xFFFFE000  }
0x21a: {  	[bflag:$0x0] =	sbarrier.arrive $0xFFFF  }
0x21b: {  	[tilespmem:s24], [sflag:$0x7] =	stream.linear.gather [spmem:s7], $0x2000, $0x38;
	[tilespmem:$0x1EF40] =	vst v63  }
0x21c: {  	_ =	swait.ge [sflag:s21], $0x2000  }
0x21d: {  	[sflag:s21] =	ssyncset.done $0x0  }
0x21e: {  	s5 =	rddreg [dreg:$0x6];
	[sflag:s21] =	ssyncadd.s32 $0xFFFFE000  }
0x21f: {  	[hbm4b:s5+s23] =	stream.strided.scatter [tilespmem:s24], [sflag:$0x7], $0x2000, s25, s23, $0x38;
	[tilespmem:$0x1EF40] =	vst v63  }
0x220: {  	_ =	swait.ge [sflag:s21], $0x2000  }
0x221: {  	[sflag:s21] =	ssyncset.done $0x0  }
0x222: {  	[sflag:s21] =	ssyncadd.s32 $0xFFFFE000  }
0x223: {  	[tilespmem:s24], [sflag:$0x7] =	stream.linear.gather [spmem:s8], $0x2000, $0x38;
	[tilespmem:$0x1EF40] =	vst v63  }
0x224: {  	_ =	swait.ge [sflag:s21], $0x2000  }
0x225: {  	[sflag:s21] =	ssyncset.done $0x0  }
0x226: {  	s16 =	rddreg [dreg:$0x7];
	[sflag:s21] =	ssyncadd.s32 $0xFFFFE000  }
0x227: {  	[hbm4b:s16+s23] =	stream.strided.scatter [tilespmem:s24], [sflag:$0x7], $0x2000, s25, s23, $0x38;
	[tilespmem:$0x1EF40] =	vst v63  }
0x228: {  	_ =	swait.ge [sflag:s21], $0x2000  }
0x229: {  	[sflag:s21] =	ssyncset.done $0x0  }
0x22a: {  	[sflag:s21] =	ssyncadd.s32 $0xFFFFE000  }
0x22b: {  	[tilespmem:s24], [sflag:$0x7] =	stream.linear.gather [spmem:s9], $0x2000, $0x38;
	[tilespmem:$0x1EF40] =	vst v63  }
0x22c: {  	_ =	swait.ge [sflag:s21], $0x2000  }
0x22d: {  	[sflag:s21] =	ssyncset.done $0x0  }
0x22e: {  	s17 =	rddreg [dreg:$0x8];
	[sflag:s21] =	ssyncadd.s32 $0xFFFFE000  }
0x22f: {  	[hbm4b:s17+s23] =	stream.strided.scatter [tilespmem:s24], [sflag:$0x7], $0x2000, s25, s23, $0x38;
	[tilespmem:$0x1EF40] =	vst v63  }
0x230: {  	_ =	swait.ge [sflag:s21], $0x2000  }
0x231: {  	[sflag:s21] =	ssyncset.done $0x0  }
0x232: {  	[sflag:s21] =	ssyncadd.s32 $0xFFFFE000  }
0x233: {  	[tilespmem:s24], [sflag:$0x7] =	stream.linear.gather [spmem:s10], $0x2000, $0x38;
	[tilespmem:$0x1EF40] =	vst v63  }
0x234: {  	_ =	swait.ge [sflag:s21], $0x2000  }
0x235: {  	[sflag:s21] =	ssyncset.done $0x0  }
0x236: {  	s18 =	rddreg [dreg:$0x9];
	[sflag:s21] =	ssyncadd.s32 $0xFFFFE000  }
0x237: {  	[hbm4b:s18+s23] =	stream.strided.scatter [tilespmem:s24], [sflag:$0x7], $0x2000, s25, s23, $0x38;
	[tilespmem:$0x1EF40] =	vst v63  }
0x238: {  	_ =	swait.ge [sflag:s21], $0x2000  }
0x239: {  	[sflag:s21] =	ssyncset.done $0x0  }
0x23a: {  	[sflag:s21] =	ssyncadd.s32 $0xFFFFE000  }
0x23b: {  	[tilespmem:s24], [sflag:$0x7] =	stream.linear.gather [spmem:s11], $0x1C00, $0x38;
	[tilespmem:$0x1EF40] =	vst v63  }
0x23c: {  	_ =	swait.ge [sflag:s21], $0x1C00  }
0x23d: {  	[sflag:s21] =	ssyncset.done $0x0  }
0x23e: {  	s19 =	rddreg [dreg:$0xa];
	[sflag:s21] =	ssyncadd.s32 $0xFFFFE400  }
0x23f: {  	[hbm4b:s19+s23] =	stream.strided.scatter [tilespmem:s24], [sflag:$0x7], $0x1C00, s25, s23, $0x38;
	[tilespmem:$0x1EF40] =	vst v63  }
0x240: {  	_ =	swait.ge [sflag:s21], $0x1C00  }
0x241: {  	[sflag:s21] =	ssyncset.done $0x0  }
0x242: {  	s6 =	simm.s32 @!p0 $0x7;
	s5 =	simm.s32 @!p0 $0xF300;
	[sflag:s21] =	ssyncadd.s32 $0xFFFFE400  }
0x243: {  	[tilespmem:s5], [sflag:$0x7] =	stream.linear.gather @!p0 [spmem:s12], $0x400, $0x38;
	[tilespmem:$0x1EF40] =	vst v63  }
0x244: {  	s14 =	simm.s32 @!p0 $0x40;
	s4 =	sadd.s32 $0x1, s4;
	_ =	swait.ge @!p0 [sflag:s6], $0x400  }
0x245: {  	s15 =	simm.s32 @!p0 $0x80;
	p1 =	sne.s32 s4, s20;
	[sflag:s6] =	ssyncset.done @!p0 $0x0  }
.Ltmp5:
0x246: {  	s16 =	rddreg [dreg:$0xb];
	[sflag:s6] =	ssyncadd.s32 @!p0 $0xFFFFFC00;
	(pc) =	sbr.rel @p1 .LBB2_1-.Ltmp5, $4  }
0x247: {  	[hbm4b:s16+s14] =	stream.strided.scatter @!p0 [tilespmem:s5], [sflag:$0x7], $0x400, s15, s14, $0x38;
	[tilespmem:$0x1EF40] =	vst v63  }
0x248: {  	_ =	swait.ge @!p0 [sflag:s6], $0x400  }
0x249: {  	[sflag:s6] =	ssyncset.done @!p0 $0x0  }
0x24a: {  	[sflag:s6] =	ssyncadd.s32 @!p0 $0xFFFFFC00  }
0x24b: {  	_ =	sfence.sel $0x180000  }
0x24c: {  	[bflag:$0x0] =	sbarrier.arrive $0xFFFF  }
0x24d: {  	_ =	strace $0x9000004A  }
0x24e: {  	s0 =	stileid.u32;
	[bflag:$0x2] =	sbarrier.arrive $0xFFFF  }
0x24f: {  	p0 =	sne.s32 s0, $0x0;
	s0 =	rddreg [dreg:$0x2]  }
0x250: {  	s0 =	sadd.s32 @!p0 $0x100000, s0  }
0x251: {  	[sflag:s0] =	ssyncadd.tile.s32 @!p0 $0x1;
	_ =	shalt  }
.Lfunc_end2:
_tile_overlayer_lowered:
.L_overlay_start_2:
0x252: {  	(tag) =	ssettag $0x2  }
0x253: {  	s0 =	rddreg [dreg:$0x0];
	s2 =	stileid.u32  }
0x254: {  	s1 =	rddreg [dreg:$0x1];
	p0 =	sne.s32 s2, $0x0  }
0x255: {  	s3 =	rddreg [dreg:$0x2];
	[bflag:$0x3] =	sbarrier.arrive $0xFFFF;
	s2 =	simm.s32 @!p0 $0x1C07  }
0x256: {  	[timem:s3], [sflag:s2] =	dma.local @!p0 [hbm:s0], s1  }
0x257: {  	s0 =	simm.s32 @!p0 $0x7  }
0x258: {  	_ =	swait.ge @!p0 [sflag:s0], s1  }
0x259: {  	s1 =	ssub.s32 @!p0 $0x0, s1;
	[sflag:s0] =	ssyncset.done @!p0 $0x0  }
0x25a: {  	[sflag:s0] =	ssyncadd.s32 @!p0 s1  }
0x25b: {  	[bflag:$0x3] =	sbarrier.arrive $0xFFFF  }
0x25c: {  	_ =	shalt  }

</sc_bundles>
